<compile_context>
chip_gen: v7x
topology: tpu7x:2x2x1
jax: 0.10.2.dev20260603
libtpu: 0.0.44.dev20260713+nightly
codegen_flags: <defaults>
</compile_context>

<pallas_src>
import functools

import jax
import jax.numpy as jnp
from jax import lax
from jax.experimental import pallas as pl
from jax.experimental.pallas import tpu as pltpu
from jax.experimental.pallas import tpu_sc as plsc

NC = 2
NS = 16
NW = NC * NS

CK = 100
IDX_DMA = 128
LPAD = 200


def _sc_gather_pool(toks, c3, clast, emb, dec, *, V, D, T, L, B):
    bpw = B // NW
    ckt = CK * T
    qpw = B // NW
    sub = []
    o = 0
    while o < ckt:
        sub.append((o, min(IDX_DMA, ckt - o)))
        o += IDX_DMA

    mesh = plsc.VectorSubcoreMesh(core_axis_name="c", subcore_axis_name="s",
                                  num_cores=NC, num_subcores=NS)

    @functools.partial(
        pl.kernel,
        out_type=[jax.ShapeDtypeStruct((2, B, LPAD, 2 * D), jnp.float32),
                  jax.ShapeDtypeStruct((B, D), jnp.bfloat16)],
        mesh=mesh,
        compiler_params=pltpu.CompilerParams(use_tc_tiling_on_sc=False,
                                             needs_layout_passes=False),
        scratch_types=[
            pltpu.VMEM((2, ckt), jnp.int32),
            pltpu.VMEM((2, ckt, D), jnp.bfloat16),
            pltpu.VMEM((2, CK, D), jnp.float32),
            pltpu.SemaphoreType.DMA,
            pltpu.SemaphoreType.DMA,
            pltpu.SemaphoreType.DMA,
            pltpu.SemaphoreType.DMA,
            pltpu.SemaphoreType.DMA,
            pltpu.SemaphoreType.DMA,
        ],
    )
    def sc_kernel(toks_hbm, c3_hbm, clast_hbm, emb_hbm, dec_hbm,
                  m_hbm, q_hbm, idx_v, rows_v, out_v,
                  semi0, semi1, semg0, semg1, semo0, semo1):
        wid = lax.axis_index("s") * NC + lax.axis_index("c")
        base_b = wid * bpw
        semi = (semi0, semi1)
        semg = (semg0, semg1)
        semo = (semo0, semo1)

        qbase = wid * qpw
        pltpu.sync_copy(dec_hbm.at[pl.ds(qbase, qpw)],
                        idx_v.at[0, pl.ds(0, qpw)])
        pltpu.async_copy(emb_hbm.at[idx_v.at[0, pl.ds(0, qpw)]],
                         rows_v.at[0, pl.ds(0, qpw)], semg0).wait()
        pltpu.sync_copy(rows_v.at[0, pl.ds(0, qpw)],
                        q_hbm.at[pl.ds(qbase, qpw)])

        def table(t):
            return c3_hbm.at[t] if t < 3 else clast_hbm

        def idx_src(bl, half):
            return toks_hbm.at[pl.ds(((base_b + bl) * L + half * CK) * T, ckt)]

        def fire_idx(bl, half, ib):
            pltpu.async_copy(idx_src(bl, half), idx_v.at[ib], semi[ib])

        def wait_idx(bl, half, ib):
            pltpu.make_async_copy(idx_src(bl, half), idx_v.at[ib],
                                  semi[ib]).wait()

        def fire(t, p, ib):
            for (off, ln) in sub:
                pltpu.async_copy(
                    table(t).at[idx_v.at[ib, pl.ds(off, ln)]],
                    rows_v.at[p, pl.ds(off, ln)], semg[p])

        def compute(bl, half, t, p, guard_first):
            for (off, ln) in sub:
                pltpu.make_async_copy(
                    table(t).at[idx_v.at[0, pl.ds(off, ln)]],
                    rows_v.at[p, pl.ds(off, ln)], semg[p]).wait()
            dst = m_hbm.at[t // 2, base_b + bl, pl.ds(half * CK, CK),
                           pl.ds((t % 2) * D, D)]

            def drain_out():
                pltpu.make_async_copy(out_v.at[p], dst, semo[p]).wait()

            if guard_first is None:
                drain_out()
            else:
                pl.when(guard_first > 0)(drain_out)

            def pair_body(k, _):
                r = k * T
                for dd in range(D // 32):
                    sl = pl.ds(dd * 32, 32)
                    acc_a = None
                    acc_b = None
                    for j in range(0, T, 2):
                        s = rows_v[p, r + j, sl] + rows_v[p, r + j + 1, sl]
                        a, b = plsc.unpack(s, format=plsc.PackFormat.INTERLEAVED)
                        acc_a = a if acc_a is None else acc_a + a
                        acc_b = b if acc_b is None else acc_b + b
                    out_v[p, k, pl.ds(dd * 32, 16)] = acc_a
                    out_v[p, k, pl.ds(dd * 32 + 16, 16)] = acc_b
                return 0

            lax.fori_loop(0, CK, pair_body, 0)
            pltpu.async_copy(out_v.at[p], dst, semo[p])

        fire_idx(0, 0, 0)
        wait_idx(0, 0, 0)
        fire(0, 0, 0)

        def iter_body(bl, _):
            fire_idx(bl, 1, 1)
            fire(1, 1, 0)
            compute(bl, 0, 0, 0, bl)
            fire(2, 0, 0)
            compute(bl, 0, 1, 1, bl)
            fire(3, 1, 0)
            compute(bl, 0, 2, 0, None)
            wait_idx(bl, 1, 1)
            fire(0, 0, 1)
            compute(bl, 0, 3, 1, None)
            fire(1, 1, 1)
            compute(bl, 1, 0, 0, None)
            fire(2, 0, 1)
            compute(bl, 1, 1, 1, None)
            fire(3, 1, 1)
            compute(bl, 1, 2, 0, None)

            def prefetch_next():
                fire_idx(bl + 1, 0, 0)
                wait_idx(bl + 1, 0, 0)
                fire(0, 0, 0)

            pl.when(bl + 1 < bpw)(prefetch_next)
            compute(bl, 1, 3, 1, None)
            return 0

        lax.fori_loop(0, bpw, iter_body, 0)

        for p in range(2):
            pltpu.make_async_copy(
                out_v.at[p],
                m_hbm.at[0, base_b, pl.ds(0, CK), pl.ds(0, D)],
                semo[p]).wait()

    return sc_kernel(toks, c3, clast, emb, dec)


def _tc_attention(m2, embed_q, h0, wi, wh, bi, bh, fw1, fw2p, fb, pmat,
                  *, B, L, D):
    BB = 32
    grid = (B // BB,)

    def body(m_ref, q_ref, h0_ref, wi_ref, wh_ref, bi_ref, bh_ref,
             fw1_ref, fw2_ref, fb_ref, pmat_ref, pptr_ref, pvoc_ref,
             h1_ref):
        f32 = jnp.float32
        q = q_ref[...].astype(f32)
        h0b = h0_ref[...]
        gi = lax.dot_general(q, wi_ref[...], (((1,), (1,)), ((), ())),
                             preferred_element_type=f32) + bi_ref[...]
        gh = lax.dot_general(h0b, wh_ref[...], (((1,), (1,)), ((), ())),
                             preferred_element_type=f32) + bh_ref[...]
        ir, iz, inn = gi[:, :D], gi[:, D:2 * D], gi[:, 2 * D:]
        hr, hz, hn = gh[:, :D], gh[:, D:2 * D], gh[:, 2 * D:]
        r = jax.nn.sigmoid(ir + hr)
        z = jax.nn.sigmoid(iz + hz)
        n = jnp.tanh(inn + r * hn)
        h1 = (1.0 - z) * n + z * h0b

        M0 = m_ref[0]
        M1 = m_ref[1]
        zpad = jnp.zeros_like(h1)

        u = lax.dot_general(h1, pmat_ref[...], (((1,), (1,)), ((), ())),
                            preferred_element_type=f32)
        scores = None
        plan = [(M0, 0, M0, 1), (M0, 1, M1, 0), (M1, 0, M1, 1)]
        for hop, (MA, uhalf, MC, ohalf) in enumerate(plan):
            ue = (jnp.concatenate([u, zpad], axis=-1) if uhalf == 0
                  else jnp.concatenate([zpad, u], axis=-1))
            scores = jnp.sum(MA * ue[:, None, :], axis=-1)
            mx = jnp.max(scores, axis=1, keepdims=True)
            e = jnp.exp(scores - mx)
            prob = e / jnp.sum(e, axis=1, keepdims=True)
            w = jnp.sum(prob[:, :, None] * MC, axis=1)
            o = w[:, D:] if ohalf else w[:, :D]
            if hop == 0:
                logits = (lax.dot_general(h1, fw1_ref[...],
                                          (((1,), (1,)), ((), ())),
                                          preferred_element_type=f32)
                          + lax.dot_general(o, fw2_ref[...],
                                            (((1,), (1,)), ((), ())),
                                            preferred_element_type=f32)
                          + fb_ref[...])
                lmx = jnp.max(logits, axis=1, keepdims=True)
                le = jnp.exp(logits - lmx)
                pvoc_ref[...] = le / jnp.sum(le, axis=1, keepdims=True)
            u = u + o
        pptr_ref[...] = scores
        h1_ref[...] = h1

    full = lambda shape: pl.BlockSpec(shape, lambda i: (0,) * len(shape))
    return pl.pallas_call(
        body,
        grid=grid,
        in_specs=[
            pl.BlockSpec((2, BB, LPAD, 2 * D), lambda i: (0, i, 0, 0)),
            pl.BlockSpec((BB, D), lambda i: (i, 0)),
            pl.BlockSpec((BB, D), lambda i: (i, 0)),
            full((3 * D, D)),
            full((3 * D, D)),
            full((1, 3 * D)),
            full((1, 3 * D)),
            full((D, D)),
            full((D, D)),
            full((1, D)),
            full((D, D)),
        ],
        out_specs=[
            pl.BlockSpec((BB, L), lambda i: (i, 0)),
            pl.BlockSpec((BB, D), lambda i: (i, 0)),
            pl.BlockSpec((BB, D), lambda i: (i, 0)),
        ],
        out_shape=[
            jax.ShapeDtypeStruct((B, L), jnp.float32),
            jax.ShapeDtypeStruct((B, D), jnp.float32),
            jax.ShapeDtypeStruct((B, D), jnp.float32),
        ],
    )(m2, embed_q, h0, wi, wh, bi, bh, fw1, fw2p, fb, pmat)


def kernel(decoder_input, story, hidden_states, embedding, C_tables, C_last,
           gru_Wi, gru_Wh, gru_bi, gru_bh, fc_W, fc_b):
    V, D = embedding.shape
    B, L, T = story.shape

    flat = story.reshape(B * L * T).astype(jnp.int32)
    dec = decoder_input.astype(jnp.int32)
    bf = jnp.bfloat16

    m2, embed_q = _sc_gather_pool(
        flat, C_tables.astype(bf), C_last.astype(bf), embedding.astype(bf),
        dec, V=V, D=D, T=T, L=L, B=B)

    h0 = hidden_states[0]
    fw1 = fc_W[:, :D]
    perm = []
    for blk in range(0, D, 32):
        perm += [blk + 2 * i for i in range(16)]
        perm += [blk + 2 * i + 1 for i in range(16)]
    perm = jnp.array(perm, dtype=jnp.int32)
    pmat = jnp.eye(D, dtype=jnp.float32)[perm]
    fw2p = fc_W[:, D:][:, perm]
    p_ptr, p_vocab, h1 = _tc_attention(
        m2, embed_q, h0, gru_Wi, gru_Wh,
        gru_bi.reshape(1, 3 * D), gru_bh.reshape(1, 3 * D),
        fw1, fw2p, fc_b.reshape(1, D), pmat, B=B, L=L, D=D)

    return (p_ptr, p_vocab, h1[None, :, :])

# --- scband reference (transcript-rebuilt; emitter-appended) ---
"""Pipeline reference for scband-decoder-tree-nn-55740085567675 (READ-ONLY COPY).

The authoritative reference and input builder live on the scoring server;
editing this copy changes nothing except your own understanding.
"""

import jax, jax.numpy as jnp
import numpy as np

V = 100000
D = 64
HOPS = 3
PAD = 1
B = 1024
L = 200
T = 6


def gru_step(x, h, Wi, Wh, bi, bh):
    gi = x @ Wi.T + bi
    gh = h @ Wh.T + bh
    ir, iz, inn = jnp.split(gi, 3, axis=-1)
    hr, hz, hn = jnp.split(gh, 3, axis=-1)
    r = jax.nn.sigmoid(ir + hr)
    z = jax.nn.sigmoid(iz + hz)
    n = jnp.tanh(inn + r * hn)
    return (1.0 - z) * n + z * h


def setup_inputs(seed: int = 0):
    key = jax.random.key(seed)
    ks = jax.random.split(key, 12)
    inp = {}
    inp['decoder_input'] = jax.random.randint(ks[0], (B,), 0, V)
    inp['story'] = jax.random.randint(ks[1], (B, L, T), 0, V)
    inp['hidden_states'] = jax.random.normal(ks[2], (1, B, D), dtype=jnp.float32)
    emb = jax.random.normal(ks[3], (V, D), dtype=jnp.float32) * 0.1
    inp['embedding'] = emb.at[PAD].set(0.0)
    C = jax.random.normal(ks[4], (HOPS, V, D), dtype=jnp.float32) * 0.1
    inp['C_tables'] = C.at[:, PAD, :].set(0.0)
    CL = jax.random.normal(ks[5], (V, D), dtype=jnp.float32) * 0.1
    inp['C_last'] = CL.at[PAD].set(0.0)
    s = 1.0 / np.sqrt(D)
    inp['gru_Wi'] = jax.random.uniform(ks[6], (3 * D, D), jnp.float32, -s, s)
    inp['gru_Wh'] = jax.random.uniform(ks[7], (3 * D, D), jnp.float32, -s, s)
    inp['gru_bi'] = jnp.zeros((3 * D,), jnp.float32)
    inp['gru_bh'] = jnp.zeros((3 * D,), jnp.float32)
    inp['fc_W'] = jax.random.uniform(ks[8], (D, 2 * D), jnp.float32, -s, s)
    inp['fc_b'] = jnp.zeros((D,), jnp.float32)
    return inp


def reference(decoder_input, story, hidden_states, embedding, C_tables, C_last, gru_Wi, gru_Wh, gru_bi, gru_bh, fc_W, fc_b):
    # embed decoder input (eval mode: dropout is identity)
    embed_q = jnp.take(embedding, decoder_input, axis=0)  # [B, D]
    h0 = hidden_states[0]
    h1 = gru_step(embed_q, h0, gru_Wi, gru_Wh, gru_bi, gru_bh)
    hidden = h1[None, :, :]
    # load_memory: per-hop embedding of story tokens, summed over token axis
    flat = story.reshape(B, L * T)
    m_story = []
    for hop in range(HOPS):
        emb_a = jnp.take(C_tables[hop], flat, axis=0).reshape(B, L, T, D).sum(axis=2)
        m_story.append(emb_a)
    m_story.append(jnp.take(C_last, flat, axis=0).reshape(B, L, T, D).sum(axis=2))
    # multi-hop memory attention (ptrMemDecoder, Mem2Seq style)
    u = h1
    p_vocab = None
    prob_lg = None
    for hop in range(HOPS):
        m_A = m_story[hop]
        prob_lg = jnp.einsum('bld,bd->bl', m_A, u)
        prob = jax.nn.softmax(prob_lg, axis=1)
        m_C = m_story[hop + 1]
        o_k = jnp.einsum('bl,bld->bd', prob, m_C)
        if hop == 0:
            p_vocab = jax.nn.softmax(jnp.concatenate([h1, o_k], axis=-1) @ fc_W.T + fc_b, axis=-1)
        u = u + o_k
    p_ptr = prob_lg
    return (p_ptr, p_vocab, hidden)

if __name__ == "__main__":
    import jax
    _d = setup_inputs()
    print(jax.jit(kernel)(*tuple(_d.values())))

</pallas_src>

<mosaic_0001>
#map = affine_map<(d0, d1) -> (0)>
#map1 = affine_map<(d0, d1) -> (0, 0, 0)>
#map2 = affine_map<(d0, d1) -> (0, 0)>
#map3 = affine_map<(d0, d1) -> (0, 0, 0, 0)>
module attributes {stable_mosaic.version = 14 : i64} {
  func.func @sc_kernel(%arg0: i32, %arg1: i32, %arg2: memref<1228800xi32, #tpu.memory_space<hbm>>, %arg3: memref<3x100000x64xbf16, #tpu.memory_space<hbm>>, %arg4: memref<100000x64xbf16, #tpu.memory_space<hbm>>, %arg5: memref<100000x64xbf16, #tpu.memory_space<hbm>>, %arg6: memref<1024xi32, #tpu.memory_space<hbm>>, %arg7: memref<2x1024x200x128xf32, #tpu.memory_space<hbm>>, %arg8: memref<1024x64xbf16, #tpu.memory_space<hbm>>, %arg9: memref<2x600xi32, #tpu.memory_space<vmem>>, %arg10: memref<2x600x64xbf16, #tpu.memory_space<vmem>>, %arg11: memref<2x100x64xf32, #tpu.memory_space<vmem>>, %arg12: memref<!tpu.dma_semaphore, #tpu.memory_space<semaphore_mem>>, %arg13: memref<!tpu.dma_semaphore, #tpu.memory_space<semaphore_mem>>, %arg14: memref<!tpu.dma_semaphore, #tpu.memory_space<semaphore_mem>>, %arg15: memref<!tpu.dma_semaphore, #tpu.memory_space<semaphore_mem>>, %arg16: memref<!tpu.dma_semaphore, #tpu.memory_space<semaphore_mem>>, %arg17: memref<!tpu.dma_semaphore, #tpu.memory_space<semaphore_mem>>) attributes {dimension_semantics = [#tpu.dimension_semantics<core_parallel>, #tpu.dimension_semantics<subcore_parallel>], iteration_bounds = array<i64: 2, 16>, scalar_prefetch = 0 : i64, scratch_operands = 9 : i64, tpu.core_type = #tpu.core_type<sc_vector_subcore>, window_params = [{transform_indices = #map}, {transform_indices = #map1}, {transform_indices = #map2}, {transform_indices = #map2}, {transform_indices = #map}, {transform_indices = #map3}, {transform_indices = #map2}]} {
    %mul3A = arith.constant 2 : i32
    %mul3A_0 = arith.muli %arg1, %mul3A : i32
    %add3A = arith.addi %mul3A_0, %arg0 : i32
    %mul3A_1 = arith.constant 32 : i32
    %mul3A_2 = arith.muli %add3A, %mul3A_1 : i32
    %mul3A_3 = arith.constant 32 : i32
    %mul3A_4 = arith.muli %add3A, %mul3A_3 : i32
    %run_scoped3A = arith.constant 0 : i32
    "tpu.region"() ({
      %run_scoped3A_189 = tpu.sem_alloc : memref<!tpu.dma_semaphore, #tpu.memory_space<semaphore_mem>>
      %dma_start3A_190 = arith.constant 0 : i32
      %dma_start3A_191 = tpu.memref_slice %arg9[%run_scoped3A, %dma_start3A_190] : memref<2x600xi32, #tpu.memory_space<vmem>> -> memref<1x32xi32, #tpu.memory_space<vmem>>
      %dma_start3A_192 = tpu.memref_squeeze %dma_start3A_191 : memref<1x32xi32, #tpu.memory_space<vmem>> -> memref<32xi32, #tpu.memory_space<vmem>>
      %dma_start3A_193 = tpu.memref_slice %arg6[%mul3A_4] : memref<1024xi32, #tpu.memory_space<hbm>> -> memref<32xi32, #tpu.memory_space<hbm>>
      %dma_start3A_194 = arith.constant 0 : i32
      %dma_start3A_195 = tpu.memref_slice %arg9[%run_scoped3A, %dma_start3A_194] : memref<2x600xi32, #tpu.memory_space<vmem>> -> memref<1x32xi32, #tpu.memory_space<vmem>>
      %dma_start3A_196 = tpu.memref_squeeze %dma_start3A_195 : memref<1x32xi32, #tpu.memory_space<vmem>> -> memref<32xi32, #tpu.memory_space<vmem>>
      %dma_start3A_197 = tpu.memref_slice %arg6[%mul3A_4] : memref<1024xi32, #tpu.memory_space<hbm>> -> memref<32xi32, #tpu.memory_space<hbm>>
      tpu.enqueue_dma source(%dma_start3A_197 : memref<32xi32, #tpu.memory_space<hbm>>) target(%dma_start3A_196 : memref<32xi32, #tpu.memory_space<vmem>>) target_semaphore(%run_scoped3A_189 : memref<!tpu.dma_semaphore, #tpu.memory_space<semaphore_mem>>)
      %dma_wait3A_198 = arith.constant 0 : i32
      %dma_wait3A_199 = tpu.memref_slice %arg9[%run_scoped3A, %dma_wait3A_198] : memref<2x600xi32, #tpu.memory_space<vmem>> -> memref<1x32xi32, #tpu.memory_space<vmem>>
      %dma_wait3A_200 = tpu.memref_squeeze %dma_wait3A_199 : memref<1x32xi32, #tpu.memory_space<vmem>> -> memref<32xi32, #tpu.memory_space<vmem>>
      %dma_wait3A_201 = tpu.memref_slice %arg6[%mul3A_4] : memref<1024xi32, #tpu.memory_space<hbm>> -> memref<32xi32, #tpu.memory_space<hbm>>
      %dma_wait3A_202 = arith.constant 0 : i32
      %dma_wait3A_203 = tpu.memref_slice %arg9[%run_scoped3A, %dma_wait3A_202] : memref<2x600xi32, #tpu.memory_space<vmem>> -> memref<1x32xi32, #tpu.memory_space<vmem>>
      %dma_wait3A_204 = tpu.memref_squeeze %dma_wait3A_203 : memref<1x32xi32, #tpu.memory_space<vmem>> -> memref<32xi32, #tpu.memory_space<vmem>>
      %dma_wait3A_205 = tpu.memref_slice %arg6[%mul3A_4] : memref<1024xi32, #tpu.memory_space<hbm>> -> memref<32xi32, #tpu.memory_space<hbm>>
      tpu.wait_dma2 semaphore(%run_scoped3A_189 : memref<!tpu.dma_semaphore, #tpu.memory_space<semaphore_mem>>) src(%dma_wait3A_205 : memref<32xi32, #tpu.memory_space<hbm>>) dst(%dma_wait3A_204 : memref<32xi32, #tpu.memory_space<vmem>>)
      tpu.yield
    }) : () -> ()
    %dma_start3A = arith.constant 0 : i32
    %dma_start3A_5 = arith.constant 0 : i32
    %dma_start3A_6 = arith.constant 0 : i32
    %dma_start3A_7 = arith.constant 0 : i32
    %dma_start3A_8 = tpu.memref_slice %arg10[%dma_start3A_5, %dma_start3A_6, %dma_start3A_7] : memref<2x600x64xbf16, #tpu.memory_space<vmem>> -> memref<1x32x64xbf16, #tpu.memory_space<vmem>>
    %dma_start3A_9 = tpu.memref_squeeze %dma_start3A_8 : memref<1x32x64xbf16, #tpu.memory_space<vmem>> -> memref<32x64xbf16, #tpu.memory_space<vmem>>
    %dma_start3A_10 = arith.constant 0 : i32
    %dma_start3A_11 = tpu.memref_slice %arg9[%dma_start3A, %dma_start3A_10] : memref<2x600xi32, #tpu.memory_space<vmem>> -> memref<1x32xi32, #tpu.memory_space<vmem>>
    %dma_start3A_12 = tpu.memref_squeeze %dma_start3A_11 : memref<1x32xi32, #tpu.memory_space<vmem>> -> memref<32xi32, #tpu.memory_space<vmem>>
    %dma_start3A_13 = arith.constant 0 : i32
    %dma_start3A_14 = arith.constant 0 : i32
    %dma_start3A_15 = tpu.memref_slice %arg5[%dma_start3A_13, %dma_start3A_14] : memref<100000x64xbf16, #tpu.memory_space<hbm>> -> memref<100000x64xbf16, #tpu.memory_space<hbm>>
    tpu.enqueue_indirect_dma source(%dma_start3A_15 : memref<100000x64xbf16, #tpu.memory_space<hbm>>) target(%dma_start3A_9 : memref<32x64xbf16, #tpu.memory_space<vmem>>) offsets(%dma_start3A_12 : memref<32xi32, #tpu.memory_space<vmem>>) semaphore(%arg14 : memref<!tpu.dma_semaphore, #tpu.memory_space<semaphore_mem>>)
    %dma_wait3A = arith.constant 0 : i32
    %dma_wait3A_16 = arith.constant 0 : i32
    %dma_wait3A_17 = arith.constant 0 : i32
    %dma_wait3A_18 = arith.constant 0 : i32
    %dma_wait3A_19 = tpu.memref_slice %arg10[%dma_wait3A_16, %dma_wait3A_17, %dma_wait3A_18] : memref<2x600x64xbf16, #tpu.memory_space<vmem>> -> memref<1x32x64xbf16, #tpu.memory_space<vmem>>
    %dma_wait3A_20 = tpu.memref_squeeze %dma_wait3A_19 : memref<1x32x64xbf16, #tpu.memory_space<vmem>> -> memref<32x64xbf16, #tpu.memory_space<vmem>>
    %dma_wait3A_21 = arith.constant 0 : i32
    %dma_wait3A_22 = tpu.memref_slice %arg9[%dma_wait3A, %dma_wait3A_21] : memref<2x600xi32, #tpu.memory_space<vmem>> -> memref<1x32xi32, #tpu.memory_space<vmem>>
    %dma_wait3A_23 = tpu.memref_squeeze %dma_wait3A_22 : memref<1x32xi32, #tpu.memory_space<vmem>> -> memref<32xi32, #tpu.memory_space<vmem>>
    %dma_wait3A_24 = arith.constant 0 : i32
    %dma_wait3A_25 = arith.constant 0 : i32
    %dma_wait3A_26 = tpu.memref_slice %arg5[%dma_wait3A_24, %dma_wait3A_25] : memref<100000x64xbf16, #tpu.memory_space<hbm>> -> memref<100000x64xbf16, #tpu.memory_space<hbm>>
    tpu.wait_indirect_dma semaphore(%arg14 : memref<!tpu.dma_semaphore, #tpu.memory_space<semaphore_mem>>) src(%dma_wait3A_26 : memref<100000x64xbf16, #tpu.memory_space<hbm>>) dst(%dma_wait3A_20 : memref<32x64xbf16, #tpu.memory_space<vmem>>)
    %run_scoped3A_27 = arith.constant 0 : i32
    "tpu.region"() ({
      %run_scoped3A_189 = tpu.sem_alloc : memref<!tpu.dma_semaphore, #tpu.memory_space<semaphore_mem>>
      %dma_start3A_190 = arith.constant 0 : i32
      %dma_start3A_191 = arith.constant 0 : i32
      %dma_start3A_192 = tpu.memref_slice %arg10[%run_scoped3A_27, %dma_start3A_190, %dma_start3A_191] : memref<2x600x64xbf16, #tpu.memory_space<vmem>> -> memref<1x32x64xbf16, #tpu.memory_space<vmem>>
      %dma_start3A_193 = tpu.memref_squeeze %dma_start3A_192 : memref<1x32x64xbf16, #tpu.memory_space<vmem>> -> memref<32x64xbf16, #tpu.memory_space<vmem>>
      %dma_start3A_194 = arith.constant 0 : i32
      %dma_start3A_195 = tpu.memref_slice %arg8[%mul3A_4, %dma_start3A_194] : memref<1024x64xbf16, #tpu.memory_space<hbm>> -> memref<32x64xbf16, #tpu.memory_space<hbm>>
      %dma_start3A_196 = arith.constant 0 : i32
      %dma_start3A_197 = tpu.memref_slice %arg8[%mul3A_4, %dma_start3A_196] : memref<1024x64xbf16, #tpu.memory_space<hbm>> -> memref<32x64xbf16, #tpu.memory_space<hbm>>
      %dma_start3A_198 = arith.constant 0 : i32
      %dma_start3A_199 = arith.constant 0 : i32
      %dma_start3A_200 = tpu.memref_slice %arg10[%run_scoped3A_27, %dma_start3A_198, %dma_start3A_199] : memref<2x600x64xbf16, #tpu.memory_space<vmem>> -> memref<1x32x64xbf16, #tpu.memory_space<vmem>>
      %dma_start3A_201 = tpu.memref_squeeze %dma_start3A_200 : memref<1x32x64xbf16, #tpu.memory_space<vmem>> -> memref<32x64xbf16, #tpu.memory_space<vmem>>
      tpu.enqueue_dma source(%dma_start3A_201 : memref<32x64xbf16, #tpu.memory_space<vmem>>) target(%dma_start3A_197 : memref<32x64xbf16, #tpu.memory_space<hbm>>) target_semaphore(%run_scoped3A_189 : memref<!tpu.dma_semaphore, #tpu.memory_space<semaphore_mem>>)
      %dma_wait3A_202 = arith.constant 0 : i32
      %dma_wait3A_203 = arith.constant 0 : i32
      %dma_wait3A_204 = tpu.memref_slice %arg10[%run_scoped3A_27, %dma_wait3A_202, %dma_wait3A_203] : memref<2x600x64xbf16, #tpu.memory_space<vmem>> -> memref<1x32x64xbf16, #tpu.memory_space<vmem>>
      %dma_wait3A_205 = tpu.memref_squeeze %dma_wait3A_204 : memref<1x32x64xbf16, #tpu.memory_space<vmem>> -> memref<32x64xbf16, #tpu.memory_space<vmem>>
      %dma_wait3A_206 = arith.constant 0 : i32
      %dma_wait3A_207 = tpu.memref_slice %arg8[%mul3A_4, %dma_wait3A_206] : memref<1024x64xbf16, #tpu.memory_space<hbm>> -> memref<32x64xbf16, #tpu.memory_space<hbm>>
      %dma_wait3A_208 = arith.constant 0 : i32
      %dma_wait3A_209 = tpu.memref_slice %arg8[%mul3A_4, %dma_wait3A_208] : memref<1024x64xbf16, #tpu.memory_space<hbm>> -> memref<32x64xbf16, #tpu.memory_space<hbm>>
      %dma_wait3A_210 = arith.constant 0 : i32
      %dma_wait3A_211 = arith.constant 0 : i32
      %dma_wait3A_212 = tpu.memref_slice %arg10[%run_scoped3A_27, %dma_wait3A_210, %dma_wait3A_211] : memref<2x600x64xbf16, #tpu.memory_space<vmem>> -> memref<1x32x64xbf16, #tpu.memory_space<vmem>>
      %dma_wait3A_213 = tpu.memref_squeeze %dma_wait3A_212 : memref<1x32x64xbf16, #tpu.memory_space<vmem>> -> memref<32x64xbf16, #tpu.memory_space<vmem>>
      tpu.wait_dma2 semaphore(%run_scoped3A_189 : memref<!tpu.dma_semaphore, #tpu.memory_space<semaphore_mem>>) src(%dma_wait3A_213 : memref<32x64xbf16, #tpu.memory_space<vmem>>) dst(%dma_wait3A_209 : memref<32x64xbf16, #tpu.memory_space<hbm>>)
      tpu.yield
    }) : () -> ()
    %add3A_28 = arith.constant 0 : i32
    %add3A_29 = arith.addi %mul3A_2, %add3A_28 : i32
    %mul3A_30 = arith.constant 200 : i32
    %mul3A_31 = arith.muli %add3A_29, %mul3A_30 : i32
    %add3A_32 = arith.constant 0 : i32
    %add3A_33 = arith.addi %mul3A_31, %add3A_32 : i32
    %mul3A_34 = arith.constant 6 : i32
    %mul3A_35 = arith.muli %add3A_33, %mul3A_34 : i32
    %dma_start3A_36 = arith.constant 0 : i32
    %dma_start3A_37 = arith.constant 0 : i32
    %dma_start3A_38 = tpu.memref_slice %arg9[%dma_start3A_36, %dma_start3A_37] : memref<2x600xi32, #tpu.memory_space<vmem>> -> memref<1x600xi32, #tpu.memory_space<vmem>>
    %dma_start3A_39 = tpu.memref_squeeze %dma_start3A_38 : memref<1x600xi32, #tpu.memory_space<vmem>> -> memref<600xi32, #tpu.memory_space<vmem>>
    %dma_start3A_40 = tpu.memref_slice %arg2[%mul3A_35] : memref<1228800xi32, #tpu.memory_space<hbm>> -> memref<600xi32, #tpu.memory_space<hbm>>
    %dma_start3A_41 = arith.constant 0 : i32
    %dma_start3A_42 = tpu.memref_slice %arg9[%dma_start3A_36, %dma_start3A_41] : memref<2x600xi32, #tpu.memory_space<vmem>> -> memref<1x600xi32, #tpu.memory_space<vmem>>
    %dma_start3A_43 = tpu.memref_squeeze %dma_start3A_42 : memref<1x600xi32, #tpu.memory_space<vmem>> -> memref<600xi32, #tpu.memory_space<vmem>>
    %dma_start3A_44 = tpu.memref_slice %arg2[%mul3A_35] : memref<1228800xi32, #tpu.memory_space<hbm>> -> memref<600xi32, #tpu.memory_space<hbm>>
    tpu.enqueue_dma source(%dma_start3A_44 : memref<600xi32, #tpu.memory_space<hbm>>) target(%dma_start3A_43 : memref<600xi32, #tpu.memory_space<vmem>>) target_semaphore(%arg12 : memref<!tpu.dma_semaphore, #tpu.memory_space<semaphore_mem>>)
    %add3A_45 = arith.constant 0 : i32
    %add3A_46 = arith.addi %mul3A_2, %add3A_45 : i32
    %mul3A_47 = arith.constant 200 : i32
    %mul3A_48 = arith.muli %add3A_46, %mul3A_47 : i32
    %add3A_49 = arith.constant 0 : i32
    %add3A_50 = arith.addi %mul3A_48, %add3A_49 : i32
    %mul3A_51 = arith.constant 6 : i32
    %mul3A_52 = arith.muli %add3A_50, %mul3A_51 : i32
    %dma_wait3A_53 = arith.constant 0 : i32
    %dma_wait3A_54 = arith.constant 0 : i32
    %dma_wait3A_55 = tpu.memref_slice %arg9[%dma_wait3A_53, %dma_wait3A_54] : memref<2x600xi32, #tpu.memory_space<vmem>> -> memref<1x600xi32, #tpu.memory_space<vmem>>
    %dma_wait3A_56 = tpu.memref_squeeze %dma_wait3A_55 : memref<1x600xi32, #tpu.memory_space<vmem>> -> memref<600xi32, #tpu.memory_space<vmem>>
    %dma_wait3A_57 = tpu.memref_slice %arg2[%mul3A_52] : memref<1228800xi32, #tpu.memory_space<hbm>> -> memref<600xi32, #tpu.memory_space<hbm>>
    %dma_wait3A_58 = arith.constant 0 : i32
    %dma_wait3A_59 = tpu.memref_slice %arg9[%dma_wait3A_53, %dma_wait3A_58] : memref<2x600xi32, #tpu.memory_space<vmem>> -> memref<1x600xi32, #tpu.memory_space<vmem>>
    %dma_wait3A_60 = tpu.memref_squeeze %dma_wait3A_59 : memref<1x600xi32, #tpu.memory_space<vmem>> -> memref<600xi32, #tpu.memory_space<vmem>>
    %dma_wait3A_61 = tpu.memref_slice %arg2[%mul3A_52] : memref<1228800xi32, #tpu.memory_space<hbm>> -> memref<600xi32, #tpu.memory_space<hbm>>
    tpu.wait_dma2 semaphore(%arg12 : memref<!tpu.dma_semaphore, #tpu.memory_space<semaphore_mem>>) src(%dma_wait3A_61 : memref<600xi32, #tpu.memory_space<hbm>>) dst(%dma_wait3A_60 : memref<600xi32, #tpu.memory_space<vmem>>)
    %dma_start3A_62 = arith.constant 0 : i32
    %dma_start3A_63 = arith.constant 0 : i32
    %dma_start3A_64 = arith.constant 0 : i32
    %dma_start3A_65 = arith.constant 0 : i32
    %dma_start3A_66 = arith.constant 0 : i32
    %dma_start3A_67 = tpu.memref_slice %arg10[%dma_start3A_64, %dma_start3A_65, %dma_start3A_66] : memref<2x600x64xbf16, #tpu.memory_space<vmem>> -> memref<1x128x64xbf16, #tpu.memory_space<vmem>>
    %dma_start3A_68 = tpu.memref_squeeze %dma_start3A_67 : memref<1x128x64xbf16, #tpu.memory_space<vmem>> -> memref<128x64xbf16, #tpu.memory_space<vmem>>
    %dma_start3A_69 = arith.constant 0 : i32
    %dma_start3A_70 = tpu.memref_slice %arg9[%dma_start3A_63, %dma_start3A_69] : memref<2x600xi32, #tpu.memory_space<vmem>> -> memref<1x128xi32, #tpu.memory_space<vmem>>
    %dma_start3A_71 = tpu.memref_squeeze %dma_start3A_70 : memref<1x128xi32, #tpu.memory_space<vmem>> -> memref<128xi32, #tpu.memory_space<vmem>>
    %dma_start3A_72 = arith.constant 0 : i32
    %dma_start3A_73 = arith.constant 0 : i32
    %dma_start3A_74 = tpu.memref_slice %arg3[%dma_start3A_62, %dma_start3A_72, %dma_start3A_73] : memref<3x100000x64xbf16, #tpu.memory_space<hbm>> -> memref<1x100000x64xbf16, #tpu.memory_space<hbm>>
    %dma_start3A_75 = tpu.memref_squeeze %dma_start3A_74 : memref<1x100000x64xbf16, #tpu.memory_space<hbm>> -> memref<100000x64xbf16, #tpu.memory_space<hbm>>
    %dma_start3A_76 = arith.constant 0 : i32
    %dma_start3A_77 = arith.constant 0 : i32
    %dma_start3A_78 = tpu.memref_slice %dma_start3A_75[%dma_start3A_76, %dma_start3A_77] : memref<100000x64xbf16, #tpu.memory_space<hbm>> -> memref<100000x64xbf16, #tpu.memory_space<hbm>>
    tpu.enqueue_indirect_dma source(%dma_start3A_78 : memref<100000x64xbf16, #tpu.memory_space<hbm>>) target(%dma_start3A_68 : memref<128x64xbf16, #tpu.memory_space<vmem>>) offsets(%dma_start3A_71 : memref<128xi32, #tpu.memory_space<vmem>>) semaphore(%arg14 : memref<!tpu.dma_semaphore, #tpu.memory_space<semaphore_mem>>)
    %dma_start3A_79 = arith.constant 0 : i32
    %dma_start3A_80 = arith.constant 0 : i32
    %dma_start3A_81 = arith.constant 0 : i32
    %dma_start3A_82 = arith.constant 128 : i32
    %dma_start3A_83 = arith.constant 0 : i32
    %dma_start3A_84 = tpu.memref_slice %arg10[%dma_start3A_81, %dma_start3A_82, %dma_start3A_83] : memref<2x600x64xbf16, #tpu.memory_space<vmem>> -> memref<1x128x64xbf16, #tpu.memory_space<vmem>>
    %dma_start3A_85 = tpu.memref_squeeze %dma_start3A_84 : memref<1x128x64xbf16, #tpu.memory_space<vmem>> -> memref<128x64xbf16, #tpu.memory_space<vmem>>
    %dma_start3A_86 = arith.constant 128 : i32
    %dma_start3A_87 = tpu.memref_slice %arg9[%dma_start3A_80, %dma_start3A_86] : memref<2x600xi32, #tpu.memory_space<vmem>> -> memref<1x128xi32, #tpu.memory_space<vmem>>
    %dma_start3A_88 = tpu.memref_squeeze %dma_start3A_87 : memref<1x128xi32, #tpu.memory_space<vmem>> -> memref<128xi32, #tpu.memory_space<vmem>>
    %dma_start3A_89 = arith.constant 0 : i32
    %dma_start3A_90 = arith.constant 0 : i32
    %dma_start3A_91 = tpu.memref_slice %arg3[%dma_start3A_79, %dma_start3A_89, %dma_start3A_90] : memref<3x100000x64xbf16, #tpu.memory_space<hbm>> -> memref<1x100000x64xbf16, #tpu.memory_space<hbm>>
    %dma_start3A_92 = tpu.memref_squeeze %dma_start3A_91 : memref<1x100000x64xbf16, #tpu.memory_space<hbm>> -> memref<100000x64xbf16, #tpu.memory_space<hbm>>
    %dma_start3A_93 = arith.constant 0 : i32
    %dma_start3A_94 = arith.constant 0 : i32
    %dma_start3A_95 = tpu.memref_slice %dma_start3A_92[%dma_start3A_93, %dma_start3A_94] : memref<100000x64xbf16, #tpu.memory_space<hbm>> -> memref<100000x64xbf16, #tpu.memory_space<hbm>>
    tpu.enqueue_indirect_dma source(%dma_start3A_95 : memref<100000x64xbf16, #tpu.memory_space<hbm>>) target(%dma_start3A_85 : memref<128x64xbf16, #tpu.memory_space<vmem>>) offsets(%dma_start3A_88 : memref<128xi32, #tpu.memory_space<vmem>>) semaphore(%arg14 : memref<!tpu.dma_semaphore, #tpu.memory_space<semaphore_mem>>)
    %dma_start3A_96 = arith.constant 0 : i32
    %dma_start3A_97 = arith.constant 0 : i32
    %dma_start3A_98 = arith.constant 0 : i32
    %dma_start3A_99 = arith.constant 256 : i32
    %dma_start3A_100 = arith.constant 0 : i32
    %dma_start3A_101 = tpu.memref_slice %arg10[%dma_start3A_98, %dma_start3A_99, %dma_start3A_100] : memref<2x600x64xbf16, #tpu.memory_space<vmem>> -> memref<1x128x64xbf16, #tpu.memory_space<vmem>>
    %dma_start3A_102 = tpu.memref_squeeze %dma_start3A_101 : memref<1x128x64xbf16, #tpu.memory_space<vmem>> -> memref<128x64xbf16, #tpu.memory_space<vmem>>
    %dma_start3A_103 = arith.constant 256 : i32
    %dma_start3A_104 = tpu.memref_slice %arg9[%dma_start3A_97, %dma_start3A_103] : memref<2x600xi32, #tpu.memory_space<vmem>> -> memref<1x128xi32, #tpu.memory_space<vmem>>
    %dma_start3A_105 = tpu.memref_squeeze %dma_start3A_104 : memref<1x128xi32, #tpu.memory_space<vmem>> -> memref<128xi32, #tpu.memory_space<vmem>>
    %dma_start3A_106 = arith.constant 0 : i32
    %dma_start3A_107 = arith.constant 0 : i32
    %dma_start3A_108 = tpu.memref_slice %arg3[%dma_start3A_96, %dma_start3A_106, %dma_start3A_107] : memref<3x100000x64xbf16, #tpu.memory_space<hbm>> -> memref<1x100000x64xbf16, #tpu.memory_space<hbm>>
    %dma_start3A_109 = tpu.memref_squeeze %dma_start3A_108 : memref<1x100000x64xbf16, #tpu.memory_space<hbm>> -> memref<100000x64xbf16, #tpu.memory_space<hbm>>
    %dma_start3A_110 = arith.constant 0 : i32
    %dma_start3A_111 = arith.constant 0 : i32
    %dma_start3A_112 = tpu.memref_slice %dma_start3A_109[%dma_start3A_110, %dma_start3A_111] : memref<100000x64xbf16, #tpu.memory_space<hbm>> -> memref<100000x64xbf16, #tpu.memory_space<hbm>>
    tpu.enqueue_indirect_dma source(%dma_start3A_112 : memref<100000x64xbf16, #tpu.memory_space<hbm>>) target(%dma_start3A_102 : memref<128x64xbf16, #tpu.memory_space<vmem>>) offsets(%dma_start3A_105 : memref<128xi32, #tpu.memory_space<vmem>>) semaphore(%arg14 : memref<!tpu.dma_semaphore, #tpu.memory_space<semaphore_mem>>)
    %dma_start3A_113 = arith.constant 0 : i32
    %dma_start3A_114 = arith.constant 0 : i32
    %dma_start3A_115 = arith.constant 0 : i32
    %dma_start3A_116 = arith.constant 384 : i32
    %dma_start3A_117 = arith.constant 0 : i32
    %dma_start3A_118 = tpu.memref_slice %arg10[%dma_start3A_115, %dma_start3A_116, %dma_start3A_117] : memref<2x600x64xbf16, #tpu.memory_space<vmem>> -> memref<1x128x64xbf16, #tpu.memory_space<vmem>>
    %dma_start3A_119 = tpu.memref_squeeze %dma_start3A_118 : memref<1x128x64xbf16, #tpu.memory_space<vmem>> -> memref<128x64xbf16, #tpu.memory_space<vmem>>
    %dma_start3A_120 = arith.constant 384 : i32
    %dma_start3A_121 = tpu.memref_slice %arg9[%dma_start3A_114, %dma_start3A_120] : memref<2x600xi32, #tpu.memory_space<vmem>> -> memref<1x128xi32, #tpu.memory_space<vmem>>
    %dma_start3A_122 = tpu.memref_squeeze %dma_start3A_121 : memref<1x128xi32, #tpu.memory_space<vmem>> -> memref<128xi32, #tpu.memory_space<vmem>>
    %dma_start3A_123 = arith.constant 0 : i32
    %dma_start3A_124 = arith.constant 0 : i32
    %dma_start3A_125 = tpu.memref_slice %arg3[%dma_start3A_113, %dma_start3A_123, %dma_start3A_124] : memref<3x100000x64xbf16, #tpu.memory_space<hbm>> -> memref<1x100000x64xbf16, #tpu.memory_space<hbm>>
    %dma_start3A_126 = tpu.memref_squeeze %dma_start3A_125 : memref<1x100000x64xbf16, #tpu.memory_space<hbm>> -> memref<100000x64xbf16, #tpu.memory_space<hbm>>
    %dma_start3A_127 = arith.constant 0 : i32
    %dma_start3A_128 = arith.constant 0 : i32
    %dma_start3A_129 = tpu.memref_slice %dma_start3A_126[%dma_start3A_127, %dma_start3A_128] : memref<100000x64xbf16, #tpu.memory_space<hbm>> -> memref<100000x64xbf16, #tpu.memory_space<hbm>>
    tpu.enqueue_indirect_dma source(%dma_start3A_129 : memref<100000x64xbf16, #tpu.memory_space<hbm>>) target(%dma_start3A_119 : memref<128x64xbf16, #tpu.memory_space<vmem>>) offsets(%dma_start3A_122 : memref<128xi32, #tpu.memory_space<vmem>>) semaphore(%arg14 : memref<!tpu.dma_semaphore, #tpu.memory_space<semaphore_mem>>)
    %dma_start3A_130 = arith.constant 0 : i32
    %dma_start3A_131 = arith.constant 0 : i32
    %dma_start3A_132 = arith.constant 0 : i32
    %dma_start3A_133 = arith.constant 512 : i32
    %dma_start3A_134 = arith.constant 0 : i32
    %dma_start3A_135 = tpu.memref_slice %arg10[%dma_start3A_132, %dma_start3A_133, %dma_start3A_134] : memref<2x600x64xbf16, #tpu.memory_space<vmem>> -> memref<1x88x64xbf16, #tpu.memory_space<vmem>>
    %dma_start3A_136 = tpu.memref_squeeze %dma_start3A_135 : memref<1x88x64xbf16, #tpu.memory_space<vmem>> -> memref<88x64xbf16, #tpu.memory_space<vmem>>
    %dma_start3A_137 = arith.constant 512 : i32
    %dma_start3A_138 = tpu.memref_slice %arg9[%dma_start3A_131, %dma_start3A_137] : memref<2x600xi32, #tpu.memory_space<vmem>> -> memref<1x88xi32, #tpu.memory_space<vmem>>
    %dma_start3A_139 = tpu.memref_squeeze %dma_start3A_138 : memref<1x88xi32, #tpu.memory_space<vmem>> -> memref<88xi32, #tpu.memory_space<vmem>>
    %dma_start3A_140 = arith.constant 0 : i32
    %dma_start3A_141 = arith.constant 0 : i32
    %dma_start3A_142 = tpu.memref_slice %arg3[%dma_start3A_130, %dma_start3A_140, %dma_start3A_141] : memref<3x100000x64xbf16, #tpu.memory_space<hbm>> -> memref<1x100000x64xbf16, #tpu.memory_space<hbm>>
    %dma_start3A_143 = tpu.memref_squeeze %dma_start3A_142 : memref<1x100000x64xbf16, #tpu.memory_space<hbm>> -> memref<100000x64xbf16, #tpu.memory_space<hbm>>
    %dma_start3A_144 = arith.constant 0 : i32
    %dma_start3A_145 = arith.constant 0 : i32
    %dma_start3A_146 = tpu.memref_slice %dma_start3A_143[%dma_start3A_144, %dma_start3A_145] : memref<100000x64xbf16, #tpu.memory_space<hbm>> -> memref<100000x64xbf16, #tpu.memory_space<hbm>>
    tpu.enqueue_indirect_dma source(%dma_start3A_146 : memref<100000x64xbf16, #tpu.memory_space<hbm>>) target(%dma_start3A_136 : memref<88x64xbf16, #tpu.memory_space<vmem>>) offsets(%dma_start3A_139 : memref<88xi32, #tpu.memory_space<vmem>>) semaphore(%arg14 : memref<!tpu.dma_semaphore, #tpu.memory_space<semaphore_mem>>)
    %scan3A = arith.constant 0 : i32
    %scan3A_147 = arith.constant 0 : i32
    %scan3A_148 = arith.constant 32 : i32
    %scan3A_149 = arith.addi %scan3A_147, %scan3A_148 : i32
    %scan3A_150 = arith.constant 1 : i32
    %scan3A_151 = scf.for %scan3A_189 = %scan3A_147 to %scan3A_149 step %scan3A_150 iter_args(%scan3A_190 = %scan3A) -> (i32)  : i32 {
      %add3A_191 = arith.addi %mul3A_2, %scan3A_189 : i32
      %mul3A_192 = arith.constant 200 : i32
      %mul3A_193 = arith.muli %add3A_191, %mul3A_192 : i32
      %add3A_194 = arith.constant 100 : i32
      %add3A_195 = arith.addi %mul3A_193, %add3A_194 : i32
      %mul3A_196 = arith.constant 6 : i32
      %mul3A_197 = arith.muli %add3A_195, %mul3A_196 : i32
      %dma_start3A_198 = arith.constant 1 : i32
      %dma_start3A_199 = arith.constant 0 : i32
      %dma_start3A_200 = tpu.memref_slice %arg9[%dma_start3A_198, %dma_start3A_199] : memref<2x600xi32, #tpu.memory_space<vmem>> -> memref<1x600xi32, #tpu.memory_space<vmem>>
      %dma_start3A_201 = tpu.memref_squeeze %dma_start3A_200 : memref<1x600xi32, #tpu.memory_space<vmem>> -> memref<600xi32, #tpu.memory_space<vmem>>
      %dma_start3A_202 = tpu.memref_slice %arg2[%mul3A_197] : memref<1228800xi32, #tpu.memory_space<hbm>> -> memref<600xi32, #tpu.memory_space<hbm>>
      %dma_start3A_203 = arith.constant 0 : i32
      %dma_start3A_204 = tpu.memref_slice %arg9[%dma_start3A_198, %dma_start3A_203] : memref<2x600xi32, #tpu.memory_space<vmem>> -> memref<1x600xi32, #tpu.memory_space<vmem>>
      %dma_start3A_205 = tpu.memref_squeeze %dma_start3A_204 : memref<1x600xi32, #tpu.memory_space<vmem>> -> memref<600xi32, #tpu.memory_space<vmem>>
      %dma_start3A_206 = tpu.memref_slice %arg2[%mul3A_197] : memref<1228800xi32, #tpu.memory_space<hbm>> -> memref<600xi32, #tpu.memory_space<hbm>>
      tpu.enqueue_dma source(%dma_start3A_206 : memref<600xi32, #tpu.memory_space<hbm>>) target(%dma_start3A_205 : memref<600xi32, #tpu.memory_space<vmem>>) target_semaphore(%arg13 : memref<!tpu.dma_semaphore, #tpu.memory_space<semaphore_mem>>)
      %dma_start3A_207 = arith.constant 1 : i32
      %dma_start3A_208 = arith.constant 0 : i32
      %dma_start3A_209 = arith.constant 1 : i32
      %dma_start3A_210 = arith.constant 0 : i32
      %dma_start3A_211 = arith.constant 0 : i32
      %dma_start3A_212 = tpu.memref_slice %arg10[%dma_start3A_209, %dma_start3A_210, %dma_start3A_211] : memref<2x600x64xbf16, #tpu.memory_space<vmem>> -> memref<1x128x64xbf16, #tpu.memory_space<vmem>>
      %dma_start3A_213 = tpu.memref_squeeze %dma_start3A_212 : memref<1x128x64xbf16, #tpu.memory_space<vmem>> -> memref<128x64xbf16, #tpu.memory_space<vmem>>
      %dma_start3A_214 = arith.constant 0 : i32
      %dma_start3A_215 = tpu.memref_slice %arg9[%dma_start3A_208, %dma_start3A_214] : memref<2x600xi32, #tpu.memory_space<vmem>> -> memref<1x128xi32, #tpu.memory_space<vmem>>
      %dma_start3A_216 = tpu.memref_squeeze %dma_start3A_215 : memref<1x128xi32, #tpu.memory_space<vmem>> -> memref<128xi32, #tpu.memory_space<vmem>>
      %dma_start3A_217 = arith.constant 0 : i32
      %dma_start3A_218 = arith.constant 0 : i32
      %dma_start3A_219 = tpu.memref_slice %arg3[%dma_start3A_207, %dma_start3A_217, %dma_start3A_218] : memref<3x100000x64xbf16, #tpu.memory_space<hbm>> -> memref<1x100000x64xbf16, #tpu.memory_space<hbm>>
      %dma_start3A_220 = tpu.memref_squeeze %dma_start3A_219 : memref<1x100000x64xbf16, #tpu.memory_space<hbm>> -> memref<100000x64xbf16, #tpu.memory_space<hbm>>
      %dma_start3A_221 = arith.constant 0 : i32
      %dma_start3A_222 = arith.constant 0 : i32
      %dma_start3A_223 = tpu.memref_slice %dma_start3A_220[%dma_start3A_221, %dma_start3A_222] : memref<100000x64xbf16, #tpu.memory_space<hbm>> -> memref<100000x64xbf16, #tpu.memory_space<hbm>>
      tpu.enqueue_indirect_dma source(%dma_start3A_223 : memref<100000x64xbf16, #tpu.memory_space<hbm>>) target(%dma_start3A_213 : memref<128x64xbf16, #tpu.memory_space<vmem>>) offsets(%dma_start3A_216 : memref<128xi32, #tpu.memory_space<vmem>>) semaphore(%arg15 : memref<!tpu.dma_semaphore, #tpu.memory_space<semaphore_mem>>)
      %dma_start3A_224 = arith.constant 1 : i32
      %dma_start3A_225 = arith.constant 0 : i32
      %dma_start3A_226 = arith.constant 1 : i32
      %dma_start3A_227 = arith.constant 128 : i32
      %dma_start3A_228 = arith.constant 0 : i32
      %dma_start3A_229 = tpu.memref_slice %arg10[%dma_start3A_226, %dma_start3A_227, %dma_start3A_228] : memref<2x600x64xbf16, #tpu.memory_space<vmem>> -> memref<1x128x64xbf16, #tpu.memory_space<vmem>>
      %dma_start3A_230 = tpu.memref_squeeze %dma_start3A_229 : memref<1x128x64xbf16, #tpu.memory_space<vmem>> -> memref<128x64xbf16, #tpu.memory_space<vmem>>
      %dma_start3A_231 = arith.constant 128 : i32
      %dma_start3A_232 = tpu.memref_slice %arg9[%dma_start3A_225, %dma_start3A_231] : memref<2x600xi32, #tpu.memory_space<vmem>> -> memref<1x128xi32, #tpu.memory_space<vmem>>
      %dma_start3A_233 = tpu.memref_squeeze %dma_start3A_232 : memref<1x128xi32, #tpu.memory_space<vmem>> -> memref<128xi32, #tpu.memory_space<vmem>>
      %dma_start3A_234 = arith.constant 0 : i32
      %dma_start3A_235 = arith.constant 0 : i32
      %dma_start3A_236 = tpu.memref_slice %arg3[%dma_start3A_224, %dma_start3A_234, %dma_start3A_235] : memref<3x100000x64xbf16, #tpu.memory_space<hbm>> -> memref<1x100000x64xbf16, #tpu.memory_space<hbm>>
      %dma_start3A_237 = tpu.memref_squeeze %dma_start3A_236 : memref<1x100000x64xbf16, #tpu.memory_space<hbm>> -> memref<100000x64xbf16, #tpu.memory_space<hbm>>
      %dma_start3A_238 = arith.constant 0 : i32
      %dma_start3A_239 = arith.constant 0 : i32
      %dma_start3A_240 = tpu.memref_slice %dma_start3A_237[%dma_start3A_238, %dma_start3A_239] : memref<100000x64xbf16, #tpu.memory_space<hbm>> -> memref<100000x64xbf16, #tpu.memory_space<hbm>>
      tpu.enqueue_indirect_dma source(%dma_start3A_240 : memref<100000x64xbf16, #tpu.memory_space<hbm>>) target(%dma_start3A_230 : memref<128x64xbf16, #tpu.memory_space<vmem>>) offsets(%dma_start3A_233 : memref<128xi32, #tpu.memory_space<vmem>>) semaphore(%arg15 : memref<!tpu.dma_semaphore, #tpu.memory_space<semaphore_mem>>)
      %dma_start3A_241 = arith.constant 1 : i32
      %dma_start3A_242 = arith.constant 0 : i32
      %dma_start3A_243 = arith.constant 1 : i32
      %dma_start3A_244 = arith.constant 256 : i32
      %dma_start3A_245 = arith.constant 0 : i32
      %dma_start3A_246 = tpu.memref_slice %arg10[%dma_start3A_243, %dma_start3A_244, %dma_start3A_245] : memref<2x600x64xbf16, #tpu.memory_space<vmem>> -> memref<1x128x64xbf16, #tpu.memory_space<vmem>>
      %dma_start3A_247 = tpu.memref_squeeze %dma_start3A_246 : memref<1x128x64xbf16, #tpu.memory_space<vmem>> -> memref<128x64xbf16, #tpu.memory_space<vmem>>
      %dma_start3A_248 = arith.constant 256 : i32
      %dma_start3A_249 = tpu.memref_slice %arg9[%dma_start3A_242, %dma_start3A_248] : memref<2x600xi32, #tpu.memory_space<vmem>> -> memref<1x128xi32, #tpu.memory_space<vmem>>
      %dma_start3A_250 = tpu.memref_squeeze %dma_start3A_249 : memref<1x128xi32, #tpu.memory_space<vmem>> -> memref<128xi32, #tpu.memory_space<vmem>>
      %dma_start3A_251 = arith.constant 0 : i32
      %dma_start3A_252 = arith.constant 0 : i32
      %dma_start3A_253 = tpu.memref_slice %arg3[%dma_start3A_241, %dma_start3A_251, %dma_start3A_252] : memref<3x100000x64xbf16, #tpu.memory_space<hbm>> -> memref<1x100000x64xbf16, #tpu.memory_space<hbm>>
      %dma_start3A_254 = tpu.memref_squeeze %dma_start3A_253 : memref<1x100000x64xbf16, #tpu.memory_space<hbm>> -> memref<100000x64xbf16, #tpu.memory_space<hbm>>
      %dma_start3A_255 = arith.constant 0 : i32
      %dma_start3A_256 = arith.constant 0 : i32
      %dma_start3A_257 = tpu.memref_slice %dma_start3A_254[%dma_start3A_255, %dma_start3A_256] : memref<100000x64xbf16, #tpu.memory_space<hbm>> -> memref<100000x64xbf16, #tpu.memory_space<hbm>>
      tpu.enqueue_indirect_dma source(%dma_start3A_257 : memref<100000x64xbf16, #tpu.memory_space<hbm>>) target(%dma_start3A_247 : memref<128x64xbf16, #tpu.memory_space<vmem>>) offsets(%dma_start3A_250 : memref<128xi32, #tpu.memory_space<vmem>>) semaphore(%arg15 : memref<!tpu.dma_semaphore, #tpu.memory_space<semaphore_mem>>)
      %dma_start3A_258 = arith.constant 1 : i32
      %dma_start3A_259 = arith.constant 0 : i32
      %dma_start3A_260 = arith.constant 1 : i32
      %dma_start3A_261 = arith.constant 384 : i32
      %dma_start3A_262 = arith.constant 0 : i32
      %dma_start3A_263 = tpu.memref_slice %arg10[%dma_start3A_260, %dma_start3A_261, %dma_start3A_262] : memref<2x600x64xbf16, #tpu.memory_space<vmem>> -> memref<1x128x64xbf16, #tpu.memory_space<vmem>>
      %dma_start3A_264 = tpu.memref_squeeze %dma_start3A_263 : memref<1x128x64xbf16, #tpu.memory_space<vmem>> -> memref<128x64xbf16, #tpu.memory_space<vmem>>
      %dma_start3A_265 = arith.constant 384 : i32
      %dma_start3A_266 = tpu.memref_slice %arg9[%dma_start3A_259, %dma_start3A_265] : memref<2x600xi32, #tpu.memory_space<vmem>> -> memref<1x128xi32, #tpu.memory_space<vmem>>
      %dma_start3A_267 = tpu.memref_squeeze %dma_start3A_266 : memref<1x128xi32, #tpu.memory_space<vmem>> -> memref<128xi32, #tpu.memory_space<vmem>>
      %dma_start3A_268 = arith.constant 0 : i32
      %dma_start3A_269 = arith.constant 0 : i32
      %dma_start3A_270 = tpu.memref_slice %arg3[%dma_start3A_258, %dma_start3A_268, %dma_start3A_269] : memref<3x100000x64xbf16, #tpu.memory_space<hbm>> -> memref<1x100000x64xbf16, #tpu.memory_space<hbm>>
      %dma_start3A_271 = tpu.memref_squeeze %dma_start3A_270 : memref<1x100000x64xbf16, #tpu.memory_space<hbm>> -> memref<100000x64xbf16, #tpu.memory_space<hbm>>
      %dma_start3A_272 = arith.constant 0 : i32
      %dma_start3A_273 = arith.constant 0 : i32
      %dma_start3A_274 = tpu.memref_slice %dma_start3A_271[%dma_start3A_272, %dma_start3A_273] : memref<100000x64xbf16, #tpu.memory_space<hbm>> -> memref<100000x64xbf16, #tpu.memory_space<hbm>>
      tpu.enqueue_indirect_dma source(%dma_start3A_274 : memref<100000x64xbf16, #tpu.memory_space<hbm>>) target(%dma_start3A_264 : memref<128x64xbf16, #tpu.memory_space<vmem>>) offsets(%dma_start3A_267 : memref<128xi32, #tpu.memory_space<vmem>>) semaphore(%arg15 : memref<!tpu.dma_semaphore, #tpu.memory_space<semaphore_mem>>)
      %dma_start3A_275 = arith.constant 1 : i32
      %dma_start3A_276 = arith.constant 0 : i32
      %dma_start3A_277 = arith.constant 1 : i32
      %dma_start3A_278 = arith.constant 512 : i32
      %dma_start3A_279 = arith.constant 0 : i32
      %dma_start3A_280 = tpu.memref_slice %arg10[%dma_start3A_277, %dma_start3A_278, %dma_start3A_279] : memref<2x600x64xbf16, #tpu.memory_space<vmem>> -> memref<1x88x64xbf16, #tpu.memory_space<vmem>>
      %dma_start3A_281 = tpu.memref_squeeze %dma_start3A_280 : memref<1x88x64xbf16, #tpu.memory_space<vmem>> -> memref<88x64xbf16, #tpu.memory_space<vmem>>
      %dma_start3A_282 = arith.constant 512 : i32
      %dma_start3A_283 = tpu.memref_slice %arg9[%dma_start3A_276, %dma_start3A_282] : memref<2x600xi32, #tpu.memory_space<vmem>> -> memref<1x88xi32, #tpu.memory_space<vmem>>
      %dma_start3A_284 = tpu.memref_squeeze %dma_start3A_283 : memref<1x88xi32, #tpu.memory_space<vmem>> -> memref<88xi32, #tpu.memory_space<vmem>>
      %dma_start3A_285 = arith.constant 0 : i32
      %dma_start3A_286 = arith.constant 0 : i32
      %dma_start3A_287 = tpu.memref_slice %arg3[%dma_start3A_275, %dma_start3A_285, %dma_start3A_286] : memref<3x100000x64xbf16, #tpu.memory_space<hbm>> -> memref<1x100000x64xbf16, #tpu.memory_space<hbm>>
      %dma_start3A_288 = tpu.memref_squeeze %dma_start3A_287 : memref<1x100000x64xbf16, #tpu.memory_space<hbm>> -> memref<100000x64xbf16, #tpu.memory_space<hbm>>
      %dma_start3A_289 = arith.constant 0 : i32
      %dma_start3A_290 = arith.constant 0 : i32
      %dma_start3A_291 = tpu.memref_slice %dma_start3A_288[%dma_start3A_289, %dma_start3A_290] : memref<100000x64xbf16, #tpu.memory_space<hbm>> -> memref<100000x64xbf16, #tpu.memory_space<hbm>>
      tpu.enqueue_indirect_dma source(%dma_start3A_291 : memref<100000x64xbf16, #tpu.memory_space<hbm>>) target(%dma_start3A_281 : memref<88x64xbf16, #tpu.memory_space<vmem>>) offsets(%dma_start3A_284 : memref<88xi32, #tpu.memory_space<vmem>>) semaphore(%arg15 : memref<!tpu.dma_semaphore, #tpu.memory_space<semaphore_mem>>)
      %dma_wait3A_292 = arith.constant 0 : i32
      %dma_wait3A_293 = arith.constant 0 : i32
      %dma_wait3A_294 = arith.constant 0 : i32
      %dma_wait3A_295 = arith.constant 0 : i32
      %dma_wait3A_296 = arith.constant 0 : i32
      %dma_wait3A_297 = tpu.memref_slice %arg10[%dma_wait3A_294, %dma_wait3A_295, %dma_wait3A_296] : memref<2x600x64xbf16, #tpu.memory_space<vmem>> -> memref<1x128x64xbf16, #tpu.memory_space<vmem>>
      %dma_wait3A_298 = tpu.memref_squeeze %dma_wait3A_297 : memref<1x128x64xbf16, #tpu.memory_space<vmem>> -> memref<128x64xbf16, #tpu.memory_space<vmem>>
      %dma_wait3A_299 = arith.constant 0 : i32
      %dma_wait3A_300 = tpu.memref_slice %arg9[%dma_wait3A_293, %dma_wait3A_299] : memref<2x600xi32, #tpu.memory_space<vmem>> -> memref<1x128xi32, #tpu.memory_space<vmem>>
      %dma_wait3A_301 = tpu.memref_squeeze %dma_wait3A_300 : memref<1x128xi32, #tpu.memory_space<vmem>> -> memref<128xi32, #tpu.memory_space<vmem>>
      %dma_wait3A_302 = arith.constant 0 : i32
      %dma_wait3A_303 = arith.constant 0 : i32
      %dma_wait3A_304 = tpu.memref_slice %arg3[%dma_wait3A_292, %dma_wait3A_302, %dma_wait3A_303] : memref<3x100000x64xbf16, #tpu.memory_space<hbm>> -> memref<1x100000x64xbf16, #tpu.memory_space<hbm>>
      %dma_wait3A_305 = tpu.memref_squeeze %dma_wait3A_304 : memref<1x100000x64xbf16, #tpu.memory_space<hbm>> -> memref<100000x64xbf16, #tpu.memory_space<hbm>>
      %dma_wait3A_306 = arith.constant 0 : i32
      %dma_wait3A_307 = arith.constant 0 : i32
      %dma_wait3A_308 = tpu.memref_slice %dma_wait3A_305[%dma_wait3A_306, %dma_wait3A_307] : memref<100000x64xbf16, #tpu.memory_space<hbm>> -> memref<100000x64xbf16, #tpu.memory_space<hbm>>
      tpu.wait_indirect_dma semaphore(%arg14 : memref<!tpu.dma_semaphore, #tpu.memory_space<semaphore_mem>>) src(%dma_wait3A_308 : memref<100000x64xbf16, #tpu.memory_space<hbm>>) dst(%dma_wait3A_298 : memref<128x64xbf16, #tpu.memory_space<vmem>>)
      %dma_wait3A_309 = arith.constant 0 : i32
      %dma_wait3A_310 = arith.constant 0 : i32
      %dma_wait3A_311 = arith.constant 0 : i32
      %dma_wait3A_312 = arith.constant 128 : i32
      %dma_wait3A_313 = arith.constant 0 : i32
      %dma_wait3A_314 = tpu.memref_slice %arg10[%dma_wait3A_311, %dma_wait3A_312, %dma_wait3A_313] : memref<2x600x64xbf16, #tpu.memory_space<vmem>> -> memref<1x128x64xbf16, #tpu.memory_space<vmem>>
      %dma_wait3A_315 = tpu.memref_squeeze %dma_wait3A_314 : memref<1x128x64xbf16, #tpu.memory_space<vmem>> -> memref<128x64xbf16, #tpu.memory_space<vmem>>
      %dma_wait3A_316 = arith.constant 128 : i32
      %dma_wait3A_317 = tpu.memref_slice %arg9[%dma_wait3A_310, %dma_wait3A_316] : memref<2x600xi32, #tpu.memory_space<vmem>> -> memref<1x128xi32, #tpu.memory_space<vmem>>
      %dma_wait3A_318 = tpu.memref_squeeze %dma_wait3A_317 : memref<1x128xi32, #tpu.memory_space<vmem>> -> memref<128xi32, #tpu.memory_space<vmem>>
      %dma_wait3A_319 = arith.constant 0 : i32
      %dma_wait3A_320 = arith.constant 0 : i32
      %dma_wait3A_321 = tpu.memref_slice %arg3[%dma_wait3A_309, %dma_wait3A_319, %dma_wait3A_320] : memref<3x100000x64xbf16, #tpu.memory_space<hbm>> -> memref<1x100000x64xbf16, #tpu.memory_space<hbm>>
      %dma_wait3A_322 = tpu.memref_squeeze %dma_wait3A_321 : memref<1x100000x64xbf16, #tpu.memory_space<hbm>> -> memref<100000x64xbf16, #tpu.memory_space<hbm>>
      %dma_wait3A_323 = arith.constant 0 : i32
      %dma_wait3A_324 = arith.constant 0 : i32
      %dma_wait3A_325 = tpu.memref_slice %dma_wait3A_322[%dma_wait3A_323, %dma_wait3A_324] : memref<100000x64xbf16, #tpu.memory_space<hbm>> -> memref<100000x64xbf16, #tpu.memory_space<hbm>>
      tpu.wait_indirect_dma semaphore(%arg14 : memref<!tpu.dma_semaphore, #tpu.memory_space<semaphore_mem>>) src(%dma_wait3A_325 : memref<100000x64xbf16, #tpu.memory_space<hbm>>) dst(%dma_wait3A_315 : memref<128x64xbf16, #tpu.memory_space<vmem>>)
      %dma_wait3A_326 = arith.constant 0 : i32
      %dma_wait3A_327 = arith.constant 0 : i32
      %dma_wait3A_328 = arith.constant 0 : i32
      %dma_wait3A_329 = arith.constant 256 : i32
      %dma_wait3A_330 = arith.constant 0 : i32
      %dma_wait3A_331 = tpu.memref_slice %arg10[%dma_wait3A_328, %dma_wait3A_329, %dma_wait3A_330] : memref<2x600x64xbf16, #tpu.memory_space<vmem>> -> memref<1x128x64xbf16, #tpu.memory_space<vmem>>
      %dma_wait3A_332 = tpu.memref_squeeze %dma_wait3A_331 : memref<1x128x64xbf16, #tpu.memory_space<vmem>> -> memref<128x64xbf16, #tpu.memory_space<vmem>>
      %dma_wait3A_333 = arith.constant 256 : i32
      %dma_wait3A_334 = tpu.memref_slice %arg9[%dma_wait3A_327, %dma_wait3A_333] : memref<2x600xi32, #tpu.memory_space<vmem>> -> memref<1x128xi32, #tpu.memory_space<vmem>>
      %dma_wait3A_335 = tpu.memref_squeeze %dma_wait3A_334 : memref<1x128xi32, #tpu.memory_space<vmem>> -> memref<128xi32, #tpu.memory_space<vmem>>
      %dma_wait3A_336 = arith.constant 0 : i32
      %dma_wait3A_337 = arith.constant 0 : i32
      %dma_wait3A_338 = tpu.memref_slice %arg3[%dma_wait3A_326, %dma_wait3A_336, %dma_wait3A_337] : memref<3x100000x64xbf16, #tpu.memory_space<hbm>> -> memref<1x100000x64xbf16, #tpu.memory_space<hbm>>
      %dma_wait3A_339 = tpu.memref_squeeze %dma_wait3A_338 : memref<1x100000x64xbf16, #tpu.memory_space<hbm>> -> memref<100000x64xbf16, #tpu.memory_space<hbm>>
      %dma_wait3A_340 = arith.constant 0 : i32
      %dma_wait3A_341 = arith.constant 0 : i32
      %dma_wait3A_342 = tpu.memref_slice %dma_wait3A_339[%dma_wait3A_340, %dma_wait3A_341] : memref<100000x64xbf16, #tpu.memory_space<hbm>> -> memref<100000x64xbf16, #tpu.memory_space<hbm>>
      tpu.wait_indirect_dma semaphore(%arg14 : memref<!tpu.dma_semaphore, #tpu.memory_space<semaphore_mem>>) src(%dma_wait3A_342 : memref<100000x64xbf16, #tpu.memory_space<hbm>>) dst(%dma_wait3A_332 : memref<128x64xbf16, #tpu.memory_space<vmem>>)
      %dma_wait3A_343 = arith.constant 0 : i32
      %dma_wait3A_344 = arith.constant 0 : i32
      %dma_wait3A_345 = arith.constant 0 : i32
      %dma_wait3A_346 = arith.constant 384 : i32
      %dma_wait3A_347 = arith.constant 0 : i32
      %dma_wait3A_348 = tpu.memref_slice %arg10[%dma_wait3A_345, %dma_wait3A_346, %dma_wait3A_347] : memref<2x600x64xbf16, #tpu.memory_space<vmem>> -> memref<1x128x64xbf16, #tpu.memory_space<vmem>>
      %dma_wait3A_349 = tpu.memref_squeeze %dma_wait3A_348 : memref<1x128x64xbf16, #tpu.memory_space<vmem>> -> memref<128x64xbf16, #tpu.memory_space<vmem>>
      %dma_wait3A_350 = arith.constant 384 : i32
      %dma_wait3A_351 = tpu.memref_slice %arg9[%dma_wait3A_344, %dma_wait3A_350] : memref<2x600xi32, #tpu.memory_space<vmem>> -> memref<1x128xi32, #tpu.memory_space<vmem>>
      %dma_wait3A_352 = tpu.memref_squeeze %dma_wait3A_351 : memref<1x128xi32, #tpu.memory_space<vmem>> -> memref<128xi32, #tpu.memory_space<vmem>>
      %dma_wait3A_353 = arith.constant 0 : i32
      %dma_wait3A_354 = arith.constant 0 : i32
      %dma_wait3A_355 = tpu.memref_slice %arg3[%dma_wait3A_343, %dma_wait3A_353, %dma_wait3A_354] : memref<3x100000x64xbf16, #tpu.memory_space<hbm>> -> memref<1x100000x64xbf16, #tpu.memory_space<hbm>>
      %dma_wait3A_356 = tpu.memref_squeeze %dma_wait3A_355 : memref<1x100000x64xbf16, #tpu.memory_space<hbm>> -> memref<100000x64xbf16, #tpu.memory_space<hbm>>
      %dma_wait3A_357 = arith.constant 0 : i32
      %dma_wait3A_358 = arith.constant 0 : i32
      %dma_wait3A_359 = tpu.memref_slice %dma_wait3A_356[%dma_wait3A_357, %dma_wait3A_358] : memref<100000x64xbf16, #tpu.memory_space<hbm>> -> memref<100000x64xbf16, #tpu.memory_space<hbm>>
      tpu.wait_indirect_dma semaphore(%arg14 : memref<!tpu.dma_semaphore, #tpu.memory_space<semaphore_mem>>) src(%dma_wait3A_359 : memref<100000x64xbf16, #tpu.memory_space<hbm>>) dst(%dma_wait3A_349 : memref<128x64xbf16, #tpu.memory_space<vmem>>)
      %dma_wait3A_360 = arith.constant 0 : i32
      %dma_wait3A_361 = arith.constant 0 : i32
      %dma_wait3A_362 = arith.constant 0 : i32
      %dma_wait3A_363 = arith.constant 512 : i32
      %dma_wait3A_364 = arith.constant 0 : i32
      %dma_wait3A_365 = tpu.memref_slice %arg10[%dma_wait3A_362, %dma_wait3A_363, %dma_wait3A_364] : memref<2x600x64xbf16, #tpu.memory_space<vmem>> -> memref<1x88x64xbf16, #tpu.memory_space<vmem>>
      %dma_wait3A_366 = tpu.memref_squeeze %dma_wait3A_365 : memref<1x88x64xbf16, #tpu.memory_space<vmem>> -> memref<88x64xbf16, #tpu.memory_space<vmem>>
      %dma_wait3A_367 = arith.constant 512 : i32
      %dma_wait3A_368 = tpu.memref_slice %arg9[%dma_wait3A_361, %dma_wait3A_367] : memref<2x600xi32, #tpu.memory_space<vmem>> -> memref<1x88xi32, #tpu.memory_space<vmem>>
      %dma_wait3A_369 = tpu.memref_squeeze %dma_wait3A_368 : memref<1x88xi32, #tpu.memory_space<vmem>> -> memref<88xi32, #tpu.memory_space<vmem>>
      %dma_wait3A_370 = arith.constant 0 : i32
      %dma_wait3A_371 = arith.constant 0 : i32
      %dma_wait3A_372 = tpu.memref_slice %arg3[%dma_wait3A_360, %dma_wait3A_370, %dma_wait3A_371] : memref<3x100000x64xbf16, #tpu.memory_space<hbm>> -> memref<1x100000x64xbf16, #tpu.memory_space<hbm>>
      %dma_wait3A_373 = tpu.memref_squeeze %dma_wait3A_372 : memref<1x100000x64xbf16, #tpu.memory_space<hbm>> -> memref<100000x64xbf16, #tpu.memory_space<hbm>>
      %dma_wait3A_374 = arith.constant 0 : i32
      %dma_wait3A_375 = arith.constant 0 : i32
      %dma_wait3A_376 = tpu.memref_slice %dma_wait3A_373[%dma_wait3A_374, %dma_wait3A_375] : memref<100000x64xbf16, #tpu.memory_space<hbm>> -> memref<100000x64xbf16, #tpu.memory_space<hbm>>
      tpu.wait_indirect_dma semaphore(%arg14 : memref<!tpu.dma_semaphore, #tpu.memory_space<semaphore_mem>>) src(%dma_wait3A_376 : memref<100000x64xbf16, #tpu.memory_space<hbm>>) dst(%dma_wait3A_366 : memref<88x64xbf16, #tpu.memory_space<vmem>>)
      %add3A_377 = arith.addi %mul3A_2, %scan3A_189 : i32
      %gt3A = arith.constant 0 : i32
      %gt3A_378 = arith.cmpi sgt, %scan3A_189, %gt3A : i32
      %convert_element_type3A = arith.extui %gt3A_378 : i1 to i32
      %cond3A = arith.constant 0 : i32
      %cond3A_379 = arith.constant 0 : i32
      %cond3A_380 = arith.cmpi ne, %convert_element_type3A, %cond3A_379 : i32
      scf.if %cond3A_380 {
        %dma_wait3A_1730 = arith.constant 0 : i32
        %dma_wait3A_1731 = arith.constant 0 : i32
        %dma_wait3A_1732 = arith.constant 0 : i32
        %dma_wait3A_1733 = tpu.memref_slice %arg11[%dma_wait3A_1730, %dma_wait3A_1731, %dma_wait3A_1732] : memref<2x100x64xf32, #tpu.memory_space<vmem>> -> memref<1x100x64xf32, #tpu.memory_space<vmem>>
        %dma_wait3A_1734 = tpu.memref_squeeze %dma_wait3A_1733 : memref<1x100x64xf32, #tpu.memory_space<vmem>> -> memref<100x64xf32, #tpu.memory_space<vmem>>
        %dma_wait3A_1735 = arith.constant 0 : i32
        %dma_wait3A_1736 = arith.constant 0 : i32
        %dma_wait3A_1737 = tpu.memref_slice %arg7[%cond3A, %add3A_377, %dma_wait3A_1735, %dma_wait3A_1736] : memref<2x1024x200x128xf32, #tpu.memory_space<hbm>> -> memref<1x1x100x64xf32, #tpu.memory_space<hbm>>
        %dma_wait3A_1738 = tpu.memref_squeeze %dma_wait3A_1737 : memref<1x1x100x64xf32, #tpu.memory_space<hbm>> -> memref<100x64xf32, #tpu.memory_space<hbm>>
        %dma_wait3A_1739 = arith.constant 0 : i32
        %dma_wait3A_1740 = arith.constant 0 : i32
        %dma_wait3A_1741 = tpu.memref_slice %arg7[%cond3A, %add3A_377, %dma_wait3A_1739, %dma_wait3A_1740] : memref<2x1024x200x128xf32, #tpu.memory_space<hbm>> -> memref<1x1x100x64xf32, #tpu.memory_space<hbm>>
        %dma_wait3A_1742 = tpu.memref_squeeze %dma_wait3A_1741 : memref<1x1x100x64xf32, #tpu.memory_space<hbm>> -> memref<100x64xf32, #tpu.memory_space<hbm>>
        %dma_wait3A_1743 = arith.constant 0 : i32
        %dma_wait3A_1744 = arith.constant 0 : i32
        %dma_wait3A_1745 = tpu.memref_slice %arg11[%dma_wait3A_1730, %dma_wait3A_1743, %dma_wait3A_1744] : memref<2x100x64xf32, #tpu.memory_space<vmem>> -> memref<1x100x64xf32, #tpu.memory_space<vmem>>
        %dma_wait3A_1746 = tpu.memref_squeeze %dma_wait3A_1745 : memref<1x100x64xf32, #tpu.memory_space<vmem>> -> memref<100x64xf32, #tpu.memory_space<vmem>>
        tpu.wait_dma2 semaphore(%arg16 : memref<!tpu.dma_semaphore, #tpu.memory_space<semaphore_mem>>) src(%dma_wait3A_1746 : memref<100x64xf32, #tpu.memory_space<vmem>>) dst(%dma_wait3A_1742 : memref<100x64xf32, #tpu.memory_space<hbm>>)
      } else {
      }
      %scan3A_381 = arith.constant 0 : i32
      %scan3A_382 = arith.constant 0 : i32
      %scan3A_383 = arith.constant 100 : i32
      %scan3A_384 = arith.addi %scan3A_382, %scan3A_383 : i32
      %scan3A_385 = arith.constant 1 : i32
      %scan3A_386 = scf.for %scan3A_1730 = %scan3A_382 to %scan3A_384 step %scan3A_385 iter_args(%scan3A_1731 = %scan3A_381) -> (i32)  : i32 {
        %mul3A_1732 = arith.constant 6 : i32
        %mul3A_1733 = arith.muli %scan3A_1730, %mul3A_1732 : i32
        %add3A_1734 = arith.constant 0 : i32
        %add3A_1735 = arith.addi %mul3A_1733, %add3A_1734 : i32
        %get3A = arith.constant 0 : i32
        %get3A_1736 = arith.index_cast %get3A : i32 to index
        %get3A_1737 = arith.index_cast %add3A_1735 : i32 to index
        %get3A_1738 = arith.constant 0 : index
        %get3A_1739 = tpu.vector_load %arg10[%get3A_1736, %get3A_1737, %get3A_1738] {strides = array<i32>} : memref<2x600x64xbf16, #tpu.memory_space<vmem>>, vector<32xbf16>,
        %add3A_1740 = arith.constant 0 : i32
        %add3A_1741 = arith.addi %mul3A_1733, %add3A_1740 : i32
        %add3A_1742 = arith.constant 1 : i32
        %add3A_1743 = arith.addi %add3A_1741, %add3A_1742 : i32
        %get3A_1744 = arith.constant 0 : i32
        %get3A_1745 = arith.index_cast %get3A_1744 : i32 to index
        %get3A_1746 = arith.index_cast %add3A_1743 : i32 to index
        %get3A_1747 = arith.constant 0 : index
        %get3A_1748 = tpu.vector_load %arg10[%get3A_1745, %get3A_1746, %get3A_1747] {strides = array<i32>} : memref<2x600x64xbf16, #tpu.memory_space<vmem>>, vector<32xbf16>,
        %add3A_1749 = arith.addf %get3A_1739, %get3A_1748 : vector<32xbf16>
        %unpack3A = tpu.unpack_subelements %add3A_1749, 0 {pack_format = #tpu.pack_format<interleaved>} : vector<32xbf16> -> vector<16xf32>
        %unpack3A_1750 = tpu.unpack_subelements %add3A_1749, 1 {pack_format = #tpu.pack_format<interleaved>} : vector<32xbf16> -> vector<16xf32>
        %add3A_1751 = arith.constant 2 : i32
        %add3A_1752 = arith.addi %mul3A_1733, %add3A_1751 : i32
        %get3A_1753 = arith.constant 0 : i32
        %get3A_1754 = arith.index_cast %get3A_1753 : i32 to index
        %get3A_1755 = arith.index_cast %add3A_1752 : i32 to index
        %get3A_1756 = arith.constant 0 : index
        %get3A_1757 = tpu.vector_load %arg10[%get3A_1754, %get3A_1755, %get3A_1756] {strides = array<i32>} : memref<2x600x64xbf16, #tpu.memory_space<vmem>>, vector<32xbf16>,
        %add3A_1758 = arith.constant 2 : i32
        %add3A_1759 = arith.addi %mul3A_1733, %add3A_1758 : i32
        %add3A_1760 = arith.constant 1 : i32
        %add3A_1761 = arith.addi %add3A_1759, %add3A_1760 : i32
        %get3A_1762 = arith.constant 0 : i32
        %get3A_1763 = arith.index_cast %get3A_1762 : i32 to index
        %get3A_1764 = arith.index_cast %add3A_1761 : i32 to index
        %get3A_1765 = arith.constant 0 : index
        %get3A_1766 = tpu.vector_load %arg10[%get3A_1763, %get3A_1764, %get3A_1765] {strides = array<i32>} : memref<2x600x64xbf16, #tpu.memory_space<vmem>>, vector<32xbf16>,
        %add3A_1767 = arith.addf %get3A_1757, %get3A_1766 : vector<32xbf16>
        %unpack3A_1768 = tpu.unpack_subelements %add3A_1767, 0 {pack_format = #tpu.pack_format<interleaved>} : vector<32xbf16> -> vector<16xf32>
        %unpack3A_1769 = tpu.unpack_subelements %add3A_1767, 1 {pack_format = #tpu.pack_format<interleaved>} : vector<32xbf16> -> vector<16xf32>
        %add3A_1770 = arith.addf %unpack3A, %unpack3A_1768 : vector<16xf32>
        %add3A_1771 = arith.addf %unpack3A_1750, %unpack3A_1769 : vector<16xf32>
        %add3A_1772 = arith.constant 4 : i32
        %add3A_1773 = arith.addi %mul3A_1733, %add3A_1772 : i32
        %get3A_1774 = arith.constant 0 : i32
        %get3A_1775 = arith.index_cast %get3A_1774 : i32 to index
        %get3A_1776 = arith.index_cast %add3A_1773 : i32 to index
        %get3A_1777 = arith.constant 0 : index
        %get3A_1778 = tpu.vector_load %arg10[%get3A_1775, %get3A_1776, %get3A_1777] {strides = array<i32>} : memref<2x600x64xbf16, #tpu.memory_space<vmem>>, vector<32xbf16>,
        %add3A_1779 = arith.constant 4 : i32
        %add3A_1780 = arith.addi %mul3A_1733, %add3A_1779 : i32
        %add3A_1781 = arith.constant 1 : i32
        %add3A_1782 = arith.addi %add3A_1780, %add3A_1781 : i32
        %get3A_1783 = arith.constant 0 : i32
        %get3A_1784 = arith.index_cast %get3A_1783 : i32 to index
        %get3A_1785 = arith.index_cast %add3A_1782 : i32 to index
        %get3A_1786 = arith.constant 0 : index
        %get3A_1787 = tpu.vector_load %arg10[%get3A_1784, %get3A_1785, %get3A_1786] {strides = array<i32>} : memref<2x600x64xbf16, #tpu.memory_space<vmem>>, vector<32xbf16>,
        %add3A_1788 = arith.addf %get3A_1778, %get3A_1787 : vector<32xbf16>
        %unpack3A_1789 = tpu.unpack_subelements %add3A_1788, 0 {pack_format = #tpu.pack_format<interleaved>} : vector<32xbf16> -> vector<16xf32>
        %unpack3A_1790 = tpu.unpack_subelements %add3A_1788, 1 {pack_format = #tpu.pack_format<interleaved>} : vector<32xbf16> -> vector<16xf32>
        %add3A_1791 = arith.addf %add3A_1770, %unpack3A_1789 : vector<16xf32>
        %add3A_1792 = arith.addf %add3A_1771, %unpack3A_1790 : vector<16xf32>
        %swap3A = arith.constant 0 : i32
        %swap3A_1793 = arith.index_cast %swap3A : i32 to index
        %swap3A_1794 = arith.index_cast %scan3A_1730 : i32 to index
        %swap3A_1795 = arith.constant 0 : index
        %swap3A_1796 = tpu.vector_load %arg11[%swap3A_1793, %swap3A_1794, %swap3A_1795] {strides = array<i32>} : memref<2x100x64xf32, #tpu.memory_space<vmem>>, vector<16xf32>,
        tpu.vector_store %arg11[%swap3A_1793, %swap3A_1794, %swap3A_1795], %add3A_1791 {strides = array<i32>} : memref<2x100x64xf32, #tpu.memory_space<vmem>>, vector<16xf32>,
        %swap3A_1797 = arith.constant 0 : i32
        %swap3A_1798 = arith.index_cast %swap3A_1797 : i32 to index
        %swap3A_1799 = arith.index_cast %scan3A_1730 : i32 to index
        %swap3A_1800 = arith.constant 16 : index
        %swap3A_1801 = tpu.vector_load %arg11[%swap3A_1798, %swap3A_1799, %swap3A_1800] {strides = array<i32>} : memref<2x100x64xf32, #tpu.memory_space<vmem>>, vector<16xf32>,
        tpu.vector_store %arg11[%swap3A_1798, %swap3A_1799, %swap3A_1800], %add3A_1792 {strides = array<i32>} : memref<2x100x64xf32, #tpu.memory_space<vmem>>, vector<16xf32>,
        %add3A_1802 = arith.constant 0 : i32
        %add3A_1803 = arith.addi %mul3A_1733, %add3A_1802 : i32
        %get3A_1804 = arith.constant 0 : i32
        %get3A_1805 = arith.index_cast %get3A_1804 : i32 to index
        %get3A_1806 = arith.index_cast %add3A_1803 : i32 to index
        %get3A_1807 = arith.constant 32 : index
        %get3A_1808 = tpu.vector_load %arg10[%get3A_1805, %get3A_1806, %get3A_1807] {strides = array<i32>} : memref<2x600x64xbf16, #tpu.memory_space<vmem>>, vector<32xbf16>,
        %add3A_1809 = arith.constant 0 : i32
        %add3A_1810 = arith.addi %mul3A_1733, %add3A_1809 : i32
        %add3A_1811 = arith.constant 1 : i32
        %add3A_1812 = arith.addi %add3A_1810, %add3A_1811 : i32
        %get3A_1813 = arith.constant 0 : i32
        %get3A_1814 = arith.index_cast %get3A_1813 : i32 to index
        %get3A_1815 = arith.index_cast %add3A_1812 : i32 to index
        %get3A_1816 = arith.constant 32 : index
        %get3A_1817 = tpu.vector_load %arg10[%get3A_1814, %get3A_1815, %get3A_1816] {strides = array<i32>} : memref<2x600x64xbf16, #tpu.memory_space<vmem>>, vector<32xbf16>,
        %add3A_1818 = arith.addf %get3A_1808, %get3A_1817 : vector<32xbf16>
        %unpack3A_1819 = tpu.unpack_subelements %add3A_1818, 0 {pack_format = #tpu.pack_format<interleaved>} : vector<32xbf16> -> vector<16xf32>
        %unpack3A_1820 = tpu.unpack_subelements %add3A_1818, 1 {pack_format = #tpu.pack_format<interleaved>} : vector<32xbf16> -> vector<16xf32>
        %add3A_1821 = arith.constant 2 : i32
        %add3A_1822 = arith.addi %mul3A_1733, %add3A_1821 : i32
        %get3A_1823 = arith.constant 0 : i32
        %get3A_1824 = arith.index_cast %get3A_1823 : i32 to index
        %get3A_1825 = arith.index_cast %add3A_1822 : i32 to index
        %get3A_1826 = arith.constant 32 : index
        %get3A_1827 = tpu.vector_load %arg10[%get3A_1824, %get3A_1825, %get3A_1826] {strides = array<i32>} : memref<2x600x64xbf16, #tpu.memory_space<vmem>>, vector<32xbf16>,
        %add3A_1828 = arith.constant 2 : i32
        %add3A_1829 = arith.addi %mul3A_1733, %add3A_1828 : i32
        %add3A_1830 = arith.constant 1 : i32
        %add3A_1831 = arith.addi %add3A_1829, %add3A_1830 : i32
        %get3A_1832 = arith.constant 0 : i32
        %get3A_1833 = arith.index_cast %get3A_1832 : i32 to index
        %get3A_1834 = arith.index_cast %add3A_1831 : i32 to index
        %get3A_1835 = arith.constant 32 : index
        %get3A_1836 = tpu.vector_load %arg10[%get3A_1833, %get3A_1834, %get3A_1835] {strides = array<i32>} : memref<2x600x64xbf16, #tpu.memory_space<vmem>>, vector<32xbf16>,
        %add3A_1837 = arith.addf %get3A_1827, %get3A_1836 : vector<32xbf16>
        %unpack3A_1838 = tpu.unpack_subelements %add3A_1837, 0 {pack_format = #tpu.pack_format<interleaved>} : vector<32xbf16> -> vector<16xf32>
        %unpack3A_1839 = tpu.unpack_subelements %add3A_1837, 1 {pack_format = #tpu.pack_format<interleaved>} : vector<32xbf16> -> vector<16xf32>
        %add3A_1840 = arith.addf %unpack3A_1819, %unpack3A_1838 : vector<16xf32>
        %add3A_1841 = arith.addf %unpack3A_1820, %unpack3A_1839 : vector<16xf32>
        %add3A_1842 = arith.constant 4 : i32
        %add3A_1843 = arith.addi %mul3A_1733, %add3A_1842 : i32
        %get3A_1844 = arith.constant 0 : i32
        %get3A_1845 = arith.index_cast %get3A_1844 : i32 to index
        %get3A_1846 = arith.index_cast %add3A_1843 : i32 to index
        %get3A_1847 = arith.constant 32 : index
        %get3A_1848 = tpu.vector_load %arg10[%get3A_1845, %get3A_1846, %get3A_1847] {strides = array<i32>} : memref<2x600x64xbf16, #tpu.memory_space<vmem>>, vector<32xbf16>,
        %add3A_1849 = arith.constant 4 : i32
        %add3A_1850 = arith.addi %mul3A_1733, %add3A_1849 : i32
        %add3A_1851 = arith.constant 1 : i32
        %add3A_1852 = arith.addi %add3A_1850, %add3A_1851 : i32
        %get3A_1853 = arith.constant 0 : i32
        %get3A_1854 = arith.index_cast %get3A_1853 : i32 to index
        %get3A_1855 = arith.index_cast %add3A_1852 : i32 to index
        %get3A_1856 = arith.constant 32 : index
        %get3A_1857 = tpu.vector_load %arg10[%get3A_1854, %get3A_1855, %get3A_1856] {strides = array<i32>} : memref<2x600x64xbf16, #tpu.memory_space<vmem>>, vector<32xbf16>,
        %add3A_1858 = arith.addf %get3A_1848, %get3A_1857 : vector<32xbf16>
        %unpack3A_1859 = tpu.unpack_subelements %add3A_1858, 0 {pack_format = #tpu.pack_format<interleaved>} : vector<32xbf16> -> vector<16xf32>
        %unpack3A_1860 = tpu.unpack_subelements %add3A_1858, 1 {pack_format = #tpu.pack_format<interleaved>} : vector<32xbf16> -> vector<16xf32>
        %add3A_1861 = arith.addf %add3A_1840, %unpack3A_1859 : vector<16xf32>
        %add3A_1862 = arith.addf %add3A_1841, %unpack3A_1860 : vector<16xf32>
        %swap3A_1863 = arith.constant 0 : i32
        %swap3A_1864 = arith.index_cast %swap3A_1863 : i32 to index
        %swap3A_1865 = arith.index_cast %scan3A_1730 : i32 to index
        %swap3A_1866 = arith.constant 32 : index
        %swap3A_1867 = tpu.vector_load %arg11[%swap3A_1864, %swap3A_1865, %swap3A_1866] {strides = array<i32>} : memref<2x100x64xf32, #tpu.memory_space<vmem>>, vector<16xf32>,
        tpu.vector_store %arg11[%swap3A_1864, %swap3A_1865, %swap3A_1866], %add3A_1861 {strides = array<i32>} : memref<2x100x64xf32, #tpu.memory_space<vmem>>, vector<16xf32>,
        %swap3A_1868 = arith.constant 0 : i32
        %swap3A_1869 = arith.index_cast %swap3A_1868 : i32 to index
        %swap3A_1870 = arith.index_cast %scan3A_1730 : i32 to index
        %swap3A_1871 = arith.constant 48 : index
        %swap3A_1872 = tpu.vector_load %arg11[%swap3A_1869, %swap3A_1870, %swap3A_1871] {strides = array<i32>} : memref<2x100x64xf32, #tpu.memory_space<vmem>>, vector<16xf32>,
        tpu.vector_store %arg11[%swap3A_1869, %swap3A_1870, %swap3A_1871], %add3A_1862 {strides = array<i32>} : memref<2x100x64xf32, #tpu.memory_space<vmem>>, vector<16xf32>,
        %scan3A_1873 = arith.constant 0 : i32
        scf.yield %scan3A_1873 : i32
      }
      %scan3A_387 = arith.constant 100 : i32
      %dma_start3A_388 = arith.constant 0 : i32
      %dma_start3A_389 = arith.constant 0 : i32
      %dma_start3A_390 = arith.constant 0 : i32
      %dma_start3A_391 = arith.constant 0 : i32
      %dma_start3A_392 = tpu.memref_slice %arg11[%dma_start3A_388, %dma_start3A_390, %dma_start3A_391] : memref<2x100x64xf32, #tpu.memory_space<vmem>> -> memref<1x100x64xf32, #tpu.memory_space<vmem>>
      %dma_start3A_393 = tpu.memref_squeeze %dma_start3A_392 : memref<1x100x64xf32, #tpu.memory_space<vmem>> -> memref<100x64xf32, #tpu.memory_space<vmem>>
      %dma_start3A_394 = arith.constant 0 : i32
      %dma_start3A_395 = arith.constant 0 : i32
      %dma_start3A_396 = tpu.memref_slice %arg7[%dma_start3A_389, %add3A_377, %dma_start3A_394, %dma_start3A_395] : memref<2x1024x200x128xf32, #tpu.memory_space<hbm>> -> memref<1x1x100x64xf32, #tpu.memory_space<hbm>>
      %dma_start3A_397 = tpu.memref_squeeze %dma_start3A_396 : memref<1x1x100x64xf32, #tpu.memory_space<hbm>> -> memref<100x64xf32, #tpu.memory_space<hbm>>
      %dma_start3A_398 = arith.constant 0 : i32
      %dma_start3A_399 = arith.constant 0 : i32
      %dma_start3A_400 = tpu.memref_slice %arg7[%dma_start3A_389, %add3A_377, %dma_start3A_398, %dma_start3A_399] : memref<2x1024x200x128xf32, #tpu.memory_space<hbm>> -> memref<1x1x100x64xf32, #tpu.memory_space<hbm>>
      %dma_start3A_401 = tpu.memref_squeeze %dma_start3A_400 : memref<1x1x100x64xf32, #tpu.memory_space<hbm>> -> memref<100x64xf32, #tpu.memory_space<hbm>>
      %dma_start3A_402 = arith.constant 0 : i32
      %dma_start3A_403 = arith.constant 0 : i32
      %dma_start3A_404 = tpu.memref_slice %arg11[%dma_start3A_388, %dma_start3A_402, %dma_start3A_403] : memref<2x100x64xf32, #tpu.memory_space<vmem>> -> memref<1x100x64xf32, #tpu.memory_space<vmem>>
      %dma_start3A_405 = tpu.memref_squeeze %dma_start3A_404 : memref<1x100x64xf32, #tpu.memory_space<vmem>> -> memref<100x64xf32, #tpu.memory_space<vmem>>
      tpu.enqueue_dma source(%dma_start3A_405 : memref<100x64xf32, #tpu.memory_space<vmem>>) target(%dma_start3A_401 : memref<100x64xf32, #tpu.memory_space<hbm>>) target_semaphore(%arg16 : memref<!tpu.dma_semaphore, #tpu.memory_space<semaphore_mem>>)
      %dma_start3A_406 = arith.constant 2 : i32
      %dma_start3A_407 = arith.constant 0 : i32
      %dma_start3A_408 = arith.constant 0 : i32
      %dma_start3A_409 = arith.constant 0 : i32
      %dma_start3A_410 = arith.constant 0 : i32
      %dma_start3A_411 = tpu.memref_slice %arg10[%dma_start3A_408, %dma_start3A_409, %dma_start3A_410] : memref<2x600x64xbf16, #tpu.memory_space<vmem>> -> memref<1x128x64xbf16, #tpu.memory_space<vmem>>
      %dma_start3A_412 = tpu.memref_squeeze %dma_start3A_411 : memref<1x128x64xbf16, #tpu.memory_space<vmem>> -> memref<128x64xbf16, #tpu.memory_space<vmem>>
      %dma_start3A_413 = arith.constant 0 : i32
      %dma_start3A_414 = tpu.memref_slice %arg9[%dma_start3A_407, %dma_start3A_413] : memref<2x600xi32, #tpu.memory_space<vmem>> -> memref<1x128xi32, #tpu.memory_space<vmem>>
      %dma_start3A_415 = tpu.memref_squeeze %dma_start3A_414 : memref<1x128xi32, #tpu.memory_space<vmem>> -> memref<128xi32, #tpu.memory_space<vmem>>
      %dma_start3A_416 = arith.constant 0 : i32
      %dma_start3A_417 = arith.constant 0 : i32
      %dma_start3A_418 = tpu.memref_slice %arg3[%dma_start3A_406, %dma_start3A_416, %dma_start3A_417] : memref<3x100000x64xbf16, #tpu.memory_space<hbm>> -> memref<1x100000x64xbf16, #tpu.memory_space<hbm>>
      %dma_start3A_419 = tpu.memref_squeeze %dma_start3A_418 : memref<1x100000x64xbf16, #tpu.memory_space<hbm>> -> memref<100000x64xbf16, #tpu.memory_space<hbm>>
      %dma_start3A_420 = arith.constant 0 : i32
      %dma_start3A_421 = arith.constant 0 : i32
      %dma_start3A_422 = tpu.memref_slice %dma_start3A_419[%dma_start3A_420, %dma_start3A_421] : memref<100000x64xbf16, #tpu.memory_space<hbm>> -> memref<100000x64xbf16, #tpu.memory_space<hbm>>
      tpu.enqueue_indirect_dma source(%dma_start3A_422 : memref<100000x64xbf16, #tpu.memory_space<hbm>>) target(%dma_start3A_412 : memref<128x64xbf16, #tpu.memory_space<vmem>>) offsets(%dma_start3A_415 : memref<128xi32, #tpu.memory_space<vmem>>) semaphore(%arg14 : memref<!tpu.dma_semaphore, #tpu.memory_space<semaphore_mem>>)
      %dma_start3A_423 = arith.constant 2 : i32
      %dma_start3A_424 = arith.constant 0 : i32
      %dma_start3A_425 = arith.constant 0 : i32
      %dma_start3A_426 = arith.constant 128 : i32
      %dma_start3A_427 = arith.constant 0 : i32
      %dma_start3A_428 = tpu.memref_slice %arg10[%dma_start3A_425, %dma_start3A_426, %dma_start3A_427] : memref<2x600x64xbf16, #tpu.memory_space<vmem>> -> memref<1x128x64xbf16, #tpu.memory_space<vmem>>
      %dma_start3A_429 = tpu.memref_squeeze %dma_start3A_428 : memref<1x128x64xbf16, #tpu.memory_space<vmem>> -> memref<128x64xbf16, #tpu.memory_space<vmem>>
      %dma_start3A_430 = arith.constant 128 : i32
      %dma_start3A_431 = tpu.memref_slice %arg9[%dma_start3A_424, %dma_start3A_430] : memref<2x600xi32, #tpu.memory_space<vmem>> -> memref<1x128xi32, #tpu.memory_space<vmem>>
      %dma_start3A_432 = tpu.memref_squeeze %dma_start3A_431 : memref<1x128xi32, #tpu.memory_space<vmem>> -> memref<128xi32, #tpu.memory_space<vmem>>
      %dma_start3A_433 = arith.constant 0 : i32
      %dma_start3A_434 = arith.constant 0 : i32
      %dma_start3A_435 = tpu.memref_slice %arg3[%dma_start3A_423, %dma_start3A_433, %dma_start3A_434] : memref<3x100000x64xbf16, #tpu.memory_space<hbm>> -> memref<1x100000x64xbf16, #tpu.memory_space<hbm>>
      %dma_start3A_436 = tpu.memref_squeeze %dma_start3A_435 : memref<1x100000x64xbf16, #tpu.memory_space<hbm>> -> memref<100000x64xbf16, #tpu.memory_space<hbm>>
      %dma_start3A_437 = arith.constant 0 : i32
      %dma_start3A_438 = arith.constant 0 : i32
      %dma_start3A_439 = tpu.memref_slice %dma_start3A_436[%dma_start3A_437, %dma_start3A_438] : memref<100000x64xbf16, #tpu.memory_space<hbm>> -> memref<100000x64xbf16, #tpu.memory_space<hbm>>
      tpu.enqueue_indirect_dma source(%dma_start3A_439 : memref<100000x64xbf16, #tpu.memory_space<hbm>>) target(%dma_start3A_429 : memref<128x64xbf16, #tpu.memory_space<vmem>>) offsets(%dma_start3A_432 : memref<128xi32, #tpu.memory_space<vmem>>) semaphore(%arg14 : memref<!tpu.dma_semaphore, #tpu.memory_space<semaphore_mem>>)
      %dma_start3A_440 = arith.constant 2 : i32
      %dma_start3A_441 = arith.constant 0 : i32
      %dma_start3A_442 = arith.constant 0 : i32
      %dma_start3A_443 = arith.constant 256 : i32
      %dma_start3A_444 = arith.constant 0 : i32
      %dma_start3A_445 = tpu.memref_slice %arg10[%dma_start3A_442, %dma_start3A_443, %dma_start3A_444] : memref<2x600x64xbf16, #tpu.memory_space<vmem>> -> memref<1x128x64xbf16, #tpu.memory_space<vmem>>
      %dma_start3A_446 = tpu.memref_squeeze %dma_start3A_445 : memref<1x128x64xbf16, #tpu.memory_space<vmem>> -> memref<128x64xbf16, #tpu.memory_space<vmem>>
      %dma_start3A_447 = arith.constant 256 : i32
      %dma_start3A_448 = tpu.memref_slice %arg9[%dma_start3A_441, %dma_start3A_447] : memref<2x600xi32, #tpu.memory_space<vmem>> -> memref<1x128xi32, #tpu.memory_space<vmem>>
      %dma_start3A_449 = tpu.memref_squeeze %dma_start3A_448 : memref<1x128xi32, #tpu.memory_space<vmem>> -> memref<128xi32, #tpu.memory_space<vmem>>
      %dma_start3A_450 = arith.constant 0 : i32
      %dma_start3A_451 = arith.constant 0 : i32
      %dma_start3A_452 = tpu.memref_slice %arg3[%dma_start3A_440, %dma_start3A_450, %dma_start3A_451] : memref<3x100000x64xbf16, #tpu.memory_space<hbm>> -> memref<1x100000x64xbf16, #tpu.memory_space<hbm>>
      %dma_start3A_453 = tpu.memref_squeeze %dma_start3A_452 : memref<1x100000x64xbf16, #tpu.memory_space<hbm>> -> memref<100000x64xbf16, #tpu.memory_space<hbm>>
      %dma_start3A_454 = arith.constant 0 : i32
      %dma_start3A_455 = arith.constant 0 : i32
      %dma_start3A_456 = tpu.memref_slice %dma_start3A_453[%dma_start3A_454, %dma_start3A_455] : memref<100000x64xbf16, #tpu.memory_space<hbm>> -> memref<100000x64xbf16, #tpu.memory_space<hbm>>
      tpu.enqueue_indirect_dma source(%dma_start3A_456 : memref<100000x64xbf16, #tpu.memory_space<hbm>>) target(%dma_start3A_446 : memref<128x64xbf16, #tpu.memory_space<vmem>>) offsets(%dma_start3A_449 : memref<128xi32, #tpu.memory_space<vmem>>) semaphore(%arg14 : memref<!tpu.dma_semaphore, #tpu.memory_space<semaphore_mem>>)
      %dma_start3A_457 = arith.constant 2 : i32
      %dma_start3A_458 = arith.constant 0 : i32
      %dma_start3A_459 = arith.constant 0 : i32
      %dma_start3A_460 = arith.constant 384 : i32
      %dma_start3A_461 = arith.constant 0 : i32
      %dma_start3A_462 = tpu.memref_slice %arg10[%dma_start3A_459, %dma_start3A_460, %dma_start3A_461] : memref<2x600x64xbf16, #tpu.memory_space<vmem>> -> memref<1x128x64xbf16, #tpu.memory_space<vmem>>
      %dma_start3A_463 = tpu.memref_squeeze %dma_start3A_462 : memref<1x128x64xbf16, #tpu.memory_space<vmem>> -> memref<128x64xbf16, #tpu.memory_space<vmem>>
      %dma_start3A_464 = arith.constant 384 : i32
      %dma_start3A_465 = tpu.memref_slice %arg9[%dma_start3A_458, %dma_start3A_464] : memref<2x600xi32, #tpu.memory_space<vmem>> -> memref<1x128xi32, #tpu.memory_space<vmem>>
      %dma_start3A_466 = tpu.memref_squeeze %dma_start3A_465 : memref<1x128xi32, #tpu.memory_space<vmem>> -> memref<128xi32, #tpu.memory_space<vmem>>
      %dma_start3A_467 = arith.constant 0 : i32
      %dma_start3A_468 = arith.constant 0 : i32
      %dma_start3A_469 = tpu.memref_slice %arg3[%dma_start3A_457, %dma_start3A_467, %dma_start3A_468] : memref<3x100000x64xbf16, #tpu.memory_space<hbm>> -> memref<1x100000x64xbf16, #tpu.memory_space<hbm>>
      %dma_start3A_470 = tpu.memref_squeeze %dma_start3A_469 : memref<1x100000x64xbf16, #tpu.memory_space<hbm>> -> memref<100000x64xbf16, #tpu.memory_space<hbm>>
      %dma_start3A_471 = arith.constant 0 : i32
      %dma_start3A_472 = arith.constant 0 : i32
      %dma_start3A_473 = tpu.memref_slice %dma_start3A_470[%dma_start3A_471, %dma_start3A_472] : memref<100000x64xbf16, #tpu.memory_space<hbm>> -> memref<100000x64xbf16, #tpu.memory_space<hbm>>
      tpu.enqueue_indirect_dma source(%dma_start3A_473 : memref<100000x64xbf16, #tpu.memory_space<hbm>>) target(%dma_start3A_463 : memref<128x64xbf16, #tpu.memory_space<vmem>>) offsets(%dma_start3A_466 : memref<128xi32, #tpu.memory_space<vmem>>) semaphore(%arg14 : memref<!tpu.dma_semaphore, #tpu.memory_space<semaphore_mem>>)
      %dma_start3A_474 = arith.constant 2 : i32
      %dma_start3A_475 = arith.constant 0 : i32
      %dma_start3A_476 = arith.constant 0 : i32
      %dma_start3A_477 = arith.constant 512 : i32
      %dma_start3A_478 = arith.constant 0 : i32
      %dma_start3A_479 = tpu.memref_slice %arg10[%dma_start3A_476, %dma_start3A_477, %dma_start3A_478] : memref<2x600x64xbf16, #tpu.memory_space<vmem>> -> memref<1x88x64xbf16, #tpu.memory_space<vmem>>
      %dma_start3A_480 = tpu.memref_squeeze %dma_start3A_479 : memref<1x88x64xbf16, #tpu.memory_space<vmem>> -> memref<88x64xbf16, #tpu.memory_space<vmem>>
      %dma_start3A_481 = arith.constant 512 : i32
      %dma_start3A_482 = tpu.memref_slice %arg9[%dma_start3A_475, %dma_start3A_481] : memref<2x600xi32, #tpu.memory_space<vmem>> -> memref<1x88xi32, #tpu.memory_space<vmem>>
      %dma_start3A_483 = tpu.memref_squeeze %dma_start3A_482 : memref<1x88xi32, #tpu.memory_space<vmem>> -> memref<88xi32, #tpu.memory_space<vmem>>
      %dma_start3A_484 = arith.constant 0 : i32
      %dma_start3A_485 = arith.constant 0 : i32
      %dma_start3A_486 = tpu.memref_slice %arg3[%dma_start3A_474, %dma_start3A_484, %dma_start3A_485] : memref<3x100000x64xbf16, #tpu.memory_space<hbm>> -> memref<1x100000x64xbf16, #tpu.memory_space<hbm>>
      %dma_start3A_487 = tpu.memref_squeeze %dma_start3A_486 : memref<1x100000x64xbf16, #tpu.memory_space<hbm>> -> memref<100000x64xbf16, #tpu.memory_space<hbm>>
      %dma_start3A_488 = arith.constant 0 : i32
      %dma_start3A_489 = arith.constant 0 : i32
      %dma_start3A_490 = tpu.memref_slice %dma_start3A_487[%dma_start3A_488, %dma_start3A_489] : memref<100000x64xbf16, #tpu.memory_space<hbm>> -> memref<100000x64xbf16, #tpu.memory_space<hbm>>
      tpu.enqueue_indirect_dma source(%dma_start3A_490 : memref<100000x64xbf16, #tpu.memory_space<hbm>>) target(%dma_start3A_480 : memref<88x64xbf16, #tpu.memory_space<vmem>>) offsets(%dma_start3A_483 : memref<88xi32, #tpu.memory_space<vmem>>) semaphore(%arg14 : memref<!tpu.dma_semaphore, #tpu.memory_space<semaphore_mem>>)
      %dma_wait3A_491 = arith.constant 1 : i32
      %dma_wait3A_492 = arith.constant 0 : i32
      %dma_wait3A_493 = arith.constant 1 : i32
      %dma_wait3A_494 = arith.constant 0 : i32
      %dma_wait3A_495 = arith.constant 0 : i32
      %dma_wait3A_496 = tpu.memref_slice %arg10[%dma_wait3A_493, %dma_wait3A_494, %dma_wait3A_495] : memref<2x600x64xbf16, #tpu.memory_space<vmem>> -> memref<1x128x64xbf16, #tpu.memory_space<vmem>>
      %dma_wait3A_497 = tpu.memref_squeeze %dma_wait3A_496 : memref<1x128x64xbf16, #tpu.memory_space<vmem>> -> memref<128x64xbf16, #tpu.memory_space<vmem>>
      %dma_wait3A_498 = arith.constant 0 : i32
      %dma_wait3A_499 = tpu.memref_slice %arg9[%dma_wait3A_492, %dma_wait3A_498] : memref<2x600xi32, #tpu.memory_space<vmem>> -> memref<1x128xi32, #tpu.memory_space<vmem>>
      %dma_wait3A_500 = tpu.memref_squeeze %dma_wait3A_499 : memref<1x128xi32, #tpu.memory_space<vmem>> -> memref<128xi32, #tpu.memory_space<vmem>>
      %dma_wait3A_501 = arith.constant 0 : i32
      %dma_wait3A_502 = arith.constant 0 : i32
      %dma_wait3A_503 = tpu.memref_slice %arg3[%dma_wait3A_491, %dma_wait3A_501, %dma_wait3A_502] : memref<3x100000x64xbf16, #tpu.memory_space<hbm>> -> memref<1x100000x64xbf16, #tpu.memory_space<hbm>>
      %dma_wait3A_504 = tpu.memref_squeeze %dma_wait3A_503 : memref<1x100000x64xbf16, #tpu.memory_space<hbm>> -> memref<100000x64xbf16, #tpu.memory_space<hbm>>
      %dma_wait3A_505 = arith.constant 0 : i32
      %dma_wait3A_506 = arith.constant 0 : i32
      %dma_wait3A_507 = tpu.memref_slice %dma_wait3A_504[%dma_wait3A_505, %dma_wait3A_506] : memref<100000x64xbf16, #tpu.memory_space<hbm>> -> memref<100000x64xbf16, #tpu.memory_space<hbm>>
      tpu.wait_indirect_dma semaphore(%arg15 : memref<!tpu.dma_semaphore, #tpu.memory_space<semaphore_mem>>) src(%dma_wait3A_507 : memref<100000x64xbf16, #tpu.memory_space<hbm>>) dst(%dma_wait3A_497 : memref<128x64xbf16, #tpu.memory_space<vmem>>)
      %dma_wait3A_508 = arith.constant 1 : i32
      %dma_wait3A_509 = arith.constant 0 : i32
      %dma_wait3A_510 = arith.constant 1 : i32
      %dma_wait3A_511 = arith.constant 128 : i32
      %dma_wait3A_512 = arith.constant 0 : i32
      %dma_wait3A_513 = tpu.memref_slice %arg10[%dma_wait3A_510, %dma_wait3A_511, %dma_wait3A_512] : memref<2x600x64xbf16, #tpu.memory_space<vmem>> -> memref<1x128x64xbf16, #tpu.memory_space<vmem>>
      %dma_wait3A_514 = tpu.memref_squeeze %dma_wait3A_513 : memref<1x128x64xbf16, #tpu.memory_space<vmem>> -> memref<128x64xbf16, #tpu.memory_space<vmem>>
      %dma_wait3A_515 = arith.constant 128 : i32
      %dma_wait3A_516 = tpu.memref_slice %arg9[%dma_wait3A_509, %dma_wait3A_515] : memref<2x600xi32, #tpu.memory_space<vmem>> -> memref<1x128xi32, #tpu.memory_space<vmem>>
      %dma_wait3A_517 = tpu.memref_squeeze %dma_wait3A_516 : memref<1x128xi32, #tpu.memory_space<vmem>> -> memref<128xi32, #tpu.memory_space<vmem>>
      %dma_wait3A_518 = arith.constant 0 : i32
      %dma_wait3A_519 = arith.constant 0 : i32
      %dma_wait3A_520 = tpu.memref_slice %arg3[%dma_wait3A_508, %dma_wait3A_518, %dma_wait3A_519] : memref<3x100000x64xbf16, #tpu.memory_space<hbm>> -> memref<1x100000x64xbf16, #tpu.memory_space<hbm>>
      %dma_wait3A_521 = tpu.memref_squeeze %dma_wait3A_520 : memref<1x100000x64xbf16, #tpu.memory_space<hbm>> -> memref<100000x64xbf16, #tpu.memory_space<hbm>>
      %dma_wait3A_522 = arith.constant 0 : i32
      %dma_wait3A_523 = arith.constant 0 : i32
      %dma_wait3A_524 = tpu.memref_slice %dma_wait3A_521[%dma_wait3A_522, %dma_wait3A_523] : memref<100000x64xbf16, #tpu.memory_space<hbm>> -> memref<100000x64xbf16, #tpu.memory_space<hbm>>
      tpu.wait_indirect_dma semaphore(%arg15 : memref<!tpu.dma_semaphore, #tpu.memory_space<semaphore_mem>>) src(%dma_wait3A_524 : memref<100000x64xbf16, #tpu.memory_space<hbm>>) dst(%dma_wait3A_514 : memref<128x64xbf16, #tpu.memory_space<vmem>>)
      %dma_wait3A_525 = arith.constant 1 : i32
      %dma_wait3A_526 = arith.constant 0 : i32
      %dma_wait3A_527 = arith.constant 1 : i32
      %dma_wait3A_528 = arith.constant 256 : i32
      %dma_wait3A_529 = arith.constant 0 : i32
      %dma_wait3A_530 = tpu.memref_slice %arg10[%dma_wait3A_527, %dma_wait3A_528, %dma_wait3A_529] : memref<2x600x64xbf16, #tpu.memory_space<vmem>> -> memref<1x128x64xbf16, #tpu.memory_space<vmem>>
      %dma_wait3A_531 = tpu.memref_squeeze %dma_wait3A_530 : memref<1x128x64xbf16, #tpu.memory_space<vmem>> -> memref<128x64xbf16, #tpu.memory_space<vmem>>
      %dma_wait3A_532 = arith.constant 256 : i32
      %dma_wait3A_533 = tpu.memref_slice %arg9[%dma_wait3A_526, %dma_wait3A_532] : memref<2x600xi32, #tpu.memory_space<vmem>> -> memref<1x128xi32, #tpu.memory_space<vmem>>
      %dma_wait3A_534 = tpu.memref_squeeze %dma_wait3A_533 : memref<1x128xi32, #tpu.memory_space<vmem>> -> memref<128xi32, #tpu.memory_space<vmem>>
      %dma_wait3A_535 = arith.constant 0 : i32
      %dma_wait3A_536 = arith.constant 0 : i32
      %dma_wait3A_537 = tpu.memref_slice %arg3[%dma_wait3A_525, %dma_wait3A_535, %dma_wait3A_536] : memref<3x100000x64xbf16, #tpu.memory_space<hbm>> -> memref<1x100000x64xbf16, #tpu.memory_space<hbm>>
      %dma_wait3A_538 = tpu.memref_squeeze %dma_wait3A_537 : memref<1x100000x64xbf16, #tpu.memory_space<hbm>> -> memref<100000x64xbf16, #tpu.memory_space<hbm>>
      %dma_wait3A_539 = arith.constant 0 : i32
      %dma_wait3A_540 = arith.constant 0 : i32
      %dma_wait3A_541 = tpu.memref_slice %dma_wait3A_538[%dma_wait3A_539, %dma_wait3A_540] : memref<100000x64xbf16, #tpu.memory_space<hbm>> -> memref<100000x64xbf16, #tpu.memory_space<hbm>>
      tpu.wait_indirect_dma semaphore(%arg15 : memref<!tpu.dma_semaphore, #tpu.memory_space<semaphore_mem>>) src(%dma_wait3A_541 : memref<100000x64xbf16, #tpu.memory_space<hbm>>) dst(%dma_wait3A_531 : memref<128x64xbf16, #tpu.memory_space<vmem>>)
      %dma_wait3A_542 = arith.constant 1 : i32
      %dma_wait3A_543 = arith.constant 0 : i32
      %dma_wait3A_544 = arith.constant 1 : i32
      %dma_wait3A_545 = arith.constant 384 : i32
      %dma_wait3A_546 = arith.constant 0 : i32
      %dma_wait3A_547 = tpu.memref_slice %arg10[%dma_wait3A_544, %dma_wait3A_545, %dma_wait3A_546] : memref<2x600x64xbf16, #tpu.memory_space<vmem>> -> memref<1x128x64xbf16, #tpu.memory_space<vmem>>
      %dma_wait3A_548 = tpu.memref_squeeze %dma_wait3A_547 : memref<1x128x64xbf16, #tpu.memory_space<vmem>> -> memref<128x64xbf16, #tpu.memory_space<vmem>>
      %dma_wait3A_549 = arith.constant 384 : i32
      %dma_wait3A_550 = tpu.memref_slice %arg9[%dma_wait3A_543, %dma_wait3A_549] : memref<2x600xi32, #tpu.memory_space<vmem>> -> memref<1x128xi32, #tpu.memory_space<vmem>>
      %dma_wait3A_551 = tpu.memref_squeeze %dma_wait3A_550 : memref<1x128xi32, #tpu.memory_space<vmem>> -> memref<128xi32, #tpu.memory_space<vmem>>
      %dma_wait3A_552 = arith.constant 0 : i32
      %dma_wait3A_553 = arith.constant 0 : i32
      %dma_wait3A_554 = tpu.memref_slice %arg3[%dma_wait3A_542, %dma_wait3A_552, %dma_wait3A_553] : memref<3x100000x64xbf16, #tpu.memory_space<hbm>> -> memref<1x100000x64xbf16, #tpu.memory_space<hbm>>
      %dma_wait3A_555 = tpu.memref_squeeze %dma_wait3A_554 : memref<1x100000x64xbf16, #tpu.memory_space<hbm>> -> memref<100000x64xbf16, #tpu.memory_space<hbm>>
      %dma_wait3A_556 = arith.constant 0 : i32
      %dma_wait3A_557 = arith.constant 0 : i32
      %dma_wait3A_558 = tpu.memref_slice %dma_wait3A_555[%dma_wait3A_556, %dma_wait3A_557] : memref<100000x64xbf16, #tpu.memory_space<hbm>> -> memref<100000x64xbf16, #tpu.memory_space<hbm>>
      tpu.wait_indirect_dma semaphore(%arg15 : memref<!tpu.dma_semaphore, #tpu.memory_space<semaphore_mem>>) src(%dma_wait3A_558 : memref<100000x64xbf16, #tpu.memory_space<hbm>>) dst(%dma_wait3A_548 : memref<128x64xbf16, #tpu.memory_space<vmem>>)
      %dma_wait3A_559 = arith.constant 1 : i32
      %dma_wait3A_560 = arith.constant 0 : i32
      %dma_wait3A_561 = arith.constant 1 : i32
      %dma_wait3A_562 = arith.constant 512 : i32
      %dma_wait3A_563 = arith.constant 0 : i32
      %dma_wait3A_564 = tpu.memref_slice %arg10[%dma_wait3A_561, %dma_wait3A_562, %dma_wait3A_563] : memref<2x600x64xbf16, #tpu.memory_space<vmem>> -> memref<1x88x64xbf16, #tpu.memory_space<vmem>>
      %dma_wait3A_565 = tpu.memref_squeeze %dma_wait3A_564 : memref<1x88x64xbf16, #tpu.memory_space<vmem>> -> memref<88x64xbf16, #tpu.memory_space<vmem>>
      %dma_wait3A_566 = arith.constant 512 : i32
      %dma_wait3A_567 = tpu.memref_slice %arg9[%dma_wait3A_560, %dma_wait3A_566] : memref<2x600xi32, #tpu.memory_space<vmem>> -> memref<1x88xi32, #tpu.memory_space<vmem>>
      %dma_wait3A_568 = tpu.memref_squeeze %dma_wait3A_567 : memref<1x88xi32, #tpu.memory_space<vmem>> -> memref<88xi32, #tpu.memory_space<vmem>>
      %dma_wait3A_569 = arith.constant 0 : i32
      %dma_wait3A_570 = arith.constant 0 : i32
      %dma_wait3A_571 = tpu.memref_slice %arg3[%dma_wait3A_559, %dma_wait3A_569, %dma_wait3A_570] : memref<3x100000x64xbf16, #tpu.memory_space<hbm>> -> memref<1x100000x64xbf16, #tpu.memory_space<hbm>>
      %dma_wait3A_572 = tpu.memref_squeeze %dma_wait3A_571 : memref<1x100000x64xbf16, #tpu.memory_space<hbm>> -> memref<100000x64xbf16, #tpu.memory_space<hbm>>
      %dma_wait3A_573 = arith.constant 0 : i32
      %dma_wait3A_574 = arith.constant 0 : i32
      %dma_wait3A_575 = tpu.memref_slice %dma_wait3A_572[%dma_wait3A_573, %dma_wait3A_574] : memref<100000x64xbf16, #tpu.memory_space<hbm>> -> memref<100000x64xbf16, #tpu.memory_space<hbm>>
      tpu.wait_indirect_dma semaphore(%arg15 : memref<!tpu.dma_semaphore, #tpu.memory_space<semaphore_mem>>) src(%dma_wait3A_575 : memref<100000x64xbf16, #tpu.memory_space<hbm>>) dst(%dma_wait3A_565 : memref<88x64xbf16, #tpu.memory_space<vmem>>)
      %add3A_576 = arith.addi %mul3A_2, %scan3A_189 : i32
      %gt3A_577 = arith.constant 0 : i32
      %gt3A_578 = arith.cmpi sgt, %scan3A_189, %gt3A_577 : i32
      %convert_element_type3A_579 = arith.extui %gt3A_578 : i1 to i32
      %cond3A_580 = arith.constant 0 : i32
      %cond3A_581 = arith.constant 0 : i32
      %cond3A_582 = arith.cmpi ne, %convert_element_type3A_579, %cond3A_581 : i32
      scf.if %cond3A_582 {
        %dma_wait3A_1730 = arith.constant 1 : i32
        %dma_wait3A_1731 = arith.constant 0 : i32
        %dma_wait3A_1732 = arith.constant 0 : i32
        %dma_wait3A_1733 = tpu.memref_slice %arg11[%dma_wait3A_1730, %dma_wait3A_1731, %dma_wait3A_1732] : memref<2x100x64xf32, #tpu.memory_space<vmem>> -> memref<1x100x64xf32, #tpu.memory_space<vmem>>
        %dma_wait3A_1734 = tpu.memref_squeeze %dma_wait3A_1733 : memref<1x100x64xf32, #tpu.memory_space<vmem>> -> memref<100x64xf32, #tpu.memory_space<vmem>>
        %dma_wait3A_1735 = arith.constant 0 : i32
        %dma_wait3A_1736 = arith.constant 64 : i32
        %dma_wait3A_1737 = tpu.memref_slice %arg7[%cond3A_580, %add3A_576, %dma_wait3A_1735, %dma_wait3A_1736] : memref<2x1024x200x128xf32, #tpu.memory_space<hbm>> -> memref<1x1x100x64xf32, #tpu.memory_space<hbm>>
        %dma_wait3A_1738 = tpu.memref_squeeze %dma_wait3A_1737 : memref<1x1x100x64xf32, #tpu.memory_space<hbm>> -> memref<100x64xf32, #tpu.memory_space<hbm>>
        %dma_wait3A_1739 = arith.constant 0 : i32
        %dma_wait3A_1740 = arith.constant 64 : i32
        %dma_wait3A_1741 = tpu.memref_slice %arg7[%cond3A_580, %add3A_576, %dma_wait3A_1739, %dma_wait3A_1740] : memref<2x1024x200x128xf32, #tpu.memory_space<hbm>> -> memref<1x1x100x64xf32, #tpu.memory_space<hbm>>
        %dma_wait3A_1742 = tpu.memref_squeeze %dma_wait3A_1741 : memref<1x1x100x64xf32, #tpu.memory_space<hbm>> -> memref<100x64xf32, #tpu.memory_space<hbm>>
        %dma_wait3A_1743 = arith.constant 0 : i32
        %dma_wait3A_1744 = arith.constant 0 : i32
        %dma_wait3A_1745 = tpu.memref_slice %arg11[%dma_wait3A_1730, %dma_wait3A_1743, %dma_wait3A_1744] : memref<2x100x64xf32, #tpu.memory_space<vmem>> -> memref<1x100x64xf32, #tpu.memory_space<vmem>>
        %dma_wait3A_1746 = tpu.memref_squeeze %dma_wait3A_1745 : memref<1x100x64xf32, #tpu.memory_space<vmem>> -> memref<100x64xf32, #tpu.memory_space<vmem>>
        tpu.wait_dma2 semaphore(%arg17 : memref<!tpu.dma_semaphore, #tpu.memory_space<semaphore_mem>>) src(%dma_wait3A_1746 : memref<100x64xf32, #tpu.memory_space<vmem>>) dst(%dma_wait3A_1742 : memref<100x64xf32, #tpu.memory_space<hbm>>)
      } else {
      }
      %scan3A_583 = arith.constant 0 : i32
      %scan3A_584 = arith.constant 0 : i32
      %scan3A_585 = arith.constant 100 : i32
      %scan3A_586 = arith.addi %scan3A_584, %scan3A_585 : i32
      %scan3A_587 = arith.constant 1 : i32
      %scan3A_588 = scf.for %scan3A_1730 = %scan3A_584 to %scan3A_586 step %scan3A_587 iter_args(%scan3A_1731 = %scan3A_583) -> (i32)  : i32 {
        %mul3A_1732 = arith.constant 6 : i32
        %mul3A_1733 = arith.muli %scan3A_1730, %mul3A_1732 : i32
        %add3A_1734 = arith.constant 0 : i32
        %add3A_1735 = arith.addi %mul3A_1733, %add3A_1734 : i32
        %get3A = arith.constant 1 : i32
        %get3A_1736 = arith.index_cast %get3A : i32 to index
        %get3A_1737 = arith.index_cast %add3A_1735 : i32 to index
        %get3A_1738 = arith.constant 0 : index
        %get3A_1739 = tpu.vector_load %arg10[%get3A_1736, %get3A_1737, %get3A_1738] {strides = array<i32>} : memref<2x600x64xbf16, #tpu.memory_space<vmem>>, vector<32xbf16>,
        %add3A_1740 = arith.constant 0 : i32
        %add3A_1741 = arith.addi %mul3A_1733, %add3A_1740 : i32
        %add3A_1742 = arith.constant 1 : i32
        %add3A_1743 = arith.addi %add3A_1741, %add3A_1742 : i32
        %get3A_1744 = arith.constant 1 : i32
        %get3A_1745 = arith.index_cast %get3A_1744 : i32 to index
        %get3A_1746 = arith.index_cast %add3A_1743 : i32 to index
        %get3A_1747 = arith.constant 0 : index
        %get3A_1748 = tpu.vector_load %arg10[%get3A_1745, %get3A_1746, %get3A_1747] {strides = array<i32>} : memref<2x600x64xbf16, #tpu.memory_space<vmem>>, vector<32xbf16>,
        %add3A_1749 = arith.addf %get3A_1739, %get3A_1748 : vector<32xbf16>
        %unpack3A = tpu.unpack_subelements %add3A_1749, 0 {pack_format = #tpu.pack_format<interleaved>} : vector<32xbf16> -> vector<16xf32>
        %unpack3A_1750 = tpu.unpack_subelements %add3A_1749, 1 {pack_format = #tpu.pack_format<interleaved>} : vector<32xbf16> -> vector<16xf32>
        %add3A_1751 = arith.constant 2 : i32
        %add3A_1752 = arith.addi %mul3A_1733, %add3A_1751 : i32
        %get3A_1753 = arith.constant 1 : i32
        %get3A_1754 = arith.index_cast %get3A_1753 : i32 to index
        %get3A_1755 = arith.index_cast %add3A_1752 : i32 to index
        %get3A_1756 = arith.constant 0 : index
        %get3A_1757 = tpu.vector_load %arg10[%get3A_1754, %get3A_1755, %get3A_1756] {strides = array<i32>} : memref<2x600x64xbf16, #tpu.memory_space<vmem>>, vector<32xbf16>,
        %add3A_1758 = arith.constant 2 : i32
        %add3A_1759 = arith.addi %mul3A_1733, %add3A_1758 : i32
        %add3A_1760 = arith.constant 1 : i32
        %add3A_1761 = arith.addi %add3A_1759, %add3A_1760 : i32
        %get3A_1762 = arith.constant 1 : i32
        %get3A_1763 = arith.index_cast %get3A_1762 : i32 to index
        %get3A_1764 = arith.index_cast %add3A_1761 : i32 to index
        %get3A_1765 = arith.constant 0 : index
        %get3A_1766 = tpu.vector_load %arg10[%get3A_1763, %get3A_1764, %get3A_1765] {strides = array<i32>} : memref<2x600x64xbf16, #tpu.memory_space<vmem>>, vector<32xbf16>,
        %add3A_1767 = arith.addf %get3A_1757, %get3A_1766 : vector<32xbf16>
        %unpack3A_1768 = tpu.unpack_subelements %add3A_1767, 0 {pack_format = #tpu.pack_format<interleaved>} : vector<32xbf16> -> vector<16xf32>
        %unpack3A_1769 = tpu.unpack_subelements %add3A_1767, 1 {pack_format = #tpu.pack_format<interleaved>} : vector<32xbf16> -> vector<16xf32>
        %add3A_1770 = arith.addf %unpack3A, %unpack3A_1768 : vector<16xf32>
        %add3A_1771 = arith.addf %unpack3A_1750, %unpack3A_1769 : vector<16xf32>
        %add3A_1772 = arith.constant 4 : i32
        %add3A_1773 = arith.addi %mul3A_1733, %add3A_1772 : i32
        %get3A_1774 = arith.constant 1 : i32
        %get3A_1775 = arith.index_cast %get3A_1774 : i32 to index
        %get3A_1776 = arith.index_cast %add3A_1773 : i32 to index
        %get3A_1777 = arith.constant 0 : index
        %get3A_1778 = tpu.vector_load %arg10[%get3A_1775, %get3A_1776, %get3A_1777] {strides = array<i32>} : memref<2x600x64xbf16, #tpu.memory_space<vmem>>, vector<32xbf16>,
        %add3A_1779 = arith.constant 4 : i32
        %add3A_1780 = arith.addi %mul3A_1733, %add3A_1779 : i32
        %add3A_1781 = arith.constant 1 : i32
        %add3A_1782 = arith.addi %add3A_1780, %add3A_1781 : i32
        %get3A_1783 = arith.constant 1 : i32
        %get3A_1784 = arith.index_cast %get3A_1783 : i32 to index
        %get3A_1785 = arith.index_cast %add3A_1782 : i32 to index
        %get3A_1786 = arith.constant 0 : index
        %get3A_1787 = tpu.vector_load %arg10[%get3A_1784, %get3A_1785, %get3A_1786] {strides = array<i32>} : memref<2x600x64xbf16, #tpu.memory_space<vmem>>, vector<32xbf16>,
        %add3A_1788 = arith.addf %get3A_1778, %get3A_1787 : vector<32xbf16>
        %unpack3A_1789 = tpu.unpack_subelements %add3A_1788, 0 {pack_format = #tpu.pack_format<interleaved>} : vector<32xbf16> -> vector<16xf32>
        %unpack3A_1790 = tpu.unpack_subelements %add3A_1788, 1 {pack_format = #tpu.pack_format<interleaved>} : vector<32xbf16> -> vector<16xf32>
        %add3A_1791 = arith.addf %add3A_1770, %unpack3A_1789 : vector<16xf32>
        %add3A_1792 = arith.addf %add3A_1771, %unpack3A_1790 : vector<16xf32>
        %swap3A = arith.constant 1 : i32
        %swap3A_1793 = arith.index_cast %swap3A : i32 to index
        %swap3A_1794 = arith.index_cast %scan3A_1730 : i32 to index
        %swap3A_1795 = arith.constant 0 : index
        %swap3A_1796 = tpu.vector_load %arg11[%swap3A_1793, %swap3A_1794, %swap3A_1795] {strides = array<i32>} : memref<2x100x64xf32, #tpu.memory_space<vmem>>, vector<16xf32>,
        tpu.vector_store %arg11[%swap3A_1793, %swap3A_1794, %swap3A_1795], %add3A_1791 {strides = array<i32>} : memref<2x100x64xf32, #tpu.memory_space<vmem>>, vector<16xf32>,
        %swap3A_1797 = arith.constant 1 : i32
        %swap3A_1798 = arith.index_cast %swap3A_1797 : i32 to index
        %swap3A_1799 = arith.index_cast %scan3A_1730 : i32 to index
        %swap3A_1800 = arith.constant 16 : index
        %swap3A_1801 = tpu.vector_load %arg11[%swap3A_1798, %swap3A_1799, %swap3A_1800] {strides = array<i32>} : memref<2x100x64xf32, #tpu.memory_space<vmem>>, vector<16xf32>,
        tpu.vector_store %arg11[%swap3A_1798, %swap3A_1799, %swap3A_1800], %add3A_1792 {strides = array<i32>} : memref<2x100x64xf32, #tpu.memory_space<vmem>>, vector<16xf32>,
        %add3A_1802 = arith.constant 0 : i32
        %add3A_1803 = arith.addi %mul3A_1733, %add3A_1802 : i32
        %get3A_1804 = arith.constant 1 : i32
        %get3A_1805 = arith.index_cast %get3A_1804 : i32 to index
        %get3A_1806 = arith.index_cast %add3A_1803 : i32 to index
        %get3A_1807 = arith.constant 32 : index
        %get3A_1808 = tpu.vector_load %arg10[%get3A_1805, %get3A_1806, %get3A_1807] {strides = array<i32>} : memref<2x600x64xbf16, #tpu.memory_space<vmem>>, vector<32xbf16>,
        %add3A_1809 = arith.constant 0 : i32
        %add3A_1810 = arith.addi %mul3A_1733, %add3A_1809 : i32
        %add3A_1811 = arith.constant 1 : i32
        %add3A_1812 = arith.addi %add3A_1810, %add3A_1811 : i32
        %get3A_1813 = arith.constant 1 : i32
        %get3A_1814 = arith.index_cast %get3A_1813 : i32 to index
        %get3A_1815 = arith.index_cast %add3A_1812 : i32 to index
        %get3A_1816 = arith.constant 32 : index
        %get3A_1817 = tpu.vector_load %arg10[%get3A_1814, %get3A_1815, %get3A_1816] {strides = array<i32>} : memref<2x600x64xbf16, #tpu.memory_space<vmem>>, vector<32xbf16>,
        %add3A_1818 = arith.addf %get3A_1808, %get3A_1817 : vector<32xbf16>
        %unpack3A_1819 = tpu.unpack_subelements %add3A_1818, 0 {pack_format = #tpu.pack_format<interleaved>} : vector<32xbf16> -> vector<16xf32>
        %unpack3A_1820 = tpu.unpack_subelements %add3A_1818, 1 {pack_format = #tpu.pack_format<interleaved>} : vector<32xbf16> -> vector<16xf32>
        %add3A_1821 = arith.constant 2 : i32
        %add3A_1822 = arith.addi %mul3A_1733, %add3A_1821 : i32
        %get3A_1823 = arith.constant 1 : i32
        %get3A_1824 = arith.index_cast %get3A_1823 : i32 to index
        %get3A_1825 = arith.index_cast %add3A_1822 : i32 to index
        %get3A_1826 = arith.constant 32 : index
        %get3A_1827 = tpu.vector_load %arg10[%get3A_1824, %get3A_1825, %get3A_1826] {strides = array<i32>} : memref<2x600x64xbf16, #tpu.memory_space<vmem>>, vector<32xbf16>,
        %add3A_1828 = arith.constant 2 : i32
        %add3A_1829 = arith.addi %mul3A_1733, %add3A_1828 : i32
        %add3A_1830 = arith.constant 1 : i32
        %add3A_1831 = arith.addi %add3A_1829, %add3A_1830 : i32
        %get3A_1832 = arith.constant 1 : i32
        %get3A_1833 = arith.index_cast %get3A_1832 : i32 to index
        %get3A_1834 = arith.index_cast %add3A_1831 : i32 to index
        %get3A_1835 = arith.constant 32 : index
        %get3A_1836 = tpu.vector_load %arg10[%get3A_1833, %get3A_1834, %get3A_1835] {strides = array<i32>} : memref<2x600x64xbf16, #tpu.memory_space<vmem>>, vector<32xbf16>,
        %add3A_1837 = arith.addf %get3A_1827, %get3A_1836 : vector<32xbf16>
        %unpack3A_1838 = tpu.unpack_subelements %add3A_1837, 0 {pack_format = #tpu.pack_format<interleaved>} : vector<32xbf16> -> vector<16xf32>
        %unpack3A_1839 = tpu.unpack_subelements %add3A_1837, 1 {pack_format = #tpu.pack_format<interleaved>} : vector<32xbf16> -> vector<16xf32>
        %add3A_1840 = arith.addf %unpack3A_1819, %unpack3A_1838 : vector<16xf32>
        %add3A_1841 = arith.addf %unpack3A_1820, %unpack3A_1839 : vector<16xf32>
        %add3A_1842 = arith.constant 4 : i32
        %add3A_1843 = arith.addi %mul3A_1733, %add3A_1842 : i32
        %get3A_1844 = arith.constant 1 : i32
        %get3A_1845 = arith.index_cast %get3A_1844 : i32 to index
        %get3A_1846 = arith.index_cast %add3A_1843 : i32 to index
        %get3A_1847 = arith.constant 32 : index
        %get3A_1848 = tpu.vector_load %arg10[%get3A_1845, %get3A_1846, %get3A_1847] {strides = array<i32>} : memref<2x600x64xbf16, #tpu.memory_space<vmem>>, vector<32xbf16>,
        %add3A_1849 = arith.constant 4 : i32
        %add3A_1850 = arith.addi %mul3A_1733, %add3A_1849 : i32
        %add3A_1851 = arith.constant 1 : i32
        %add3A_1852 = arith.addi %add3A_1850, %add3A_1851 : i32
        %get3A_1853 = arith.constant 1 : i32
        %get3A_1854 = arith.index_cast %get3A_1853 : i32 to index
        %get3A_1855 = arith.index_cast %add3A_1852 : i32 to index
        %get3A_1856 = arith.constant 32 : index
        %get3A_1857 = tpu.vector_load %arg10[%get3A_1854, %get3A_1855, %get3A_1856] {strides = array<i32>} : memref<2x600x64xbf16, #tpu.memory_space<vmem>>, vector<32xbf16>,
        %add3A_1858 = arith.addf %get3A_1848, %get3A_1857 : vector<32xbf16>
        %unpack3A_1859 = tpu.unpack_subelements %add3A_1858, 0 {pack_format = #tpu.pack_format<interleaved>} : vector<32xbf16> -> vector<16xf32>
        %unpack3A_1860 = tpu.unpack_subelements %add3A_1858, 1 {pack_format = #tpu.pack_format<interleaved>} : vector<32xbf16> -> vector<16xf32>
        %add3A_1861 = arith.addf %add3A_1840, %unpack3A_1859 : vector<16xf32>
        %add3A_1862 = arith.addf %add3A_1841, %unpack3A_1860 : vector<16xf32>
        %swap3A_1863 = arith.constant 1 : i32
        %swap3A_1864 = arith.index_cast %swap3A_1863 : i32 to index
        %swap3A_1865 = arith.index_cast %scan3A_1730 : i32 to index
        %swap3A_1866 = arith.constant 32 : index
        %swap3A_1867 = tpu.vector_load %arg11[%swap3A_1864, %swap3A_1865, %swap3A_1866] {strides = array<i32>} : memref<2x100x64xf32, #tpu.memory_space<vmem>>, vector<16xf32>,
        tpu.vector_store %arg11[%swap3A_1864, %swap3A_1865, %swap3A_1866], %add3A_1861 {strides = array<i32>} : memref<2x100x64xf32, #tpu.memory_space<vmem>>, vector<16xf32>,
        %swap3A_1868 = arith.constant 1 : i32
        %swap3A_1869 = arith.index_cast %swap3A_1868 : i32 to index
        %swap3A_1870 = arith.index_cast %scan3A_1730 : i32 to index
        %swap3A_1871 = arith.constant 48 : index
        %swap3A_1872 = tpu.vector_load %arg11[%swap3A_1869, %swap3A_1870, %swap3A_1871] {strides = array<i32>} : memref<2x100x64xf32, #tpu.memory_space<vmem>>, vector<16xf32>,
        tpu.vector_store %arg11[%swap3A_1869, %swap3A_1870, %swap3A_1871], %add3A_1862 {strides = array<i32>} : memref<2x100x64xf32, #tpu.memory_space<vmem>>, vector<16xf32>,
        %scan3A_1873 = arith.constant 0 : i32
        scf.yield %scan3A_1873 : i32
      }
      %scan3A_589 = arith.constant 100 : i32
      %dma_start3A_590 = arith.constant 1 : i32
      %dma_start3A_591 = arith.constant 0 : i32
      %dma_start3A_592 = arith.constant 0 : i32
      %dma_start3A_593 = arith.constant 0 : i32
      %dma_start3A_594 = tpu.memref_slice %arg11[%dma_start3A_590, %dma_start3A_592, %dma_start3A_593] : memref<2x100x64xf32, #tpu.memory_space<vmem>> -> memref<1x100x64xf32, #tpu.memory_space<vmem>>
      %dma_start3A_595 = tpu.memref_squeeze %dma_start3A_594 : memref<1x100x64xf32, #tpu.memory_space<vmem>> -> memref<100x64xf32, #tpu.memory_space<vmem>>
      %dma_start3A_596 = arith.constant 0 : i32
      %dma_start3A_597 = arith.constant 64 : i32
      %dma_start3A_598 = tpu.memref_slice %arg7[%dma_start3A_591, %add3A_576, %dma_start3A_596, %dma_start3A_597] : memref<2x1024x200x128xf32, #tpu.memory_space<hbm>> -> memref<1x1x100x64xf32, #tpu.memory_space<hbm>>
      %dma_start3A_599 = tpu.memref_squeeze %dma_start3A_598 : memref<1x1x100x64xf32, #tpu.memory_space<hbm>> -> memref<100x64xf32, #tpu.memory_space<hbm>>
      %dma_start3A_600 = arith.constant 0 : i32
      %dma_start3A_601 = arith.constant 64 : i32
      %dma_start3A_602 = tpu.memref_slice %arg7[%dma_start3A_591, %add3A_576, %dma_start3A_600, %dma_start3A_601] : memref<2x1024x200x128xf32, #tpu.memory_space<hbm>> -> memref<1x1x100x64xf32, #tpu.memory_space<hbm>>
      %dma_start3A_603 = tpu.memref_squeeze %dma_start3A_602 : memref<1x1x100x64xf32, #tpu.memory_space<hbm>> -> memref<100x64xf32, #tpu.memory_space<hbm>>
      %dma_start3A_604 = arith.constant 0 : i32
      %dma_start3A_605 = arith.constant 0 : i32
      %dma_start3A_606 = tpu.memref_slice %arg11[%dma_start3A_590, %dma_start3A_604, %dma_start3A_605] : memref<2x100x64xf32, #tpu.memory_space<vmem>> -> memref<1x100x64xf32, #tpu.memory_space<vmem>>
      %dma_start3A_607 = tpu.memref_squeeze %dma_start3A_606 : memref<1x100x64xf32, #tpu.memory_space<vmem>> -> memref<100x64xf32, #tpu.memory_space<vmem>>
      tpu.enqueue_dma source(%dma_start3A_607 : memref<100x64xf32, #tpu.memory_space<vmem>>) target(%dma_start3A_603 : memref<100x64xf32, #tpu.memory_space<hbm>>) target_semaphore(%arg17 : memref<!tpu.dma_semaphore, #tpu.memory_space<semaphore_mem>>)
      %dma_start3A_608 = arith.constant 0 : i32
      %dma_start3A_609 = arith.constant 1 : i32
      %dma_start3A_610 = arith.constant 0 : i32
      %dma_start3A_611 = arith.constant 0 : i32
      %dma_start3A_612 = tpu.memref_slice %arg10[%dma_start3A_609, %dma_start3A_610, %dma_start3A_611] : memref<2x600x64xbf16, #tpu.memory_space<vmem>> -> memref<1x128x64xbf16, #tpu.memory_space<vmem>>
      %dma_start3A_613 = tpu.memref_squeeze %dma_start3A_612 : memref<1x128x64xbf16, #tpu.memory_space<vmem>> -> memref<128x64xbf16, #tpu.memory_space<vmem>>
      %dma_start3A_614 = arith.constant 0 : i32
      %dma_start3A_615 = tpu.memref_slice %arg9[%dma_start3A_608, %dma_start3A_614] : memref<2x600xi32, #tpu.memory_space<vmem>> -> memref<1x128xi32, #tpu.memory_space<vmem>>
      %dma_start3A_616 = tpu.memref_squeeze %dma_start3A_615 : memref<1x128xi32, #tpu.memory_space<vmem>> -> memref<128xi32, #tpu.memory_space<vmem>>
      %dma_start3A_617 = arith.constant 0 : i32
      %dma_start3A_618 = arith.constant 0 : i32
      %dma_start3A_619 = tpu.memref_slice %arg4[%dma_start3A_617, %dma_start3A_618] : memref<100000x64xbf16, #tpu.memory_space<hbm>> -> memref<100000x64xbf16, #tpu.memory_space<hbm>>
      tpu.enqueue_indirect_dma source(%dma_start3A_619 : memref<100000x64xbf16, #tpu.memory_space<hbm>>) target(%dma_start3A_613 : memref<128x64xbf16, #tpu.memory_space<vmem>>) offsets(%dma_start3A_616 : memref<128xi32, #tpu.memory_space<vmem>>) semaphore(%arg15 : memref<!tpu.dma_semaphore, #tpu.memory_space<semaphore_mem>>)
      %dma_start3A_620 = arith.constant 0 : i32
      %dma_start3A_621 = arith.constant 1 : i32
      %dma_start3A_622 = arith.constant 128 : i32
      %dma_start3A_623 = arith.constant 0 : i32
      %dma_start3A_624 = tpu.memref_slice %arg10[%dma_start3A_621, %dma_start3A_622, %dma_start3A_623] : memref<2x600x64xbf16, #tpu.memory_space<vmem>> -> memref<1x128x64xbf16, #tpu.memory_space<vmem>>
      %dma_start3A_625 = tpu.memref_squeeze %dma_start3A_624 : memref<1x128x64xbf16, #tpu.memory_space<vmem>> -> memref<128x64xbf16, #tpu.memory_space<vmem>>
      %dma_start3A_626 = arith.constant 128 : i32
      %dma_start3A_627 = tpu.memref_slice %arg9[%dma_start3A_620, %dma_start3A_626] : memref<2x600xi32, #tpu.memory_space<vmem>> -> memref<1x128xi32, #tpu.memory_space<vmem>>
      %dma_start3A_628 = tpu.memref_squeeze %dma_start3A_627 : memref<1x128xi32, #tpu.memory_space<vmem>> -> memref<128xi32, #tpu.memory_space<vmem>>
      %dma_start3A_629 = arith.constant 0 : i32
      %dma_start3A_630 = arith.constant 0 : i32
      %dma_start3A_631 = tpu.memref_slice %arg4[%dma_start3A_629, %dma_start3A_630] : memref<100000x64xbf16, #tpu.memory_space<hbm>> -> memref<100000x64xbf16, #tpu.memory_space<hbm>>
      tpu.enqueue_indirect_dma source(%dma_start3A_631 : memref<100000x64xbf16, #tpu.memory_space<hbm>>) target(%dma_start3A_625 : memref<128x64xbf16, #tpu.memory_space<vmem>>) offsets(%dma_start3A_628 : memref<128xi32, #tpu.memory_space<vmem>>) semaphore(%arg15 : memref<!tpu.dma_semaphore, #tpu.memory_space<semaphore_mem>>)
      %dma_start3A_632 = arith.constant 0 : i32
      %dma_start3A_633 = arith.constant 1 : i32
      %dma_start3A_634 = arith.constant 256 : i32
      %dma_start3A_635 = arith.constant 0 : i32
      %dma_start3A_636 = tpu.memref_slice %arg10[%dma_start3A_633, %dma_start3A_634, %dma_start3A_635] : memref<2x600x64xbf16, #tpu.memory_space<vmem>> -> memref<1x128x64xbf16, #tpu.memory_space<vmem>>
      %dma_start3A_637 = tpu.memref_squeeze %dma_start3A_636 : memref<1x128x64xbf16, #tpu.memory_space<vmem>> -> memref<128x64xbf16, #tpu.memory_space<vmem>>
      %dma_start3A_638 = arith.constant 256 : i32
      %dma_start3A_639 = tpu.memref_slice %arg9[%dma_start3A_632, %dma_start3A_638] : memref<2x600xi32, #tpu.memory_space<vmem>> -> memref<1x128xi32, #tpu.memory_space<vmem>>
      %dma_start3A_640 = tpu.memref_squeeze %dma_start3A_639 : memref<1x128xi32, #tpu.memory_space<vmem>> -> memref<128xi32, #tpu.memory_space<vmem>>
      %dma_start3A_641 = arith.constant 0 : i32
      %dma_start3A_642 = arith.constant 0 : i32
      %dma_start3A_643 = tpu.memref_slice %arg4[%dma_start3A_641, %dma_start3A_642] : memref<100000x64xbf16, #tpu.memory_space<hbm>> -> memref<100000x64xbf16, #tpu.memory_space<hbm>>
      tpu.enqueue_indirect_dma source(%dma_start3A_643 : memref<100000x64xbf16, #tpu.memory_space<hbm>>) target(%dma_start3A_637 : memref<128x64xbf16, #tpu.memory_space<vmem>>) offsets(%dma_start3A_640 : memref<128xi32, #tpu.memory_space<vmem>>) semaphore(%arg15 : memref<!tpu.dma_semaphore, #tpu.memory_space<semaphore_mem>>)
      %dma_start3A_644 = arith.constant 0 : i32
      %dma_start3A_645 = arith.constant 1 : i32
      %dma_start3A_646 = arith.constant 384 : i32
      %dma_start3A_647 = arith.constant 0 : i32
      %dma_start3A_648 = tpu.memref_slice %arg10[%dma_start3A_645, %dma_start3A_646, %dma_start3A_647] : memref<2x600x64xbf16, #tpu.memory_space<vmem>> -> memref<1x128x64xbf16, #tpu.memory_space<vmem>>
      %dma_start3A_649 = tpu.memref_squeeze %dma_start3A_648 : memref<1x128x64xbf16, #tpu.memory_space<vmem>> -> memref<128x64xbf16, #tpu.memory_space<vmem>>
      %dma_start3A_650 = arith.constant 384 : i32
      %dma_start3A_651 = tpu.memref_slice %arg9[%dma_start3A_644, %dma_start3A_650] : memref<2x600xi32, #tpu.memory_space<vmem>> -> memref<1x128xi32, #tpu.memory_space<vmem>>
      %dma_start3A_652 = tpu.memref_squeeze %dma_start3A_651 : memref<1x128xi32, #tpu.memory_space<vmem>> -> memref<128xi32, #tpu.memory_space<vmem>>
      %dma_start3A_653 = arith.constant 0 : i32
      %dma_start3A_654 = arith.constant 0 : i32
      %dma_start3A_655 = tpu.memref_slice %arg4[%dma_start3A_653, %dma_start3A_654] : memref<100000x64xbf16, #tpu.memory_space<hbm>> -> memref<100000x64xbf16, #tpu.memory_space<hbm>>
      tpu.enqueue_indirect_dma source(%dma_start3A_655 : memref<100000x64xbf16, #tpu.memory_space<hbm>>) target(%dma_start3A_649 : memref<128x64xbf16, #tpu.memory_space<vmem>>) offsets(%dma_start3A_652 : memref<128xi32, #tpu.memory_space<vmem>>) semaphore(%arg15 : memref<!tpu.dma_semaphore, #tpu.memory_space<semaphore_mem>>)
      %dma_start3A_656 = arith.constant 0 : i32
      %dma_start3A_657 = arith.constant 1 : i32
      %dma_start3A_658 = arith.constant 512 : i32
      %dma_start3A_659 = arith.constant 0 : i32
      %dma_start3A_660 = tpu.memref_slice %arg10[%dma_start3A_657, %dma_start3A_658, %dma_start3A_659] : memref<2x600x64xbf16, #tpu.memory_space<vmem>> -> memref<1x88x64xbf16, #tpu.memory_space<vmem>>
      %dma_start3A_661 = tpu.memref_squeeze %dma_start3A_660 : memref<1x88x64xbf16, #tpu.memory_space<vmem>> -> memref<88x64xbf16, #tpu.memory_space<vmem>>
      %dma_start3A_662 = arith.constant 512 : i32
      %dma_start3A_663 = tpu.memref_slice %arg9[%dma_start3A_656, %dma_start3A_662] : memref<2x600xi32, #tpu.memory_space<vmem>> -> memref<1x88xi32, #tpu.memory_space<vmem>>
      %dma_start3A_664 = tpu.memref_squeeze %dma_start3A_663 : memref<1x88xi32, #tpu.memory_space<vmem>> -> memref<88xi32, #tpu.memory_space<vmem>>
      %dma_start3A_665 = arith.constant 0 : i32
      %dma_start3A_666 = arith.constant 0 : i32
      %dma_start3A_667 = tpu.memref_slice %arg4[%dma_start3A_665, %dma_start3A_666] : memref<100000x64xbf16, #tpu.memory_space<hbm>> -> memref<100000x64xbf16, #tpu.memory_space<hbm>>
      tpu.enqueue_indirect_dma source(%dma_start3A_667 : memref<100000x64xbf16, #tpu.memory_space<hbm>>) target(%dma_start3A_661 : memref<88x64xbf16, #tpu.memory_space<vmem>>) offsets(%dma_start3A_664 : memref<88xi32, #tpu.memory_space<vmem>>) semaphore(%arg15 : memref<!tpu.dma_semaphore, #tpu.memory_space<semaphore_mem>>)
      %dma_wait3A_668 = arith.constant 2 : i32
      %dma_wait3A_669 = arith.constant 0 : i32
      %dma_wait3A_670 = arith.constant 0 : i32
      %dma_wait3A_671 = arith.constant 0 : i32
      %dma_wait3A_672 = arith.constant 0 : i32
      %dma_wait3A_673 = tpu.memref_slice %arg10[%dma_wait3A_670, %dma_wait3A_671, %dma_wait3A_672] : memref<2x600x64xbf16, #tpu.memory_space<vmem>> -> memref<1x128x64xbf16, #tpu.memory_space<vmem>>
      %dma_wait3A_674 = tpu.memref_squeeze %dma_wait3A_673 : memref<1x128x64xbf16, #tpu.memory_space<vmem>> -> memref<128x64xbf16, #tpu.memory_space<vmem>>
      %dma_wait3A_675 = arith.constant 0 : i32
      %dma_wait3A_676 = tpu.memref_slice %arg9[%dma_wait3A_669, %dma_wait3A_675] : memref<2x600xi32, #tpu.memory_space<vmem>> -> memref<1x128xi32, #tpu.memory_space<vmem>>
      %dma_wait3A_677 = tpu.memref_squeeze %dma_wait3A_676 : memref<1x128xi32, #tpu.memory_space<vmem>> -> memref<128xi32, #tpu.memory_space<vmem>>
      %dma_wait3A_678 = arith.constant 0 : i32
      %dma_wait3A_679 = arith.constant 0 : i32
      %dma_wait3A_680 = tpu.memref_slice %arg3[%dma_wait3A_668, %dma_wait3A_678, %dma_wait3A_679] : memref<3x100000x64xbf16, #tpu.memory_space<hbm>> -> memref<1x100000x64xbf16, #tpu.memory_space<hbm>>
      %dma_wait3A_681 = tpu.memref_squeeze %dma_wait3A_680 : memref<1x100000x64xbf16, #tpu.memory_space<hbm>> -> memref<100000x64xbf16, #tpu.memory_space<hbm>>
      %dma_wait3A_682 = arith.constant 0 : i32
      %dma_wait3A_683 = arith.constant 0 : i32
      %dma_wait3A_684 = tpu.memref_slice %dma_wait3A_681[%dma_wait3A_682, %dma_wait3A_683] : memref<100000x64xbf16, #tpu.memory_space<hbm>> -> memref<100000x64xbf16, #tpu.memory_space<hbm>>
      tpu.wait_indirect_dma semaphore(%arg14 : memref<!tpu.dma_semaphore, #tpu.memory_space<semaphore_mem>>) src(%dma_wait3A_684 : memref<100000x64xbf16, #tpu.memory_space<hbm>>) dst(%dma_wait3A_674 : memref<128x64xbf16, #tpu.memory_space<vmem>>)
      %dma_wait3A_685 = arith.constant 2 : i32
      %dma_wait3A_686 = arith.constant 0 : i32
      %dma_wait3A_687 = arith.constant 0 : i32
      %dma_wait3A_688 = arith.constant 128 : i32
      %dma_wait3A_689 = arith.constant 0 : i32
      %dma_wait3A_690 = tpu.memref_slice %arg10[%dma_wait3A_687, %dma_wait3A_688, %dma_wait3A_689] : memref<2x600x64xbf16, #tpu.memory_space<vmem>> -> memref<1x128x64xbf16, #tpu.memory_space<vmem>>
      %dma_wait3A_691 = tpu.memref_squeeze %dma_wait3A_690 : memref<1x128x64xbf16, #tpu.memory_space<vmem>> -> memref<128x64xbf16, #tpu.memory_space<vmem>>
      %dma_wait3A_692 = arith.constant 128 : i32
      %dma_wait3A_693 = tpu.memref_slice %arg9[%dma_wait3A_686, %dma_wait3A_692] : memref<2x600xi32, #tpu.memory_space<vmem>> -> memref<1x128xi32, #tpu.memory_space<vmem>>
      %dma_wait3A_694 = tpu.memref_squeeze %dma_wait3A_693 : memref<1x128xi32, #tpu.memory_space<vmem>> -> memref<128xi32, #tpu.memory_space<vmem>>
      %dma_wait3A_695 = arith.constant 0 : i32
      %dma_wait3A_696 = arith.constant 0 : i32
      %dma_wait3A_697 = tpu.memref_slice %arg3[%dma_wait3A_685, %dma_wait3A_695, %dma_wait3A_696] : memref<3x100000x64xbf16, #tpu.memory_space<hbm>> -> memref<1x100000x64xbf16, #tpu.memory_space<hbm>>
      %dma_wait3A_698 = tpu.memref_squeeze %dma_wait3A_697 : memref<1x100000x64xbf16, #tpu.memory_space<hbm>> -> memref<100000x64xbf16, #tpu.memory_space<hbm>>
      %dma_wait3A_699 = arith.constant 0 : i32
      %dma_wait3A_700 = arith.constant 0 : i32
      %dma_wait3A_701 = tpu.memref_slice %dma_wait3A_698[%dma_wait3A_699, %dma_wait3A_700] : memref<100000x64xbf16, #tpu.memory_space<hbm>> -> memref<100000x64xbf16, #tpu.memory_space<hbm>>
      tpu.wait_indirect_dma semaphore(%arg14 : memref<!tpu.dma_semaphore, #tpu.memory_space<semaphore_mem>>) src(%dma_wait3A_701 : memref<100000x64xbf16, #tpu.memory_space<hbm>>) dst(%dma_wait3A_691 : memref<128x64xbf16, #tpu.memory_space<vmem>>)
      %dma_wait3A_702 = arith.constant 2 : i32
      %dma_wait3A_703 = arith.constant 0 : i32
      %dma_wait3A_704 = arith.constant 0 : i32
      %dma_wait3A_705 = arith.constant 256 : i32
      %dma_wait3A_706 = arith.constant 0 : i32
      %dma_wait3A_707 = tpu.memref_slice %arg10[%dma_wait3A_704, %dma_wait3A_705, %dma_wait3A_706] : memref<2x600x64xbf16, #tpu.memory_space<vmem>> -> memref<1x128x64xbf16, #tpu.memory_space<vmem>>
      %dma_wait3A_708 = tpu.memref_squeeze %dma_wait3A_707 : memref<1x128x64xbf16, #tpu.memory_space<vmem>> -> memref<128x64xbf16, #tpu.memory_space<vmem>>
      %dma_wait3A_709 = arith.constant 256 : i32
      %dma_wait3A_710 = tpu.memref_slice %arg9[%dma_wait3A_703, %dma_wait3A_709] : memref<2x600xi32, #tpu.memory_space<vmem>> -> memref<1x128xi32, #tpu.memory_space<vmem>>
      %dma_wait3A_711 = tpu.memref_squeeze %dma_wait3A_710 : memref<1x128xi32, #tpu.memory_space<vmem>> -> memref<128xi32, #tpu.memory_space<vmem>>
      %dma_wait3A_712 = arith.constant 0 : i32
      %dma_wait3A_713 = arith.constant 0 : i32
      %dma_wait3A_714 = tpu.memref_slice %arg3[%dma_wait3A_702, %dma_wait3A_712, %dma_wait3A_713] : memref<3x100000x64xbf16, #tpu.memory_space<hbm>> -> memref<1x100000x64xbf16, #tpu.memory_space<hbm>>
      %dma_wait3A_715 = tpu.memref_squeeze %dma_wait3A_714 : memref<1x100000x64xbf16, #tpu.memory_space<hbm>> -> memref<100000x64xbf16, #tpu.memory_space<hbm>>
      %dma_wait3A_716 = arith.constant 0 : i32
      %dma_wait3A_717 = arith.constant 0 : i32
      %dma_wait3A_718 = tpu.memref_slice %dma_wait3A_715[%dma_wait3A_716, %dma_wait3A_717] : memref<100000x64xbf16, #tpu.memory_space<hbm>> -> memref<100000x64xbf16, #tpu.memory_space<hbm>>
      tpu.wait_indirect_dma semaphore(%arg14 : memref<!tpu.dma_semaphore, #tpu.memory_space<semaphore_mem>>) src(%dma_wait3A_718 : memref<100000x64xbf16, #tpu.memory_space<hbm>>) dst(%dma_wait3A_708 : memref<128x64xbf16, #tpu.memory_space<vmem>>)
      %dma_wait3A_719 = arith.constant 2 : i32
      %dma_wait3A_720 = arith.constant 0 : i32
      %dma_wait3A_721 = arith.constant 0 : i32
      %dma_wait3A_722 = arith.constant 384 : i32
      %dma_wait3A_723 = arith.constant 0 : i32
      %dma_wait3A_724 = tpu.memref_slice %arg10[%dma_wait3A_721, %dma_wait3A_722, %dma_wait3A_723] : memref<2x600x64xbf16, #tpu.memory_space<vmem>> -> memref<1x128x64xbf16, #tpu.memory_space<vmem>>
      %dma_wait3A_725 = tpu.memref_squeeze %dma_wait3A_724 : memref<1x128x64xbf16, #tpu.memory_space<vmem>> -> memref<128x64xbf16, #tpu.memory_space<vmem>>
      %dma_wait3A_726 = arith.constant 384 : i32
      %dma_wait3A_727 = tpu.memref_slice %arg9[%dma_wait3A_720, %dma_wait3A_726] : memref<2x600xi32, #tpu.memory_space<vmem>> -> memref<1x128xi32, #tpu.memory_space<vmem>>
      %dma_wait3A_728 = tpu.memref_squeeze %dma_wait3A_727 : memref<1x128xi32, #tpu.memory_space<vmem>> -> memref<128xi32, #tpu.memory_space<vmem>>
      %dma_wait3A_729 = arith.constant 0 : i32
      %dma_wait3A_730 = arith.constant 0 : i32
      %dma_wait3A_731 = tpu.memref_slice %arg3[%dma_wait3A_719, %dma_wait3A_729, %dma_wait3A_730] : memref<3x100000x64xbf16, #tpu.memory_space<hbm>> -> memref<1x100000x64xbf16, #tpu.memory_space<hbm>>
      %dma_wait3A_732 = tpu.memref_squeeze %dma_wait3A_731 : memref<1x100000x64xbf16, #tpu.memory_space<hbm>> -> memref<100000x64xbf16, #tpu.memory_space<hbm>>
      %dma_wait3A_733 = arith.constant 0 : i32
      %dma_wait3A_734 = arith.constant 0 : i32
      %dma_wait3A_735 = tpu.memref_slice %dma_wait3A_732[%dma_wait3A_733, %dma_wait3A_734] : memref<100000x64xbf16, #tpu.memory_space<hbm>> -> memref<100000x64xbf16, #tpu.memory_space<hbm>>
      tpu.wait_indirect_dma semaphore(%arg14 : memref<!tpu.dma_semaphore, #tpu.memory_space<semaphore_mem>>) src(%dma_wait3A_735 : memref<100000x64xbf16, #tpu.memory_space<hbm>>) dst(%dma_wait3A_725 : memref<128x64xbf16, #tpu.memory_space<vmem>>)
      %dma_wait3A_736 = arith.constant 2 : i32
      %dma_wait3A_737 = arith.constant 0 : i32
      %dma_wait3A_738 = arith.constant 0 : i32
      %dma_wait3A_739 = arith.constant 512 : i32
      %dma_wait3A_740 = arith.constant 0 : i32
      %dma_wait3A_741 = tpu.memref_slice %arg10[%dma_wait3A_738, %dma_wait3A_739, %dma_wait3A_740] : memref<2x600x64xbf16, #tpu.memory_space<vmem>> -> memref<1x88x64xbf16, #tpu.memory_space<vmem>>
      %dma_wait3A_742 = tpu.memref_squeeze %dma_wait3A_741 : memref<1x88x64xbf16, #tpu.memory_space<vmem>> -> memref<88x64xbf16, #tpu.memory_space<vmem>>
      %dma_wait3A_743 = arith.constant 512 : i32
      %dma_wait3A_744 = tpu.memref_slice %arg9[%dma_wait3A_737, %dma_wait3A_743] : memref<2x600xi32, #tpu.memory_space<vmem>> -> memref<1x88xi32, #tpu.memory_space<vmem>>
      %dma_wait3A_745 = tpu.memref_squeeze %dma_wait3A_744 : memref<1x88xi32, #tpu.memory_space<vmem>> -> memref<88xi32, #tpu.memory_space<vmem>>
      %dma_wait3A_746 = arith.constant 0 : i32
      %dma_wait3A_747 = arith.constant 0 : i32
      %dma_wait3A_748 = tpu.memref_slice %arg3[%dma_wait3A_736, %dma_wait3A_746, %dma_wait3A_747] : memref<3x100000x64xbf16, #tpu.memory_space<hbm>> -> memref<1x100000x64xbf16, #tpu.memory_space<hbm>>
      %dma_wait3A_749 = tpu.memref_squeeze %dma_wait3A_748 : memref<1x100000x64xbf16, #tpu.memory_space<hbm>> -> memref<100000x64xbf16, #tpu.memory_space<hbm>>
      %dma_wait3A_750 = arith.constant 0 : i32
      %dma_wait3A_751 = arith.constant 0 : i32
      %dma_wait3A_752 = tpu.memref_slice %dma_wait3A_749[%dma_wait3A_750, %dma_wait3A_751] : memref<100000x64xbf16, #tpu.memory_space<hbm>> -> memref<100000x64xbf16, #tpu.memory_space<hbm>>
      tpu.wait_indirect_dma semaphore(%arg14 : memref<!tpu.dma_semaphore, #tpu.memory_space<semaphore_mem>>) src(%dma_wait3A_752 : memref<100000x64xbf16, #tpu.memory_space<hbm>>) dst(%dma_wait3A_742 : memref<88x64xbf16, #tpu.memory_space<vmem>>)
      %add3A_753 = arith.addi %mul3A_2, %scan3A_189 : i32
      %dma_wait3A_754 = arith.constant 0 : i32
      %dma_wait3A_755 = arith.constant 1 : i32
      %dma_wait3A_756 = arith.constant 0 : i32
      %dma_wait3A_757 = arith.constant 0 : i32
      %dma_wait3A_758 = tpu.memref_slice %arg11[%dma_wait3A_754, %dma_wait3A_756, %dma_wait3A_757] : memref<2x100x64xf32, #tpu.memory_space<vmem>> -> memref<1x100x64xf32, #tpu.memory_space<vmem>>
      %dma_wait3A_759 = tpu.memref_squeeze %dma_wait3A_758 : memref<1x100x64xf32, #tpu.memory_space<vmem>> -> memref<100x64xf32, #tpu.memory_space<vmem>>
      %dma_wait3A_760 = arith.constant 0 : i32
      %dma_wait3A_761 = arith.constant 0 : i32
      %dma_wait3A_762 = tpu.memref_slice %arg7[%dma_wait3A_755, %add3A_753, %dma_wait3A_760, %dma_wait3A_761] : memref<2x1024x200x128xf32, #tpu.memory_space<hbm>> -> memref<1x1x100x64xf32, #tpu.memory_space<hbm>>
      %dma_wait3A_763 = tpu.memref_squeeze %dma_wait3A_762 : memref<1x1x100x64xf32, #tpu.memory_space<hbm>> -> memref<100x64xf32, #tpu.memory_space<hbm>>
      %dma_wait3A_764 = arith.constant 0 : i32
      %dma_wait3A_765 = arith.constant 0 : i32
      %dma_wait3A_766 = tpu.memref_slice %arg7[%dma_wait3A_755, %add3A_753, %dma_wait3A_764, %dma_wait3A_765] : memref<2x1024x200x128xf32, #tpu.memory_space<hbm>> -> memref<1x1x100x64xf32, #tpu.memory_space<hbm>>
      %dma_wait3A_767 = tpu.memref_squeeze %dma_wait3A_766 : memref<1x1x100x64xf32, #tpu.memory_space<hbm>> -> memref<100x64xf32, #tpu.memory_space<hbm>>
      %dma_wait3A_768 = arith.constant 0 : i32
      %dma_wait3A_769 = arith.constant 0 : i32
      %dma_wait3A_770 = tpu.memref_slice %arg11[%dma_wait3A_754, %dma_wait3A_768, %dma_wait3A_769] : memref<2x100x64xf32, #tpu.memory_space<vmem>> -> memref<1x100x64xf32, #tpu.memory_space<vmem>>
      %dma_wait3A_771 = tpu.memref_squeeze %dma_wait3A_770 : memref<1x100x64xf32, #tpu.memory_space<vmem>> -> memref<100x64xf32, #tpu.memory_space<vmem>>
      tpu.wait_dma2 semaphore(%arg16 : memref<!tpu.dma_semaphore, #tpu.memory_space<semaphore_mem>>) src(%dma_wait3A_771 : memref<100x64xf32, #tpu.memory_space<vmem>>) dst(%dma_wait3A_767 : memref<100x64xf32, #tpu.memory_space<hbm>>)
      %scan3A_772 = arith.constant 0 : i32
      %scan3A_773 = arith.constant 0 : i32
      %scan3A_774 = arith.constant 100 : i32
      %scan3A_775 = arith.addi %scan3A_773, %scan3A_774 : i32
      %scan3A_776 = arith.constant 1 : i32
      %scan3A_777 = scf.for %scan3A_1730 = %scan3A_773 to %scan3A_775 step %scan3A_776 iter_args(%scan3A_1731 = %scan3A_772) -> (i32)  : i32 {
        %mul3A_1732 = arith.constant 6 : i32
        %mul3A_1733 = arith.muli %scan3A_1730, %mul3A_1732 : i32
        %add3A_1734 = arith.constant 0 : i32
        %add3A_1735 = arith.addi %mul3A_1733, %add3A_1734 : i32
        %get3A = arith.constant 0 : i32
        %get3A_1736 = arith.index_cast %get3A : i32 to index
        %get3A_1737 = arith.index_cast %add3A_1735 : i32 to index
        %get3A_1738 = arith.constant 0 : index
        %get3A_1739 = tpu.vector_load %arg10[%get3A_1736, %get3A_1737, %get3A_1738] {strides = array<i32>} : memref<2x600x64xbf16, #tpu.memory_space<vmem>>, vector<32xbf16>,
        %add3A_1740 = arith.constant 0 : i32
        %add3A_1741 = arith.addi %mul3A_1733, %add3A_1740 : i32
        %add3A_1742 = arith.constant 1 : i32
        %add3A_1743 = arith.addi %add3A_1741, %add3A_1742 : i32
        %get3A_1744 = arith.constant 0 : i32
        %get3A_1745 = arith.index_cast %get3A_1744 : i32 to index
        %get3A_1746 = arith.index_cast %add3A_1743 : i32 to index
        %get3A_1747 = arith.constant 0 : index
        %get3A_1748 = tpu.vector_load %arg10[%get3A_1745, %get3A_1746, %get3A_1747] {strides = array<i32>} : memref<2x600x64xbf16, #tpu.memory_space<vmem>>, vector<32xbf16>,
        %add3A_1749 = arith.addf %get3A_1739, %get3A_1748 : vector<32xbf16>
        %unpack3A = tpu.unpack_subelements %add3A_1749, 0 {pack_format = #tpu.pack_format<interleaved>} : vector<32xbf16> -> vector<16xf32>
        %unpack3A_1750 = tpu.unpack_subelements %add3A_1749, 1 {pack_format = #tpu.pack_format<interleaved>} : vector<32xbf16> -> vector<16xf32>
        %add3A_1751 = arith.constant 2 : i32
        %add3A_1752 = arith.addi %mul3A_1733, %add3A_1751 : i32
        %get3A_1753 = arith.constant 0 : i32
        %get3A_1754 = arith.index_cast %get3A_1753 : i32 to index
        %get3A_1755 = arith.index_cast %add3A_1752 : i32 to index
        %get3A_1756 = arith.constant 0 : index
        %get3A_1757 = tpu.vector_load %arg10[%get3A_1754, %get3A_1755, %get3A_1756] {strides = array<i32>} : memref<2x600x64xbf16, #tpu.memory_space<vmem>>, vector<32xbf16>,
        %add3A_1758 = arith.constant 2 : i32
        %add3A_1759 = arith.addi %mul3A_1733, %add3A_1758 : i32
        %add3A_1760 = arith.constant 1 : i32
        %add3A_1761 = arith.addi %add3A_1759, %add3A_1760 : i32
        %get3A_1762 = arith.constant 0 : i32
        %get3A_1763 = arith.index_cast %get3A_1762 : i32 to index
        %get3A_1764 = arith.index_cast %add3A_1761 : i32 to index
        %get3A_1765 = arith.constant 0 : index
        %get3A_1766 = tpu.vector_load %arg10[%get3A_1763, %get3A_1764, %get3A_1765] {strides = array<i32>} : memref<2x600x64xbf16, #tpu.memory_space<vmem>>, vector<32xbf16>,
        %add3A_1767 = arith.addf %get3A_1757, %get3A_1766 : vector<32xbf16>
        %unpack3A_1768 = tpu.unpack_subelements %add3A_1767, 0 {pack_format = #tpu.pack_format<interleaved>} : vector<32xbf16> -> vector<16xf32>
        %unpack3A_1769 = tpu.unpack_subelements %add3A_1767, 1 {pack_format = #tpu.pack_format<interleaved>} : vector<32xbf16> -> vector<16xf32>
        %add3A_1770 = arith.addf %unpack3A, %unpack3A_1768 : vector<16xf32>
        %add3A_1771 = arith.addf %unpack3A_1750, %unpack3A_1769 : vector<16xf32>
        %add3A_1772 = arith.constant 4 : i32
        %add3A_1773 = arith.addi %mul3A_1733, %add3A_1772 : i32
        %get3A_1774 = arith.constant 0 : i32
        %get3A_1775 = arith.index_cast %get3A_1774 : i32 to index
        %get3A_1776 = arith.index_cast %add3A_1773 : i32 to index
        %get3A_1777 = arith.constant 0 : index
        %get3A_1778 = tpu.vector_load %arg10[%get3A_1775, %get3A_1776, %get3A_1777] {strides = array<i32>} : memref<2x600x64xbf16, #tpu.memory_space<vmem>>, vector<32xbf16>,
        %add3A_1779 = arith.constant 4 : i32
        %add3A_1780 = arith.addi %mul3A_1733, %add3A_1779 : i32
        %add3A_1781 = arith.constant 1 : i32
        %add3A_1782 = arith.addi %add3A_1780, %add3A_1781 : i32
        %get3A_1783 = arith.constant 0 : i32
        %get3A_1784 = arith.index_cast %get3A_1783 : i32 to index
        %get3A_1785 = arith.index_cast %add3A_1782 : i32 to index
        %get3A_1786 = arith.constant 0 : index
        %get3A_1787 = tpu.vector_load %arg10[%get3A_1784, %get3A_1785, %get3A_1786] {strides = array<i32>} : memref<2x600x64xbf16, #tpu.memory_space<vmem>>, vector<32xbf16>,
        %add3A_1788 = arith.addf %get3A_1778, %get3A_1787 : vector<32xbf16>
        %unpack3A_1789 = tpu.unpack_subelements %add3A_1788, 0 {pack_format = #tpu.pack_format<interleaved>} : vector<32xbf16> -> vector<16xf32>
        %unpack3A_1790 = tpu.unpack_subelements %add3A_1788, 1 {pack_format = #tpu.pack_format<interleaved>} : vector<32xbf16> -> vector<16xf32>
        %add3A_1791 = arith.addf %add3A_1770, %unpack3A_1789 : vector<16xf32>
        %add3A_1792 = arith.addf %add3A_1771, %unpack3A_1790 : vector<16xf32>
        %swap3A = arith.constant 0 : i32
        %swap3A_1793 = arith.index_cast %swap3A : i32 to index
        %swap3A_1794 = arith.index_cast %scan3A_1730 : i32 to index
        %swap3A_1795 = arith.constant 0 : index
        %swap3A_1796 = tpu.vector_load %arg11[%swap3A_1793, %swap3A_1794, %swap3A_1795] {strides = array<i32>} : memref<2x100x64xf32, #tpu.memory_space<vmem>>, vector<16xf32>,
        tpu.vector_store %arg11[%swap3A_1793, %swap3A_1794, %swap3A_1795], %add3A_1791 {strides = array<i32>} : memref<2x100x64xf32, #tpu.memory_space<vmem>>, vector<16xf32>,
        %swap3A_1797 = arith.constant 0 : i32
        %swap3A_1798 = arith.index_cast %swap3A_1797 : i32 to index
        %swap3A_1799 = arith.index_cast %scan3A_1730 : i32 to index
        %swap3A_1800 = arith.constant 16 : index
        %swap3A_1801 = tpu.vector_load %arg11[%swap3A_1798, %swap3A_1799, %swap3A_1800] {strides = array<i32>} : memref<2x100x64xf32, #tpu.memory_space<vmem>>, vector<16xf32>,
        tpu.vector_store %arg11[%swap3A_1798, %swap3A_1799, %swap3A_1800], %add3A_1792 {strides = array<i32>} : memref<2x100x64xf32, #tpu.memory_space<vmem>>, vector<16xf32>,
        %add3A_1802 = arith.constant 0 : i32
        %add3A_1803 = arith.addi %mul3A_1733, %add3A_1802 : i32
        %get3A_1804 = arith.constant 0 : i32
        %get3A_1805 = arith.index_cast %get3A_1804 : i32 to index
        %get3A_1806 = arith.index_cast %add3A_1803 : i32 to index
        %get3A_1807 = arith.constant 32 : index
        %get3A_1808 = tpu.vector_load %arg10[%get3A_1805, %get3A_1806, %get3A_1807] {strides = array<i32>} : memref<2x600x64xbf16, #tpu.memory_space<vmem>>, vector<32xbf16>,
        %add3A_1809 = arith.constant 0 : i32
        %add3A_1810 = arith.addi %mul3A_1733, %add3A_1809 : i32
        %add3A_1811 = arith.constant 1 : i32
        %add3A_1812 = arith.addi %add3A_1810, %add3A_1811 : i32
        %get3A_1813 = arith.constant 0 : i32
        %get3A_1814 = arith.index_cast %get3A_1813 : i32 to index
        %get3A_1815 = arith.index_cast %add3A_1812 : i32 to index
        %get3A_1816 = arith.constant 32 : index
        %get3A_1817 = tpu.vector_load %arg10[%get3A_1814, %get3A_1815, %get3A_1816] {strides = array<i32>} : memref<2x600x64xbf16, #tpu.memory_space<vmem>>, vector<32xbf16>,
        %add3A_1818 = arith.addf %get3A_1808, %get3A_1817 : vector<32xbf16>
        %unpack3A_1819 = tpu.unpack_subelements %add3A_1818, 0 {pack_format = #tpu.pack_format<interleaved>} : vector<32xbf16> -> vector<16xf32>
        %unpack3A_1820 = tpu.unpack_subelements %add3A_1818, 1 {pack_format = #tpu.pack_format<interleaved>} : vector<32xbf16> -> vector<16xf32>
        %add3A_1821 = arith.constant 2 : i32
        %add3A_1822 = arith.addi %mul3A_1733, %add3A_1821 : i32
        %get3A_1823 = arith.constant 0 : i32
        %get3A_1824 = arith.index_cast %get3A_1823 : i32 to index
        %get3A_1825 = arith.index_cast %add3A_1822 : i32 to index
        %get3A_1826 = arith.constant 32 : index
        %get3A_1827 = tpu.vector_load %arg10[%get3A_1824, %get3A_1825, %get3A_1826] {strides = array<i32>} : memref<2x600x64xbf16, #tpu.memory_space<vmem>>, vector<32xbf16>,
        %add3A_1828 = arith.constant 2 : i32
        %add3A_1829 = arith.addi %mul3A_1733, %add3A_1828 : i32
        %add3A_1830 = arith.constant 1 : i32
        %add3A_1831 = arith.addi %add3A_1829, %add3A_1830 : i32
        %get3A_1832 = arith.constant 0 : i32
        %get3A_1833 = arith.index_cast %get3A_1832 : i32 to index
        %get3A_1834 = arith.index_cast %add3A_1831 : i32 to index
        %get3A_1835 = arith.constant 32 : index
        %get3A_1836 = tpu.vector_load %arg10[%get3A_1833, %get3A_1834, %get3A_1835] {strides = array<i32>} : memref<2x600x64xbf16, #tpu.memory_space<vmem>>, vector<32xbf16>,
        %add3A_1837 = arith.addf %get3A_1827, %get3A_1836 : vector<32xbf16>
        %unpack3A_1838 = tpu.unpack_subelements %add3A_1837, 0 {pack_format = #tpu.pack_format<interleaved>} : vector<32xbf16> -> vector<16xf32>
        %unpack3A_1839 = tpu.unpack_subelements %add3A_1837, 1 {pack_format = #tpu.pack_format<interleaved>} : vector<32xbf16> -> vector<16xf32>
        %add3A_1840 = arith.addf %unpack3A_1819, %unpack3A_1838 : vector<16xf32>
        %add3A_1841 = arith.addf %unpack3A_1820, %unpack3A_1839 : vector<16xf32>
        %add3A_1842 = arith.constant 4 : i32
        %add3A_1843 = arith.addi %mul3A_1733, %add3A_1842 : i32
        %get3A_1844 = arith.constant 0 : i32
        %get3A_1845 = arith.index_cast %get3A_1844 : i32 to index
        %get3A_1846 = arith.index_cast %add3A_1843 : i32 to index
        %get3A_1847 = arith.constant 32 : index
        %get3A_1848 = tpu.vector_load %arg10[%get3A_1845, %get3A_1846, %get3A_1847] {strides = array<i32>} : memref<2x600x64xbf16, #tpu.memory_space<vmem>>, vector<32xbf16>,
        %add3A_1849 = arith.constant 4 : i32
        %add3A_1850 = arith.addi %mul3A_1733, %add3A_1849 : i32
        %add3A_1851 = arith.constant 1 : i32
        %add3A_1852 = arith.addi %add3A_1850, %add3A_1851 : i32
        %get3A_1853 = arith.constant 0 : i32
        %get3A_1854 = arith.index_cast %get3A_1853 : i32 to index
        %get3A_1855 = arith.index_cast %add3A_1852 : i32 to index
        %get3A_1856 = arith.constant 32 : index
        %get3A_1857 = tpu.vector_load %arg10[%get3A_1854, %get3A_1855, %get3A_1856] {strides = array<i32>} : memref<2x600x64xbf16, #tpu.memory_space<vmem>>, vector<32xbf16>,
        %add3A_1858 = arith.addf %get3A_1848, %get3A_1857 : vector<32xbf16>
        %unpack3A_1859 = tpu.unpack_subelements %add3A_1858, 0 {pack_format = #tpu.pack_format<interleaved>} : vector<32xbf16> -> vector<16xf32>
        %unpack3A_1860 = tpu.unpack_subelements %add3A_1858, 1 {pack_format = #tpu.pack_format<interleaved>} : vector<32xbf16> -> vector<16xf32>
        %add3A_1861 = arith.addf %add3A_1840, %unpack3A_1859 : vector<16xf32>
        %add3A_1862 = arith.addf %add3A_1841, %unpack3A_1860 : vector<16xf32>
        %swap3A_1863 = arith.constant 0 : i32
        %swap3A_1864 = arith.index_cast %swap3A_1863 : i32 to index
        %swap3A_1865 = arith.index_cast %scan3A_1730 : i32 to index
        %swap3A_1866 = arith.constant 32 : index
        %swap3A_1867 = tpu.vector_load %arg11[%swap3A_1864, %swap3A_1865, %swap3A_1866] {strides = array<i32>} : memref<2x100x64xf32, #tpu.memory_space<vmem>>, vector<16xf32>,
        tpu.vector_store %arg11[%swap3A_1864, %swap3A_1865, %swap3A_1866], %add3A_1861 {strides = array<i32>} : memref<2x100x64xf32, #tpu.memory_space<vmem>>, vector<16xf32>,
        %swap3A_1868 = arith.constant 0 : i32
        %swap3A_1869 = arith.index_cast %swap3A_1868 : i32 to index
        %swap3A_1870 = arith.index_cast %scan3A_1730 : i32 to index
        %swap3A_1871 = arith.constant 48 : index
        %swap3A_1872 = tpu.vector_load %arg11[%swap3A_1869, %swap3A_1870, %swap3A_1871] {strides = array<i32>} : memref<2x100x64xf32, #tpu.memory_space<vmem>>, vector<16xf32>,
        tpu.vector_store %arg11[%swap3A_1869, %swap3A_1870, %swap3A_1871], %add3A_1862 {strides = array<i32>} : memref<2x100x64xf32, #tpu.memory_space<vmem>>, vector<16xf32>,
        %scan3A_1873 = arith.constant 0 : i32
        scf.yield %scan3A_1873 : i32
      }
      %scan3A_778 = arith.constant 100 : i32
      %dma_start3A_779 = arith.constant 0 : i32
      %dma_start3A_780 = arith.constant 1 : i32
      %dma_start3A_781 = arith.constant 0 : i32
      %dma_start3A_782 = arith.constant 0 : i32
      %dma_start3A_783 = tpu.memref_slice %arg11[%dma_start3A_779, %dma_start3A_781, %dma_start3A_782] : memref<2x100x64xf32, #tpu.memory_space<vmem>> -> memref<1x100x64xf32, #tpu.memory_space<vmem>>
      %dma_start3A_784 = tpu.memref_squeeze %dma_start3A_783 : memref<1x100x64xf32, #tpu.memory_space<vmem>> -> memref<100x64xf32, #tpu.memory_space<vmem>>
      %dma_start3A_785 = arith.constant 0 : i32
      %dma_start3A_786 = arith.constant 0 : i32
      %dma_start3A_787 = tpu.memref_slice %arg7[%dma_start3A_780, %add3A_753, %dma_start3A_785, %dma_start3A_786] : memref<2x1024x200x128xf32, #tpu.memory_space<hbm>> -> memref<1x1x100x64xf32, #tpu.memory_space<hbm>>
      %dma_start3A_788 = tpu.memref_squeeze %dma_start3A_787 : memref<1x1x100x64xf32, #tpu.memory_space<hbm>> -> memref<100x64xf32, #tpu.memory_space<hbm>>
      %dma_start3A_789 = arith.constant 0 : i32
      %dma_start3A_790 = arith.constant 0 : i32
      %dma_start3A_791 = tpu.memref_slice %arg7[%dma_start3A_780, %add3A_753, %dma_start3A_789, %dma_start3A_790] : memref<2x1024x200x128xf32, #tpu.memory_space<hbm>> -> memref<1x1x100x64xf32, #tpu.memory_space<hbm>>
      %dma_start3A_792 = tpu.memref_squeeze %dma_start3A_791 : memref<1x1x100x64xf32, #tpu.memory_space<hbm>> -> memref<100x64xf32, #tpu.memory_space<hbm>>
      %dma_start3A_793 = arith.constant 0 : i32
      %dma_start3A_794 = arith.constant 0 : i32
      %dma_start3A_795 = tpu.memref_slice %arg11[%dma_start3A_779, %dma_start3A_793, %dma_start3A_794] : memref<2x100x64xf32, #tpu.memory_space<vmem>> -> memref<1x100x64xf32, #tpu.memory_space<vmem>>
      %dma_start3A_796 = tpu.memref_squeeze %dma_start3A_795 : memref<1x100x64xf32, #tpu.memory_space<vmem>> -> memref<100x64xf32, #tpu.memory_space<vmem>>
      tpu.enqueue_dma source(%dma_start3A_796 : memref<100x64xf32, #tpu.memory_space<vmem>>) target(%dma_start3A_792 : memref<100x64xf32, #tpu.memory_space<hbm>>) target_semaphore(%arg16 : memref<!tpu.dma_semaphore, #tpu.memory_space<semaphore_mem>>)
      %add3A_797 = arith.addi %mul3A_2, %scan3A_189 : i32
      %mul3A_798 = arith.constant 200 : i32
      %mul3A_799 = arith.muli %add3A_797, %mul3A_798 : i32
      %add3A_800 = arith.constant 100 : i32
      %add3A_801 = arith.addi %mul3A_799, %add3A_800 : i32
      %mul3A_802 = arith.constant 6 : i32
      %mul3A_803 = arith.muli %add3A_801, %mul3A_802 : i32
      %dma_wait3A_804 = arith.constant 1 : i32
      %dma_wait3A_805 = arith.constant 0 : i32
      %dma_wait3A_806 = tpu.memref_slice %arg9[%dma_wait3A_804, %dma_wait3A_805] : memref<2x600xi32, #tpu.memory_space<vmem>> -> memref<1x600xi32, #tpu.memory_space<vmem>>
      %dma_wait3A_807 = tpu.memref_squeeze %dma_wait3A_806 : memref<1x600xi32, #tpu.memory_space<vmem>> -> memref<600xi32, #tpu.memory_space<vmem>>
      %dma_wait3A_808 = tpu.memref_slice %arg2[%mul3A_803] : memref<1228800xi32, #tpu.memory_space<hbm>> -> memref<600xi32, #tpu.memory_space<hbm>>
      %dma_wait3A_809 = arith.constant 0 : i32
      %dma_wait3A_810 = tpu.memref_slice %arg9[%dma_wait3A_804, %dma_wait3A_809] : memref<2x600xi32, #tpu.memory_space<vmem>> -> memref<1x600xi32, #tpu.memory_space<vmem>>
      %dma_wait3A_811 = tpu.memref_squeeze %dma_wait3A_810 : memref<1x600xi32, #tpu.memory_space<vmem>> -> memref<600xi32, #tpu.memory_space<vmem>>
      %dma_wait3A_812 = tpu.memref_slice %arg2[%mul3A_803] : memref<1228800xi32, #tpu.memory_space<hbm>> -> memref<600xi32, #tpu.memory_space<hbm>>
      tpu.wait_dma2 semaphore(%arg13 : memref<!tpu.dma_semaphore, #tpu.memory_space<semaphore_mem>>) src(%dma_wait3A_812 : memref<600xi32, #tpu.memory_space<hbm>>) dst(%dma_wait3A_811 : memref<600xi32, #tpu.memory_space<vmem>>)
      %dma_start3A_813 = arith.constant 0 : i32
      %dma_start3A_814 = arith.constant 1 : i32
      %dma_start3A_815 = arith.constant 0 : i32
      %dma_start3A_816 = arith.constant 0 : i32
      %dma_start3A_817 = arith.constant 0 : i32
      %dma_start3A_818 = tpu.memref_slice %arg10[%dma_start3A_815, %dma_start3A_816, %dma_start3A_817] : memref<2x600x64xbf16, #tpu.memory_space<vmem>> -> memref<1x128x64xbf16, #tpu.memory_space<vmem>>
      %dma_start3A_819 = tpu.memref_squeeze %dma_start3A_818 : memref<1x128x64xbf16, #tpu.memory_space<vmem>> -> memref<128x64xbf16, #tpu.memory_space<vmem>>
      %dma_start3A_820 = arith.constant 0 : i32
      %dma_start3A_821 = tpu.memref_slice %arg9[%dma_start3A_814, %dma_start3A_820] : memref<2x600xi32, #tpu.memory_space<vmem>> -> memref<1x128xi32, #tpu.memory_space<vmem>>
      %dma_start3A_822 = tpu.memref_squeeze %dma_start3A_821 : memref<1x128xi32, #tpu.memory_space<vmem>> -> memref<128xi32, #tpu.memory_space<vmem>>
      %dma_start3A_823 = arith.constant 0 : i32
      %dma_start3A_824 = arith.constant 0 : i32
      %dma_start3A_825 = tpu.memref_slice %arg3[%dma_start3A_813, %dma_start3A_823, %dma_start3A_824] : memref<3x100000x64xbf16, #tpu.memory_space<hbm>> -> memref<1x100000x64xbf16, #tpu.memory_space<hbm>>
      %dma_start3A_826 = tpu.memref_squeeze %dma_start3A_825 : memref<1x100000x64xbf16, #tpu.memory_space<hbm>> -> memref<100000x64xbf16, #tpu.memory_space<hbm>>
      %dma_start3A_827 = arith.constant 0 : i32
      %dma_start3A_828 = arith.constant 0 : i32
      %dma_start3A_829 = tpu.memref_slice %dma_start3A_826[%dma_start3A_827, %dma_start3A_828] : memref<100000x64xbf16, #tpu.memory_space<hbm>> -> memref<100000x64xbf16, #tpu.memory_space<hbm>>
      tpu.enqueue_indirect_dma source(%dma_start3A_829 : memref<100000x64xbf16, #tpu.memory_space<hbm>>) target(%dma_start3A_819 : memref<128x64xbf16, #tpu.memory_space<vmem>>) offsets(%dma_start3A_822 : memref<128xi32, #tpu.memory_space<vmem>>) semaphore(%arg14 : memref<!tpu.dma_semaphore, #tpu.memory_space<semaphore_mem>>)
      %dma_start3A_830 = arith.constant 0 : i32
      %dma_start3A_831 = arith.constant 1 : i32
      %dma_start3A_832 = arith.constant 0 : i32
      %dma_start3A_833 = arith.constant 128 : i32
      %dma_start3A_834 = arith.constant 0 : i32
      %dma_start3A_835 = tpu.memref_slice %arg10[%dma_start3A_832, %dma_start3A_833, %dma_start3A_834] : memref<2x600x64xbf16, #tpu.memory_space<vmem>> -> memref<1x128x64xbf16, #tpu.memory_space<vmem>>
      %dma_start3A_836 = tpu.memref_squeeze %dma_start3A_835 : memref<1x128x64xbf16, #tpu.memory_space<vmem>> -> memref<128x64xbf16, #tpu.memory_space<vmem>>
      %dma_start3A_837 = arith.constant 128 : i32
      %dma_start3A_838 = tpu.memref_slice %arg9[%dma_start3A_831, %dma_start3A_837] : memref<2x600xi32, #tpu.memory_space<vmem>> -> memref<1x128xi32, #tpu.memory_space<vmem>>
      %dma_start3A_839 = tpu.memref_squeeze %dma_start3A_838 : memref<1x128xi32, #tpu.memory_space<vmem>> -> memref<128xi32, #tpu.memory_space<vmem>>
      %dma_start3A_840 = arith.constant 0 : i32
      %dma_start3A_841 = arith.constant 0 : i32
      %dma_start3A_842 = tpu.memref_slice %arg3[%dma_start3A_830, %dma_start3A_840, %dma_start3A_841] : memref<3x100000x64xbf16, #tpu.memory_space<hbm>> -> memref<1x100000x64xbf16, #tpu.memory_space<hbm>>
      %dma_start3A_843 = tpu.memref_squeeze %dma_start3A_842 : memref<1x100000x64xbf16, #tpu.memory_space<hbm>> -> memref<100000x64xbf16, #tpu.memory_space<hbm>>
      %dma_start3A_844 = arith.constant 0 : i32
      %dma_start3A_845 = arith.constant 0 : i32
      %dma_start3A_846 = tpu.memref_slice %dma_start3A_843[%dma_start3A_844, %dma_start3A_845] : memref<100000x64xbf16, #tpu.memory_space<hbm>> -> memref<100000x64xbf16, #tpu.memory_space<hbm>>
      tpu.enqueue_indirect_dma source(%dma_start3A_846 : memref<100000x64xbf16, #tpu.memory_space<hbm>>) target(%dma_start3A_836 : memref<128x64xbf16, #tpu.memory_space<vmem>>) offsets(%dma_start3A_839 : memref<128xi32, #tpu.memory_space<vmem>>) semaphore(%arg14 : memref<!tpu.dma_semaphore, #tpu.memory_space<semaphore_mem>>)
      %dma_start3A_847 = arith.constant 0 : i32
      %dma_start3A_848 = arith.constant 1 : i32
      %dma_start3A_849 = arith.constant 0 : i32
      %dma_start3A_850 = arith.constant 256 : i32
      %dma_start3A_851 = arith.constant 0 : i32
      %dma_start3A_852 = tpu.memref_slice %arg10[%dma_start3A_849, %dma_start3A_850, %dma_start3A_851] : memref<2x600x64xbf16, #tpu.memory_space<vmem>> -> memref<1x128x64xbf16, #tpu.memory_space<vmem>>
      %dma_start3A_853 = tpu.memref_squeeze %dma_start3A_852 : memref<1x128x64xbf16, #tpu.memory_space<vmem>> -> memref<128x64xbf16, #tpu.memory_space<vmem>>
      %dma_start3A_854 = arith.constant 256 : i32
      %dma_start3A_855 = tpu.memref_slice %arg9[%dma_start3A_848, %dma_start3A_854] : memref<2x600xi32, #tpu.memory_space<vmem>> -> memref<1x128xi32, #tpu.memory_space<vmem>>
      %dma_start3A_856 = tpu.memref_squeeze %dma_start3A_855 : memref<1x128xi32, #tpu.memory_space<vmem>> -> memref<128xi32, #tpu.memory_space<vmem>>
      %dma_start3A_857 = arith.constant 0 : i32
      %dma_start3A_858 = arith.constant 0 : i32
      %dma_start3A_859 = tpu.memref_slice %arg3[%dma_start3A_847, %dma_start3A_857, %dma_start3A_858] : memref<3x100000x64xbf16, #tpu.memory_space<hbm>> -> memref<1x100000x64xbf16, #tpu.memory_space<hbm>>
      %dma_start3A_860 = tpu.memref_squeeze %dma_start3A_859 : memref<1x100000x64xbf16, #tpu.memory_space<hbm>> -> memref<100000x64xbf16, #tpu.memory_space<hbm>>
      %dma_start3A_861 = arith.constant 0 : i32
      %dma_start3A_862 = arith.constant 0 : i32
      %dma_start3A_863 = tpu.memref_slice %dma_start3A_860[%dma_start3A_861, %dma_start3A_862] : memref<100000x64xbf16, #tpu.memory_space<hbm>> -> memref<100000x64xbf16, #tpu.memory_space<hbm>>
      tpu.enqueue_indirect_dma source(%dma_start3A_863 : memref<100000x64xbf16, #tpu.memory_space<hbm>>) target(%dma_start3A_853 : memref<128x64xbf16, #tpu.memory_space<vmem>>) offsets(%dma_start3A_856 : memref<128xi32, #tpu.memory_space<vmem>>) semaphore(%arg14 : memref<!tpu.dma_semaphore, #tpu.memory_space<semaphore_mem>>)
      %dma_start3A_864 = arith.constant 0 : i32
      %dma_start3A_865 = arith.constant 1 : i32
      %dma_start3A_866 = arith.constant 0 : i32
      %dma_start3A_867 = arith.constant 384 : i32
      %dma_start3A_868 = arith.constant 0 : i32
      %dma_start3A_869 = tpu.memref_slice %arg10[%dma_start3A_866, %dma_start3A_867, %dma_start3A_868] : memref<2x600x64xbf16, #tpu.memory_space<vmem>> -> memref<1x128x64xbf16, #tpu.memory_space<vmem>>
      %dma_start3A_870 = tpu.memref_squeeze %dma_start3A_869 : memref<1x128x64xbf16, #tpu.memory_space<vmem>> -> memref<128x64xbf16, #tpu.memory_space<vmem>>
      %dma_start3A_871 = arith.constant 384 : i32
      %dma_start3A_872 = tpu.memref_slice %arg9[%dma_start3A_865, %dma_start3A_871] : memref<2x600xi32, #tpu.memory_space<vmem>> -> memref<1x128xi32, #tpu.memory_space<vmem>>
      %dma_start3A_873 = tpu.memref_squeeze %dma_start3A_872 : memref<1x128xi32, #tpu.memory_space<vmem>> -> memref<128xi32, #tpu.memory_space<vmem>>
      %dma_start3A_874 = arith.constant 0 : i32
      %dma_start3A_875 = arith.constant 0 : i32
      %dma_start3A_876 = tpu.memref_slice %arg3[%dma_start3A_864, %dma_start3A_874, %dma_start3A_875] : memref<3x100000x64xbf16, #tpu.memory_space<hbm>> -> memref<1x100000x64xbf16, #tpu.memory_space<hbm>>
      %dma_start3A_877 = tpu.memref_squeeze %dma_start3A_876 : memref<1x100000x64xbf16, #tpu.memory_space<hbm>> -> memref<100000x64xbf16, #tpu.memory_space<hbm>>
      %dma_start3A_878 = arith.constant 0 : i32
      %dma_start3A_879 = arith.constant 0 : i32
      %dma_start3A_880 = tpu.memref_slice %dma_start3A_877[%dma_start3A_878, %dma_start3A_879] : memref<100000x64xbf16, #tpu.memory_space<hbm>> -> memref<100000x64xbf16, #tpu.memory_space<hbm>>
      tpu.enqueue_indirect_dma source(%dma_start3A_880 : memref<100000x64xbf16, #tpu.memory_space<hbm>>) target(%dma_start3A_870 : memref<128x64xbf16, #tpu.memory_space<vmem>>) offsets(%dma_start3A_873 : memref<128xi32, #tpu.memory_space<vmem>>) semaphore(%arg14 : memref<!tpu.dma_semaphore, #tpu.memory_space<semaphore_mem>>)
      %dma_start3A_881 = arith.constant 0 : i32
      %dma_start3A_882 = arith.constant 1 : i32
      %dma_start3A_883 = arith.constant 0 : i32
      %dma_start3A_884 = arith.constant 512 : i32
      %dma_start3A_885 = arith.constant 0 : i32
      %dma_start3A_886 = tpu.memref_slice %arg10[%dma_start3A_883, %dma_start3A_884, %dma_start3A_885] : memref<2x600x64xbf16, #tpu.memory_space<vmem>> -> memref<1x88x64xbf16, #tpu.memory_space<vmem>>
      %dma_start3A_887 = tpu.memref_squeeze %dma_start3A_886 : memref<1x88x64xbf16, #tpu.memory_space<vmem>> -> memref<88x64xbf16, #tpu.memory_space<vmem>>
      %dma_start3A_888 = arith.constant 512 : i32
      %dma_start3A_889 = tpu.memref_slice %arg9[%dma_start3A_882, %dma_start3A_888] : memref<2x600xi32, #tpu.memory_space<vmem>> -> memref<1x88xi32, #tpu.memory_space<vmem>>
      %dma_start3A_890 = tpu.memref_squeeze %dma_start3A_889 : memref<1x88xi32, #tpu.memory_space<vmem>> -> memref<88xi32, #tpu.memory_space<vmem>>
      %dma_start3A_891 = arith.constant 0 : i32
      %dma_start3A_892 = arith.constant 0 : i32
      %dma_start3A_893 = tpu.memref_slice %arg3[%dma_start3A_881, %dma_start3A_891, %dma_start3A_892] : memref<3x100000x64xbf16, #tpu.memory_space<hbm>> -> memref<1x100000x64xbf16, #tpu.memory_space<hbm>>
      %dma_start3A_894 = tpu.memref_squeeze %dma_start3A_893 : memref<1x100000x64xbf16, #tpu.memory_space<hbm>> -> memref<100000x64xbf16, #tpu.memory_space<hbm>>
      %dma_start3A_895 = arith.constant 0 : i32
      %dma_start3A_896 = arith.constant 0 : i32
      %dma_start3A_897 = tpu.memref_slice %dma_start3A_894[%dma_start3A_895, %dma_start3A_896] : memref<100000x64xbf16, #tpu.memory_space<hbm>> -> memref<100000x64xbf16, #tpu.memory_space<hbm>>
      tpu.enqueue_indirect_dma source(%dma_start3A_897 : memref<100000x64xbf16, #tpu.memory_space<hbm>>) target(%dma_start3A_887 : memref<88x64xbf16, #tpu.memory_space<vmem>>) offsets(%dma_start3A_890 : memref<88xi32, #tpu.memory_space<vmem>>) semaphore(%arg14 : memref<!tpu.dma_semaphore, #tpu.memory_space<semaphore_mem>>)
      %dma_wait3A_898 = arith.constant 0 : i32
      %dma_wait3A_899 = arith.constant 1 : i32
      %dma_wait3A_900 = arith.constant 0 : i32
      %dma_wait3A_901 = arith.constant 0 : i32
      %dma_wait3A_902 = tpu.memref_slice %arg10[%dma_wait3A_899, %dma_wait3A_900, %dma_wait3A_901] : memref<2x600x64xbf16, #tpu.memory_space<vmem>> -> memref<1x128x64xbf16, #tpu.memory_space<vmem>>
      %dma_wait3A_903 = tpu.memref_squeeze %dma_wait3A_902 : memref<1x128x64xbf16, #tpu.memory_space<vmem>> -> memref<128x64xbf16, #tpu.memory_space<vmem>>
      %dma_wait3A_904 = arith.constant 0 : i32
      %dma_wait3A_905 = tpu.memref_slice %arg9[%dma_wait3A_898, %dma_wait3A_904] : memref<2x600xi32, #tpu.memory_space<vmem>> -> memref<1x128xi32, #tpu.memory_space<vmem>>
      %dma_wait3A_906 = tpu.memref_squeeze %dma_wait3A_905 : memref<1x128xi32, #tpu.memory_space<vmem>> -> memref<128xi32, #tpu.memory_space<vmem>>
      %dma_wait3A_907 = arith.constant 0 : i32
      %dma_wait3A_908 = arith.constant 0 : i32
      %dma_wait3A_909 = tpu.memref_slice %arg4[%dma_wait3A_907, %dma_wait3A_908] : memref<100000x64xbf16, #tpu.memory_space<hbm>> -> memref<100000x64xbf16, #tpu.memory_space<hbm>>
      tpu.wait_indirect_dma semaphore(%arg15 : memref<!tpu.dma_semaphore, #tpu.memory_space<semaphore_mem>>) src(%dma_wait3A_909 : memref<100000x64xbf16, #tpu.memory_space<hbm>>) dst(%dma_wait3A_903 : memref<128x64xbf16, #tpu.memory_space<vmem>>)
      %dma_wait3A_910 = arith.constant 0 : i32
      %dma_wait3A_911 = arith.constant 1 : i32
      %dma_wait3A_912 = arith.constant 128 : i32
      %dma_wait3A_913 = arith.constant 0 : i32
      %dma_wait3A_914 = tpu.memref_slice %arg10[%dma_wait3A_911, %dma_wait3A_912, %dma_wait3A_913] : memref<2x600x64xbf16, #tpu.memory_space<vmem>> -> memref<1x128x64xbf16, #tpu.memory_space<vmem>>
      %dma_wait3A_915 = tpu.memref_squeeze %dma_wait3A_914 : memref<1x128x64xbf16, #tpu.memory_space<vmem>> -> memref<128x64xbf16, #tpu.memory_space<vmem>>
      %dma_wait3A_916 = arith.constant 128 : i32
      %dma_wait3A_917 = tpu.memref_slice %arg9[%dma_wait3A_910, %dma_wait3A_916] : memref<2x600xi32, #tpu.memory_space<vmem>> -> memref<1x128xi32, #tpu.memory_space<vmem>>
      %dma_wait3A_918 = tpu.memref_squeeze %dma_wait3A_917 : memref<1x128xi32, #tpu.memory_space<vmem>> -> memref<128xi32, #tpu.memory_space<vmem>>
      %dma_wait3A_919 = arith.constant 0 : i32
      %dma_wait3A_920 = arith.constant 0 : i32
      %dma_wait3A_921 = tpu.memref_slice %arg4[%dma_wait3A_919, %dma_wait3A_920] : memref<100000x64xbf16, #tpu.memory_space<hbm>> -> memref<100000x64xbf16, #tpu.memory_space<hbm>>
      tpu.wait_indirect_dma semaphore(%arg15 : memref<!tpu.dma_semaphore, #tpu.memory_space<semaphore_mem>>) src(%dma_wait3A_921 : memref<100000x64xbf16, #tpu.memory_space<hbm>>) dst(%dma_wait3A_915 : memref<128x64xbf16, #tpu.memory_space<vmem>>)
      %dma_wait3A_922 = arith.constant 0 : i32
      %dma_wait3A_923 = arith.constant 1 : i32
      %dma_wait3A_924 = arith.constant 256 : i32
      %dma_wait3A_925 = arith.constant 0 : i32
      %dma_wait3A_926 = tpu.memref_slice %arg10[%dma_wait3A_923, %dma_wait3A_924, %dma_wait3A_925] : memref<2x600x64xbf16, #tpu.memory_space<vmem>> -> memref<1x128x64xbf16, #tpu.memory_space<vmem>>
      %dma_wait3A_927 = tpu.memref_squeeze %dma_wait3A_926 : memref<1x128x64xbf16, #tpu.memory_space<vmem>> -> memref<128x64xbf16, #tpu.memory_space<vmem>>
      %dma_wait3A_928 = arith.constant 256 : i32
      %dma_wait3A_929 = tpu.memref_slice %arg9[%dma_wait3A_922, %dma_wait3A_928] : memref<2x600xi32, #tpu.memory_space<vmem>> -> memref<1x128xi32, #tpu.memory_space<vmem>>
      %dma_wait3A_930 = tpu.memref_squeeze %dma_wait3A_929 : memref<1x128xi32, #tpu.memory_space<vmem>> -> memref<128xi32, #tpu.memory_space<vmem>>
      %dma_wait3A_931 = arith.constant 0 : i32
      %dma_wait3A_932 = arith.constant 0 : i32
      %dma_wait3A_933 = tpu.memref_slice %arg4[%dma_wait3A_931, %dma_wait3A_932] : memref<100000x64xbf16, #tpu.memory_space<hbm>> -> memref<100000x64xbf16, #tpu.memory_space<hbm>>
      tpu.wait_indirect_dma semaphore(%arg15 : memref<!tpu.dma_semaphore, #tpu.memory_space<semaphore_mem>>) src(%dma_wait3A_933 : memref<100000x64xbf16, #tpu.memory_space<hbm>>) dst(%dma_wait3A_927 : memref<128x64xbf16, #tpu.memory_space<vmem>>)
      %dma_wait3A_934 = arith.constant 0 : i32
      %dma_wait3A_935 = arith.constant 1 : i32
      %dma_wait3A_936 = arith.constant 384 : i32
      %dma_wait3A_937 = arith.constant 0 : i32
      %dma_wait3A_938 = tpu.memref_slice %arg10[%dma_wait3A_935, %dma_wait3A_936, %dma_wait3A_937] : memref<2x600x64xbf16, #tpu.memory_space<vmem>> -> memref<1x128x64xbf16, #tpu.memory_space<vmem>>
      %dma_wait3A_939 = tpu.memref_squeeze %dma_wait3A_938 : memref<1x128x64xbf16, #tpu.memory_space<vmem>> -> memref<128x64xbf16, #tpu.memory_space<vmem>>
      %dma_wait3A_940 = arith.constant 384 : i32
      %dma_wait3A_941 = tpu.memref_slice %arg9[%dma_wait3A_934, %dma_wait3A_940] : memref<2x600xi32, #tpu.memory_space<vmem>> -> memref<1x128xi32, #tpu.memory_space<vmem>>
      %dma_wait3A_942 = tpu.memref_squeeze %dma_wait3A_941 : memref<1x128xi32, #tpu.memory_space<vmem>> -> memref<128xi32, #tpu.memory_space<vmem>>
      %dma_wait3A_943 = arith.constant 0 : i32
      %dma_wait3A_944 = arith.constant 0 : i32
      %dma_wait3A_945 = tpu.memref_slice %arg4[%dma_wait3A_943, %dma_wait3A_944] : memref<100000x64xbf16, #tpu.memory_space<hbm>> -> memref<100000x64xbf16, #tpu.memory_space<hbm>>
      tpu.wait_indirect_dma semaphore(%arg15 : memref<!tpu.dma_semaphore, #tpu.memory_space<semaphore_mem>>) src(%dma_wait3A_945 : memref<100000x64xbf16, #tpu.memory_space<hbm>>) dst(%dma_wait3A_939 : memref<128x64xbf16, #tpu.memory_space<vmem>>)
      %dma_wait3A_946 = arith.constant 0 : i32
      %dma_wait3A_947 = arith.constant 1 : i32
      %dma_wait3A_948 = arith.constant 512 : i32
      %dma_wait3A_949 = arith.constant 0 : i32
      %dma_wait3A_950 = tpu.memref_slice %arg10[%dma_wait3A_947, %dma_wait3A_948, %dma_wait3A_949] : memref<2x600x64xbf16, #tpu.memory_space<vmem>> -> memref<1x88x64xbf16, #tpu.memory_space<vmem>>
      %dma_wait3A_951 = tpu.memref_squeeze %dma_wait3A_950 : memref<1x88x64xbf16, #tpu.memory_space<vmem>> -> memref<88x64xbf16, #tpu.memory_space<vmem>>
      %dma_wait3A_952 = arith.constant 512 : i32
      %dma_wait3A_953 = tpu.memref_slice %arg9[%dma_wait3A_946, %dma_wait3A_952] : memref<2x600xi32, #tpu.memory_space<vmem>> -> memref<1x88xi32, #tpu.memory_space<vmem>>
      %dma_wait3A_954 = tpu.memref_squeeze %dma_wait3A_953 : memref<1x88xi32, #tpu.memory_space<vmem>> -> memref<88xi32, #tpu.memory_space<vmem>>
      %dma_wait3A_955 = arith.constant 0 : i32
      %dma_wait3A_956 = arith.constant 0 : i32
      %dma_wait3A_957 = tpu.memref_slice %arg4[%dma_wait3A_955, %dma_wait3A_956] : memref<100000x64xbf16, #tpu.memory_space<hbm>> -> memref<100000x64xbf16, #tpu.memory_space<hbm>>
      tpu.wait_indirect_dma semaphore(%arg15 : memref<!tpu.dma_semaphore, #tpu.memory_space<semaphore_mem>>) src(%dma_wait3A_957 : memref<100000x64xbf16, #tpu.memory_space<hbm>>) dst(%dma_wait3A_951 : memref<88x64xbf16, #tpu.memory_space<vmem>>)
      %add3A_958 = arith.addi %mul3A_2, %scan3A_189 : i32
      %dma_wait3A_959 = arith.constant 1 : i32
      %dma_wait3A_960 = arith.constant 1 : i32
      %dma_wait3A_961 = arith.constant 0 : i32
      %dma_wait3A_962 = arith.constant 0 : i32
      %dma_wait3A_963 = tpu.memref_slice %arg11[%dma_wait3A_959, %dma_wait3A_961, %dma_wait3A_962] : memref<2x100x64xf32, #tpu.memory_space<vmem>> -> memref<1x100x64xf32, #tpu.memory_space<vmem>>
      %dma_wait3A_964 = tpu.memref_squeeze %dma_wait3A_963 : memref<1x100x64xf32, #tpu.memory_space<vmem>> -> memref<100x64xf32, #tpu.memory_space<vmem>>
      %dma_wait3A_965 = arith.constant 0 : i32
      %dma_wait3A_966 = arith.constant 64 : i32
      %dma_wait3A_967 = tpu.memref_slice %arg7[%dma_wait3A_960, %add3A_958, %dma_wait3A_965, %dma_wait3A_966] : memref<2x1024x200x128xf32, #tpu.memory_space<hbm>> -> memref<1x1x100x64xf32, #tpu.memory_space<hbm>>
      %dma_wait3A_968 = tpu.memref_squeeze %dma_wait3A_967 : memref<1x1x100x64xf32, #tpu.memory_space<hbm>> -> memref<100x64xf32, #tpu.memory_space<hbm>>
      %dma_wait3A_969 = arith.constant 0 : i32
      %dma_wait3A_970 = arith.constant 64 : i32
      %dma_wait3A_971 = tpu.memref_slice %arg7[%dma_wait3A_960, %add3A_958, %dma_wait3A_969, %dma_wait3A_970] : memref<2x1024x200x128xf32, #tpu.memory_space<hbm>> -> memref<1x1x100x64xf32, #tpu.memory_space<hbm>>
      %dma_wait3A_972 = tpu.memref_squeeze %dma_wait3A_971 : memref<1x1x100x64xf32, #tpu.memory_space<hbm>> -> memref<100x64xf32, #tpu.memory_space<hbm>>
      %dma_wait3A_973 = arith.constant 0 : i32
      %dma_wait3A_974 = arith.constant 0 : i32
      %dma_wait3A_975 = tpu.memref_slice %arg11[%dma_wait3A_959, %dma_wait3A_973, %dma_wait3A_974] : memref<2x100x64xf32, #tpu.memory_space<vmem>> -> memref<1x100x64xf32, #tpu.memory_space<vmem>>
      %dma_wait3A_976 = tpu.memref_squeeze %dma_wait3A_975 : memref<1x100x64xf32, #tpu.memory_space<vmem>> -> memref<100x64xf32, #tpu.memory_space<vmem>>
      tpu.wait_dma2 semaphore(%arg17 : memref<!tpu.dma_semaphore, #tpu.memory_space<semaphore_mem>>) src(%dma_wait3A_976 : memref<100x64xf32, #tpu.memory_space<vmem>>) dst(%dma_wait3A_972 : memref<100x64xf32, #tpu.memory_space<hbm>>)
      %scan3A_977 = arith.constant 0 : i32
      %scan3A_978 = arith.constant 0 : i32
      %scan3A_979 = arith.constant 100 : i32
      %scan3A_980 = arith.addi %scan3A_978, %scan3A_979 : i32
      %scan3A_981 = arith.constant 1 : i32
      %scan3A_982 = scf.for %scan3A_1730 = %scan3A_978 to %scan3A_980 step %scan3A_981 iter_args(%scan3A_1731 = %scan3A_977) -> (i32)  : i32 {
        %mul3A_1732 = arith.constant 6 : i32
        %mul3A_1733 = arith.muli %scan3A_1730, %mul3A_1732 : i32
        %add3A_1734 = arith.constant 0 : i32
        %add3A_1735 = arith.addi %mul3A_1733, %add3A_1734 : i32
        %get3A = arith.constant 1 : i32
        %get3A_1736 = arith.index_cast %get3A : i32 to index
        %get3A_1737 = arith.index_cast %add3A_1735 : i32 to index
        %get3A_1738 = arith.constant 0 : index
        %get3A_1739 = tpu.vector_load %arg10[%get3A_1736, %get3A_1737, %get3A_1738] {strides = array<i32>} : memref<2x600x64xbf16, #tpu.memory_space<vmem>>, vector<32xbf16>,
        %add3A_1740 = arith.constant 0 : i32
        %add3A_1741 = arith.addi %mul3A_1733, %add3A_1740 : i32
        %add3A_1742 = arith.constant 1 : i32
        %add3A_1743 = arith.addi %add3A_1741, %add3A_1742 : i32
        %get3A_1744 = arith.constant 1 : i32
        %get3A_1745 = arith.index_cast %get3A_1744 : i32 to index
        %get3A_1746 = arith.index_cast %add3A_1743 : i32 to index
        %get3A_1747 = arith.constant 0 : index
        %get3A_1748 = tpu.vector_load %arg10[%get3A_1745, %get3A_1746, %get3A_1747] {strides = array<i32>} : memref<2x600x64xbf16, #tpu.memory_space<vmem>>, vector<32xbf16>,
        %add3A_1749 = arith.addf %get3A_1739, %get3A_1748 : vector<32xbf16>
        %unpack3A = tpu.unpack_subelements %add3A_1749, 0 {pack_format = #tpu.pack_format<interleaved>} : vector<32xbf16> -> vector<16xf32>
        %unpack3A_1750 = tpu.unpack_subelements %add3A_1749, 1 {pack_format = #tpu.pack_format<interleaved>} : vector<32xbf16> -> vector<16xf32>
        %add3A_1751 = arith.constant 2 : i32
        %add3A_1752 = arith.addi %mul3A_1733, %add3A_1751 : i32
        %get3A_1753 = arith.constant 1 : i32
        %get3A_1754 = arith.index_cast %get3A_1753 : i32 to index
        %get3A_1755 = arith.index_cast %add3A_1752 : i32 to index
        %get3A_1756 = arith.constant 0 : index
        %get3A_1757 = tpu.vector_load %arg10[%get3A_1754, %get3A_1755, %get3A_1756] {strides = array<i32>} : memref<2x600x64xbf16, #tpu.memory_space<vmem>>, vector<32xbf16>,
        %add3A_1758 = arith.constant 2 : i32
        %add3A_1759 = arith.addi %mul3A_1733, %add3A_1758 : i32
        %add3A_1760 = arith.constant 1 : i32
        %add3A_1761 = arith.addi %add3A_1759, %add3A_1760 : i32
        %get3A_1762 = arith.constant 1 : i32
        %get3A_1763 = arith.index_cast %get3A_1762 : i32 to index
        %get3A_1764 = arith.index_cast %add3A_1761 : i32 to index
        %get3A_1765 = arith.constant 0 : index
        %get3A_1766 = tpu.vector_load %arg10[%get3A_1763, %get3A_1764, %get3A_1765] {strides = array<i32>} : memref<2x600x64xbf16, #tpu.memory_space<vmem>>, vector<32xbf16>,
        %add3A_1767 = arith.addf %get3A_1757, %get3A_1766 : vector<32xbf16>
        %unpack3A_1768 = tpu.unpack_subelements %add3A_1767, 0 {pack_format = #tpu.pack_format<interleaved>} : vector<32xbf16> -> vector<16xf32>
        %unpack3A_1769 = tpu.unpack_subelements %add3A_1767, 1 {pack_format = #tpu.pack_format<interleaved>} : vector<32xbf16> -> vector<16xf32>
        %add3A_1770 = arith.addf %unpack3A, %unpack3A_1768 : vector<16xf32>
        %add3A_1771 = arith.addf %unpack3A_1750, %unpack3A_1769 : vector<16xf32>
        %add3A_1772 = arith.constant 4 : i32
        %add3A_1773 = arith.addi %mul3A_1733, %add3A_1772 : i32
        %get3A_1774 = arith.constant 1 : i32
        %get3A_1775 = arith.index_cast %get3A_1774 : i32 to index
        %get3A_1776 = arith.index_cast %add3A_1773 : i32 to index
        %get3A_1777 = arith.constant 0 : index
        %get3A_1778 = tpu.vector_load %arg10[%get3A_1775, %get3A_1776, %get3A_1777] {strides = array<i32>} : memref<2x600x64xbf16, #tpu.memory_space<vmem>>, vector<32xbf16>,
        %add3A_1779 = arith.constant 4 : i32
        %add3A_1780 = arith.addi %mul3A_1733, %add3A_1779 : i32
        %add3A_1781 = arith.constant 1 : i32
        %add3A_1782 = arith.addi %add3A_1780, %add3A_1781 : i32
        %get3A_1783 = arith.constant 1 : i32
        %get3A_1784 = arith.index_cast %get3A_1783 : i32 to index
        %get3A_1785 = arith.index_cast %add3A_1782 : i32 to index
        %get3A_1786 = arith.constant 0 : index
        %get3A_1787 = tpu.vector_load %arg10[%get3A_1784, %get3A_1785, %get3A_1786] {strides = array<i32>} : memref<2x600x64xbf16, #tpu.memory_space<vmem>>, vector<32xbf16>,
        %add3A_1788 = arith.addf %get3A_1778, %get3A_1787 : vector<32xbf16>
        %unpack3A_1789 = tpu.unpack_subelements %add3A_1788, 0 {pack_format = #tpu.pack_format<interleaved>} : vector<32xbf16> -> vector<16xf32>
        %unpack3A_1790 = tpu.unpack_subelements %add3A_1788, 1 {pack_format = #tpu.pack_format<interleaved>} : vector<32xbf16> -> vector<16xf32>
        %add3A_1791 = arith.addf %add3A_1770, %unpack3A_1789 : vector<16xf32>
        %add3A_1792 = arith.addf %add3A_1771, %unpack3A_1790 : vector<16xf32>
        %swap3A = arith.constant 1 : i32
        %swap3A_1793 = arith.index_cast %swap3A : i32 to index
        %swap3A_1794 = arith.index_cast %scan3A_1730 : i32 to index
        %swap3A_1795 = arith.constant 0 : index
        %swap3A_1796 = tpu.vector_load %arg11[%swap3A_1793, %swap3A_1794, %swap3A_1795] {strides = array<i32>} : memref<2x100x64xf32, #tpu.memory_space<vmem>>, vector<16xf32>,
        tpu.vector_store %arg11[%swap3A_1793, %swap3A_1794, %swap3A_1795], %add3A_1791 {strides = array<i32>} : memref<2x100x64xf32, #tpu.memory_space<vmem>>, vector<16xf32>,
        %swap3A_1797 = arith.constant 1 : i32
        %swap3A_1798 = arith.index_cast %swap3A_1797 : i32 to index
        %swap3A_1799 = arith.index_cast %scan3A_1730 : i32 to index
        %swap3A_1800 = arith.constant 16 : index
        %swap3A_1801 = tpu.vector_load %arg11[%swap3A_1798, %swap3A_1799, %swap3A_1800] {strides = array<i32>} : memref<2x100x64xf32, #tpu.memory_space<vmem>>, vector<16xf32>,
        tpu.vector_store %arg11[%swap3A_1798, %swap3A_1799, %swap3A_1800], %add3A_1792 {strides = array<i32>} : memref<2x100x64xf32, #tpu.memory_space<vmem>>, vector<16xf32>,
        %add3A_1802 = arith.constant 0 : i32
        %add3A_1803 = arith.addi %mul3A_1733, %add3A_1802 : i32
        %get3A_1804 = arith.constant 1 : i32
        %get3A_1805 = arith.index_cast %get3A_1804 : i32 to index
        %get3A_1806 = arith.index_cast %add3A_1803 : i32 to index
        %get3A_1807 = arith.constant 32 : index
        %get3A_1808 = tpu.vector_load %arg10[%get3A_1805, %get3A_1806, %get3A_1807] {strides = array<i32>} : memref<2x600x64xbf16, #tpu.memory_space<vmem>>, vector<32xbf16>,
        %add3A_1809 = arith.constant 0 : i32
        %add3A_1810 = arith.addi %mul3A_1733, %add3A_1809 : i32
        %add3A_1811 = arith.constant 1 : i32
        %add3A_1812 = arith.addi %add3A_1810, %add3A_1811 : i32
        %get3A_1813 = arith.constant 1 : i32
        %get3A_1814 = arith.index_cast %get3A_1813 : i32 to index
        %get3A_1815 = arith.index_cast %add3A_1812 : i32 to index
        %get3A_1816 = arith.constant 32 : index
        %get3A_1817 = tpu.vector_load %arg10[%get3A_1814, %get3A_1815, %get3A_1816] {strides = array<i32>} : memref<2x600x64xbf16, #tpu.memory_space<vmem>>, vector<32xbf16>,
        %add3A_1818 = arith.addf %get3A_1808, %get3A_1817 : vector<32xbf16>
        %unpack3A_1819 = tpu.unpack_subelements %add3A_1818, 0 {pack_format = #tpu.pack_format<interleaved>} : vector<32xbf16> -> vector<16xf32>
        %unpack3A_1820 = tpu.unpack_subelements %add3A_1818, 1 {pack_format = #tpu.pack_format<interleaved>} : vector<32xbf16> -> vector<16xf32>
        %add3A_1821 = arith.constant 2 : i32
        %add3A_1822 = arith.addi %mul3A_1733, %add3A_1821 : i32
        %get3A_1823 = arith.constant 1 : i32
        %get3A_1824 = arith.index_cast %get3A_1823 : i32 to index
        %get3A_1825 = arith.index_cast %add3A_1822 : i32 to index
        %get3A_1826 = arith.constant 32 : index
        %get3A_1827 = tpu.vector_load %arg10[%get3A_1824, %get3A_1825, %get3A_1826] {strides = array<i32>} : memref<2x600x64xbf16, #tpu.memory_space<vmem>>, vector<32xbf16>,
        %add3A_1828 = arith.constant 2 : i32
        %add3A_1829 = arith.addi %mul3A_1733, %add3A_1828 : i32
        %add3A_1830 = arith.constant 1 : i32
        %add3A_1831 = arith.addi %add3A_1829, %add3A_1830 : i32
        %get3A_1832 = arith.constant 1 : i32
        %get3A_1833 = arith.index_cast %get3A_1832 : i32 to index
        %get3A_1834 = arith.index_cast %add3A_1831 : i32 to index
        %get3A_1835 = arith.constant 32 : index
        %get3A_1836 = tpu.vector_load %arg10[%get3A_1833, %get3A_1834, %get3A_1835] {strides = array<i32>} : memref<2x600x64xbf16, #tpu.memory_space<vmem>>, vector<32xbf16>,
        %add3A_1837 = arith.addf %get3A_1827, %get3A_1836 : vector<32xbf16>
        %unpack3A_1838 = tpu.unpack_subelements %add3A_1837, 0 {pack_format = #tpu.pack_format<interleaved>} : vector<32xbf16> -> vector<16xf32>
        %unpack3A_1839 = tpu.unpack_subelements %add3A_1837, 1 {pack_format = #tpu.pack_format<interleaved>} : vector<32xbf16> -> vector<16xf32>
        %add3A_1840 = arith.addf %unpack3A_1819, %unpack3A_1838 : vector<16xf32>
        %add3A_1841 = arith.addf %unpack3A_1820, %unpack3A_1839 : vector<16xf32>
        %add3A_1842 = arith.constant 4 : i32
        %add3A_1843 = arith.addi %mul3A_1733, %add3A_1842 : i32
        %get3A_1844 = arith.constant 1 : i32
        %get3A_1845 = arith.index_cast %get3A_1844 : i32 to index
        %get3A_1846 = arith.index_cast %add3A_1843 : i32 to index
        %get3A_1847 = arith.constant 32 : index
        %get3A_1848 = tpu.vector_load %arg10[%get3A_1845, %get3A_1846, %get3A_1847] {strides = array<i32>} : memref<2x600x64xbf16, #tpu.memory_space<vmem>>, vector<32xbf16>,
        %add3A_1849 = arith.constant 4 : i32
        %add3A_1850 = arith.addi %mul3A_1733, %add3A_1849 : i32
        %add3A_1851 = arith.constant 1 : i32
        %add3A_1852 = arith.addi %add3A_1850, %add3A_1851 : i32
        %get3A_1853 = arith.constant 1 : i32
        %get3A_1854 = arith.index_cast %get3A_1853 : i32 to index
        %get3A_1855 = arith.index_cast %add3A_1852 : i32 to index
        %get3A_1856 = arith.constant 32 : index
        %get3A_1857 = tpu.vector_load %arg10[%get3A_1854, %get3A_1855, %get3A_1856] {strides = array<i32>} : memref<2x600x64xbf16, #tpu.memory_space<vmem>>, vector<32xbf16>,
        %add3A_1858 = arith.addf %get3A_1848, %get3A_1857 : vector<32xbf16>
        %unpack3A_1859 = tpu.unpack_subelements %add3A_1858, 0 {pack_format = #tpu.pack_format<interleaved>} : vector<32xbf16> -> vector<16xf32>
        %unpack3A_1860 = tpu.unpack_subelements %add3A_1858, 1 {pack_format = #tpu.pack_format<interleaved>} : vector<32xbf16> -> vector<16xf32>
        %add3A_1861 = arith.addf %add3A_1840, %unpack3A_1859 : vector<16xf32>
        %add3A_1862 = arith.addf %add3A_1841, %unpack3A_1860 : vector<16xf32>
        %swap3A_1863 = arith.constant 1 : i32
        %swap3A_1864 = arith.index_cast %swap3A_1863 : i32 to index
        %swap3A_1865 = arith.index_cast %scan3A_1730 : i32 to index
        %swap3A_1866 = arith.constant 32 : index
        %swap3A_1867 = tpu.vector_load %arg11[%swap3A_1864, %swap3A_1865, %swap3A_1866] {strides = array<i32>} : memref<2x100x64xf32, #tpu.memory_space<vmem>>, vector<16xf32>,
        tpu.vector_store %arg11[%swap3A_1864, %swap3A_1865, %swap3A_1866], %add3A_1861 {strides = array<i32>} : memref<2x100x64xf32, #tpu.memory_space<vmem>>, vector<16xf32>,
        %swap3A_1868 = arith.constant 1 : i32
        %swap3A_1869 = arith.index_cast %swap3A_1868 : i32 to index
        %swap3A_1870 = arith.index_cast %scan3A_1730 : i32 to index
        %swap3A_1871 = arith.constant 48 : index
        %swap3A_1872 = tpu.vector_load %arg11[%swap3A_1869, %swap3A_1870, %swap3A_1871] {strides = array<i32>} : memref<2x100x64xf32, #tpu.memory_space<vmem>>, vector<16xf32>,
        tpu.vector_store %arg11[%swap3A_1869, %swap3A_1870, %swap3A_1871], %add3A_1862 {strides = array<i32>} : memref<2x100x64xf32, #tpu.memory_space<vmem>>, vector<16xf32>,
        %scan3A_1873 = arith.constant 0 : i32
        scf.yield %scan3A_1873 : i32
      }
      %scan3A_983 = arith.constant 100 : i32
      %dma_start3A_984 = arith.constant 1 : i32
      %dma_start3A_985 = arith.constant 1 : i32
      %dma_start3A_986 = arith.constant 0 : i32
      %dma_start3A_987 = arith.constant 0 : i32
      %dma_start3A_988 = tpu.memref_slice %arg11[%dma_start3A_984, %dma_start3A_986, %dma_start3A_987] : memref<2x100x64xf32, #tpu.memory_space<vmem>> -> memref<1x100x64xf32, #tpu.memory_space<vmem>>
      %dma_start3A_989 = tpu.memref_squeeze %dma_start3A_988 : memref<1x100x64xf32, #tpu.memory_space<vmem>> -> memref<100x64xf32, #tpu.memory_space<vmem>>
      %dma_start3A_990 = arith.constant 0 : i32
      %dma_start3A_991 = arith.constant 64 : i32
      %dma_start3A_992 = tpu.memref_slice %arg7[%dma_start3A_985, %add3A_958, %dma_start3A_990, %dma_start3A_991] : memref<2x1024x200x128xf32, #tpu.memory_space<hbm>> -> memref<1x1x100x64xf32, #tpu.memory_space<hbm>>
      %dma_start3A_993 = tpu.memref_squeeze %dma_start3A_992 : memref<1x1x100x64xf32, #tpu.memory_space<hbm>> -> memref<100x64xf32, #tpu.memory_space<hbm>>
      %dma_start3A_994 = arith.constant 0 : i32
      %dma_start3A_995 = arith.constant 64 : i32
      %dma_start3A_996 = tpu.memref_slice %arg7[%dma_start3A_985, %add3A_958, %dma_start3A_994, %dma_start3A_995] : memref<2x1024x200x128xf32, #tpu.memory_space<hbm>> -> memref<1x1x100x64xf32, #tpu.memory_space<hbm>>
      %dma_start3A_997 = tpu.memref_squeeze %dma_start3A_996 : memref<1x1x100x64xf32, #tpu.memory_space<hbm>> -> memref<100x64xf32, #tpu.memory_space<hbm>>
      %dma_start3A_998 = arith.constant 0 : i32
      %dma_start3A_999 = arith.constant 0 : i32
      %dma_start3A_1000 = tpu.memref_slice %arg11[%dma_start3A_984, %dma_start3A_998, %dma_start3A_999] : memref<2x100x64xf32, #tpu.memory_space<vmem>> -> memref<1x100x64xf32, #tpu.memory_space<vmem>>
      %dma_start3A_1001 = tpu.memref_squeeze %dma_start3A_1000 : memref<1x100x64xf32, #tpu.memory_space<vmem>> -> memref<100x64xf32, #tpu.memory_space<vmem>>
      tpu.enqueue_dma source(%dma_start3A_1001 : memref<100x64xf32, #tpu.memory_space<vmem>>) target(%dma_start3A_997 : memref<100x64xf32, #tpu.memory_space<hbm>>) target_semaphore(%arg17 : memref<!tpu.dma_semaphore, #tpu.memory_space<semaphore_mem>>)
      %dma_start3A_1002 = arith.constant 1 : i32
      %dma_start3A_1003 = arith.constant 1 : i32
      %dma_start3A_1004 = arith.constant 1 : i32
      %dma_start3A_1005 = arith.constant 0 : i32
      %dma_start3A_1006 = arith.constant 0 : i32
      %dma_start3A_1007 = tpu.memref_slice %arg10[%dma_start3A_1004, %dma_start3A_1005, %dma_start3A_1006] : memref<2x600x64xbf16, #tpu.memory_space<vmem>> -> memref<1x128x64xbf16, #tpu.memory_space<vmem>>
      %dma_start3A_1008 = tpu.memref_squeeze %dma_start3A_1007 : memref<1x128x64xbf16, #tpu.memory_space<vmem>> -> memref<128x64xbf16, #tpu.memory_space<vmem>>
      %dma_start3A_1009 = arith.constant 0 : i32
      %dma_start3A_1010 = tpu.memref_slice %arg9[%dma_start3A_1003, %dma_start3A_1009] : memref<2x600xi32, #tpu.memory_space<vmem>> -> memref<1x128xi32, #tpu.memory_space<vmem>>
      %dma_start3A_1011 = tpu.memref_squeeze %dma_start3A_1010 : memref<1x128xi32, #tpu.memory_space<vmem>> -> memref<128xi32, #tpu.memory_space<vmem>>
      %dma_start3A_1012 = arith.constant 0 : i32
      %dma_start3A_1013 = arith.constant 0 : i32
      %dma_start3A_1014 = tpu.memref_slice %arg3[%dma_start3A_1002, %dma_start3A_1012, %dma_start3A_1013] : memref<3x100000x64xbf16, #tpu.memory_space<hbm>> -> memref<1x100000x64xbf16, #tpu.memory_space<hbm>>
      %dma_start3A_1015 = tpu.memref_squeeze %dma_start3A_1014 : memref<1x100000x64xbf16, #tpu.memory_space<hbm>> -> memref<100000x64xbf16, #tpu.memory_space<hbm>>
      %dma_start3A_1016 = arith.constant 0 : i32
      %dma_start3A_1017 = arith.constant 0 : i32
      %dma_start3A_1018 = tpu.memref_slice %dma_start3A_1015[%dma_start3A_1016, %dma_start3A_1017] : memref<100000x64xbf16, #tpu.memory_space<hbm>> -> memref<100000x64xbf16, #tpu.memory_space<hbm>>
      tpu.enqueue_indirect_dma source(%dma_start3A_1018 : memref<100000x64xbf16, #tpu.memory_space<hbm>>) target(%dma_start3A_1008 : memref<128x64xbf16, #tpu.memory_space<vmem>>) offsets(%dma_start3A_1011 : memref<128xi32, #tpu.memory_space<vmem>>) semaphore(%arg15 : memref<!tpu.dma_semaphore, #tpu.memory_space<semaphore_mem>>)
      %dma_start3A_1019 = arith.constant 1 : i32
      %dma_start3A_1020 = arith.constant 1 : i32
      %dma_start3A_1021 = arith.constant 1 : i32
      %dma_start3A_1022 = arith.constant 128 : i32
      %dma_start3A_1023 = arith.constant 0 : i32
      %dma_start3A_1024 = tpu.memref_slice %arg10[%dma_start3A_1021, %dma_start3A_1022, %dma_start3A_1023] : memref<2x600x64xbf16, #tpu.memory_space<vmem>> -> memref<1x128x64xbf16, #tpu.memory_space<vmem>>
      %dma_start3A_1025 = tpu.memref_squeeze %dma_start3A_1024 : memref<1x128x64xbf16, #tpu.memory_space<vmem>> -> memref<128x64xbf16, #tpu.memory_space<vmem>>
      %dma_start3A_1026 = arith.constant 128 : i32
      %dma_start3A_1027 = tpu.memref_slice %arg9[%dma_start3A_1020, %dma_start3A_1026] : memref<2x600xi32, #tpu.memory_space<vmem>> -> memref<1x128xi32, #tpu.memory_space<vmem>>
      %dma_start3A_1028 = tpu.memref_squeeze %dma_start3A_1027 : memref<1x128xi32, #tpu.memory_space<vmem>> -> memref<128xi32, #tpu.memory_space<vmem>>
      %dma_start3A_1029 = arith.constant 0 : i32
      %dma_start3A_1030 = arith.constant 0 : i32
      %dma_start3A_1031 = tpu.memref_slice %arg3[%dma_start3A_1019, %dma_start3A_1029, %dma_start3A_1030] : memref<3x100000x64xbf16, #tpu.memory_space<hbm>> -> memref<1x100000x64xbf16, #tpu.memory_space<hbm>>
      %dma_start3A_1032 = tpu.memref_squeeze %dma_start3A_1031 : memref<1x100000x64xbf16, #tpu.memory_space<hbm>> -> memref<100000x64xbf16, #tpu.memory_space<hbm>>
      %dma_start3A_1033 = arith.constant 0 : i32
      %dma_start3A_1034 = arith.constant 0 : i32
      %dma_start3A_1035 = tpu.memref_slice %dma_start3A_1032[%dma_start3A_1033, %dma_start3A_1034] : memref<100000x64xbf16, #tpu.memory_space<hbm>> -> memref<100000x64xbf16, #tpu.memory_space<hbm>>
      tpu.enqueue_indirect_dma source(%dma_start3A_1035 : memref<100000x64xbf16, #tpu.memory_space<hbm>>) target(%dma_start3A_1025 : memref<128x64xbf16, #tpu.memory_space<vmem>>) offsets(%dma_start3A_1028 : memref<128xi32, #tpu.memory_space<vmem>>) semaphore(%arg15 : memref<!tpu.dma_semaphore, #tpu.memory_space<semaphore_mem>>)
      %dma_start3A_1036 = arith.constant 1 : i32
      %dma_start3A_1037 = arith.constant 1 : i32
      %dma_start3A_1038 = arith.constant 1 : i32
      %dma_start3A_1039 = arith.constant 256 : i32
      %dma_start3A_1040 = arith.constant 0 : i32
      %dma_start3A_1041 = tpu.memref_slice %arg10[%dma_start3A_1038, %dma_start3A_1039, %dma_start3A_1040] : memref<2x600x64xbf16, #tpu.memory_space<vmem>> -> memref<1x128x64xbf16, #tpu.memory_space<vmem>>
      %dma_start3A_1042 = tpu.memref_squeeze %dma_start3A_1041 : memref<1x128x64xbf16, #tpu.memory_space<vmem>> -> memref<128x64xbf16, #tpu.memory_space<vmem>>
      %dma_start3A_1043 = arith.constant 256 : i32
      %dma_start3A_1044 = tpu.memref_slice %arg9[%dma_start3A_1037, %dma_start3A_1043] : memref<2x600xi32, #tpu.memory_space<vmem>> -> memref<1x128xi32, #tpu.memory_space<vmem>>
      %dma_start3A_1045 = tpu.memref_squeeze %dma_start3A_1044 : memref<1x128xi32, #tpu.memory_space<vmem>> -> memref<128xi32, #tpu.memory_space<vmem>>
      %dma_start3A_1046 = arith.constant 0 : i32
      %dma_start3A_1047 = arith.constant 0 : i32
      %dma_start3A_1048 = tpu.memref_slice %arg3[%dma_start3A_1036, %dma_start3A_1046, %dma_start3A_1047] : memref<3x100000x64xbf16, #tpu.memory_space<hbm>> -> memref<1x100000x64xbf16, #tpu.memory_space<hbm>>
      %dma_start3A_1049 = tpu.memref_squeeze %dma_start3A_1048 : memref<1x100000x64xbf16, #tpu.memory_space<hbm>> -> memref<100000x64xbf16, #tpu.memory_space<hbm>>
      %dma_start3A_1050 = arith.constant 0 : i32
      %dma_start3A_1051 = arith.constant 0 : i32
      %dma_start3A_1052 = tpu.memref_slice %dma_start3A_1049[%dma_start3A_1050, %dma_start3A_1051] : memref<100000x64xbf16, #tpu.memory_space<hbm>> -> memref<100000x64xbf16, #tpu.memory_space<hbm>>
      tpu.enqueue_indirect_dma source(%dma_start3A_1052 : memref<100000x64xbf16, #tpu.memory_space<hbm>>) target(%dma_start3A_1042 : memref<128x64xbf16, #tpu.memory_space<vmem>>) offsets(%dma_start3A_1045 : memref<128xi32, #tpu.memory_space<vmem>>) semaphore(%arg15 : memref<!tpu.dma_semaphore, #tpu.memory_space<semaphore_mem>>)
      %dma_start3A_1053 = arith.constant 1 : i32
      %dma_start3A_1054 = arith.constant 1 : i32
      %dma_start3A_1055 = arith.constant 1 : i32
      %dma_start3A_1056 = arith.constant 384 : i32
      %dma_start3A_1057 = arith.constant 0 : i32
      %dma_start3A_1058 = tpu.memref_slice %arg10[%dma_start3A_1055, %dma_start3A_1056, %dma_start3A_1057] : memref<2x600x64xbf16, #tpu.memory_space<vmem>> -> memref<1x128x64xbf16, #tpu.memory_space<vmem>>
      %dma_start3A_1059 = tpu.memref_squeeze %dma_start3A_1058 : memref<1x128x64xbf16, #tpu.memory_space<vmem>> -> memref<128x64xbf16, #tpu.memory_space<vmem>>
      %dma_start3A_1060 = arith.constant 384 : i32
      %dma_start3A_1061 = tpu.memref_slice %arg9[%dma_start3A_1054, %dma_start3A_1060] : memref<2x600xi32, #tpu.memory_space<vmem>> -> memref<1x128xi32, #tpu.memory_space<vmem>>
      %dma_start3A_1062 = tpu.memref_squeeze %dma_start3A_1061 : memref<1x128xi32, #tpu.memory_space<vmem>> -> memref<128xi32, #tpu.memory_space<vmem>>
      %dma_start3A_1063 = arith.constant 0 : i32
      %dma_start3A_1064 = arith.constant 0 : i32
      %dma_start3A_1065 = tpu.memref_slice %arg3[%dma_start3A_1053, %dma_start3A_1063, %dma_start3A_1064] : memref<3x100000x64xbf16, #tpu.memory_space<hbm>> -> memref<1x100000x64xbf16, #tpu.memory_space<hbm>>
      %dma_start3A_1066 = tpu.memref_squeeze %dma_start3A_1065 : memref<1x100000x64xbf16, #tpu.memory_space<hbm>> -> memref<100000x64xbf16, #tpu.memory_space<hbm>>
      %dma_start3A_1067 = arith.constant 0 : i32
      %dma_start3A_1068 = arith.constant 0 : i32
      %dma_start3A_1069 = tpu.memref_slice %dma_start3A_1066[%dma_start3A_1067, %dma_start3A_1068] : memref<100000x64xbf16, #tpu.memory_space<hbm>> -> memref<100000x64xbf16, #tpu.memory_space<hbm>>
      tpu.enqueue_indirect_dma source(%dma_start3A_1069 : memref<100000x64xbf16, #tpu.memory_space<hbm>>) target(%dma_start3A_1059 : memref<128x64xbf16, #tpu.memory_space<vmem>>) offsets(%dma_start3A_1062 : memref<128xi32, #tpu.memory_space<vmem>>) semaphore(%arg15 : memref<!tpu.dma_semaphore, #tpu.memory_space<semaphore_mem>>)
      %dma_start3A_1070 = arith.constant 1 : i32
      %dma_start3A_1071 = arith.constant 1 : i32
      %dma_start3A_1072 = arith.constant 1 : i32
      %dma_start3A_1073 = arith.constant 512 : i32
      %dma_start3A_1074 = arith.constant 0 : i32
      %dma_start3A_1075 = tpu.memref_slice %arg10[%dma_start3A_1072, %dma_start3A_1073, %dma_start3A_1074] : memref<2x600x64xbf16, #tpu.memory_space<vmem>> -> memref<1x88x64xbf16, #tpu.memory_space<vmem>>
      %dma_start3A_1076 = tpu.memref_squeeze %dma_start3A_1075 : memref<1x88x64xbf16, #tpu.memory_space<vmem>> -> memref<88x64xbf16, #tpu.memory_space<vmem>>
      %dma_start3A_1077 = arith.constant 512 : i32
      %dma_start3A_1078 = tpu.memref_slice %arg9[%dma_start3A_1071, %dma_start3A_1077] : memref<2x600xi32, #tpu.memory_space<vmem>> -> memref<1x88xi32, #tpu.memory_space<vmem>>
      %dma_start3A_1079 = tpu.memref_squeeze %dma_start3A_1078 : memref<1x88xi32, #tpu.memory_space<vmem>> -> memref<88xi32, #tpu.memory_space<vmem>>
      %dma_start3A_1080 = arith.constant 0 : i32
      %dma_start3A_1081 = arith.constant 0 : i32
      %dma_start3A_1082 = tpu.memref_slice %arg3[%dma_start3A_1070, %dma_start3A_1080, %dma_start3A_1081] : memref<3x100000x64xbf16, #tpu.memory_space<hbm>> -> memref<1x100000x64xbf16, #tpu.memory_space<hbm>>
      %dma_start3A_1083 = tpu.memref_squeeze %dma_start3A_1082 : memref<1x100000x64xbf16, #tpu.memory_space<hbm>> -> memref<100000x64xbf16, #tpu.memory_space<hbm>>
      %dma_start3A_1084 = arith.constant 0 : i32
      %dma_start3A_1085 = arith.constant 0 : i32
      %dma_start3A_1086 = tpu.memref_slice %dma_start3A_1083[%dma_start3A_1084, %dma_start3A_1085] : memref<100000x64xbf16, #tpu.memory_space<hbm>> -> memref<100000x64xbf16, #tpu.memory_space<hbm>>
      tpu.enqueue_indirect_dma source(%dma_start3A_1086 : memref<100000x64xbf16, #tpu.memory_space<hbm>>) target(%dma_start3A_1076 : memref<88x64xbf16, #tpu.memory_space<vmem>>) offsets(%dma_start3A_1079 : memref<88xi32, #tpu.memory_space<vmem>>) semaphore(%arg15 : memref<!tpu.dma_semaphore, #tpu.memory_space<semaphore_mem>>)
      %dma_wait3A_1087 = arith.constant 0 : i32
      %dma_wait3A_1088 = arith.constant 0 : i32
      %dma_wait3A_1089 = arith.constant 0 : i32
      %dma_wait3A_1090 = arith.constant 0 : i32
      %dma_wait3A_1091 = arith.constant 0 : i32
      %dma_wait3A_1092 = tpu.memref_slice %arg10[%dma_wait3A_1089, %dma_wait3A_1090, %dma_wait3A_1091] : memref<2x600x64xbf16, #tpu.memory_space<vmem>> -> memref<1x128x64xbf16, #tpu.memory_space<vmem>>
      %dma_wait3A_1093 = tpu.memref_squeeze %dma_wait3A_1092 : memref<1x128x64xbf16, #tpu.memory_space<vmem>> -> memref<128x64xbf16, #tpu.memory_space<vmem>>
      %dma_wait3A_1094 = arith.constant 0 : i32
      %dma_wait3A_1095 = tpu.memref_slice %arg9[%dma_wait3A_1088, %dma_wait3A_1094] : memref<2x600xi32, #tpu.memory_space<vmem>> -> memref<1x128xi32, #tpu.memory_space<vmem>>
      %dma_wait3A_1096 = tpu.memref_squeeze %dma_wait3A_1095 : memref<1x128xi32, #tpu.memory_space<vmem>> -> memref<128xi32, #tpu.memory_space<vmem>>
      %dma_wait3A_1097 = arith.constant 0 : i32
      %dma_wait3A_1098 = arith.constant 0 : i32
      %dma_wait3A_1099 = tpu.memref_slice %arg3[%dma_wait3A_1087, %dma_wait3A_1097, %dma_wait3A_1098] : memref<3x100000x64xbf16, #tpu.memory_space<hbm>> -> memref<1x100000x64xbf16, #tpu.memory_space<hbm>>
      %dma_wait3A_1100 = tpu.memref_squeeze %dma_wait3A_1099 : memref<1x100000x64xbf16, #tpu.memory_space<hbm>> -> memref<100000x64xbf16, #tpu.memory_space<hbm>>
      %dma_wait3A_1101 = arith.constant 0 : i32
      %dma_wait3A_1102 = arith.constant 0 : i32
      %dma_wait3A_1103 = tpu.memref_slice %dma_wait3A_1100[%dma_wait3A_1101, %dma_wait3A_1102] : memref<100000x64xbf16, #tpu.memory_space<hbm>> -> memref<100000x64xbf16, #tpu.memory_space<hbm>>
      tpu.wait_indirect_dma semaphore(%arg14 : memref<!tpu.dma_semaphore, #tpu.memory_space<semaphore_mem>>) src(%dma_wait3A_1103 : memref<100000x64xbf16, #tpu.memory_space<hbm>>) dst(%dma_wait3A_1093 : memref<128x64xbf16, #tpu.memory_space<vmem>>)
      %dma_wait3A_1104 = arith.constant 0 : i32
      %dma_wait3A_1105 = arith.constant 0 : i32
      %dma_wait3A_1106 = arith.constant 0 : i32
      %dma_wait3A_1107 = arith.constant 128 : i32
      %dma_wait3A_1108 = arith.constant 0 : i32
      %dma_wait3A_1109 = tpu.memref_slice %arg10[%dma_wait3A_1106, %dma_wait3A_1107, %dma_wait3A_1108] : memref<2x600x64xbf16, #tpu.memory_space<vmem>> -> memref<1x128x64xbf16, #tpu.memory_space<vmem>>
      %dma_wait3A_1110 = tpu.memref_squeeze %dma_wait3A_1109 : memref<1x128x64xbf16, #tpu.memory_space<vmem>> -> memref<128x64xbf16, #tpu.memory_space<vmem>>
      %dma_wait3A_1111 = arith.constant 128 : i32
      %dma_wait3A_1112 = tpu.memref_slice %arg9[%dma_wait3A_1105, %dma_wait3A_1111] : memref<2x600xi32, #tpu.memory_space<vmem>> -> memref<1x128xi32, #tpu.memory_space<vmem>>
      %dma_wait3A_1113 = tpu.memref_squeeze %dma_wait3A_1112 : memref<1x128xi32, #tpu.memory_space<vmem>> -> memref<128xi32, #tpu.memory_space<vmem>>
      %dma_wait3A_1114 = arith.constant 0 : i32
      %dma_wait3A_1115 = arith.constant 0 : i32
      %dma_wait3A_1116 = tpu.memref_slice %arg3[%dma_wait3A_1104, %dma_wait3A_1114, %dma_wait3A_1115] : memref<3x100000x64xbf16, #tpu.memory_space<hbm>> -> memref<1x100000x64xbf16, #tpu.memory_space<hbm>>
      %dma_wait3A_1117 = tpu.memref_squeeze %dma_wait3A_1116 : memref<1x100000x64xbf16, #tpu.memory_space<hbm>> -> memref<100000x64xbf16, #tpu.memory_space<hbm>>
      %dma_wait3A_1118 = arith.constant 0 : i32
      %dma_wait3A_1119 = arith.constant 0 : i32
      %dma_wait3A_1120 = tpu.memref_slice %dma_wait3A_1117[%dma_wait3A_1118, %dma_wait3A_1119] : memref<100000x64xbf16, #tpu.memory_space<hbm>> -> memref<100000x64xbf16, #tpu.memory_space<hbm>>
      tpu.wait_indirect_dma semaphore(%arg14 : memref<!tpu.dma_semaphore, #tpu.memory_space<semaphore_mem>>) src(%dma_wait3A_1120 : memref<100000x64xbf16, #tpu.memory_space<hbm>>) dst(%dma_wait3A_1110 : memref<128x64xbf16, #tpu.memory_space<vmem>>)
      %dma_wait3A_1121 = arith.constant 0 : i32
      %dma_wait3A_1122 = arith.constant 0 : i32
      %dma_wait3A_1123 = arith.constant 0 : i32
      %dma_wait3A_1124 = arith.constant 256 : i32
      %dma_wait3A_1125 = arith.constant 0 : i32
      %dma_wait3A_1126 = tpu.memref_slice %arg10[%dma_wait3A_1123, %dma_wait3A_1124, %dma_wait3A_1125] : memref<2x600x64xbf16, #tpu.memory_space<vmem>> -> memref<1x128x64xbf16, #tpu.memory_space<vmem>>
      %dma_wait3A_1127 = tpu.memref_squeeze %dma_wait3A_1126 : memref<1x128x64xbf16, #tpu.memory_space<vmem>> -> memref<128x64xbf16, #tpu.memory_space<vmem>>
      %dma_wait3A_1128 = arith.constant 256 : i32
      %dma_wait3A_1129 = tpu.memref_slice %arg9[%dma_wait3A_1122, %dma_wait3A_1128] : memref<2x600xi32, #tpu.memory_space<vmem>> -> memref<1x128xi32, #tpu.memory_space<vmem>>
      %dma_wait3A_1130 = tpu.memref_squeeze %dma_wait3A_1129 : memref<1x128xi32, #tpu.memory_space<vmem>> -> memref<128xi32, #tpu.memory_space<vmem>>
      %dma_wait3A_1131 = arith.constant 0 : i32
      %dma_wait3A_1132 = arith.constant 0 : i32
      %dma_wait3A_1133 = tpu.memref_slice %arg3[%dma_wait3A_1121, %dma_wait3A_1131, %dma_wait3A_1132] : memref<3x100000x64xbf16, #tpu.memory_space<hbm>> -> memref<1x100000x64xbf16, #tpu.memory_space<hbm>>
      %dma_wait3A_1134 = tpu.memref_squeeze %dma_wait3A_1133 : memref<1x100000x64xbf16, #tpu.memory_space<hbm>> -> memref<100000x64xbf16, #tpu.memory_space<hbm>>
      %dma_wait3A_1135 = arith.constant 0 : i32
      %dma_wait3A_1136 = arith.constant 0 : i32
      %dma_wait3A_1137 = tpu.memref_slice %dma_wait3A_1134[%dma_wait3A_1135, %dma_wait3A_1136] : memref<100000x64xbf16, #tpu.memory_space<hbm>> -> memref<100000x64xbf16, #tpu.memory_space<hbm>>
      tpu.wait_indirect_dma semaphore(%arg14 : memref<!tpu.dma_semaphore, #tpu.memory_space<semaphore_mem>>) src(%dma_wait3A_1137 : memref<100000x64xbf16, #tpu.memory_space<hbm>>) dst(%dma_wait3A_1127 : memref<128x64xbf16, #tpu.memory_space<vmem>>)
      %dma_wait3A_1138 = arith.constant 0 : i32
      %dma_wait3A_1139 = arith.constant 0 : i32
      %dma_wait3A_1140 = arith.constant 0 : i32
      %dma_wait3A_1141 = arith.constant 384 : i32
      %dma_wait3A_1142 = arith.constant 0 : i32
      %dma_wait3A_1143 = tpu.memref_slice %arg10[%dma_wait3A_1140, %dma_wait3A_1141, %dma_wait3A_1142] : memref<2x600x64xbf16, #tpu.memory_space<vmem>> -> memref<1x128x64xbf16, #tpu.memory_space<vmem>>
      %dma_wait3A_1144 = tpu.memref_squeeze %dma_wait3A_1143 : memref<1x128x64xbf16, #tpu.memory_space<vmem>> -> memref<128x64xbf16, #tpu.memory_space<vmem>>
      %dma_wait3A_1145 = arith.constant 384 : i32
      %dma_wait3A_1146 = tpu.memref_slice %arg9[%dma_wait3A_1139, %dma_wait3A_1145] : memref<2x600xi32, #tpu.memory_space<vmem>> -> memref<1x128xi32, #tpu.memory_space<vmem>>
      %dma_wait3A_1147 = tpu.memref_squeeze %dma_wait3A_1146 : memref<1x128xi32, #tpu.memory_space<vmem>> -> memref<128xi32, #tpu.memory_space<vmem>>
      %dma_wait3A_1148 = arith.constant 0 : i32
      %dma_wait3A_1149 = arith.constant 0 : i32
      %dma_wait3A_1150 = tpu.memref_slice %arg3[%dma_wait3A_1138, %dma_wait3A_1148, %dma_wait3A_1149] : memref<3x100000x64xbf16, #tpu.memory_space<hbm>> -> memref<1x100000x64xbf16, #tpu.memory_space<hbm>>
      %dma_wait3A_1151 = tpu.memref_squeeze %dma_wait3A_1150 : memref<1x100000x64xbf16, #tpu.memory_space<hbm>> -> memref<100000x64xbf16, #tpu.memory_space<hbm>>
      %dma_wait3A_1152 = arith.constant 0 : i32
      %dma_wait3A_1153 = arith.constant 0 : i32
      %dma_wait3A_1154 = tpu.memref_slice %dma_wait3A_1151[%dma_wait3A_1152, %dma_wait3A_1153] : memref<100000x64xbf16, #tpu.memory_space<hbm>> -> memref<100000x64xbf16, #tpu.memory_space<hbm>>
      tpu.wait_indirect_dma semaphore(%arg14 : memref<!tpu.dma_semaphore, #tpu.memory_space<semaphore_mem>>) src(%dma_wait3A_1154 : memref<100000x64xbf16, #tpu.memory_space<hbm>>) dst(%dma_wait3A_1144 : memref<128x64xbf16, #tpu.memory_space<vmem>>)
      %dma_wait3A_1155 = arith.constant 0 : i32
      %dma_wait3A_1156 = arith.constant 0 : i32
      %dma_wait3A_1157 = arith.constant 0 : i32
      %dma_wait3A_1158 = arith.constant 512 : i32
      %dma_wait3A_1159 = arith.constant 0 : i32
      %dma_wait3A_1160 = tpu.memref_slice %arg10[%dma_wait3A_1157, %dma_wait3A_1158, %dma_wait3A_1159] : memref<2x600x64xbf16, #tpu.memory_space<vmem>> -> memref<1x88x64xbf16, #tpu.memory_space<vmem>>
      %dma_wait3A_1161 = tpu.memref_squeeze %dma_wait3A_1160 : memref<1x88x64xbf16, #tpu.memory_space<vmem>> -> memref<88x64xbf16, #tpu.memory_space<vmem>>
      %dma_wait3A_1162 = arith.constant 512 : i32
      %dma_wait3A_1163 = tpu.memref_slice %arg9[%dma_wait3A_1156, %dma_wait3A_1162] : memref<2x600xi32, #tpu.memory_space<vmem>> -> memref<1x88xi32, #tpu.memory_space<vmem>>
      %dma_wait3A_1164 = tpu.memref_squeeze %dma_wait3A_1163 : memref<1x88xi32, #tpu.memory_space<vmem>> -> memref<88xi32, #tpu.memory_space<vmem>>
      %dma_wait3A_1165 = arith.constant 0 : i32
      %dma_wait3A_1166 = arith.constant 0 : i32
      %dma_wait3A_1167 = tpu.memref_slice %arg3[%dma_wait3A_1155, %dma_wait3A_1165, %dma_wait3A_1166] : memref<3x100000x64xbf16, #tpu.memory_space<hbm>> -> memref<1x100000x64xbf16, #tpu.memory_space<hbm>>
      %dma_wait3A_1168 = tpu.memref_squeeze %dma_wait3A_1167 : memref<1x100000x64xbf16, #tpu.memory_space<hbm>> -> memref<100000x64xbf16, #tpu.memory_space<hbm>>
      %dma_wait3A_1169 = arith.constant 0 : i32
      %dma_wait3A_1170 = arith.constant 0 : i32
      %dma_wait3A_1171 = tpu.memref_slice %dma_wait3A_1168[%dma_wait3A_1169, %dma_wait3A_1170] : memref<100000x64xbf16, #tpu.memory_space<hbm>> -> memref<100000x64xbf16, #tpu.memory_space<hbm>>
      tpu.wait_indirect_dma semaphore(%arg14 : memref<!tpu.dma_semaphore, #tpu.memory_space<semaphore_mem>>) src(%dma_wait3A_1171 : memref<100000x64xbf16, #tpu.memory_space<hbm>>) dst(%dma_wait3A_1161 : memref<88x64xbf16, #tpu.memory_space<vmem>>)
      %add3A_1172 = arith.addi %mul3A_2, %scan3A_189 : i32
      %dma_wait3A_1173 = arith.constant 0 : i32
      %dma_wait3A_1174 = arith.constant 0 : i32
      %dma_wait3A_1175 = arith.constant 0 : i32
      %dma_wait3A_1176 = arith.constant 0 : i32
      %dma_wait3A_1177 = tpu.memref_slice %arg11[%dma_wait3A_1173, %dma_wait3A_1175, %dma_wait3A_1176] : memref<2x100x64xf32, #tpu.memory_space<vmem>> -> memref<1x100x64xf32, #tpu.memory_space<vmem>>
      %dma_wait3A_1178 = tpu.memref_squeeze %dma_wait3A_1177 : memref<1x100x64xf32, #tpu.memory_space<vmem>> -> memref<100x64xf32, #tpu.memory_space<vmem>>
      %dma_wait3A_1179 = arith.constant 100 : i32
      %dma_wait3A_1180 = arith.constant 0 : i32
      %dma_wait3A_1181 = tpu.memref_slice %arg7[%dma_wait3A_1174, %add3A_1172, %dma_wait3A_1179, %dma_wait3A_1180] : memref<2x1024x200x128xf32, #tpu.memory_space<hbm>> -> memref<1x1x100x64xf32, #tpu.memory_space<hbm>>
      %dma_wait3A_1182 = tpu.memref_squeeze %dma_wait3A_1181 : memref<1x1x100x64xf32, #tpu.memory_space<hbm>> -> memref<100x64xf32, #tpu.memory_space<hbm>>
      %dma_wait3A_1183 = arith.constant 100 : i32
      %dma_wait3A_1184 = arith.constant 0 : i32
      %dma_wait3A_1185 = tpu.memref_slice %arg7[%dma_wait3A_1174, %add3A_1172, %dma_wait3A_1183, %dma_wait3A_1184] : memref<2x1024x200x128xf32, #tpu.memory_space<hbm>> -> memref<1x1x100x64xf32, #tpu.memory_space<hbm>>
      %dma_wait3A_1186 = tpu.memref_squeeze %dma_wait3A_1185 : memref<1x1x100x64xf32, #tpu.memory_space<hbm>> -> memref<100x64xf32, #tpu.memory_space<hbm>>
      %dma_wait3A_1187 = arith.constant 0 : i32
      %dma_wait3A_1188 = arith.constant 0 : i32
      %dma_wait3A_1189 = tpu.memref_slice %arg11[%dma_wait3A_1173, %dma_wait3A_1187, %dma_wait3A_1188] : memref<2x100x64xf32, #tpu.memory_space<vmem>> -> memref<1x100x64xf32, #tpu.memory_space<vmem>>
      %dma_wait3A_1190 = tpu.memref_squeeze %dma_wait3A_1189 : memref<1x100x64xf32, #tpu.memory_space<vmem>> -> memref<100x64xf32, #tpu.memory_space<vmem>>
      tpu.wait_dma2 semaphore(%arg16 : memref<!tpu.dma_semaphore, #tpu.memory_space<semaphore_mem>>) src(%dma_wait3A_1190 : memref<100x64xf32, #tpu.memory_space<vmem>>) dst(%dma_wait3A_1186 : memref<100x64xf32, #tpu.memory_space<hbm>>)
      %scan3A_1191 = arith.constant 0 : i32
      %scan3A_1192 = arith.constant 0 : i32
      %scan3A_1193 = arith.constant 100 : i32
      %scan3A_1194 = arith.addi %scan3A_1192, %scan3A_1193 : i32
      %scan3A_1195 = arith.constant 1 : i32
      %scan3A_1196 = scf.for %scan3A_1730 = %scan3A_1192 to %scan3A_1194 step %scan3A_1195 iter_args(%scan3A_1731 = %scan3A_1191) -> (i32)  : i32 {
        %mul3A_1732 = arith.constant 6 : i32
        %mul3A_1733 = arith.muli %scan3A_1730, %mul3A_1732 : i32
        %add3A_1734 = arith.constant 0 : i32
        %add3A_1735 = arith.addi %mul3A_1733, %add3A_1734 : i32
        %get3A = arith.constant 0 : i32
        %get3A_1736 = arith.index_cast %get3A : i32 to index
        %get3A_1737 = arith.index_cast %add3A_1735 : i32 to index
        %get3A_1738 = arith.constant 0 : index
        %get3A_1739 = tpu.vector_load %arg10[%get3A_1736, %get3A_1737, %get3A_1738] {strides = array<i32>} : memref<2x600x64xbf16, #tpu.memory_space<vmem>>, vector<32xbf16>,
        %add3A_1740 = arith.constant 0 : i32
        %add3A_1741 = arith.addi %mul3A_1733, %add3A_1740 : i32
        %add3A_1742 = arith.constant 1 : i32
        %add3A_1743 = arith.addi %add3A_1741, %add3A_1742 : i32
        %get3A_1744 = arith.constant 0 : i32
        %get3A_1745 = arith.index_cast %get3A_1744 : i32 to index
        %get3A_1746 = arith.index_cast %add3A_1743 : i32 to index
        %get3A_1747 = arith.constant 0 : index
        %get3A_1748 = tpu.vector_load %arg10[%get3A_1745, %get3A_1746, %get3A_1747] {strides = array<i32>} : memref<2x600x64xbf16, #tpu.memory_space<vmem>>, vector<32xbf16>,
        %add3A_1749 = arith.addf %get3A_1739, %get3A_1748 : vector<32xbf16>
        %unpack3A = tpu.unpack_subelements %add3A_1749, 0 {pack_format = #tpu.pack_format<interleaved>} : vector<32xbf16> -> vector<16xf32>
        %unpack3A_1750 = tpu.unpack_subelements %add3A_1749, 1 {pack_format = #tpu.pack_format<interleaved>} : vector<32xbf16> -> vector<16xf32>
        %add3A_1751 = arith.constant 2 : i32
        %add3A_1752 = arith.addi %mul3A_1733, %add3A_1751 : i32
        %get3A_1753 = arith.constant 0 : i32
        %get3A_1754 = arith.index_cast %get3A_1753 : i32 to index
        %get3A_1755 = arith.index_cast %add3A_1752 : i32 to index
        %get3A_1756 = arith.constant 0 : index
        %get3A_1757 = tpu.vector_load %arg10[%get3A_1754, %get3A_1755, %get3A_1756] {strides = array<i32>} : memref<2x600x64xbf16, #tpu.memory_space<vmem>>, vector<32xbf16>,
        %add3A_1758 = arith.constant 2 : i32
        %add3A_1759 = arith.addi %mul3A_1733, %add3A_1758 : i32
        %add3A_1760 = arith.constant 1 : i32
        %add3A_1761 = arith.addi %add3A_1759, %add3A_1760 : i32
        %get3A_1762 = arith.constant 0 : i32
        %get3A_1763 = arith.index_cast %get3A_1762 : i32 to index
        %get3A_1764 = arith.index_cast %add3A_1761 : i32 to index
        %get3A_1765 = arith.constant 0 : index
        %get3A_1766 = tpu.vector_load %arg10[%get3A_1763, %get3A_1764, %get3A_1765] {strides = array<i32>} : memref<2x600x64xbf16, #tpu.memory_space<vmem>>, vector<32xbf16>,
        %add3A_1767 = arith.addf %get3A_1757, %get3A_1766 : vector<32xbf16>
        %unpack3A_1768 = tpu.unpack_subelements %add3A_1767, 0 {pack_format = #tpu.pack_format<interleaved>} : vector<32xbf16> -> vector<16xf32>
        %unpack3A_1769 = tpu.unpack_subelements %add3A_1767, 1 {pack_format = #tpu.pack_format<interleaved>} : vector<32xbf16> -> vector<16xf32>
        %add3A_1770 = arith.addf %unpack3A, %unpack3A_1768 : vector<16xf32>
        %add3A_1771 = arith.addf %unpack3A_1750, %unpack3A_1769 : vector<16xf32>
        %add3A_1772 = arith.constant 4 : i32
        %add3A_1773 = arith.addi %mul3A_1733, %add3A_1772 : i32
        %get3A_1774 = arith.constant 0 : i32
        %get3A_1775 = arith.index_cast %get3A_1774 : i32 to index
        %get3A_1776 = arith.index_cast %add3A_1773 : i32 to index
        %get3A_1777 = arith.constant 0 : index
        %get3A_1778 = tpu.vector_load %arg10[%get3A_1775, %get3A_1776, %get3A_1777] {strides = array<i32>} : memref<2x600x64xbf16, #tpu.memory_space<vmem>>, vector<32xbf16>,
        %add3A_1779 = arith.constant 4 : i32
        %add3A_1780 = arith.addi %mul3A_1733, %add3A_1779 : i32
        %add3A_1781 = arith.constant 1 : i32
        %add3A_1782 = arith.addi %add3A_1780, %add3A_1781 : i32
        %get3A_1783 = arith.constant 0 : i32
        %get3A_1784 = arith.index_cast %get3A_1783 : i32 to index
        %get3A_1785 = arith.index_cast %add3A_1782 : i32 to index
        %get3A_1786 = arith.constant 0 : index
        %get3A_1787 = tpu.vector_load %arg10[%get3A_1784, %get3A_1785, %get3A_1786] {strides = array<i32>} : memref<2x600x64xbf16, #tpu.memory_space<vmem>>, vector<32xbf16>,
        %add3A_1788 = arith.addf %get3A_1778, %get3A_1787 : vector<32xbf16>
        %unpack3A_1789 = tpu.unpack_subelements %add3A_1788, 0 {pack_format = #tpu.pack_format<interleaved>} : vector<32xbf16> -> vector<16xf32>
        %unpack3A_1790 = tpu.unpack_subelements %add3A_1788, 1 {pack_format = #tpu.pack_format<interleaved>} : vector<32xbf16> -> vector<16xf32>
        %add3A_1791 = arith.addf %add3A_1770, %unpack3A_1789 : vector<16xf32>
        %add3A_1792 = arith.addf %add3A_1771, %unpack3A_1790 : vector<16xf32>
        %swap3A = arith.constant 0 : i32
        %swap3A_1793 = arith.index_cast %swap3A : i32 to index
        %swap3A_1794 = arith.index_cast %scan3A_1730 : i32 to index
        %swap3A_1795 = arith.constant 0 : index
        %swap3A_1796 = tpu.vector_load %arg11[%swap3A_1793, %swap3A_1794, %swap3A_1795] {strides = array<i32>} : memref<2x100x64xf32, #tpu.memory_space<vmem>>, vector<16xf32>,
        tpu.vector_store %arg11[%swap3A_1793, %swap3A_1794, %swap3A_1795], %add3A_1791 {strides = array<i32>} : memref<2x100x64xf32, #tpu.memory_space<vmem>>, vector<16xf32>,
        %swap3A_1797 = arith.constant 0 : i32
        %swap3A_1798 = arith.index_cast %swap3A_1797 : i32 to index
        %swap3A_1799 = arith.index_cast %scan3A_1730 : i32 to index
        %swap3A_1800 = arith.constant 16 : index
        %swap3A_1801 = tpu.vector_load %arg11[%swap3A_1798, %swap3A_1799, %swap3A_1800] {strides = array<i32>} : memref<2x100x64xf32, #tpu.memory_space<vmem>>, vector<16xf32>,
        tpu.vector_store %arg11[%swap3A_1798, %swap3A_1799, %swap3A_1800], %add3A_1792 {strides = array<i32>} : memref<2x100x64xf32, #tpu.memory_space<vmem>>, vector<16xf32>,
        %add3A_1802 = arith.constant 0 : i32
        %add3A_1803 = arith.addi %mul3A_1733, %add3A_1802 : i32
        %get3A_1804 = arith.constant 0 : i32
        %get3A_1805 = arith.index_cast %get3A_1804 : i32 to index
        %get3A_1806 = arith.index_cast %add3A_1803 : i32 to index
        %get3A_1807 = arith.constant 32 : index
        %get3A_1808 = tpu.vector_load %arg10[%get3A_1805, %get3A_1806, %get3A_1807] {strides = array<i32>} : memref<2x600x64xbf16, #tpu.memory_space<vmem>>, vector<32xbf16>,
        %add3A_1809 = arith.constant 0 : i32
        %add3A_1810 = arith.addi %mul3A_1733, %add3A_1809 : i32
        %add3A_1811 = arith.constant 1 : i32
        %add3A_1812 = arith.addi %add3A_1810, %add3A_1811 : i32
        %get3A_1813 = arith.constant 0 : i32
        %get3A_1814 = arith.index_cast %get3A_1813 : i32 to index
        %get3A_1815 = arith.index_cast %add3A_1812 : i32 to index
        %get3A_1816 = arith.constant 32 : index
        %get3A_1817 = tpu.vector_load %arg10[%get3A_1814, %get3A_1815, %get3A_1816] {strides = array<i32>} : memref<2x600x64xbf16, #tpu.memory_space<vmem>>, vector<32xbf16>,
        %add3A_1818 = arith.addf %get3A_1808, %get3A_1817 : vector<32xbf16>
        %unpack3A_1819 = tpu.unpack_subelements %add3A_1818, 0 {pack_format = #tpu.pack_format<interleaved>} : vector<32xbf16> -> vector<16xf32>
        %unpack3A_1820 = tpu.unpack_subelements %add3A_1818, 1 {pack_format = #tpu.pack_format<interleaved>} : vector<32xbf16> -> vector<16xf32>
        %add3A_1821 = arith.constant 2 : i32
        %add3A_1822 = arith.addi %mul3A_1733, %add3A_1821 : i32
        %get3A_1823 = arith.constant 0 : i32
        %get3A_1824 = arith.index_cast %get3A_1823 : i32 to index
        %get3A_1825 = arith.index_cast %add3A_1822 : i32 to index
        %get3A_1826 = arith.constant 32 : index
        %get3A_1827 = tpu.vector_load %arg10[%get3A_1824, %get3A_1825, %get3A_1826] {strides = array<i32>} : memref<2x600x64xbf16, #tpu.memory_space<vmem>>, vector<32xbf16>,
        %add3A_1828 = arith.constant 2 : i32
        %add3A_1829 = arith.addi %mul3A_1733, %add3A_1828 : i32
        %add3A_1830 = arith.constant 1 : i32
        %add3A_1831 = arith.addi %add3A_1829, %add3A_1830 : i32
        %get3A_1832 = arith.constant 0 : i32
        %get3A_1833 = arith.index_cast %get3A_1832 : i32 to index
        %get3A_1834 = arith.index_cast %add3A_1831 : i32 to index
        %get3A_1835 = arith.constant 32 : index
        %get3A_1836 = tpu.vector_load %arg10[%get3A_1833, %get3A_1834, %get3A_1835] {strides = array<i32>} : memref<2x600x64xbf16, #tpu.memory_space<vmem>>, vector<32xbf16>,
        %add3A_1837 = arith.addf %get3A_1827, %get3A_1836 : vector<32xbf16>
        %unpack3A_1838 = tpu.unpack_subelements %add3A_1837, 0 {pack_format = #tpu.pack_format<interleaved>} : vector<32xbf16> -> vector<16xf32>
        %unpack3A_1839 = tpu.unpack_subelements %add3A_1837, 1 {pack_format = #tpu.pack_format<interleaved>} : vector<32xbf16> -> vector<16xf32>
        %add3A_1840 = arith.addf %unpack3A_1819, %unpack3A_1838 : vector<16xf32>
        %add3A_1841 = arith.addf %unpack3A_1820, %unpack3A_1839 : vector<16xf32>
        %add3A_1842 = arith.constant 4 : i32
        %add3A_1843 = arith.addi %mul3A_1733, %add3A_1842 : i32
        %get3A_1844 = arith.constant 0 : i32
        %get3A_1845 = arith.index_cast %get3A_1844 : i32 to index
        %get3A_1846 = arith.index_cast %add3A_1843 : i32 to index
        %get3A_1847 = arith.constant 32 : index
        %get3A_1848 = tpu.vector_load %arg10[%get3A_1845, %get3A_1846, %get3A_1847] {strides = array<i32>} : memref<2x600x64xbf16, #tpu.memory_space<vmem>>, vector<32xbf16>,
        %add3A_1849 = arith.constant 4 : i32
        %add3A_1850 = arith.addi %mul3A_1733, %add3A_1849 : i32
        %add3A_1851 = arith.constant 1 : i32
        %add3A_1852 = arith.addi %add3A_1850, %add3A_1851 : i32
        %get3A_1853 = arith.constant 0 : i32
        %get3A_1854 = arith.index_cast %get3A_1853 : i32 to index
        %get3A_1855 = arith.index_cast %add3A_1852 : i32 to index
        %get3A_1856 = arith.constant 32 : index
        %get3A_1857 = tpu.vector_load %arg10[%get3A_1854, %get3A_1855, %get3A_1856] {strides = array<i32>} : memref<2x600x64xbf16, #tpu.memory_space<vmem>>, vector<32xbf16>,
        %add3A_1858 = arith.addf %get3A_1848, %get3A_1857 : vector<32xbf16>
        %unpack3A_1859 = tpu.unpack_subelements %add3A_1858, 0 {pack_format = #tpu.pack_format<interleaved>} : vector<32xbf16> -> vector<16xf32>
        %unpack3A_1860 = tpu.unpack_subelements %add3A_1858, 1 {pack_format = #tpu.pack_format<interleaved>} : vector<32xbf16> -> vector<16xf32>
        %add3A_1861 = arith.addf %add3A_1840, %unpack3A_1859 : vector<16xf32>
        %add3A_1862 = arith.addf %add3A_1841, %unpack3A_1860 : vector<16xf32>
        %swap3A_1863 = arith.constant 0 : i32
        %swap3A_1864 = arith.index_cast %swap3A_1863 : i32 to index
        %swap3A_1865 = arith.index_cast %scan3A_1730 : i32 to index
        %swap3A_1866 = arith.constant 32 : index
        %swap3A_1867 = tpu.vector_load %arg11[%swap3A_1864, %swap3A_1865, %swap3A_1866] {strides = array<i32>} : memref<2x100x64xf32, #tpu.memory_space<vmem>>, vector<16xf32>,
        tpu.vector_store %arg11[%swap3A_1864, %swap3A_1865, %swap3A_1866], %add3A_1861 {strides = array<i32>} : memref<2x100x64xf32, #tpu.memory_space<vmem>>, vector<16xf32>,
        %swap3A_1868 = arith.constant 0 : i32
        %swap3A_1869 = arith.index_cast %swap3A_1868 : i32 to index
        %swap3A_1870 = arith.index_cast %scan3A_1730 : i32 to index
        %swap3A_1871 = arith.constant 48 : index
        %swap3A_1872 = tpu.vector_load %arg11[%swap3A_1869, %swap3A_1870, %swap3A_1871] {strides = array<i32>} : memref<2x100x64xf32, #tpu.memory_space<vmem>>, vector<16xf32>,
        tpu.vector_store %arg11[%swap3A_1869, %swap3A_1870, %swap3A_1871], %add3A_1862 {strides = array<i32>} : memref<2x100x64xf32, #tpu.memory_space<vmem>>, vector<16xf32>,
        %scan3A_1873 = arith.constant 0 : i32
        scf.yield %scan3A_1873 : i32
      }
      %scan3A_1197 = arith.constant 100 : i32
      %dma_start3A_1198 = arith.constant 0 : i32
      %dma_start3A_1199 = arith.constant 0 : i32
      %dma_start3A_1200 = arith.constant 0 : i32
      %dma_start3A_1201 = arith.constant 0 : i32
      %dma_start3A_1202 = tpu.memref_slice %arg11[%dma_start3A_1198, %dma_start3A_1200, %dma_start3A_1201] : memref<2x100x64xf32, #tpu.memory_space<vmem>> -> memref<1x100x64xf32, #tpu.memory_space<vmem>>
      %dma_start3A_1203 = tpu.memref_squeeze %dma_start3A_1202 : memref<1x100x64xf32, #tpu.memory_space<vmem>> -> memref<100x64xf32, #tpu.memory_space<vmem>>
      %dma_start3A_1204 = arith.constant 100 : i32
      %dma_start3A_1205 = arith.constant 0 : i32
      %dma_start3A_1206 = tpu.memref_slice %arg7[%dma_start3A_1199, %add3A_1172, %dma_start3A_1204, %dma_start3A_1205] : memref<2x1024x200x128xf32, #tpu.memory_space<hbm>> -> memref<1x1x100x64xf32, #tpu.memory_space<hbm>>
      %dma_start3A_1207 = tpu.memref_squeeze %dma_start3A_1206 : memref<1x1x100x64xf32, #tpu.memory_space<hbm>> -> memref<100x64xf32, #tpu.memory_space<hbm>>
      %dma_start3A_1208 = arith.constant 100 : i32
      %dma_start3A_1209 = arith.constant 0 : i32
      %dma_start3A_1210 = tpu.memref_slice %arg7[%dma_start3A_1199, %add3A_1172, %dma_start3A_1208, %dma_start3A_1209] : memref<2x1024x200x128xf32, #tpu.memory_space<hbm>> -> memref<1x1x100x64xf32, #tpu.memory_space<hbm>>
      %dma_start3A_1211 = tpu.memref_squeeze %dma_start3A_1210 : memref<1x1x100x64xf32, #tpu.memory_space<hbm>> -> memref<100x64xf32, #tpu.memory_space<hbm>>
      %dma_start3A_1212 = arith.constant 0 : i32
      %dma_start3A_1213 = arith.constant 0 : i32
      %dma_start3A_1214 = tpu.memref_slice %arg11[%dma_start3A_1198, %dma_start3A_1212, %dma_start3A_1213] : memref<2x100x64xf32, #tpu.memory_space<vmem>> -> memref<1x100x64xf32, #tpu.memory_space<vmem>>
      %dma_start3A_1215 = tpu.memref_squeeze %dma_start3A_1214 : memref<1x100x64xf32, #tpu.memory_space<vmem>> -> memref<100x64xf32, #tpu.memory_space<vmem>>
      tpu.enqueue_dma source(%dma_start3A_1215 : memref<100x64xf32, #tpu.memory_space<vmem>>) target(%dma_start3A_1211 : memref<100x64xf32, #tpu.memory_space<hbm>>) target_semaphore(%arg16 : memref<!tpu.dma_semaphore, #tpu.memory_space<semaphore_mem>>)
      %dma_start3A_1216 = arith.constant 2 : i32
      %dma_start3A_1217 = arith.constant 1 : i32
      %dma_start3A_1218 = arith.constant 0 : i32
      %dma_start3A_1219 = arith.constant 0 : i32
      %dma_start3A_1220 = arith.constant 0 : i32
      %dma_start3A_1221 = tpu.memref_slice %arg10[%dma_start3A_1218, %dma_start3A_1219, %dma_start3A_1220] : memref<2x600x64xbf16, #tpu.memory_space<vmem>> -> memref<1x128x64xbf16, #tpu.memory_space<vmem>>
      %dma_start3A_1222 = tpu.memref_squeeze %dma_start3A_1221 : memref<1x128x64xbf16, #tpu.memory_space<vmem>> -> memref<128x64xbf16, #tpu.memory_space<vmem>>
      %dma_start3A_1223 = arith.constant 0 : i32
      %dma_start3A_1224 = tpu.memref_slice %arg9[%dma_start3A_1217, %dma_start3A_1223] : memref<2x600xi32, #tpu.memory_space<vmem>> -> memref<1x128xi32, #tpu.memory_space<vmem>>
      %dma_start3A_1225 = tpu.memref_squeeze %dma_start3A_1224 : memref<1x128xi32, #tpu.memory_space<vmem>> -> memref<128xi32, #tpu.memory_space<vmem>>
      %dma_start3A_1226 = arith.constant 0 : i32
      %dma_start3A_1227 = arith.constant 0 : i32
      %dma_start3A_1228 = tpu.memref_slice %arg3[%dma_start3A_1216, %dma_start3A_1226, %dma_start3A_1227] : memref<3x100000x64xbf16, #tpu.memory_space<hbm>> -> memref<1x100000x64xbf16, #tpu.memory_space<hbm>>
      %dma_start3A_1229 = tpu.memref_squeeze %dma_start3A_1228 : memref<1x100000x64xbf16, #tpu.memory_space<hbm>> -> memref<100000x64xbf16, #tpu.memory_space<hbm>>
      %dma_start3A_1230 = arith.constant 0 : i32
      %dma_start3A_1231 = arith.constant 0 : i32
      %dma_start3A_1232 = tpu.memref_slice %dma_start3A_1229[%dma_start3A_1230, %dma_start3A_1231] : memref<100000x64xbf16, #tpu.memory_space<hbm>> -> memref<100000x64xbf16, #tpu.memory_space<hbm>>
      tpu.enqueue_indirect_dma source(%dma_start3A_1232 : memref<100000x64xbf16, #tpu.memory_space<hbm>>) target(%dma_start3A_1222 : memref<128x64xbf16, #tpu.memory_space<vmem>>) offsets(%dma_start3A_1225 : memref<128xi32, #tpu.memory_space<vmem>>) semaphore(%arg14 : memref<!tpu.dma_semaphore, #tpu.memory_space<semaphore_mem>>)
      %dma_start3A_1233 = arith.constant 2 : i32
      %dma_start3A_1234 = arith.constant 1 : i32
      %dma_start3A_1235 = arith.constant 0 : i32
      %dma_start3A_1236 = arith.constant 128 : i32
      %dma_start3A_1237 = arith.constant 0 : i32
      %dma_start3A_1238 = tpu.memref_slice %arg10[%dma_start3A_1235, %dma_start3A_1236, %dma_start3A_1237] : memref<2x600x64xbf16, #tpu.memory_space<vmem>> -> memref<1x128x64xbf16, #tpu.memory_space<vmem>>
      %dma_start3A_1239 = tpu.memref_squeeze %dma_start3A_1238 : memref<1x128x64xbf16, #tpu.memory_space<vmem>> -> memref<128x64xbf16, #tpu.memory_space<vmem>>
      %dma_start3A_1240 = arith.constant 128 : i32
      %dma_start3A_1241 = tpu.memref_slice %arg9[%dma_start3A_1234, %dma_start3A_1240] : memref<2x600xi32, #tpu.memory_space<vmem>> -> memref<1x128xi32, #tpu.memory_space<vmem>>
      %dma_start3A_1242 = tpu.memref_squeeze %dma_start3A_1241 : memref<1x128xi32, #tpu.memory_space<vmem>> -> memref<128xi32, #tpu.memory_space<vmem>>
      %dma_start3A_1243 = arith.constant 0 : i32
      %dma_start3A_1244 = arith.constant 0 : i32
      %dma_start3A_1245 = tpu.memref_slice %arg3[%dma_start3A_1233, %dma_start3A_1243, %dma_start3A_1244] : memref<3x100000x64xbf16, #tpu.memory_space<hbm>> -> memref<1x100000x64xbf16, #tpu.memory_space<hbm>>
      %dma_start3A_1246 = tpu.memref_squeeze %dma_start3A_1245 : memref<1x100000x64xbf16, #tpu.memory_space<hbm>> -> memref<100000x64xbf16, #tpu.memory_space<hbm>>
      %dma_start3A_1247 = arith.constant 0 : i32
      %dma_start3A_1248 = arith.constant 0 : i32
      %dma_start3A_1249 = tpu.memref_slice %dma_start3A_1246[%dma_start3A_1247, %dma_start3A_1248] : memref<100000x64xbf16, #tpu.memory_space<hbm>> -> memref<100000x64xbf16, #tpu.memory_space<hbm>>
      tpu.enqueue_indirect_dma source(%dma_start3A_1249 : memref<100000x64xbf16, #tpu.memory_space<hbm>>) target(%dma_start3A_1239 : memref<128x64xbf16, #tpu.memory_space<vmem>>) offsets(%dma_start3A_1242 : memref<128xi32, #tpu.memory_space<vmem>>) semaphore(%arg14 : memref<!tpu.dma_semaphore, #tpu.memory_space<semaphore_mem>>)
      %dma_start3A_1250 = arith.constant 2 : i32
      %dma_start3A_1251 = arith.constant 1 : i32
      %dma_start3A_1252 = arith.constant 0 : i32
      %dma_start3A_1253 = arith.constant 256 : i32
      %dma_start3A_1254 = arith.constant 0 : i32
      %dma_start3A_1255 = tpu.memref_slice %arg10[%dma_start3A_1252, %dma_start3A_1253, %dma_start3A_1254] : memref<2x600x64xbf16, #tpu.memory_space<vmem>> -> memref<1x128x64xbf16, #tpu.memory_space<vmem>>
      %dma_start3A_1256 = tpu.memref_squeeze %dma_start3A_1255 : memref<1x128x64xbf16, #tpu.memory_space<vmem>> -> memref<128x64xbf16, #tpu.memory_space<vmem>>
      %dma_start3A_1257 = arith.constant 256 : i32
      %dma_start3A_1258 = tpu.memref_slice %arg9[%dma_start3A_1251, %dma_start3A_1257] : memref<2x600xi32, #tpu.memory_space<vmem>> -> memref<1x128xi32, #tpu.memory_space<vmem>>
      %dma_start3A_1259 = tpu.memref_squeeze %dma_start3A_1258 : memref<1x128xi32, #tpu.memory_space<vmem>> -> memref<128xi32, #tpu.memory_space<vmem>>
      %dma_start3A_1260 = arith.constant 0 : i32
      %dma_start3A_1261 = arith.constant 0 : i32
      %dma_start3A_1262 = tpu.memref_slice %arg3[%dma_start3A_1250, %dma_start3A_1260, %dma_start3A_1261] : memref<3x100000x64xbf16, #tpu.memory_space<hbm>> -> memref<1x100000x64xbf16, #tpu.memory_space<hbm>>
      %dma_start3A_1263 = tpu.memref_squeeze %dma_start3A_1262 : memref<1x100000x64xbf16, #tpu.memory_space<hbm>> -> memref<100000x64xbf16, #tpu.memory_space<hbm>>
      %dma_start3A_1264 = arith.constant 0 : i32
      %dma_start3A_1265 = arith.constant 0 : i32
      %dma_start3A_1266 = tpu.memref_slice %dma_start3A_1263[%dma_start3A_1264, %dma_start3A_1265] : memref<100000x64xbf16, #tpu.memory_space<hbm>> -> memref<100000x64xbf16, #tpu.memory_space<hbm>>
      tpu.enqueue_indirect_dma source(%dma_start3A_1266 : memref<100000x64xbf16, #tpu.memory_space<hbm>>) target(%dma_start3A_1256 : memref<128x64xbf16, #tpu.memory_space<vmem>>) offsets(%dma_start3A_1259 : memref<128xi32, #tpu.memory_space<vmem>>) semaphore(%arg14 : memref<!tpu.dma_semaphore, #tpu.memory_space<semaphore_mem>>)
      %dma_start3A_1267 = arith.constant 2 : i32
      %dma_start3A_1268 = arith.constant 1 : i32
      %dma_start3A_1269 = arith.constant 0 : i32
      %dma_start3A_1270 = arith.constant 384 : i32
      %dma_start3A_1271 = arith.constant 0 : i32
      %dma_start3A_1272 = tpu.memref_slice %arg10[%dma_start3A_1269, %dma_start3A_1270, %dma_start3A_1271] : memref<2x600x64xbf16, #tpu.memory_space<vmem>> -> memref<1x128x64xbf16, #tpu.memory_space<vmem>>
      %dma_start3A_1273 = tpu.memref_squeeze %dma_start3A_1272 : memref<1x128x64xbf16, #tpu.memory_space<vmem>> -> memref<128x64xbf16, #tpu.memory_space<vmem>>
      %dma_start3A_1274 = arith.constant 384 : i32
      %dma_start3A_1275 = tpu.memref_slice %arg9[%dma_start3A_1268, %dma_start3A_1274] : memref<2x600xi32, #tpu.memory_space<vmem>> -> memref<1x128xi32, #tpu.memory_space<vmem>>
      %dma_start3A_1276 = tpu.memref_squeeze %dma_start3A_1275 : memref<1x128xi32, #tpu.memory_space<vmem>> -> memref<128xi32, #tpu.memory_space<vmem>>
      %dma_start3A_1277 = arith.constant 0 : i32
      %dma_start3A_1278 = arith.constant 0 : i32
      %dma_start3A_1279 = tpu.memref_slice %arg3[%dma_start3A_1267, %dma_start3A_1277, %dma_start3A_1278] : memref<3x100000x64xbf16, #tpu.memory_space<hbm>> -> memref<1x100000x64xbf16, #tpu.memory_space<hbm>>
      %dma_start3A_1280 = tpu.memref_squeeze %dma_start3A_1279 : memref<1x100000x64xbf16, #tpu.memory_space<hbm>> -> memref<100000x64xbf16, #tpu.memory_space<hbm>>
      %dma_start3A_1281 = arith.constant 0 : i32
      %dma_start3A_1282 = arith.constant 0 : i32
      %dma_start3A_1283 = tpu.memref_slice %dma_start3A_1280[%dma_start3A_1281, %dma_start3A_1282] : memref<100000x64xbf16, #tpu.memory_space<hbm>> -> memref<100000x64xbf16, #tpu.memory_space<hbm>>
      tpu.enqueue_indirect_dma source(%dma_start3A_1283 : memref<100000x64xbf16, #tpu.memory_space<hbm>>) target(%dma_start3A_1273 : memref<128x64xbf16, #tpu.memory_space<vmem>>) offsets(%dma_start3A_1276 : memref<128xi32, #tpu.memory_space<vmem>>) semaphore(%arg14 : memref<!tpu.dma_semaphore, #tpu.memory_space<semaphore_mem>>)
      %dma_start3A_1284 = arith.constant 2 : i32
      %dma_start3A_1285 = arith.constant 1 : i32
      %dma_start3A_1286 = arith.constant 0 : i32
      %dma_start3A_1287 = arith.constant 512 : i32
      %dma_start3A_1288 = arith.constant 0 : i32
      %dma_start3A_1289 = tpu.memref_slice %arg10[%dma_start3A_1286, %dma_start3A_1287, %dma_start3A_1288] : memref<2x600x64xbf16, #tpu.memory_space<vmem>> -> memref<1x88x64xbf16, #tpu.memory_space<vmem>>
      %dma_start3A_1290 = tpu.memref_squeeze %dma_start3A_1289 : memref<1x88x64xbf16, #tpu.memory_space<vmem>> -> memref<88x64xbf16, #tpu.memory_space<vmem>>
      %dma_start3A_1291 = arith.constant 512 : i32
      %dma_start3A_1292 = tpu.memref_slice %arg9[%dma_start3A_1285, %dma_start3A_1291] : memref<2x600xi32, #tpu.memory_space<vmem>> -> memref<1x88xi32, #tpu.memory_space<vmem>>
      %dma_start3A_1293 = tpu.memref_squeeze %dma_start3A_1292 : memref<1x88xi32, #tpu.memory_space<vmem>> -> memref<88xi32, #tpu.memory_space<vmem>>
      %dma_start3A_1294 = arith.constant 0 : i32
      %dma_start3A_1295 = arith.constant 0 : i32
      %dma_start3A_1296 = tpu.memref_slice %arg3[%dma_start3A_1284, %dma_start3A_1294, %dma_start3A_1295] : memref<3x100000x64xbf16, #tpu.memory_space<hbm>> -> memref<1x100000x64xbf16, #tpu.memory_space<hbm>>
      %dma_start3A_1297 = tpu.memref_squeeze %dma_start3A_1296 : memref<1x100000x64xbf16, #tpu.memory_space<hbm>> -> memref<100000x64xbf16, #tpu.memory_space<hbm>>
      %dma_start3A_1298 = arith.constant 0 : i32
      %dma_start3A_1299 = arith.constant 0 : i32
      %dma_start3A_1300 = tpu.memref_slice %dma_start3A_1297[%dma_start3A_1298, %dma_start3A_1299] : memref<100000x64xbf16, #tpu.memory_space<hbm>> -> memref<100000x64xbf16, #tpu.memory_space<hbm>>
      tpu.enqueue_indirect_dma source(%dma_start3A_1300 : memref<100000x64xbf16, #tpu.memory_space<hbm>>) target(%dma_start3A_1290 : memref<88x64xbf16, #tpu.memory_space<vmem>>) offsets(%dma_start3A_1293 : memref<88xi32, #tpu.memory_space<vmem>>) semaphore(%arg14 : memref<!tpu.dma_semaphore, #tpu.memory_space<semaphore_mem>>)
      %dma_wait3A_1301 = arith.constant 1 : i32
      %dma_wait3A_1302 = arith.constant 0 : i32
      %dma_wait3A_1303 = arith.constant 1 : i32
      %dma_wait3A_1304 = arith.constant 0 : i32
      %dma_wait3A_1305 = arith.constant 0 : i32
      %dma_wait3A_1306 = tpu.memref_slice %arg10[%dma_wait3A_1303, %dma_wait3A_1304, %dma_wait3A_1305] : memref<2x600x64xbf16, #tpu.memory_space<vmem>> -> memref<1x128x64xbf16, #tpu.memory_space<vmem>>
      %dma_wait3A_1307 = tpu.memref_squeeze %dma_wait3A_1306 : memref<1x128x64xbf16, #tpu.memory_space<vmem>> -> memref<128x64xbf16, #tpu.memory_space<vmem>>
      %dma_wait3A_1308 = arith.constant 0 : i32
      %dma_wait3A_1309 = tpu.memref_slice %arg9[%dma_wait3A_1302, %dma_wait3A_1308] : memref<2x600xi32, #tpu.memory_space<vmem>> -> memref<1x128xi32, #tpu.memory_space<vmem>>
      %dma_wait3A_1310 = tpu.memref_squeeze %dma_wait3A_1309 : memref<1x128xi32, #tpu.memory_space<vmem>> -> memref<128xi32, #tpu.memory_space<vmem>>
      %dma_wait3A_1311 = arith.constant 0 : i32
      %dma_wait3A_1312 = arith.constant 0 : i32
      %dma_wait3A_1313 = tpu.memref_slice %arg3[%dma_wait3A_1301, %dma_wait3A_1311, %dma_wait3A_1312] : memref<3x100000x64xbf16, #tpu.memory_space<hbm>> -> memref<1x100000x64xbf16, #tpu.memory_space<hbm>>
      %dma_wait3A_1314 = tpu.memref_squeeze %dma_wait3A_1313 : memref<1x100000x64xbf16, #tpu.memory_space<hbm>> -> memref<100000x64xbf16, #tpu.memory_space<hbm>>
      %dma_wait3A_1315 = arith.constant 0 : i32
      %dma_wait3A_1316 = arith.constant 0 : i32
      %dma_wait3A_1317 = tpu.memref_slice %dma_wait3A_1314[%dma_wait3A_1315, %dma_wait3A_1316] : memref<100000x64xbf16, #tpu.memory_space<hbm>> -> memref<100000x64xbf16, #tpu.memory_space<hbm>>
      tpu.wait_indirect_dma semaphore(%arg15 : memref<!tpu.dma_semaphore, #tpu.memory_space<semaphore_mem>>) src(%dma_wait3A_1317 : memref<100000x64xbf16, #tpu.memory_space<hbm>>) dst(%dma_wait3A_1307 : memref<128x64xbf16, #tpu.memory_space<vmem>>)
      %dma_wait3A_1318 = arith.constant 1 : i32
      %dma_wait3A_1319 = arith.constant 0 : i32
      %dma_wait3A_1320 = arith.constant 1 : i32
      %dma_wait3A_1321 = arith.constant 128 : i32
      %dma_wait3A_1322 = arith.constant 0 : i32
      %dma_wait3A_1323 = tpu.memref_slice %arg10[%dma_wait3A_1320, %dma_wait3A_1321, %dma_wait3A_1322] : memref<2x600x64xbf16, #tpu.memory_space<vmem>> -> memref<1x128x64xbf16, #tpu.memory_space<vmem>>
      %dma_wait3A_1324 = tpu.memref_squeeze %dma_wait3A_1323 : memref<1x128x64xbf16, #tpu.memory_space<vmem>> -> memref<128x64xbf16, #tpu.memory_space<vmem>>
      %dma_wait3A_1325 = arith.constant 128 : i32
      %dma_wait3A_1326 = tpu.memref_slice %arg9[%dma_wait3A_1319, %dma_wait3A_1325] : memref<2x600xi32, #tpu.memory_space<vmem>> -> memref<1x128xi32, #tpu.memory_space<vmem>>
      %dma_wait3A_1327 = tpu.memref_squeeze %dma_wait3A_1326 : memref<1x128xi32, #tpu.memory_space<vmem>> -> memref<128xi32, #tpu.memory_space<vmem>>
      %dma_wait3A_1328 = arith.constant 0 : i32
      %dma_wait3A_1329 = arith.constant 0 : i32
      %dma_wait3A_1330 = tpu.memref_slice %arg3[%dma_wait3A_1318, %dma_wait3A_1328, %dma_wait3A_1329] : memref<3x100000x64xbf16, #tpu.memory_space<hbm>> -> memref<1x100000x64xbf16, #tpu.memory_space<hbm>>
      %dma_wait3A_1331 = tpu.memref_squeeze %dma_wait3A_1330 : memref<1x100000x64xbf16, #tpu.memory_space<hbm>> -> memref<100000x64xbf16, #tpu.memory_space<hbm>>
      %dma_wait3A_1332 = arith.constant 0 : i32
      %dma_wait3A_1333 = arith.constant 0 : i32
      %dma_wait3A_1334 = tpu.memref_slice %dma_wait3A_1331[%dma_wait3A_1332, %dma_wait3A_1333] : memref<100000x64xbf16, #tpu.memory_space<hbm>> -> memref<100000x64xbf16, #tpu.memory_space<hbm>>
      tpu.wait_indirect_dma semaphore(%arg15 : memref<!tpu.dma_semaphore, #tpu.memory_space<semaphore_mem>>) src(%dma_wait3A_1334 : memref<100000x64xbf16, #tpu.memory_space<hbm>>) dst(%dma_wait3A_1324 : memref<128x64xbf16, #tpu.memory_space<vmem>>)
      %dma_wait3A_1335 = arith.constant 1 : i32
      %dma_wait3A_1336 = arith.constant 0 : i32
      %dma_wait3A_1337 = arith.constant 1 : i32
      %dma_wait3A_1338 = arith.constant 256 : i32
      %dma_wait3A_1339 = arith.constant 0 : i32
      %dma_wait3A_1340 = tpu.memref_slice %arg10[%dma_wait3A_1337, %dma_wait3A_1338, %dma_wait3A_1339] : memref<2x600x64xbf16, #tpu.memory_space<vmem>> -> memref<1x128x64xbf16, #tpu.memory_space<vmem>>
      %dma_wait3A_1341 = tpu.memref_squeeze %dma_wait3A_1340 : memref<1x128x64xbf16, #tpu.memory_space<vmem>> -> memref<128x64xbf16, #tpu.memory_space<vmem>>
      %dma_wait3A_1342 = arith.constant 256 : i32
      %dma_wait3A_1343 = tpu.memref_slice %arg9[%dma_wait3A_1336, %dma_wait3A_1342] : memref<2x600xi32, #tpu.memory_space<vmem>> -> memref<1x128xi32, #tpu.memory_space<vmem>>
      %dma_wait3A_1344 = tpu.memref_squeeze %dma_wait3A_1343 : memref<1x128xi32, #tpu.memory_space<vmem>> -> memref<128xi32, #tpu.memory_space<vmem>>
      %dma_wait3A_1345 = arith.constant 0 : i32
      %dma_wait3A_1346 = arith.constant 0 : i32
      %dma_wait3A_1347 = tpu.memref_slice %arg3[%dma_wait3A_1335, %dma_wait3A_1345, %dma_wait3A_1346] : memref<3x100000x64xbf16, #tpu.memory_space<hbm>> -> memref<1x100000x64xbf16, #tpu.memory_space<hbm>>
      %dma_wait3A_1348 = tpu.memref_squeeze %dma_wait3A_1347 : memref<1x100000x64xbf16, #tpu.memory_space<hbm>> -> memref<100000x64xbf16, #tpu.memory_space<hbm>>
      %dma_wait3A_1349 = arith.constant 0 : i32
      %dma_wait3A_1350 = arith.constant 0 : i32
      %dma_wait3A_1351 = tpu.memref_slice %dma_wait3A_1348[%dma_wait3A_1349, %dma_wait3A_1350] : memref<100000x64xbf16, #tpu.memory_space<hbm>> -> memref<100000x64xbf16, #tpu.memory_space<hbm>>
      tpu.wait_indirect_dma semaphore(%arg15 : memref<!tpu.dma_semaphore, #tpu.memory_space<semaphore_mem>>) src(%dma_wait3A_1351 : memref<100000x64xbf16, #tpu.memory_space<hbm>>) dst(%dma_wait3A_1341 : memref<128x64xbf16, #tpu.memory_space<vmem>>)
      %dma_wait3A_1352 = arith.constant 1 : i32
      %dma_wait3A_1353 = arith.constant 0 : i32
      %dma_wait3A_1354 = arith.constant 1 : i32
      %dma_wait3A_1355 = arith.constant 384 : i32
      %dma_wait3A_1356 = arith.constant 0 : i32
      %dma_wait3A_1357 = tpu.memref_slice %arg10[%dma_wait3A_1354, %dma_wait3A_1355, %dma_wait3A_1356] : memref<2x600x64xbf16, #tpu.memory_space<vmem>> -> memref<1x128x64xbf16, #tpu.memory_space<vmem>>
      %dma_wait3A_1358 = tpu.memref_squeeze %dma_wait3A_1357 : memref<1x128x64xbf16, #tpu.memory_space<vmem>> -> memref<128x64xbf16, #tpu.memory_space<vmem>>
      %dma_wait3A_1359 = arith.constant 384 : i32
      %dma_wait3A_1360 = tpu.memref_slice %arg9[%dma_wait3A_1353, %dma_wait3A_1359] : memref<2x600xi32, #tpu.memory_space<vmem>> -> memref<1x128xi32, #tpu.memory_space<vmem>>
      %dma_wait3A_1361 = tpu.memref_squeeze %dma_wait3A_1360 : memref<1x128xi32, #tpu.memory_space<vmem>> -> memref<128xi32, #tpu.memory_space<vmem>>
      %dma_wait3A_1362 = arith.constant 0 : i32
      %dma_wait3A_1363 = arith.constant 0 : i32
      %dma_wait3A_1364 = tpu.memref_slice %arg3[%dma_wait3A_1352, %dma_wait3A_1362, %dma_wait3A_1363] : memref<3x100000x64xbf16, #tpu.memory_space<hbm>> -> memref<1x100000x64xbf16, #tpu.memory_space<hbm>>
      %dma_wait3A_1365 = tpu.memref_squeeze %dma_wait3A_1364 : memref<1x100000x64xbf16, #tpu.memory_space<hbm>> -> memref<100000x64xbf16, #tpu.memory_space<hbm>>
      %dma_wait3A_1366 = arith.constant 0 : i32
      %dma_wait3A_1367 = arith.constant 0 : i32
      %dma_wait3A_1368 = tpu.memref_slice %dma_wait3A_1365[%dma_wait3A_1366, %dma_wait3A_1367] : memref<100000x64xbf16, #tpu.memory_space<hbm>> -> memref<100000x64xbf16, #tpu.memory_space<hbm>>
      tpu.wait_indirect_dma semaphore(%arg15 : memref<!tpu.dma_semaphore, #tpu.memory_space<semaphore_mem>>) src(%dma_wait3A_1368 : memref<100000x64xbf16, #tpu.memory_space<hbm>>) dst(%dma_wait3A_1358 : memref<128x64xbf16, #tpu.memory_space<vmem>>)
      %dma_wait3A_1369 = arith.constant 1 : i32
      %dma_wait3A_1370 = arith.constant 0 : i32
      %dma_wait3A_1371 = arith.constant 1 : i32
      %dma_wait3A_1372 = arith.constant 512 : i32
      %dma_wait3A_1373 = arith.constant 0 : i32
      %dma_wait3A_1374 = tpu.memref_slice %arg10[%dma_wait3A_1371, %dma_wait3A_1372, %dma_wait3A_1373] : memref<2x600x64xbf16, #tpu.memory_space<vmem>> -> memref<1x88x64xbf16, #tpu.memory_space<vmem>>
      %dma_wait3A_1375 = tpu.memref_squeeze %dma_wait3A_1374 : memref<1x88x64xbf16, #tpu.memory_space<vmem>> -> memref<88x64xbf16, #tpu.memory_space<vmem>>
      %dma_wait3A_1376 = arith.constant 512 : i32
      %dma_wait3A_1377 = tpu.memref_slice %arg9[%dma_wait3A_1370, %dma_wait3A_1376] : memref<2x600xi32, #tpu.memory_space<vmem>> -> memref<1x88xi32, #tpu.memory_space<vmem>>
      %dma_wait3A_1378 = tpu.memref_squeeze %dma_wait3A_1377 : memref<1x88xi32, #tpu.memory_space<vmem>> -> memref<88xi32, #tpu.memory_space<vmem>>
      %dma_wait3A_1379 = arith.constant 0 : i32
      %dma_wait3A_1380 = arith.constant 0 : i32
      %dma_wait3A_1381 = tpu.memref_slice %arg3[%dma_wait3A_1369, %dma_wait3A_1379, %dma_wait3A_1380] : memref<3x100000x64xbf16, #tpu.memory_space<hbm>> -> memref<1x100000x64xbf16, #tpu.memory_space<hbm>>
      %dma_wait3A_1382 = tpu.memref_squeeze %dma_wait3A_1381 : memref<1x100000x64xbf16, #tpu.memory_space<hbm>> -> memref<100000x64xbf16, #tpu.memory_space<hbm>>
      %dma_wait3A_1383 = arith.constant 0 : i32
      %dma_wait3A_1384 = arith.constant 0 : i32
      %dma_wait3A_1385 = tpu.memref_slice %dma_wait3A_1382[%dma_wait3A_1383, %dma_wait3A_1384] : memref<100000x64xbf16, #tpu.memory_space<hbm>> -> memref<100000x64xbf16, #tpu.memory_space<hbm>>
      tpu.wait_indirect_dma semaphore(%arg15 : memref<!tpu.dma_semaphore, #tpu.memory_space<semaphore_mem>>) src(%dma_wait3A_1385 : memref<100000x64xbf16, #tpu.memory_space<hbm>>) dst(%dma_wait3A_1375 : memref<88x64xbf16, #tpu.memory_space<vmem>>)
      %add3A_1386 = arith.addi %mul3A_2, %scan3A_189 : i32
      %dma_wait3A_1387 = arith.constant 1 : i32
      %dma_wait3A_1388 = arith.constant 0 : i32
      %dma_wait3A_1389 = arith.constant 0 : i32
      %dma_wait3A_1390 = arith.constant 0 : i32
      %dma_wait3A_1391 = tpu.memref_slice %arg11[%dma_wait3A_1387, %dma_wait3A_1389, %dma_wait3A_1390] : memref<2x100x64xf32, #tpu.memory_space<vmem>> -> memref<1x100x64xf32, #tpu.memory_space<vmem>>
      %dma_wait3A_1392 = tpu.memref_squeeze %dma_wait3A_1391 : memref<1x100x64xf32, #tpu.memory_space<vmem>> -> memref<100x64xf32, #tpu.memory_space<vmem>>
      %dma_wait3A_1393 = arith.constant 100 : i32
      %dma_wait3A_1394 = arith.constant 64 : i32
      %dma_wait3A_1395 = tpu.memref_slice %arg7[%dma_wait3A_1388, %add3A_1386, %dma_wait3A_1393, %dma_wait3A_1394] : memref<2x1024x200x128xf32, #tpu.memory_space<hbm>> -> memref<1x1x100x64xf32, #tpu.memory_space<hbm>>
      %dma_wait3A_1396 = tpu.memref_squeeze %dma_wait3A_1395 : memref<1x1x100x64xf32, #tpu.memory_space<hbm>> -> memref<100x64xf32, #tpu.memory_space<hbm>>
      %dma_wait3A_1397 = arith.constant 100 : i32
      %dma_wait3A_1398 = arith.constant 64 : i32
      %dma_wait3A_1399 = tpu.memref_slice %arg7[%dma_wait3A_1388, %add3A_1386, %dma_wait3A_1397, %dma_wait3A_1398] : memref<2x1024x200x128xf32, #tpu.memory_space<hbm>> -> memref<1x1x100x64xf32, #tpu.memory_space<hbm>>
      %dma_wait3A_1400 = tpu.memref_squeeze %dma_wait3A_1399 : memref<1x1x100x64xf32, #tpu.memory_space<hbm>> -> memref<100x64xf32, #tpu.memory_space<hbm>>
      %dma_wait3A_1401 = arith.constant 0 : i32
      %dma_wait3A_1402 = arith.constant 0 : i32
      %dma_wait3A_1403 = tpu.memref_slice %arg11[%dma_wait3A_1387, %dma_wait3A_1401, %dma_wait3A_1402] : memref<2x100x64xf32, #tpu.memory_space<vmem>> -> memref<1x100x64xf32, #tpu.memory_space<vmem>>
      %dma_wait3A_1404 = tpu.memref_squeeze %dma_wait3A_1403 : memref<1x100x64xf32, #tpu.memory_space<vmem>> -> memref<100x64xf32, #tpu.memory_space<vmem>>
      tpu.wait_dma2 semaphore(%arg17 : memref<!tpu.dma_semaphore, #tpu.memory_space<semaphore_mem>>) src(%dma_wait3A_1404 : memref<100x64xf32, #tpu.memory_space<vmem>>) dst(%dma_wait3A_1400 : memref<100x64xf32, #tpu.memory_space<hbm>>)
      %scan3A_1405 = arith.constant 0 : i32
      %scan3A_1406 = arith.constant 0 : i32
      %scan3A_1407 = arith.constant 100 : i32
      %scan3A_1408 = arith.addi %scan3A_1406, %scan3A_1407 : i32
      %scan3A_1409 = arith.constant 1 : i32
      %scan3A_1410 = scf.for %scan3A_1730 = %scan3A_1406 to %scan3A_1408 step %scan3A_1409 iter_args(%scan3A_1731 = %scan3A_1405) -> (i32)  : i32 {
        %mul3A_1732 = arith.constant 6 : i32
        %mul3A_1733 = arith.muli %scan3A_1730, %mul3A_1732 : i32
        %add3A_1734 = arith.constant 0 : i32
        %add3A_1735 = arith.addi %mul3A_1733, %add3A_1734 : i32
        %get3A = arith.constant 1 : i32
        %get3A_1736 = arith.index_cast %get3A : i32 to index
        %get3A_1737 = arith.index_cast %add3A_1735 : i32 to index
        %get3A_1738 = arith.constant 0 : index
        %get3A_1739 = tpu.vector_load %arg10[%get3A_1736, %get3A_1737, %get3A_1738] {strides = array<i32>} : memref<2x600x64xbf16, #tpu.memory_space<vmem>>, vector<32xbf16>,
        %add3A_1740 = arith.constant 0 : i32
        %add3A_1741 = arith.addi %mul3A_1733, %add3A_1740 : i32
        %add3A_1742 = arith.constant 1 : i32
        %add3A_1743 = arith.addi %add3A_1741, %add3A_1742 : i32
        %get3A_1744 = arith.constant 1 : i32
        %get3A_1745 = arith.index_cast %get3A_1744 : i32 to index
        %get3A_1746 = arith.index_cast %add3A_1743 : i32 to index
        %get3A_1747 = arith.constant 0 : index
        %get3A_1748 = tpu.vector_load %arg10[%get3A_1745, %get3A_1746, %get3A_1747] {strides = array<i32>} : memref<2x600x64xbf16, #tpu.memory_space<vmem>>, vector<32xbf16>,
        %add3A_1749 = arith.addf %get3A_1739, %get3A_1748 : vector<32xbf16>
        %unpack3A = tpu.unpack_subelements %add3A_1749, 0 {pack_format = #tpu.pack_format<interleaved>} : vector<32xbf16> -> vector<16xf32>
        %unpack3A_1750 = tpu.unpack_subelements %add3A_1749, 1 {pack_format = #tpu.pack_format<interleaved>} : vector<32xbf16> -> vector<16xf32>
        %add3A_1751 = arith.constant 2 : i32
        %add3A_1752 = arith.addi %mul3A_1733, %add3A_1751 : i32
        %get3A_1753 = arith.constant 1 : i32
        %get3A_1754 = arith.index_cast %get3A_1753 : i32 to index
        %get3A_1755 = arith.index_cast %add3A_1752 : i32 to index
        %get3A_1756 = arith.constant 0 : index
        %get3A_1757 = tpu.vector_load %arg10[%get3A_1754, %get3A_1755, %get3A_1756] {strides = array<i32>} : memref<2x600x64xbf16, #tpu.memory_space<vmem>>, vector<32xbf16>,
        %add3A_1758 = arith.constant 2 : i32
        %add3A_1759 = arith.addi %mul3A_1733, %add3A_1758 : i32
        %add3A_1760 = arith.constant 1 : i32
        %add3A_1761 = arith.addi %add3A_1759, %add3A_1760 : i32
        %get3A_1762 = arith.constant 1 : i32
        %get3A_1763 = arith.index_cast %get3A_1762 : i32 to index
        %get3A_1764 = arith.index_cast %add3A_1761 : i32 to index
        %get3A_1765 = arith.constant 0 : index
        %get3A_1766 = tpu.vector_load %arg10[%get3A_1763, %get3A_1764, %get3A_1765] {strides = array<i32>} : memref<2x600x64xbf16, #tpu.memory_space<vmem>>, vector<32xbf16>,
        %add3A_1767 = arith.addf %get3A_1757, %get3A_1766 : vector<32xbf16>
        %unpack3A_1768 = tpu.unpack_subelements %add3A_1767, 0 {pack_format = #tpu.pack_format<interleaved>} : vector<32xbf16> -> vector<16xf32>
        %unpack3A_1769 = tpu.unpack_subelements %add3A_1767, 1 {pack_format = #tpu.pack_format<interleaved>} : vector<32xbf16> -> vector<16xf32>
        %add3A_1770 = arith.addf %unpack3A, %unpack3A_1768 : vector<16xf32>
        %add3A_1771 = arith.addf %unpack3A_1750, %unpack3A_1769 : vector<16xf32>
        %add3A_1772 = arith.constant 4 : i32
        %add3A_1773 = arith.addi %mul3A_1733, %add3A_1772 : i32
        %get3A_1774 = arith.constant 1 : i32
        %get3A_1775 = arith.index_cast %get3A_1774 : i32 to index
        %get3A_1776 = arith.index_cast %add3A_1773 : i32 to index
        %get3A_1777 = arith.constant 0 : index
        %get3A_1778 = tpu.vector_load %arg10[%get3A_1775, %get3A_1776, %get3A_1777] {strides = array<i32>} : memref<2x600x64xbf16, #tpu.memory_space<vmem>>, vector<32xbf16>,
        %add3A_1779 = arith.constant 4 : i32
        %add3A_1780 = arith.addi %mul3A_1733, %add3A_1779 : i32
        %add3A_1781 = arith.constant 1 : i32
        %add3A_1782 = arith.addi %add3A_1780, %add3A_1781 : i32
        %get3A_1783 = arith.constant 1 : i32
        %get3A_1784 = arith.index_cast %get3A_1783 : i32 to index
        %get3A_1785 = arith.index_cast %add3A_1782 : i32 to index
        %get3A_1786 = arith.constant 0 : index
        %get3A_1787 = tpu.vector_load %arg10[%get3A_1784, %get3A_1785, %get3A_1786] {strides = array<i32>} : memref<2x600x64xbf16, #tpu.memory_space<vmem>>, vector<32xbf16>,
        %add3A_1788 = arith.addf %get3A_1778, %get3A_1787 : vector<32xbf16>
        %unpack3A_1789 = tpu.unpack_subelements %add3A_1788, 0 {pack_format = #tpu.pack_format<interleaved>} : vector<32xbf16> -> vector<16xf32>
        %unpack3A_1790 = tpu.unpack_subelements %add3A_1788, 1 {pack_format = #tpu.pack_format<interleaved>} : vector<32xbf16> -> vector<16xf32>
        %add3A_1791 = arith.addf %add3A_1770, %unpack3A_1789 : vector<16xf32>
        %add3A_1792 = arith.addf %add3A_1771, %unpack3A_1790 : vector<16xf32>
        %swap3A = arith.constant 1 : i32
        %swap3A_1793 = arith.index_cast %swap3A : i32 to index
        %swap3A_1794 = arith.index_cast %scan3A_1730 : i32 to index
        %swap3A_1795 = arith.constant 0 : index
        %swap3A_1796 = tpu.vector_load %arg11[%swap3A_1793, %swap3A_1794, %swap3A_1795] {strides = array<i32>} : memref<2x100x64xf32, #tpu.memory_space<vmem>>, vector<16xf32>,
        tpu.vector_store %arg11[%swap3A_1793, %swap3A_1794, %swap3A_1795], %add3A_1791 {strides = array<i32>} : memref<2x100x64xf32, #tpu.memory_space<vmem>>, vector<16xf32>,
        %swap3A_1797 = arith.constant 1 : i32
        %swap3A_1798 = arith.index_cast %swap3A_1797 : i32 to index
        %swap3A_1799 = arith.index_cast %scan3A_1730 : i32 to index
        %swap3A_1800 = arith.constant 16 : index
        %swap3A_1801 = tpu.vector_load %arg11[%swap3A_1798, %swap3A_1799, %swap3A_1800] {strides = array<i32>} : memref<2x100x64xf32, #tpu.memory_space<vmem>>, vector<16xf32>,
        tpu.vector_store %arg11[%swap3A_1798, %swap3A_1799, %swap3A_1800], %add3A_1792 {strides = array<i32>} : memref<2x100x64xf32, #tpu.memory_space<vmem>>, vector<16xf32>,
        %add3A_1802 = arith.constant 0 : i32
        %add3A_1803 = arith.addi %mul3A_1733, %add3A_1802 : i32
        %get3A_1804 = arith.constant 1 : i32
        %get3A_1805 = arith.index_cast %get3A_1804 : i32 to index
        %get3A_1806 = arith.index_cast %add3A_1803 : i32 to index
        %get3A_1807 = arith.constant 32 : index
        %get3A_1808 = tpu.vector_load %arg10[%get3A_1805, %get3A_1806, %get3A_1807] {strides = array<i32>} : memref<2x600x64xbf16, #tpu.memory_space<vmem>>, vector<32xbf16>,
        %add3A_1809 = arith.constant 0 : i32
        %add3A_1810 = arith.addi %mul3A_1733, %add3A_1809 : i32
        %add3A_1811 = arith.constant 1 : i32
        %add3A_1812 = arith.addi %add3A_1810, %add3A_1811 : i32
        %get3A_1813 = arith.constant 1 : i32
        %get3A_1814 = arith.index_cast %get3A_1813 : i32 to index
        %get3A_1815 = arith.index_cast %add3A_1812 : i32 to index
        %get3A_1816 = arith.constant 32 : index
        %get3A_1817 = tpu.vector_load %arg10[%get3A_1814, %get3A_1815, %get3A_1816] {strides = array<i32>} : memref<2x600x64xbf16, #tpu.memory_space<vmem>>, vector<32xbf16>,
        %add3A_1818 = arith.addf %get3A_1808, %get3A_1817 : vector<32xbf16>
        %unpack3A_1819 = tpu.unpack_subelements %add3A_1818, 0 {pack_format = #tpu.pack_format<interleaved>} : vector<32xbf16> -> vector<16xf32>
        %unpack3A_1820 = tpu.unpack_subelements %add3A_1818, 1 {pack_format = #tpu.pack_format<interleaved>} : vector<32xbf16> -> vector<16xf32>
        %add3A_1821 = arith.constant 2 : i32
        %add3A_1822 = arith.addi %mul3A_1733, %add3A_1821 : i32
        %get3A_1823 = arith.constant 1 : i32
        %get3A_1824 = arith.index_cast %get3A_1823 : i32 to index
        %get3A_1825 = arith.index_cast %add3A_1822 : i32 to index
        %get3A_1826 = arith.constant 32 : index
        %get3A_1827 = tpu.vector_load %arg10[%get3A_1824, %get3A_1825, %get3A_1826] {strides = array<i32>} : memref<2x600x64xbf16, #tpu.memory_space<vmem>>, vector<32xbf16>,
        %add3A_1828 = arith.constant 2 : i32
        %add3A_1829 = arith.addi %mul3A_1733, %add3A_1828 : i32
        %add3A_1830 = arith.constant 1 : i32
        %add3A_1831 = arith.addi %add3A_1829, %add3A_1830 : i32
        %get3A_1832 = arith.constant 1 : i32
        %get3A_1833 = arith.index_cast %get3A_1832 : i32 to index
        %get3A_1834 = arith.index_cast %add3A_1831 : i32 to index
        %get3A_1835 = arith.constant 32 : index
        %get3A_1836 = tpu.vector_load %arg10[%get3A_1833, %get3A_1834, %get3A_1835] {strides = array<i32>} : memref<2x600x64xbf16, #tpu.memory_space<vmem>>, vector<32xbf16>,
        %add3A_1837 = arith.addf %get3A_1827, %get3A_1836 : vector<32xbf16>
        %unpack3A_1838 = tpu.unpack_subelements %add3A_1837, 0 {pack_format = #tpu.pack_format<interleaved>} : vector<32xbf16> -> vector<16xf32>
        %unpack3A_1839 = tpu.unpack_subelements %add3A_1837, 1 {pack_format = #tpu.pack_format<interleaved>} : vector<32xbf16> -> vector<16xf32>
        %add3A_1840 = arith.addf %unpack3A_1819, %unpack3A_1838 : vector<16xf32>
        %add3A_1841 = arith.addf %unpack3A_1820, %unpack3A_1839 : vector<16xf32>
        %add3A_1842 = arith.constant 4 : i32
        %add3A_1843 = arith.addi %mul3A_1733, %add3A_1842 : i32
        %get3A_1844 = arith.constant 1 : i32
        %get3A_1845 = arith.index_cast %get3A_1844 : i32 to index
        %get3A_1846 = arith.index_cast %add3A_1843 : i32 to index
        %get3A_1847 = arith.constant 32 : index
        %get3A_1848 = tpu.vector_load %arg10[%get3A_1845, %get3A_1846, %get3A_1847] {strides = array<i32>} : memref<2x600x64xbf16, #tpu.memory_space<vmem>>, vector<32xbf16>,
        %add3A_1849 = arith.constant 4 : i32
        %add3A_1850 = arith.addi %mul3A_1733, %add3A_1849 : i32
        %add3A_1851 = arith.constant 1 : i32
        %add3A_1852 = arith.addi %add3A_1850, %add3A_1851 : i32
        %get3A_1853 = arith.constant 1 : i32
        %get3A_1854 = arith.index_cast %get3A_1853 : i32 to index
        %get3A_1855 = arith.index_cast %add3A_1852 : i32 to index
        %get3A_1856 = arith.constant 32 : index
        %get3A_1857 = tpu.vector_load %arg10[%get3A_1854, %get3A_1855, %get3A_1856] {strides = array<i32>} : memref<2x600x64xbf16, #tpu.memory_space<vmem>>, vector<32xbf16>,
        %add3A_1858 = arith.addf %get3A_1848, %get3A_1857 : vector<32xbf16>
        %unpack3A_1859 = tpu.unpack_subelements %add3A_1858, 0 {pack_format = #tpu.pack_format<interleaved>} : vector<32xbf16> -> vector<16xf32>
        %unpack3A_1860 = tpu.unpack_subelements %add3A_1858, 1 {pack_format = #tpu.pack_format<interleaved>} : vector<32xbf16> -> vector<16xf32>
        %add3A_1861 = arith.addf %add3A_1840, %unpack3A_1859 : vector<16xf32>
        %add3A_1862 = arith.addf %add3A_1841, %unpack3A_1860 : vector<16xf32>
        %swap3A_1863 = arith.constant 1 : i32
        %swap3A_1864 = arith.index_cast %swap3A_1863 : i32 to index
        %swap3A_1865 = arith.index_cast %scan3A_1730 : i32 to index
        %swap3A_1866 = arith.constant 32 : index
        %swap3A_1867 = tpu.vector_load %arg11[%swap3A_1864, %swap3A_1865, %swap3A_1866] {strides = array<i32>} : memref<2x100x64xf32, #tpu.memory_space<vmem>>, vector<16xf32>,
        tpu.vector_store %arg11[%swap3A_1864, %swap3A_1865, %swap3A_1866], %add3A_1861 {strides = array<i32>} : memref<2x100x64xf32, #tpu.memory_space<vmem>>, vector<16xf32>,
        %swap3A_1868 = arith.constant 1 : i32
        %swap3A_1869 = arith.index_cast %swap3A_1868 : i32 to index
        %swap3A_1870 = arith.index_cast %scan3A_1730 : i32 to index
        %swap3A_1871 = arith.constant 48 : index
        %swap3A_1872 = tpu.vector_load %arg11[%swap3A_1869, %swap3A_1870, %swap3A_1871] {strides = array<i32>} : memref<2x100x64xf32, #tpu.memory_space<vmem>>, vector<16xf32>,
        tpu.vector_store %arg11[%swap3A_1869, %swap3A_1870, %swap3A_1871], %add3A_1862 {strides = array<i32>} : memref<2x100x64xf32, #tpu.memory_space<vmem>>, vector<16xf32>,
        %scan3A_1873 = arith.constant 0 : i32
        scf.yield %scan3A_1873 : i32
      }
      %scan3A_1411 = arith.constant 100 : i32
      %dma_start3A_1412 = arith.constant 1 : i32
      %dma_start3A_1413 = arith.constant 0 : i32
      %dma_start3A_1414 = arith.constant 0 : i32
      %dma_start3A_1415 = arith.constant 0 : i32
      %dma_start3A_1416 = tpu.memref_slice %arg11[%dma_start3A_1412, %dma_start3A_1414, %dma_start3A_1415] : memref<2x100x64xf32, #tpu.memory_space<vmem>> -> memref<1x100x64xf32, #tpu.memory_space<vmem>>
      %dma_start3A_1417 = tpu.memref_squeeze %dma_start3A_1416 : memref<1x100x64xf32, #tpu.memory_space<vmem>> -> memref<100x64xf32, #tpu.memory_space<vmem>>
      %dma_start3A_1418 = arith.constant 100 : i32
      %dma_start3A_1419 = arith.constant 64 : i32
      %dma_start3A_1420 = tpu.memref_slice %arg7[%dma_start3A_1413, %add3A_1386, %dma_start3A_1418, %dma_start3A_1419] : memref<2x1024x200x128xf32, #tpu.memory_space<hbm>> -> memref<1x1x100x64xf32, #tpu.memory_space<hbm>>
      %dma_start3A_1421 = tpu.memref_squeeze %dma_start3A_1420 : memref<1x1x100x64xf32, #tpu.memory_space<hbm>> -> memref<100x64xf32, #tpu.memory_space<hbm>>
      %dma_start3A_1422 = arith.constant 100 : i32
      %dma_start3A_1423 = arith.constant 64 : i32
      %dma_start3A_1424 = tpu.memref_slice %arg7[%dma_start3A_1413, %add3A_1386, %dma_start3A_1422, %dma_start3A_1423] : memref<2x1024x200x128xf32, #tpu.memory_space<hbm>> -> memref<1x1x100x64xf32, #tpu.memory_space<hbm>>
      %dma_start3A_1425 = tpu.memref_squeeze %dma_start3A_1424 : memref<1x1x100x64xf32, #tpu.memory_space<hbm>> -> memref<100x64xf32, #tpu.memory_space<hbm>>
      %dma_start3A_1426 = arith.constant 0 : i32
      %dma_start3A_1427 = arith.constant 0 : i32
      %dma_start3A_1428 = tpu.memref_slice %arg11[%dma_start3A_1412, %dma_start3A_1426, %dma_start3A_1427] : memref<2x100x64xf32, #tpu.memory_space<vmem>> -> memref<1x100x64xf32, #tpu.memory_space<vmem>>
      %dma_start3A_1429 = tpu.memref_squeeze %dma_start3A_1428 : memref<1x100x64xf32, #tpu.memory_space<vmem>> -> memref<100x64xf32, #tpu.memory_space<vmem>>
      tpu.enqueue_dma source(%dma_start3A_1429 : memref<100x64xf32, #tpu.memory_space<vmem>>) target(%dma_start3A_1425 : memref<100x64xf32, #tpu.memory_space<hbm>>) target_semaphore(%arg17 : memref<!tpu.dma_semaphore, #tpu.memory_space<semaphore_mem>>)
      %dma_start3A_1430 = arith.constant 1 : i32
      %dma_start3A_1431 = arith.constant 1 : i32
      %dma_start3A_1432 = arith.constant 0 : i32
      %dma_start3A_1433 = arith.constant 0 : i32
      %dma_start3A_1434 = tpu.memref_slice %arg10[%dma_start3A_1431, %dma_start3A_1432, %dma_start3A_1433] : memref<2x600x64xbf16, #tpu.memory_space<vmem>> -> memref<1x128x64xbf16, #tpu.memory_space<vmem>>
      %dma_start3A_1435 = tpu.memref_squeeze %dma_start3A_1434 : memref<1x128x64xbf16, #tpu.memory_space<vmem>> -> memref<128x64xbf16, #tpu.memory_space<vmem>>
      %dma_start3A_1436 = arith.constant 0 : i32
      %dma_start3A_1437 = tpu.memref_slice %arg9[%dma_start3A_1430, %dma_start3A_1436] : memref<2x600xi32, #tpu.memory_space<vmem>> -> memref<1x128xi32, #tpu.memory_space<vmem>>
      %dma_start3A_1438 = tpu.memref_squeeze %dma_start3A_1437 : memref<1x128xi32, #tpu.memory_space<vmem>> -> memref<128xi32, #tpu.memory_space<vmem>>
      %dma_start3A_1439 = arith.constant 0 : i32
      %dma_start3A_1440 = arith.constant 0 : i32
      %dma_start3A_1441 = tpu.memref_slice %arg4[%dma_start3A_1439, %dma_start3A_1440] : memref<100000x64xbf16, #tpu.memory_space<hbm>> -> memref<100000x64xbf16, #tpu.memory_space<hbm>>
      tpu.enqueue_indirect_dma source(%dma_start3A_1441 : memref<100000x64xbf16, #tpu.memory_space<hbm>>) target(%dma_start3A_1435 : memref<128x64xbf16, #tpu.memory_space<vmem>>) offsets(%dma_start3A_1438 : memref<128xi32, #tpu.memory_space<vmem>>) semaphore(%arg15 : memref<!tpu.dma_semaphore, #tpu.memory_space<semaphore_mem>>)
      %dma_start3A_1442 = arith.constant 1 : i32
      %dma_start3A_1443 = arith.constant 1 : i32
      %dma_start3A_1444 = arith.constant 128 : i32
      %dma_start3A_1445 = arith.constant 0 : i32
      %dma_start3A_1446 = tpu.memref_slice %arg10[%dma_start3A_1443, %dma_start3A_1444, %dma_start3A_1445] : memref<2x600x64xbf16, #tpu.memory_space<vmem>> -> memref<1x128x64xbf16, #tpu.memory_space<vmem>>
      %dma_start3A_1447 = tpu.memref_squeeze %dma_start3A_1446 : memref<1x128x64xbf16, #tpu.memory_space<vmem>> -> memref<128x64xbf16, #tpu.memory_space<vmem>>
      %dma_start3A_1448 = arith.constant 128 : i32
      %dma_start3A_1449 = tpu.memref_slice %arg9[%dma_start3A_1442, %dma_start3A_1448] : memref<2x600xi32, #tpu.memory_space<vmem>> -> memref<1x128xi32, #tpu.memory_space<vmem>>
      %dma_start3A_1450 = tpu.memref_squeeze %dma_start3A_1449 : memref<1x128xi32, #tpu.memory_space<vmem>> -> memref<128xi32, #tpu.memory_space<vmem>>
      %dma_start3A_1451 = arith.constant 0 : i32
      %dma_start3A_1452 = arith.constant 0 : i32
      %dma_start3A_1453 = tpu.memref_slice %arg4[%dma_start3A_1451, %dma_start3A_1452] : memref<100000x64xbf16, #tpu.memory_space<hbm>> -> memref<100000x64xbf16, #tpu.memory_space<hbm>>
      tpu.enqueue_indirect_dma source(%dma_start3A_1453 : memref<100000x64xbf16, #tpu.memory_space<hbm>>) target(%dma_start3A_1447 : memref<128x64xbf16, #tpu.memory_space<vmem>>) offsets(%dma_start3A_1450 : memref<128xi32, #tpu.memory_space<vmem>>) semaphore(%arg15 : memref<!tpu.dma_semaphore, #tpu.memory_space<semaphore_mem>>)
      %dma_start3A_1454 = arith.constant 1 : i32
      %dma_start3A_1455 = arith.constant 1 : i32
      %dma_start3A_1456 = arith.constant 256 : i32
      %dma_start3A_1457 = arith.constant 0 : i32
      %dma_start3A_1458 = tpu.memref_slice %arg10[%dma_start3A_1455, %dma_start3A_1456, %dma_start3A_1457] : memref<2x600x64xbf16, #tpu.memory_space<vmem>> -> memref<1x128x64xbf16, #tpu.memory_space<vmem>>
      %dma_start3A_1459 = tpu.memref_squeeze %dma_start3A_1458 : memref<1x128x64xbf16, #tpu.memory_space<vmem>> -> memref<128x64xbf16, #tpu.memory_space<vmem>>
      %dma_start3A_1460 = arith.constant 256 : i32
      %dma_start3A_1461 = tpu.memref_slice %arg9[%dma_start3A_1454, %dma_start3A_1460] : memref<2x600xi32, #tpu.memory_space<vmem>> -> memref<1x128xi32, #tpu.memory_space<vmem>>
      %dma_start3A_1462 = tpu.memref_squeeze %dma_start3A_1461 : memref<1x128xi32, #tpu.memory_space<vmem>> -> memref<128xi32, #tpu.memory_space<vmem>>
      %dma_start3A_1463 = arith.constant 0 : i32
      %dma_start3A_1464 = arith.constant 0 : i32
      %dma_start3A_1465 = tpu.memref_slice %arg4[%dma_start3A_1463, %dma_start3A_1464] : memref<100000x64xbf16, #tpu.memory_space<hbm>> -> memref<100000x64xbf16, #tpu.memory_space<hbm>>
      tpu.enqueue_indirect_dma source(%dma_start3A_1465 : memref<100000x64xbf16, #tpu.memory_space<hbm>>) target(%dma_start3A_1459 : memref<128x64xbf16, #tpu.memory_space<vmem>>) offsets(%dma_start3A_1462 : memref<128xi32, #tpu.memory_space<vmem>>) semaphore(%arg15 : memref<!tpu.dma_semaphore, #tpu.memory_space<semaphore_mem>>)
      %dma_start3A_1466 = arith.constant 1 : i32
      %dma_start3A_1467 = arith.constant 1 : i32
      %dma_start3A_1468 = arith.constant 384 : i32
      %dma_start3A_1469 = arith.constant 0 : i32
      %dma_start3A_1470 = tpu.memref_slice %arg10[%dma_start3A_1467, %dma_start3A_1468, %dma_start3A_1469] : memref<2x600x64xbf16, #tpu.memory_space<vmem>> -> memref<1x128x64xbf16, #tpu.memory_space<vmem>>
      %dma_start3A_1471 = tpu.memref_squeeze %dma_start3A_1470 : memref<1x128x64xbf16, #tpu.memory_space<vmem>> -> memref<128x64xbf16, #tpu.memory_space<vmem>>
      %dma_start3A_1472 = arith.constant 384 : i32
      %dma_start3A_1473 = tpu.memref_slice %arg9[%dma_start3A_1466, %dma_start3A_1472] : memref<2x600xi32, #tpu.memory_space<vmem>> -> memref<1x128xi32, #tpu.memory_space<vmem>>
      %dma_start3A_1474 = tpu.memref_squeeze %dma_start3A_1473 : memref<1x128xi32, #tpu.memory_space<vmem>> -> memref<128xi32, #tpu.memory_space<vmem>>
      %dma_start3A_1475 = arith.constant 0 : i32
      %dma_start3A_1476 = arith.constant 0 : i32
      %dma_start3A_1477 = tpu.memref_slice %arg4[%dma_start3A_1475, %dma_start3A_1476] : memref<100000x64xbf16, #tpu.memory_space<hbm>> -> memref<100000x64xbf16, #tpu.memory_space<hbm>>
      tpu.enqueue_indirect_dma source(%dma_start3A_1477 : memref<100000x64xbf16, #tpu.memory_space<hbm>>) target(%dma_start3A_1471 : memref<128x64xbf16, #tpu.memory_space<vmem>>) offsets(%dma_start3A_1474 : memref<128xi32, #tpu.memory_space<vmem>>) semaphore(%arg15 : memref<!tpu.dma_semaphore, #tpu.memory_space<semaphore_mem>>)
      %dma_start3A_1478 = arith.constant 1 : i32
      %dma_start3A_1479 = arith.constant 1 : i32
      %dma_start3A_1480 = arith.constant 512 : i32
      %dma_start3A_1481 = arith.constant 0 : i32
      %dma_start3A_1482 = tpu.memref_slice %arg10[%dma_start3A_1479, %dma_start3A_1480, %dma_start3A_1481] : memref<2x600x64xbf16, #tpu.memory_space<vmem>> -> memref<1x88x64xbf16, #tpu.memory_space<vmem>>
      %dma_start3A_1483 = tpu.memref_squeeze %dma_start3A_1482 : memref<1x88x64xbf16, #tpu.memory_space<vmem>> -> memref<88x64xbf16, #tpu.memory_space<vmem>>
      %dma_start3A_1484 = arith.constant 512 : i32
      %dma_start3A_1485 = tpu.memref_slice %arg9[%dma_start3A_1478, %dma_start3A_1484] : memref<2x600xi32, #tpu.memory_space<vmem>> -> memref<1x88xi32, #tpu.memory_space<vmem>>
      %dma_start3A_1486 = tpu.memref_squeeze %dma_start3A_1485 : memref<1x88xi32, #tpu.memory_space<vmem>> -> memref<88xi32, #tpu.memory_space<vmem>>
      %dma_start3A_1487 = arith.constant 0 : i32
      %dma_start3A_1488 = arith.constant 0 : i32
      %dma_start3A_1489 = tpu.memref_slice %arg4[%dma_start3A_1487, %dma_start3A_1488] : memref<100000x64xbf16, #tpu.memory_space<hbm>> -> memref<100000x64xbf16, #tpu.memory_space<hbm>>
      tpu.enqueue_indirect_dma source(%dma_start3A_1489 : memref<100000x64xbf16, #tpu.memory_space<hbm>>) target(%dma_start3A_1483 : memref<88x64xbf16, #tpu.memory_space<vmem>>) offsets(%dma_start3A_1486 : memref<88xi32, #tpu.memory_space<vmem>>) semaphore(%arg15 : memref<!tpu.dma_semaphore, #tpu.memory_space<semaphore_mem>>)
      %dma_wait3A_1490 = arith.constant 2 : i32
      %dma_wait3A_1491 = arith.constant 0 : i32
      %dma_wait3A_1492 = arith.constant 0 : i32
      %dma_wait3A_1493 = arith.constant 0 : i32
      %dma_wait3A_1494 = arith.constant 0 : i32
      %dma_wait3A_1495 = tpu.memref_slice %arg10[%dma_wait3A_1492, %dma_wait3A_1493, %dma_wait3A_1494] : memref<2x600x64xbf16, #tpu.memory_space<vmem>> -> memref<1x128x64xbf16, #tpu.memory_space<vmem>>
      %dma_wait3A_1496 = tpu.memref_squeeze %dma_wait3A_1495 : memref<1x128x64xbf16, #tpu.memory_space<vmem>> -> memref<128x64xbf16, #tpu.memory_space<vmem>>
      %dma_wait3A_1497 = arith.constant 0 : i32
      %dma_wait3A_1498 = tpu.memref_slice %arg9[%dma_wait3A_1491, %dma_wait3A_1497] : memref<2x600xi32, #tpu.memory_space<vmem>> -> memref<1x128xi32, #tpu.memory_space<vmem>>
      %dma_wait3A_1499 = tpu.memref_squeeze %dma_wait3A_1498 : memref<1x128xi32, #tpu.memory_space<vmem>> -> memref<128xi32, #tpu.memory_space<vmem>>
      %dma_wait3A_1500 = arith.constant 0 : i32
      %dma_wait3A_1501 = arith.constant 0 : i32
      %dma_wait3A_1502 = tpu.memref_slice %arg3[%dma_wait3A_1490, %dma_wait3A_1500, %dma_wait3A_1501] : memref<3x100000x64xbf16, #tpu.memory_space<hbm>> -> memref<1x100000x64xbf16, #tpu.memory_space<hbm>>
      %dma_wait3A_1503 = tpu.memref_squeeze %dma_wait3A_1502 : memref<1x100000x64xbf16, #tpu.memory_space<hbm>> -> memref<100000x64xbf16, #tpu.memory_space<hbm>>
      %dma_wait3A_1504 = arith.constant 0 : i32
      %dma_wait3A_1505 = arith.constant 0 : i32
      %dma_wait3A_1506 = tpu.memref_slice %dma_wait3A_1503[%dma_wait3A_1504, %dma_wait3A_1505] : memref<100000x64xbf16, #tpu.memory_space<hbm>> -> memref<100000x64xbf16, #tpu.memory_space<hbm>>
      tpu.wait_indirect_dma semaphore(%arg14 : memref<!tpu.dma_semaphore, #tpu.memory_space<semaphore_mem>>) src(%dma_wait3A_1506 : memref<100000x64xbf16, #tpu.memory_space<hbm>>) dst(%dma_wait3A_1496 : memref<128x64xbf16, #tpu.memory_space<vmem>>)
      %dma_wait3A_1507 = arith.constant 2 : i32
      %dma_wait3A_1508 = arith.constant 0 : i32
      %dma_wait3A_1509 = arith.constant 0 : i32
      %dma_wait3A_1510 = arith.constant 128 : i32
      %dma_wait3A_1511 = arith.constant 0 : i32
      %dma_wait3A_1512 = tpu.memref_slice %arg10[%dma_wait3A_1509, %dma_wait3A_1510, %dma_wait3A_1511] : memref<2x600x64xbf16, #tpu.memory_space<vmem>> -> memref<1x128x64xbf16, #tpu.memory_space<vmem>>
      %dma_wait3A_1513 = tpu.memref_squeeze %dma_wait3A_1512 : memref<1x128x64xbf16, #tpu.memory_space<vmem>> -> memref<128x64xbf16, #tpu.memory_space<vmem>>
      %dma_wait3A_1514 = arith.constant 128 : i32
      %dma_wait3A_1515 = tpu.memref_slice %arg9[%dma_wait3A_1508, %dma_wait3A_1514] : memref<2x600xi32, #tpu.memory_space<vmem>> -> memref<1x128xi32, #tpu.memory_space<vmem>>
      %dma_wait3A_1516 = tpu.memref_squeeze %dma_wait3A_1515 : memref<1x128xi32, #tpu.memory_space<vmem>> -> memref<128xi32, #tpu.memory_space<vmem>>
      %dma_wait3A_1517 = arith.constant 0 : i32
      %dma_wait3A_1518 = arith.constant 0 : i32
      %dma_wait3A_1519 = tpu.memref_slice %arg3[%dma_wait3A_1507, %dma_wait3A_1517, %dma_wait3A_1518] : memref<3x100000x64xbf16, #tpu.memory_space<hbm>> -> memref<1x100000x64xbf16, #tpu.memory_space<hbm>>
      %dma_wait3A_1520 = tpu.memref_squeeze %dma_wait3A_1519 : memref<1x100000x64xbf16, #tpu.memory_space<hbm>> -> memref<100000x64xbf16, #tpu.memory_space<hbm>>
      %dma_wait3A_1521 = arith.constant 0 : i32
      %dma_wait3A_1522 = arith.constant 0 : i32
      %dma_wait3A_1523 = tpu.memref_slice %dma_wait3A_1520[%dma_wait3A_1521, %dma_wait3A_1522] : memref<100000x64xbf16, #tpu.memory_space<hbm>> -> memref<100000x64xbf16, #tpu.memory_space<hbm>>
      tpu.wait_indirect_dma semaphore(%arg14 : memref<!tpu.dma_semaphore, #tpu.memory_space<semaphore_mem>>) src(%dma_wait3A_1523 : memref<100000x64xbf16, #tpu.memory_space<hbm>>) dst(%dma_wait3A_1513 : memref<128x64xbf16, #tpu.memory_space<vmem>>)
      %dma_wait3A_1524 = arith.constant 2 : i32
      %dma_wait3A_1525 = arith.constant 0 : i32
      %dma_wait3A_1526 = arith.constant 0 : i32
      %dma_wait3A_1527 = arith.constant 256 : i32
      %dma_wait3A_1528 = arith.constant 0 : i32
      %dma_wait3A_1529 = tpu.memref_slice %arg10[%dma_wait3A_1526, %dma_wait3A_1527, %dma_wait3A_1528] : memref<2x600x64xbf16, #tpu.memory_space<vmem>> -> memref<1x128x64xbf16, #tpu.memory_space<vmem>>
      %dma_wait3A_1530 = tpu.memref_squeeze %dma_wait3A_1529 : memref<1x128x64xbf16, #tpu.memory_space<vmem>> -> memref<128x64xbf16, #tpu.memory_space<vmem>>
      %dma_wait3A_1531 = arith.constant 256 : i32
      %dma_wait3A_1532 = tpu.memref_slice %arg9[%dma_wait3A_1525, %dma_wait3A_1531] : memref<2x600xi32, #tpu.memory_space<vmem>> -> memref<1x128xi32, #tpu.memory_space<vmem>>
      %dma_wait3A_1533 = tpu.memref_squeeze %dma_wait3A_1532 : memref<1x128xi32, #tpu.memory_space<vmem>> -> memref<128xi32, #tpu.memory_space<vmem>>
      %dma_wait3A_1534 = arith.constant 0 : i32
      %dma_wait3A_1535 = arith.constant 0 : i32
      %dma_wait3A_1536 = tpu.memref_slice %arg3[%dma_wait3A_1524, %dma_wait3A_1534, %dma_wait3A_1535] : memref<3x100000x64xbf16, #tpu.memory_space<hbm>> -> memref<1x100000x64xbf16, #tpu.memory_space<hbm>>
      %dma_wait3A_1537 = tpu.memref_squeeze %dma_wait3A_1536 : memref<1x100000x64xbf16, #tpu.memory_space<hbm>> -> memref<100000x64xbf16, #tpu.memory_space<hbm>>
      %dma_wait3A_1538 = arith.constant 0 : i32
      %dma_wait3A_1539 = arith.constant 0 : i32
      %dma_wait3A_1540 = tpu.memref_slice %dma_wait3A_1537[%dma_wait3A_1538, %dma_wait3A_1539] : memref<100000x64xbf16, #tpu.memory_space<hbm>> -> memref<100000x64xbf16, #tpu.memory_space<hbm>>
      tpu.wait_indirect_dma semaphore(%arg14 : memref<!tpu.dma_semaphore, #tpu.memory_space<semaphore_mem>>) src(%dma_wait3A_1540 : memref<100000x64xbf16, #tpu.memory_space<hbm>>) dst(%dma_wait3A_1530 : memref<128x64xbf16, #tpu.memory_space<vmem>>)
      %dma_wait3A_1541 = arith.constant 2 : i32
      %dma_wait3A_1542 = arith.constant 0 : i32
      %dma_wait3A_1543 = arith.constant 0 : i32
      %dma_wait3A_1544 = arith.constant 384 : i32
      %dma_wait3A_1545 = arith.constant 0 : i32
      %dma_wait3A_1546 = tpu.memref_slice %arg10[%dma_wait3A_1543, %dma_wait3A_1544, %dma_wait3A_1545] : memref<2x600x64xbf16, #tpu.memory_space<vmem>> -> memref<1x128x64xbf16, #tpu.memory_space<vmem>>
      %dma_wait3A_1547 = tpu.memref_squeeze %dma_wait3A_1546 : memref<1x128x64xbf16, #tpu.memory_space<vmem>> -> memref<128x64xbf16, #tpu.memory_space<vmem>>
      %dma_wait3A_1548 = arith.constant 384 : i32
      %dma_wait3A_1549 = tpu.memref_slice %arg9[%dma_wait3A_1542, %dma_wait3A_1548] : memref<2x600xi32, #tpu.memory_space<vmem>> -> memref<1x128xi32, #tpu.memory_space<vmem>>
      %dma_wait3A_1550 = tpu.memref_squeeze %dma_wait3A_1549 : memref<1x128xi32, #tpu.memory_space<vmem>> -> memref<128xi32, #tpu.memory_space<vmem>>
      %dma_wait3A_1551 = arith.constant 0 : i32
      %dma_wait3A_1552 = arith.constant 0 : i32
      %dma_wait3A_1553 = tpu.memref_slice %arg3[%dma_wait3A_1541, %dma_wait3A_1551, %dma_wait3A_1552] : memref<3x100000x64xbf16, #tpu.memory_space<hbm>> -> memref<1x100000x64xbf16, #tpu.memory_space<hbm>>
      %dma_wait3A_1554 = tpu.memref_squeeze %dma_wait3A_1553 : memref<1x100000x64xbf16, #tpu.memory_space<hbm>> -> memref<100000x64xbf16, #tpu.memory_space<hbm>>
      %dma_wait3A_1555 = arith.constant 0 : i32
      %dma_wait3A_1556 = arith.constant 0 : i32
      %dma_wait3A_1557 = tpu.memref_slice %dma_wait3A_1554[%dma_wait3A_1555, %dma_wait3A_1556] : memref<100000x64xbf16, #tpu.memory_space<hbm>> -> memref<100000x64xbf16, #tpu.memory_space<hbm>>
      tpu.wait_indirect_dma semaphore(%arg14 : memref<!tpu.dma_semaphore, #tpu.memory_space<semaphore_mem>>) src(%dma_wait3A_1557 : memref<100000x64xbf16, #tpu.memory_space<hbm>>) dst(%dma_wait3A_1547 : memref<128x64xbf16, #tpu.memory_space<vmem>>)
      %dma_wait3A_1558 = arith.constant 2 : i32
      %dma_wait3A_1559 = arith.constant 0 : i32
      %dma_wait3A_1560 = arith.constant 0 : i32
      %dma_wait3A_1561 = arith.constant 512 : i32
      %dma_wait3A_1562 = arith.constant 0 : i32
      %dma_wait3A_1563 = tpu.memref_slice %arg10[%dma_wait3A_1560, %dma_wait3A_1561, %dma_wait3A_1562] : memref<2x600x64xbf16, #tpu.memory_space<vmem>> -> memref<1x88x64xbf16, #tpu.memory_space<vmem>>
      %dma_wait3A_1564 = tpu.memref_squeeze %dma_wait3A_1563 : memref<1x88x64xbf16, #tpu.memory_space<vmem>> -> memref<88x64xbf16, #tpu.memory_space<vmem>>
      %dma_wait3A_1565 = arith.constant 512 : i32
      %dma_wait3A_1566 = tpu.memref_slice %arg9[%dma_wait3A_1559, %dma_wait3A_1565] : memref<2x600xi32, #tpu.memory_space<vmem>> -> memref<1x88xi32, #tpu.memory_space<vmem>>
      %dma_wait3A_1567 = tpu.memref_squeeze %dma_wait3A_1566 : memref<1x88xi32, #tpu.memory_space<vmem>> -> memref<88xi32, #tpu.memory_space<vmem>>
      %dma_wait3A_1568 = arith.constant 0 : i32
      %dma_wait3A_1569 = arith.constant 0 : i32
      %dma_wait3A_1570 = tpu.memref_slice %arg3[%dma_wait3A_1558, %dma_wait3A_1568, %dma_wait3A_1569] : memref<3x100000x64xbf16, #tpu.memory_space<hbm>> -> memref<1x100000x64xbf16, #tpu.memory_space<hbm>>
      %dma_wait3A_1571 = tpu.memref_squeeze %dma_wait3A_1570 : memref<1x100000x64xbf16, #tpu.memory_space<hbm>> -> memref<100000x64xbf16, #tpu.memory_space<hbm>>
      %dma_wait3A_1572 = arith.constant 0 : i32
      %dma_wait3A_1573 = arith.constant 0 : i32
      %dma_wait3A_1574 = tpu.memref_slice %dma_wait3A_1571[%dma_wait3A_1572, %dma_wait3A_1573] : memref<100000x64xbf16, #tpu.memory_space<hbm>> -> memref<100000x64xbf16, #tpu.memory_space<hbm>>
      tpu.wait_indirect_dma semaphore(%arg14 : memref<!tpu.dma_semaphore, #tpu.memory_space<semaphore_mem>>) src(%dma_wait3A_1574 : memref<100000x64xbf16, #tpu.memory_space<hbm>>) dst(%dma_wait3A_1564 : memref<88x64xbf16, #tpu.memory_space<vmem>>)
      %add3A_1575 = arith.addi %mul3A_2, %scan3A_189 : i32
      %dma_wait3A_1576 = arith.constant 0 : i32
      %dma_wait3A_1577 = arith.constant 1 : i32
      %dma_wait3A_1578 = arith.constant 0 : i32
      %dma_wait3A_1579 = arith.constant 0 : i32
      %dma_wait3A_1580 = tpu.memref_slice %arg11[%dma_wait3A_1576, %dma_wait3A_1578, %dma_wait3A_1579] : memref<2x100x64xf32, #tpu.memory_space<vmem>> -> memref<1x100x64xf32, #tpu.memory_space<vmem>>
      %dma_wait3A_1581 = tpu.memref_squeeze %dma_wait3A_1580 : memref<1x100x64xf32, #tpu.memory_space<vmem>> -> memref<100x64xf32, #tpu.memory_space<vmem>>
      %dma_wait3A_1582 = arith.constant 100 : i32
      %dma_wait3A_1583 = arith.constant 0 : i32
      %dma_wait3A_1584 = tpu.memref_slice %arg7[%dma_wait3A_1577, %add3A_1575, %dma_wait3A_1582, %dma_wait3A_1583] : memref<2x1024x200x128xf32, #tpu.memory_space<hbm>> -> memref<1x1x100x64xf32, #tpu.memory_space<hbm>>
      %dma_wait3A_1585 = tpu.memref_squeeze %dma_wait3A_1584 : memref<1x1x100x64xf32, #tpu.memory_space<hbm>> -> memref<100x64xf32, #tpu.memory_space<hbm>>
      %dma_wait3A_1586 = arith.constant 100 : i32
      %dma_wait3A_1587 = arith.constant 0 : i32
      %dma_wait3A_1588 = tpu.memref_slice %arg7[%dma_wait3A_1577, %add3A_1575, %dma_wait3A_1586, %dma_wait3A_1587] : memref<2x1024x200x128xf32, #tpu.memory_space<hbm>> -> memref<1x1x100x64xf32, #tpu.memory_space<hbm>>
      %dma_wait3A_1589 = tpu.memref_squeeze %dma_wait3A_1588 : memref<1x1x100x64xf32, #tpu.memory_space<hbm>> -> memref<100x64xf32, #tpu.memory_space<hbm>>
      %dma_wait3A_1590 = arith.constant 0 : i32
      %dma_wait3A_1591 = arith.constant 0 : i32
      %dma_wait3A_1592 = tpu.memref_slice %arg11[%dma_wait3A_1576, %dma_wait3A_1590, %dma_wait3A_1591] : memref<2x100x64xf32, #tpu.memory_space<vmem>> -> memref<1x100x64xf32, #tpu.memory_space<vmem>>
      %dma_wait3A_1593 = tpu.memref_squeeze %dma_wait3A_1592 : memref<1x100x64xf32, #tpu.memory_space<vmem>> -> memref<100x64xf32, #tpu.memory_space<vmem>>
      tpu.wait_dma2 semaphore(%arg16 : memref<!tpu.dma_semaphore, #tpu.memory_space<semaphore_mem>>) src(%dma_wait3A_1593 : memref<100x64xf32, #tpu.memory_space<vmem>>) dst(%dma_wait3A_1589 : memref<100x64xf32, #tpu.memory_space<hbm>>)
      %scan3A_1594 = arith.constant 0 : i32
      %scan3A_1595 = arith.constant 0 : i32
      %scan3A_1596 = arith.constant 100 : i32
      %scan3A_1597 = arith.addi %scan3A_1595, %scan3A_1596 : i32
      %scan3A_1598 = arith.constant 1 : i32
      %scan3A_1599 = scf.for %scan3A_1730 = %scan3A_1595 to %scan3A_1597 step %scan3A_1598 iter_args(%scan3A_1731 = %scan3A_1594) -> (i32)  : i32 {
        %mul3A_1732 = arith.constant 6 : i32
        %mul3A_1733 = arith.muli %scan3A_1730, %mul3A_1732 : i32
        %add3A_1734 = arith.constant 0 : i32
        %add3A_1735 = arith.addi %mul3A_1733, %add3A_1734 : i32
        %get3A = arith.constant 0 : i32
        %get3A_1736 = arith.index_cast %get3A : i32 to index
        %get3A_1737 = arith.index_cast %add3A_1735 : i32 to index
        %get3A_1738 = arith.constant 0 : index
        %get3A_1739 = tpu.vector_load %arg10[%get3A_1736, %get3A_1737, %get3A_1738] {strides = array<i32>} : memref<2x600x64xbf16, #tpu.memory_space<vmem>>, vector<32xbf16>,
        %add3A_1740 = arith.constant 0 : i32
        %add3A_1741 = arith.addi %mul3A_1733, %add3A_1740 : i32
        %add3A_1742 = arith.constant 1 : i32
        %add3A_1743 = arith.addi %add3A_1741, %add3A_1742 : i32
        %get3A_1744 = arith.constant 0 : i32
        %get3A_1745 = arith.index_cast %get3A_1744 : i32 to index
        %get3A_1746 = arith.index_cast %add3A_1743 : i32 to index
        %get3A_1747 = arith.constant 0 : index
        %get3A_1748 = tpu.vector_load %arg10[%get3A_1745, %get3A_1746, %get3A_1747] {strides = array<i32>} : memref<2x600x64xbf16, #tpu.memory_space<vmem>>, vector<32xbf16>,
        %add3A_1749 = arith.addf %get3A_1739, %get3A_1748 : vector<32xbf16>
        %unpack3A = tpu.unpack_subelements %add3A_1749, 0 {pack_format = #tpu.pack_format<interleaved>} : vector<32xbf16> -> vector<16xf32>
        %unpack3A_1750 = tpu.unpack_subelements %add3A_1749, 1 {pack_format = #tpu.pack_format<interleaved>} : vector<32xbf16> -> vector<16xf32>
        %add3A_1751 = arith.constant 2 : i32
        %add3A_1752 = arith.addi %mul3A_1733, %add3A_1751 : i32
        %get3A_1753 = arith.constant 0 : i32
        %get3A_1754 = arith.index_cast %get3A_1753 : i32 to index
        %get3A_1755 = arith.index_cast %add3A_1752 : i32 to index
        %get3A_1756 = arith.constant 0 : index
        %get3A_1757 = tpu.vector_load %arg10[%get3A_1754, %get3A_1755, %get3A_1756] {strides = array<i32>} : memref<2x600x64xbf16, #tpu.memory_space<vmem>>, vector<32xbf16>,
        %add3A_1758 = arith.constant 2 : i32
        %add3A_1759 = arith.addi %mul3A_1733, %add3A_1758 : i32
        %add3A_1760 = arith.constant 1 : i32
        %add3A_1761 = arith.addi %add3A_1759, %add3A_1760 : i32
        %get3A_1762 = arith.constant 0 : i32
        %get3A_1763 = arith.index_cast %get3A_1762 : i32 to index
        %get3A_1764 = arith.index_cast %add3A_1761 : i32 to index
        %get3A_1765 = arith.constant 0 : index
        %get3A_1766 = tpu.vector_load %arg10[%get3A_1763, %get3A_1764, %get3A_1765] {strides = array<i32>} : memref<2x600x64xbf16, #tpu.memory_space<vmem>>, vector<32xbf16>,
        %add3A_1767 = arith.addf %get3A_1757, %get3A_1766 : vector<32xbf16>
        %unpack3A_1768 = tpu.unpack_subelements %add3A_1767, 0 {pack_format = #tpu.pack_format<interleaved>} : vector<32xbf16> -> vector<16xf32>
        %unpack3A_1769 = tpu.unpack_subelements %add3A_1767, 1 {pack_format = #tpu.pack_format<interleaved>} : vector<32xbf16> -> vector<16xf32>
        %add3A_1770 = arith.addf %unpack3A, %unpack3A_1768 : vector<16xf32>
        %add3A_1771 = arith.addf %unpack3A_1750, %unpack3A_1769 : vector<16xf32>
        %add3A_1772 = arith.constant 4 : i32
        %add3A_1773 = arith.addi %mul3A_1733, %add3A_1772 : i32
        %get3A_1774 = arith.constant 0 : i32
        %get3A_1775 = arith.index_cast %get3A_1774 : i32 to index
        %get3A_1776 = arith.index_cast %add3A_1773 : i32 to index
        %get3A_1777 = arith.constant 0 : index
        %get3A_1778 = tpu.vector_load %arg10[%get3A_1775, %get3A_1776, %get3A_1777] {strides = array<i32>} : memref<2x600x64xbf16, #tpu.memory_space<vmem>>, vector<32xbf16>,
        %add3A_1779 = arith.constant 4 : i32
        %add3A_1780 = arith.addi %mul3A_1733, %add3A_1779 : i32
        %add3A_1781 = arith.constant 1 : i32
        %add3A_1782 = arith.addi %add3A_1780, %add3A_1781 : i32
        %get3A_1783 = arith.constant 0 : i32
        %get3A_1784 = arith.index_cast %get3A_1783 : i32 to index
        %get3A_1785 = arith.index_cast %add3A_1782 : i32 to index
        %get3A_1786 = arith.constant 0 : index
        %get3A_1787 = tpu.vector_load %arg10[%get3A_1784, %get3A_1785, %get3A_1786] {strides = array<i32>} : memref<2x600x64xbf16, #tpu.memory_space<vmem>>, vector<32xbf16>,
        %add3A_1788 = arith.addf %get3A_1778, %get3A_1787 : vector<32xbf16>
        %unpack3A_1789 = tpu.unpack_subelements %add3A_1788, 0 {pack_format = #tpu.pack_format<interleaved>} : vector<32xbf16> -> vector<16xf32>
        %unpack3A_1790 = tpu.unpack_subelements %add3A_1788, 1 {pack_format = #tpu.pack_format<interleaved>} : vector<32xbf16> -> vector<16xf32>
        %add3A_1791 = arith.addf %add3A_1770, %unpack3A_1789 : vector<16xf32>
        %add3A_1792 = arith.addf %add3A_1771, %unpack3A_1790 : vector<16xf32>
        %swap3A = arith.constant 0 : i32
        %swap3A_1793 = arith.index_cast %swap3A : i32 to index
        %swap3A_1794 = arith.index_cast %scan3A_1730 : i32 to index
        %swap3A_1795 = arith.constant 0 : index
        %swap3A_1796 = tpu.vector_load %arg11[%swap3A_1793, %swap3A_1794, %swap3A_1795] {strides = array<i32>} : memref<2x100x64xf32, #tpu.memory_space<vmem>>, vector<16xf32>,
        tpu.vector_store %arg11[%swap3A_1793, %swap3A_1794, %swap3A_1795], %add3A_1791 {strides = array<i32>} : memref<2x100x64xf32, #tpu.memory_space<vmem>>, vector<16xf32>,
        %swap3A_1797 = arith.constant 0 : i32
        %swap3A_1798 = arith.index_cast %swap3A_1797 : i32 to index
        %swap3A_1799 = arith.index_cast %scan3A_1730 : i32 to index
        %swap3A_1800 = arith.constant 16 : index
        %swap3A_1801 = tpu.vector_load %arg11[%swap3A_1798, %swap3A_1799, %swap3A_1800] {strides = array<i32>} : memref<2x100x64xf32, #tpu.memory_space<vmem>>, vector<16xf32>,
        tpu.vector_store %arg11[%swap3A_1798, %swap3A_1799, %swap3A_1800], %add3A_1792 {strides = array<i32>} : memref<2x100x64xf32, #tpu.memory_space<vmem>>, vector<16xf32>,
        %add3A_1802 = arith.constant 0 : i32
        %add3A_1803 = arith.addi %mul3A_1733, %add3A_1802 : i32
        %get3A_1804 = arith.constant 0 : i32
        %get3A_1805 = arith.index_cast %get3A_1804 : i32 to index
        %get3A_1806 = arith.index_cast %add3A_1803 : i32 to index
        %get3A_1807 = arith.constant 32 : index
        %get3A_1808 = tpu.vector_load %arg10[%get3A_1805, %get3A_1806, %get3A_1807] {strides = array<i32>} : memref<2x600x64xbf16, #tpu.memory_space<vmem>>, vector<32xbf16>,
        %add3A_1809 = arith.constant 0 : i32
        %add3A_1810 = arith.addi %mul3A_1733, %add3A_1809 : i32
        %add3A_1811 = arith.constant 1 : i32
        %add3A_1812 = arith.addi %add3A_1810, %add3A_1811 : i32
        %get3A_1813 = arith.constant 0 : i32
        %get3A_1814 = arith.index_cast %get3A_1813 : i32 to index
        %get3A_1815 = arith.index_cast %add3A_1812 : i32 to index
        %get3A_1816 = arith.constant 32 : index
        %get3A_1817 = tpu.vector_load %arg10[%get3A_1814, %get3A_1815, %get3A_1816] {strides = array<i32>} : memref<2x600x64xbf16, #tpu.memory_space<vmem>>, vector<32xbf16>,
        %add3A_1818 = arith.addf %get3A_1808, %get3A_1817 : vector<32xbf16>
        %unpack3A_1819 = tpu.unpack_subelements %add3A_1818, 0 {pack_format = #tpu.pack_format<interleaved>} : vector<32xbf16> -> vector<16xf32>
        %unpack3A_1820 = tpu.unpack_subelements %add3A_1818, 1 {pack_format = #tpu.pack_format<interleaved>} : vector<32xbf16> -> vector<16xf32>
        %add3A_1821 = arith.constant 2 : i32
        %add3A_1822 = arith.addi %mul3A_1733, %add3A_1821 : i32
        %get3A_1823 = arith.constant 0 : i32
        %get3A_1824 = arith.index_cast %get3A_1823 : i32 to index
        %get3A_1825 = arith.index_cast %add3A_1822 : i32 to index
        %get3A_1826 = arith.constant 32 : index
        %get3A_1827 = tpu.vector_load %arg10[%get3A_1824, %get3A_1825, %get3A_1826] {strides = array<i32>} : memref<2x600x64xbf16, #tpu.memory_space<vmem>>, vector<32xbf16>,
        %add3A_1828 = arith.constant 2 : i32
        %add3A_1829 = arith.addi %mul3A_1733, %add3A_1828 : i32
        %add3A_1830 = arith.constant 1 : i32
        %add3A_1831 = arith.addi %add3A_1829, %add3A_1830 : i32
        %get3A_1832 = arith.constant 0 : i32
        %get3A_1833 = arith.index_cast %get3A_1832 : i32 to index
        %get3A_1834 = arith.index_cast %add3A_1831 : i32 to index
        %get3A_1835 = arith.constant 32 : index
        %get3A_1836 = tpu.vector_load %arg10[%get3A_1833, %get3A_1834, %get3A_1835] {strides = array<i32>} : memref<2x600x64xbf16, #tpu.memory_space<vmem>>, vector<32xbf16>,
        %add3A_1837 = arith.addf %get3A_1827, %get3A_1836 : vector<32xbf16>
        %unpack3A_1838 = tpu.unpack_subelements %add3A_1837, 0 {pack_format = #tpu.pack_format<interleaved>} : vector<32xbf16> -> vector<16xf32>
        %unpack3A_1839 = tpu.unpack_subelements %add3A_1837, 1 {pack_format = #tpu.pack_format<interleaved>} : vector<32xbf16> -> vector<16xf32>
        %add3A_1840 = arith.addf %unpack3A_1819, %unpack3A_1838 : vector<16xf32>
        %add3A_1841 = arith.addf %unpack3A_1820, %unpack3A_1839 : vector<16xf32>
        %add3A_1842 = arith.constant 4 : i32
        %add3A_1843 = arith.addi %mul3A_1733, %add3A_1842 : i32
        %get3A_1844 = arith.constant 0 : i32
        %get3A_1845 = arith.index_cast %get3A_1844 : i32 to index
        %get3A_1846 = arith.index_cast %add3A_1843 : i32 to index
        %get3A_1847 = arith.constant 32 : index
        %get3A_1848 = tpu.vector_load %arg10[%get3A_1845, %get3A_1846, %get3A_1847] {strides = array<i32>} : memref<2x600x64xbf16, #tpu.memory_space<vmem>>, vector<32xbf16>,
        %add3A_1849 = arith.constant 4 : i32
        %add3A_1850 = arith.addi %mul3A_1733, %add3A_1849 : i32
        %add3A_1851 = arith.constant 1 : i32
        %add3A_1852 = arith.addi %add3A_1850, %add3A_1851 : i32
        %get3A_1853 = arith.constant 0 : i32
        %get3A_1854 = arith.index_cast %get3A_1853 : i32 to index
        %get3A_1855 = arith.index_cast %add3A_1852 : i32 to index
        %get3A_1856 = arith.constant 32 : index
        %get3A_1857 = tpu.vector_load %arg10[%get3A_1854, %get3A_1855, %get3A_1856] {strides = array<i32>} : memref<2x600x64xbf16, #tpu.memory_space<vmem>>, vector<32xbf16>,
        %add3A_1858 = arith.addf %get3A_1848, %get3A_1857 : vector<32xbf16>
        %unpack3A_1859 = tpu.unpack_subelements %add3A_1858, 0 {pack_format = #tpu.pack_format<interleaved>} : vector<32xbf16> -> vector<16xf32>
        %unpack3A_1860 = tpu.unpack_subelements %add3A_1858, 1 {pack_format = #tpu.pack_format<interleaved>} : vector<32xbf16> -> vector<16xf32>
        %add3A_1861 = arith.addf %add3A_1840, %unpack3A_1859 : vector<16xf32>
        %add3A_1862 = arith.addf %add3A_1841, %unpack3A_1860 : vector<16xf32>
        %swap3A_1863 = arith.constant 0 : i32
        %swap3A_1864 = arith.index_cast %swap3A_1863 : i32 to index
        %swap3A_1865 = arith.index_cast %scan3A_1730 : i32 to index
        %swap3A_1866 = arith.constant 32 : index
        %swap3A_1867 = tpu.vector_load %arg11[%swap3A_1864, %swap3A_1865, %swap3A_1866] {strides = array<i32>} : memref<2x100x64xf32, #tpu.memory_space<vmem>>, vector<16xf32>,
        tpu.vector_store %arg11[%swap3A_1864, %swap3A_1865, %swap3A_1866], %add3A_1861 {strides = array<i32>} : memref<2x100x64xf32, #tpu.memory_space<vmem>>, vector<16xf32>,
        %swap3A_1868 = arith.constant 0 : i32
        %swap3A_1869 = arith.index_cast %swap3A_1868 : i32 to index
        %swap3A_1870 = arith.index_cast %scan3A_1730 : i32 to index
        %swap3A_1871 = arith.constant 48 : index
        %swap3A_1872 = tpu.vector_load %arg11[%swap3A_1869, %swap3A_1870, %swap3A_1871] {strides = array<i32>} : memref<2x100x64xf32, #tpu.memory_space<vmem>>, vector<16xf32>,
        tpu.vector_store %arg11[%swap3A_1869, %swap3A_1870, %swap3A_1871], %add3A_1862 {strides = array<i32>} : memref<2x100x64xf32, #tpu.memory_space<vmem>>, vector<16xf32>,
        %scan3A_1873 = arith.constant 0 : i32
        scf.yield %scan3A_1873 : i32
      }
      %scan3A_1600 = arith.constant 100 : i32
      %dma_start3A_1601 = arith.constant 0 : i32
      %dma_start3A_1602 = arith.constant 1 : i32
      %dma_start3A_1603 = arith.constant 0 : i32
      %dma_start3A_1604 = arith.constant 0 : i32
      %dma_start3A_1605 = tpu.memref_slice %arg11[%dma_start3A_1601, %dma_start3A_1603, %dma_start3A_1604] : memref<2x100x64xf32, #tpu.memory_space<vmem>> -> memref<1x100x64xf32, #tpu.memory_space<vmem>>
      %dma_start3A_1606 = tpu.memref_squeeze %dma_start3A_1605 : memref<1x100x64xf32, #tpu.memory_space<vmem>> -> memref<100x64xf32, #tpu.memory_space<vmem>>
      %dma_start3A_1607 = arith.constant 100 : i32
      %dma_start3A_1608 = arith.constant 0 : i32
      %dma_start3A_1609 = tpu.memref_slice %arg7[%dma_start3A_1602, %add3A_1575, %dma_start3A_1607, %dma_start3A_1608] : memref<2x1024x200x128xf32, #tpu.memory_space<hbm>> -> memref<1x1x100x64xf32, #tpu.memory_space<hbm>>
      %dma_start3A_1610 = tpu.memref_squeeze %dma_start3A_1609 : memref<1x1x100x64xf32, #tpu.memory_space<hbm>> -> memref<100x64xf32, #tpu.memory_space<hbm>>
      %dma_start3A_1611 = arith.constant 100 : i32
      %dma_start3A_1612 = arith.constant 0 : i32
      %dma_start3A_1613 = tpu.memref_slice %arg7[%dma_start3A_1602, %add3A_1575, %dma_start3A_1611, %dma_start3A_1612] : memref<2x1024x200x128xf32, #tpu.memory_space<hbm>> -> memref<1x1x100x64xf32, #tpu.memory_space<hbm>>
      %dma_start3A_1614 = tpu.memref_squeeze %dma_start3A_1613 : memref<1x1x100x64xf32, #tpu.memory_space<hbm>> -> memref<100x64xf32, #tpu.memory_space<hbm>>
      %dma_start3A_1615 = arith.constant 0 : i32
      %dma_start3A_1616 = arith.constant 0 : i32
      %dma_start3A_1617 = tpu.memref_slice %arg11[%dma_start3A_1601, %dma_start3A_1615, %dma_start3A_1616] : memref<2x100x64xf32, #tpu.memory_space<vmem>> -> memref<1x100x64xf32, #tpu.memory_space<vmem>>
      %dma_start3A_1618 = tpu.memref_squeeze %dma_start3A_1617 : memref<1x100x64xf32, #tpu.memory_space<vmem>> -> memref<100x64xf32, #tpu.memory_space<vmem>>
      tpu.enqueue_dma source(%dma_start3A_1618 : memref<100x64xf32, #tpu.memory_space<vmem>>) target(%dma_start3A_1614 : memref<100x64xf32, #tpu.memory_space<hbm>>) target_semaphore(%arg16 : memref<!tpu.dma_semaphore, #tpu.memory_space<semaphore_mem>>)
      %add3A_1619 = arith.constant 1 : i32
      %add3A_1620 = arith.addi %scan3A_189, %add3A_1619 : i32
      %lt3A = arith.constant 32 : i32
      %lt3A_1621 = arith.cmpi slt, %add3A_1620, %lt3A : i32
      %convert_element_type3A_1622 = arith.extui %lt3A_1621 : i1 to i32
      %cond3A_1623 = arith.constant 0 : i32
      %cond3A_1624 = arith.cmpi ne, %convert_element_type3A_1622, %cond3A_1623 : i32
      scf.if %cond3A_1624 {
        %add3A_1730 = arith.constant 1 : i32
        %add3A_1731 = arith.addi %scan3A_189, %add3A_1730 : i32
        %add3A_1732 = arith.addi %mul3A_2, %add3A_1731 : i32
        %mul3A_1733 = arith.constant 200 : i32
        %mul3A_1734 = arith.muli %add3A_1732, %mul3A_1733 : i32
        %add3A_1735 = arith.constant 0 : i32
        %add3A_1736 = arith.addi %mul3A_1734, %add3A_1735 : i32
        %mul3A_1737 = arith.constant 6 : i32
        %mul3A_1738 = arith.muli %add3A_1736, %mul3A_1737 : i32
        %dma_start3A_1739 = arith.constant 0 : i32
        %dma_start3A_1740 = arith.constant 0 : i32
        %dma_start3A_1741 = tpu.memref_slice %arg9[%dma_start3A_1739, %dma_start3A_1740] : memref<2x600xi32, #tpu.memory_space<vmem>> -> memref<1x600xi32, #tpu.memory_space<vmem>>
        %dma_start3A_1742 = tpu.memref_squeeze %dma_start3A_1741 : memref<1x600xi32, #tpu.memory_space<vmem>> -> memref<600xi32, #tpu.memory_space<vmem>>
        %dma_start3A_1743 = tpu.memref_slice %arg2[%mul3A_1738] : memref<1228800xi32, #tpu.memory_space<hbm>> -> memref<600xi32, #tpu.memory_space<hbm>>
        %dma_start3A_1744 = arith.constant 0 : i32
        %dma_start3A_1745 = tpu.memref_slice %arg9[%dma_start3A_1739, %dma_start3A_1744] : memref<2x600xi32, #tpu.memory_space<vmem>> -> memref<1x600xi32, #tpu.memory_space<vmem>>
        %dma_start3A_1746 = tpu.memref_squeeze %dma_start3A_1745 : memref<1x600xi32, #tpu.memory_space<vmem>> -> memref<600xi32, #tpu.memory_space<vmem>>
        %dma_start3A_1747 = tpu.memref_slice %arg2[%mul3A_1738] : memref<1228800xi32, #tpu.memory_space<hbm>> -> memref<600xi32, #tpu.memory_space<hbm>>
        tpu.enqueue_dma source(%dma_start3A_1747 : memref<600xi32, #tpu.memory_space<hbm>>) target(%dma_start3A_1746 : memref<600xi32, #tpu.memory_space<vmem>>) target_semaphore(%arg12 : memref<!tpu.dma_semaphore, #tpu.memory_space<semaphore_mem>>)
        %add3A_1748 = arith.constant 1 : i32
        %add3A_1749 = arith.addi %scan3A_189, %add3A_1748 : i32
        %add3A_1750 = arith.addi %mul3A_2, %add3A_1749 : i32
        %mul3A_1751 = arith.constant 200 : i32
        %mul3A_1752 = arith.muli %add3A_1750, %mul3A_1751 : i32
        %add3A_1753 = arith.constant 0 : i32
        %add3A_1754 = arith.addi %mul3A_1752, %add3A_1753 : i32
        %mul3A_1755 = arith.constant 6 : i32
        %mul3A_1756 = arith.muli %add3A_1754, %mul3A_1755 : i32
        %dma_wait3A_1757 = arith.constant 0 : i32
        %dma_wait3A_1758 = arith.constant 0 : i32
        %dma_wait3A_1759 = tpu.memref_slice %arg9[%dma_wait3A_1757, %dma_wait3A_1758] : memref<2x600xi32, #tpu.memory_space<vmem>> -> memref<1x600xi32, #tpu.memory_space<vmem>>
        %dma_wait3A_1760 = tpu.memref_squeeze %dma_wait3A_1759 : memref<1x600xi32, #tpu.memory_space<vmem>> -> memref<600xi32, #tpu.memory_space<vmem>>
        %dma_wait3A_1761 = tpu.memref_slice %arg2[%mul3A_1756] : memref<1228800xi32, #tpu.memory_space<hbm>> -> memref<600xi32, #tpu.memory_space<hbm>>
        %dma_wait3A_1762 = arith.constant 0 : i32
        %dma_wait3A_1763 = tpu.memref_slice %arg9[%dma_wait3A_1757, %dma_wait3A_1762] : memref<2x600xi32, #tpu.memory_space<vmem>> -> memref<1x600xi32, #tpu.memory_space<vmem>>
        %dma_wait3A_1764 = tpu.memref_squeeze %dma_wait3A_1763 : memref<1x600xi32, #tpu.memory_space<vmem>> -> memref<600xi32, #tpu.memory_space<vmem>>
        %dma_wait3A_1765 = tpu.memref_slice %arg2[%mul3A_1756] : memref<1228800xi32, #tpu.memory_space<hbm>> -> memref<600xi32, #tpu.memory_space<hbm>>
        tpu.wait_dma2 semaphore(%arg12 : memref<!tpu.dma_semaphore, #tpu.memory_space<semaphore_mem>>) src(%dma_wait3A_1765 : memref<600xi32, #tpu.memory_space<hbm>>) dst(%dma_wait3A_1764 : memref<600xi32, #tpu.memory_space<vmem>>)
        %dma_start3A_1766 = arith.constant 0 : i32
        %dma_start3A_1767 = arith.constant 0 : i32
        %dma_start3A_1768 = arith.constant 0 : i32
        %dma_start3A_1769 = arith.constant 0 : i32
        %dma_start3A_1770 = arith.constant 0 : i32
        %dma_start3A_1771 = tpu.memref_slice %arg10[%dma_start3A_1768, %dma_start3A_1769, %dma_start3A_1770] : memref<2x600x64xbf16, #tpu.memory_space<vmem>> -> memref<1x128x64xbf16, #tpu.memory_space<vmem>>
        %dma_start3A_1772 = tpu.memref_squeeze %dma_start3A_1771 : memref<1x128x64xbf16, #tpu.memory_space<vmem>> -> memref<128x64xbf16, #tpu.memory_space<vmem>>
        %dma_start3A_1773 = arith.constant 0 : i32
        %dma_start3A_1774 = tpu.memref_slice %arg9[%dma_start3A_1767, %dma_start3A_1773] : memref<2x600xi32, #tpu.memory_space<vmem>> -> memref<1x128xi32, #tpu.memory_space<vmem>>
        %dma_start3A_1775 = tpu.memref_squeeze %dma_start3A_1774 : memref<1x128xi32, #tpu.memory_space<vmem>> -> memref<128xi32, #tpu.memory_space<vmem>>
        %dma_start3A_1776 = arith.constant 0 : i32
        %dma_start3A_1777 = arith.constant 0 : i32
        %dma_start3A_1778 = tpu.memref_slice %arg3[%dma_start3A_1766, %dma_start3A_1776, %dma_start3A_1777] : memref<3x100000x64xbf16, #tpu.memory_space<hbm>> -> memref<1x100000x64xbf16, #tpu.memory_space<hbm>>
        %dma_start3A_1779 = tpu.memref_squeeze %dma_start3A_1778 : memref<1x100000x64xbf16, #tpu.memory_space<hbm>> -> memref<100000x64xbf16, #tpu.memory_space<hbm>>
        %dma_start3A_1780 = arith.constant 0 : i32
        %dma_start3A_1781 = arith.constant 0 : i32
        %dma_start3A_1782 = tpu.memref_slice %dma_start3A_1779[%dma_start3A_1780, %dma_start3A_1781] : memref<100000x64xbf16, #tpu.memory_space<hbm>> -> memref<100000x64xbf16, #tpu.memory_space<hbm>>
        tpu.enqueue_indirect_dma source(%dma_start3A_1782 : memref<100000x64xbf16, #tpu.memory_space<hbm>>) target(%dma_start3A_1772 : memref<128x64xbf16, #tpu.memory_space<vmem>>) offsets(%dma_start3A_1775 : memref<128xi32, #tpu.memory_space<vmem>>) semaphore(%arg14 : memref<!tpu.dma_semaphore, #tpu.memory_space<semaphore_mem>>)
        %dma_start3A_1783 = arith.constant 0 : i32
        %dma_start3A_1784 = arith.constant 0 : i32
        %dma_start3A_1785 = arith.constant 0 : i32
        %dma_start3A_1786 = arith.constant 128 : i32
        %dma_start3A_1787 = arith.constant 0 : i32
        %dma_start3A_1788 = tpu.memref_slice %arg10[%dma_start3A_1785, %dma_start3A_1786, %dma_start3A_1787] : memref<2x600x64xbf16, #tpu.memory_space<vmem>> -> memref<1x128x64xbf16, #tpu.memory_space<vmem>>
        %dma_start3A_1789 = tpu.memref_squeeze %dma_start3A_1788 : memref<1x128x64xbf16, #tpu.memory_space<vmem>> -> memref<128x64xbf16, #tpu.memory_space<vmem>>
        %dma_start3A_1790 = arith.constant 128 : i32
        %dma_start3A_1791 = tpu.memref_slice %arg9[%dma_start3A_1784, %dma_start3A_1790] : memref<2x600xi32, #tpu.memory_space<vmem>> -> memref<1x128xi32, #tpu.memory_space<vmem>>
        %dma_start3A_1792 = tpu.memref_squeeze %dma_start3A_1791 : memref<1x128xi32, #tpu.memory_space<vmem>> -> memref<128xi32, #tpu.memory_space<vmem>>
        %dma_start3A_1793 = arith.constant 0 : i32
        %dma_start3A_1794 = arith.constant 0 : i32
        %dma_start3A_1795 = tpu.memref_slice %arg3[%dma_start3A_1783, %dma_start3A_1793, %dma_start3A_1794] : memref<3x100000x64xbf16, #tpu.memory_space<hbm>> -> memref<1x100000x64xbf16, #tpu.memory_space<hbm>>
        %dma_start3A_1796 = tpu.memref_squeeze %dma_start3A_1795 : memref<1x100000x64xbf16, #tpu.memory_space<hbm>> -> memref<100000x64xbf16, #tpu.memory_space<hbm>>
        %dma_start3A_1797 = arith.constant 0 : i32
        %dma_start3A_1798 = arith.constant 0 : i32
        %dma_start3A_1799 = tpu.memref_slice %dma_start3A_1796[%dma_start3A_1797, %dma_start3A_1798] : memref<100000x64xbf16, #tpu.memory_space<hbm>> -> memref<100000x64xbf16, #tpu.memory_space<hbm>>
        tpu.enqueue_indirect_dma source(%dma_start3A_1799 : memref<100000x64xbf16, #tpu.memory_space<hbm>>) target(%dma_start3A_1789 : memref<128x64xbf16, #tpu.memory_space<vmem>>) offsets(%dma_start3A_1792 : memref<128xi32, #tpu.memory_space<vmem>>) semaphore(%arg14 : memref<!tpu.dma_semaphore, #tpu.memory_space<semaphore_mem>>)
        %dma_start3A_1800 = arith.constant 0 : i32
        %dma_start3A_1801 = arith.constant 0 : i32
        %dma_start3A_1802 = arith.constant 0 : i32
        %dma_start3A_1803 = arith.constant 256 : i32
        %dma_start3A_1804 = arith.constant 0 : i32
        %dma_start3A_1805 = tpu.memref_slice %arg10[%dma_start3A_1802, %dma_start3A_1803, %dma_start3A_1804] : memref<2x600x64xbf16, #tpu.memory_space<vmem>> -> memref<1x128x64xbf16, #tpu.memory_space<vmem>>
        %dma_start3A_1806 = tpu.memref_squeeze %dma_start3A_1805 : memref<1x128x64xbf16, #tpu.memory_space<vmem>> -> memref<128x64xbf16, #tpu.memory_space<vmem>>
        %dma_start3A_1807 = arith.constant 256 : i32
        %dma_start3A_1808 = tpu.memref_slice %arg9[%dma_start3A_1801, %dma_start3A_1807] : memref<2x600xi32, #tpu.memory_space<vmem>> -> memref<1x128xi32, #tpu.memory_space<vmem>>
        %dma_start3A_1809 = tpu.memref_squeeze %dma_start3A_1808 : memref<1x128xi32, #tpu.memory_space<vmem>> -> memref<128xi32, #tpu.memory_space<vmem>>
        %dma_start3A_1810 = arith.constant 0 : i32
        %dma_start3A_1811 = arith.constant 0 : i32
        %dma_start3A_1812 = tpu.memref_slice %arg3[%dma_start3A_1800, %dma_start3A_1810, %dma_start3A_1811] : memref<3x100000x64xbf16, #tpu.memory_space<hbm>> -> memref<1x100000x64xbf16, #tpu.memory_space<hbm>>
        %dma_start3A_1813 = tpu.memref_squeeze %dma_start3A_1812 : memref<1x100000x64xbf16, #tpu.memory_space<hbm>> -> memref<100000x64xbf16, #tpu.memory_space<hbm>>
        %dma_start3A_1814 = arith.constant 0 : i32
        %dma_start3A_1815 = arith.constant 0 : i32
        %dma_start3A_1816 = tpu.memref_slice %dma_start3A_1813[%dma_start3A_1814, %dma_start3A_1815] : memref<100000x64xbf16, #tpu.memory_space<hbm>> -> memref<100000x64xbf16, #tpu.memory_space<hbm>>
        tpu.enqueue_indirect_dma source(%dma_start3A_1816 : memref<100000x64xbf16, #tpu.memory_space<hbm>>) target(%dma_start3A_1806 : memref<128x64xbf16, #tpu.memory_space<vmem>>) offsets(%dma_start3A_1809 : memref<128xi32, #tpu.memory_space<vmem>>) semaphore(%arg14 : memref<!tpu.dma_semaphore, #tpu.memory_space<semaphore_mem>>)
        %dma_start3A_1817 = arith.constant 0 : i32
        %dma_start3A_1818 = arith.constant 0 : i32
        %dma_start3A_1819 = arith.constant 0 : i32
        %dma_start3A_1820 = arith.constant 384 : i32
        %dma_start3A_1821 = arith.constant 0 : i32
        %dma_start3A_1822 = tpu.memref_slice %arg10[%dma_start3A_1819, %dma_start3A_1820, %dma_start3A_1821] : memref<2x600x64xbf16, #tpu.memory_space<vmem>> -> memref<1x128x64xbf16, #tpu.memory_space<vmem>>
        %dma_start3A_1823 = tpu.memref_squeeze %dma_start3A_1822 : memref<1x128x64xbf16, #tpu.memory_space<vmem>> -> memref<128x64xbf16, #tpu.memory_space<vmem>>
        %dma_start3A_1824 = arith.constant 384 : i32
        %dma_start3A_1825 = tpu.memref_slice %arg9[%dma_start3A_1818, %dma_start3A_1824] : memref<2x600xi32, #tpu.memory_space<vmem>> -> memref<1x128xi32, #tpu.memory_space<vmem>>
        %dma_start3A_1826 = tpu.memref_squeeze %dma_start3A_1825 : memref<1x128xi32, #tpu.memory_space<vmem>> -> memref<128xi32, #tpu.memory_space<vmem>>
        %dma_start3A_1827 = arith.constant 0 : i32
        %dma_start3A_1828 = arith.constant 0 : i32
        %dma_start3A_1829 = tpu.memref_slice %arg3[%dma_start3A_1817, %dma_start3A_1827, %dma_start3A_1828] : memref<3x100000x64xbf16, #tpu.memory_space<hbm>> -> memref<1x100000x64xbf16, #tpu.memory_space<hbm>>
        %dma_start3A_1830 = tpu.memref_squeeze %dma_start3A_1829 : memref<1x100000x64xbf16, #tpu.memory_space<hbm>> -> memref<100000x64xbf16, #tpu.memory_space<hbm>>
        %dma_start3A_1831 = arith.constant 0 : i32
        %dma_start3A_1832 = arith.constant 0 : i32
        %dma_start3A_1833 = tpu.memref_slice %dma_start3A_1830[%dma_start3A_1831, %dma_start3A_1832] : memref<100000x64xbf16, #tpu.memory_space<hbm>> -> memref<100000x64xbf16, #tpu.memory_space<hbm>>
        tpu.enqueue_indirect_dma source(%dma_start3A_1833 : memref<100000x64xbf16, #tpu.memory_space<hbm>>) target(%dma_start3A_1823 : memref<128x64xbf16, #tpu.memory_space<vmem>>) offsets(%dma_start3A_1826 : memref<128xi32, #tpu.memory_space<vmem>>) semaphore(%arg14 : memref<!tpu.dma_semaphore, #tpu.memory_space<semaphore_mem>>)
        %dma_start3A_1834 = arith.constant 0 : i32
        %dma_start3A_1835 = arith.constant 0 : i32
        %dma_start3A_1836 = arith.constant 0 : i32
        %dma_start3A_1837 = arith.constant 512 : i32
        %dma_start3A_1838 = arith.constant 0 : i32
        %dma_start3A_1839 = tpu.memref_slice %arg10[%dma_start3A_1836, %dma_start3A_1837, %dma_start3A_1838] : memref<2x600x64xbf16, #tpu.memory_space<vmem>> -> memref<1x88x64xbf16, #tpu.memory_space<vmem>>
        %dma_start3A_1840 = tpu.memref_squeeze %dma_start3A_1839 : memref<1x88x64xbf16, #tpu.memory_space<vmem>> -> memref<88x64xbf16, #tpu.memory_space<vmem>>
        %dma_start3A_1841 = arith.constant 512 : i32
        %dma_start3A_1842 = tpu.memref_slice %arg9[%dma_start3A_1835, %dma_start3A_1841] : memref<2x600xi32, #tpu.memory_space<vmem>> -> memref<1x88xi32, #tpu.memory_space<vmem>>
        %dma_start3A_1843 = tpu.memref_squeeze %dma_start3A_1842 : memref<1x88xi32, #tpu.memory_space<vmem>> -> memref<88xi32, #tpu.memory_space<vmem>>
        %dma_start3A_1844 = arith.constant 0 : i32
        %dma_start3A_1845 = arith.constant 0 : i32
        %dma_start3A_1846 = tpu.memref_slice %arg3[%dma_start3A_1834, %dma_start3A_1844, %dma_start3A_1845] : memref<3x100000x64xbf16, #tpu.memory_space<hbm>> -> memref<1x100000x64xbf16, #tpu.memory_space<hbm>>
        %dma_start3A_1847 = tpu.memref_squeeze %dma_start3A_1846 : memref<1x100000x64xbf16, #tpu.memory_space<hbm>> -> memref<100000x64xbf16, #tpu.memory_space<hbm>>
        %dma_start3A_1848 = arith.constant 0 : i32
        %dma_start3A_1849 = arith.constant 0 : i32
        %dma_start3A_1850 = tpu.memref_slice %dma_start3A_1847[%dma_start3A_1848, %dma_start3A_1849] : memref<100000x64xbf16, #tpu.memory_space<hbm>> -> memref<100000x64xbf16, #tpu.memory_space<hbm>>
        tpu.enqueue_indirect_dma source(%dma_start3A_1850 : memref<100000x64xbf16, #tpu.memory_space<hbm>>) target(%dma_start3A_1840 : memref<88x64xbf16, #tpu.memory_space<vmem>>) offsets(%dma_start3A_1843 : memref<88xi32, #tpu.memory_space<vmem>>) semaphore(%arg14 : memref<!tpu.dma_semaphore, #tpu.memory_space<semaphore_mem>>)
      } else {
      }
      %dma_wait3A_1625 = arith.constant 0 : i32
      %dma_wait3A_1626 = arith.constant 1 : i32
      %dma_wait3A_1627 = arith.constant 0 : i32
      %dma_wait3A_1628 = arith.constant 0 : i32
      %dma_wait3A_1629 = tpu.memref_slice %arg10[%dma_wait3A_1626, %dma_wait3A_1627, %dma_wait3A_1628] : memref<2x600x64xbf16, #tpu.memory_space<vmem>> -> memref<1x128x64xbf16, #tpu.memory_space<vmem>>
      %dma_wait3A_1630 = tpu.memref_squeeze %dma_wait3A_1629 : memref<1x128x64xbf16, #tpu.memory_space<vmem>> -> memref<128x64xbf16, #tpu.memory_space<vmem>>
      %dma_wait3A_1631 = arith.constant 0 : i32
      %dma_wait3A_1632 = tpu.memref_slice %arg9[%dma_wait3A_1625, %dma_wait3A_1631] : memref<2x600xi32, #tpu.memory_space<vmem>> -> memref<1x128xi32, #tpu.memory_space<vmem>>
      %dma_wait3A_1633 = tpu.memref_squeeze %dma_wait3A_1632 : memref<1x128xi32, #tpu.memory_space<vmem>> -> memref<128xi32, #tpu.memory_space<vmem>>
      %dma_wait3A_1634 = arith.constant 0 : i32
      %dma_wait3A_1635 = arith.constant 0 : i32
      %dma_wait3A_1636 = tpu.memref_slice %arg4[%dma_wait3A_1634, %dma_wait3A_1635] : memref<100000x64xbf16, #tpu.memory_space<hbm>> -> memref<100000x64xbf16, #tpu.memory_space<hbm>>
      tpu.wait_indirect_dma semaphore(%arg15 : memref<!tpu.dma_semaphore, #tpu.memory_space<semaphore_mem>>) src(%dma_wait3A_1636 : memref<100000x64xbf16, #tpu.memory_space<hbm>>) dst(%dma_wait3A_1630 : memref<128x64xbf16, #tpu.memory_space<vmem>>)
      %dma_wait3A_1637 = arith.constant 0 : i32
      %dma_wait3A_1638 = arith.constant 1 : i32
      %dma_wait3A_1639 = arith.constant 128 : i32
      %dma_wait3A_1640 = arith.constant 0 : i32
      %dma_wait3A_1641 = tpu.memref_slice %arg10[%dma_wait3A_1638, %dma_wait3A_1639, %dma_wait3A_1640] : memref<2x600x64xbf16, #tpu.memory_space<vmem>> -> memref<1x128x64xbf16, #tpu.memory_space<vmem>>
      %dma_wait3A_1642 = tpu.memref_squeeze %dma_wait3A_1641 : memref<1x128x64xbf16, #tpu.memory_space<vmem>> -> memref<128x64xbf16, #tpu.memory_space<vmem>>
      %dma_wait3A_1643 = arith.constant 128 : i32
      %dma_wait3A_1644 = tpu.memref_slice %arg9[%dma_wait3A_1637, %dma_wait3A_1643] : memref<2x600xi32, #tpu.memory_space<vmem>> -> memref<1x128xi32, #tpu.memory_space<vmem>>
      %dma_wait3A_1645 = tpu.memref_squeeze %dma_wait3A_1644 : memref<1x128xi32, #tpu.memory_space<vmem>> -> memref<128xi32, #tpu.memory_space<vmem>>
      %dma_wait3A_1646 = arith.constant 0 : i32
      %dma_wait3A_1647 = arith.constant 0 : i32
      %dma_wait3A_1648 = tpu.memref_slice %arg4[%dma_wait3A_1646, %dma_wait3A_1647] : memref<100000x64xbf16, #tpu.memory_space<hbm>> -> memref<100000x64xbf16, #tpu.memory_space<hbm>>
      tpu.wait_indirect_dma semaphore(%arg15 : memref<!tpu.dma_semaphore, #tpu.memory_space<semaphore_mem>>) src(%dma_wait3A_1648 : memref<100000x64xbf16, #tpu.memory_space<hbm>>) dst(%dma_wait3A_1642 : memref<128x64xbf16, #tpu.memory_space<vmem>>)
      %dma_wait3A_1649 = arith.constant 0 : i32
      %dma_wait3A_1650 = arith.constant 1 : i32
      %dma_wait3A_1651 = arith.constant 256 : i32
      %dma_wait3A_1652 = arith.constant 0 : i32
      %dma_wait3A_1653 = tpu.memref_slice %arg10[%dma_wait3A_1650, %dma_wait3A_1651, %dma_wait3A_1652] : memref<2x600x64xbf16, #tpu.memory_space<vmem>> -> memref<1x128x64xbf16, #tpu.memory_space<vmem>>
      %dma_wait3A_1654 = tpu.memref_squeeze %dma_wait3A_1653 : memref<1x128x64xbf16, #tpu.memory_space<vmem>> -> memref<128x64xbf16, #tpu.memory_space<vmem>>
      %dma_wait3A_1655 = arith.constant 256 : i32
      %dma_wait3A_1656 = tpu.memref_slice %arg9[%dma_wait3A_1649, %dma_wait3A_1655] : memref<2x600xi32, #tpu.memory_space<vmem>> -> memref<1x128xi32, #tpu.memory_space<vmem>>
      %dma_wait3A_1657 = tpu.memref_squeeze %dma_wait3A_1656 : memref<1x128xi32, #tpu.memory_space<vmem>> -> memref<128xi32, #tpu.memory_space<vmem>>
      %dma_wait3A_1658 = arith.constant 0 : i32
      %dma_wait3A_1659 = arith.constant 0 : i32
      %dma_wait3A_1660 = tpu.memref_slice %arg4[%dma_wait3A_1658, %dma_wait3A_1659] : memref<100000x64xbf16, #tpu.memory_space<hbm>> -> memref<100000x64xbf16, #tpu.memory_space<hbm>>
      tpu.wait_indirect_dma semaphore(%arg15 : memref<!tpu.dma_semaphore, #tpu.memory_space<semaphore_mem>>) src(%dma_wait3A_1660 : memref<100000x64xbf16, #tpu.memory_space<hbm>>) dst(%dma_wait3A_1654 : memref<128x64xbf16, #tpu.memory_space<vmem>>)
      %dma_wait3A_1661 = arith.constant 0 : i32
      %dma_wait3A_1662 = arith.constant 1 : i32
      %dma_wait3A_1663 = arith.constant 384 : i32
      %dma_wait3A_1664 = arith.constant 0 : i32
      %dma_wait3A_1665 = tpu.memref_slice %arg10[%dma_wait3A_1662, %dma_wait3A_1663, %dma_wait3A_1664] : memref<2x600x64xbf16, #tpu.memory_space<vmem>> -> memref<1x128x64xbf16, #tpu.memory_space<vmem>>
      %dma_wait3A_1666 = tpu.memref_squeeze %dma_wait3A_1665 : memref<1x128x64xbf16, #tpu.memory_space<vmem>> -> memref<128x64xbf16, #tpu.memory_space<vmem>>
      %dma_wait3A_1667 = arith.constant 384 : i32
      %dma_wait3A_1668 = tpu.memref_slice %arg9[%dma_wait3A_1661, %dma_wait3A_1667] : memref<2x600xi32, #tpu.memory_space<vmem>> -> memref<1x128xi32, #tpu.memory_space<vmem>>
      %dma_wait3A_1669 = tpu.memref_squeeze %dma_wait3A_1668 : memref<1x128xi32, #tpu.memory_space<vmem>> -> memref<128xi32, #tpu.memory_space<vmem>>
      %dma_wait3A_1670 = arith.constant 0 : i32
      %dma_wait3A_1671 = arith.constant 0 : i32
      %dma_wait3A_1672 = tpu.memref_slice %arg4[%dma_wait3A_1670, %dma_wait3A_1671] : memref<100000x64xbf16, #tpu.memory_space<hbm>> -> memref<100000x64xbf16, #tpu.memory_space<hbm>>
      tpu.wait_indirect_dma semaphore(%arg15 : memref<!tpu.dma_semaphore, #tpu.memory_space<semaphore_mem>>) src(%dma_wait3A_1672 : memref<100000x64xbf16, #tpu.memory_space<hbm>>) dst(%dma_wait3A_1666 : memref<128x64xbf16, #tpu.memory_space<vmem>>)
      %dma_wait3A_1673 = arith.constant 0 : i32
      %dma_wait3A_1674 = arith.constant 1 : i32
      %dma_wait3A_1675 = arith.constant 512 : i32
      %dma_wait3A_1676 = arith.constant 0 : i32
      %dma_wait3A_1677 = tpu.memref_slice %arg10[%dma_wait3A_1674, %dma_wait3A_1675, %dma_wait3A_1676] : memref<2x600x64xbf16, #tpu.memory_space<vmem>> -> memref<1x88x64xbf16, #tpu.memory_space<vmem>>
      %dma_wait3A_1678 = tpu.memref_squeeze %dma_wait3A_1677 : memref<1x88x64xbf16, #tpu.memory_space<vmem>> -> memref<88x64xbf16, #tpu.memory_space<vmem>>
      %dma_wait3A_1679 = arith.constant 512 : i32
      %dma_wait3A_1680 = tpu.memref_slice %arg9[%dma_wait3A_1673, %dma_wait3A_1679] : memref<2x600xi32, #tpu.memory_space<vmem>> -> memref<1x88xi32, #tpu.memory_space<vmem>>
      %dma_wait3A_1681 = tpu.memref_squeeze %dma_wait3A_1680 : memref<1x88xi32, #tpu.memory_space<vmem>> -> memref<88xi32, #tpu.memory_space<vmem>>
      %dma_wait3A_1682 = arith.constant 0 : i32
      %dma_wait3A_1683 = arith.constant 0 : i32
      %dma_wait3A_1684 = tpu.memref_slice %arg4[%dma_wait3A_1682, %dma_wait3A_1683] : memref<100000x64xbf16, #tpu.memory_space<hbm>> -> memref<100000x64xbf16, #tpu.memory_space<hbm>>
      tpu.wait_indirect_dma semaphore(%arg15 : memref<!tpu.dma_semaphore, #tpu.memory_space<semaphore_mem>>) src(%dma_wait3A_1684 : memref<100000x64xbf16, #tpu.memory_space<hbm>>) dst(%dma_wait3A_1678 : memref<88x64xbf16, #tpu.memory_space<vmem>>)
      %add3A_1685 = arith.addi %mul3A_2, %scan3A_189 : i32
      %dma_wait3A_1686 = arith.constant 1 : i32
      %dma_wait3A_1687 = arith.constant 1 : i32
      %dma_wait3A_1688 = arith.constant 0 : i32
      %dma_wait3A_1689 = arith.constant 0 : i32
      %dma_wait3A_1690 = tpu.memref_slice %arg11[%dma_wait3A_1686, %dma_wait3A_1688, %dma_wait3A_1689] : memref<2x100x64xf32, #tpu.memory_space<vmem>> -> memref<1x100x64xf32, #tpu.memory_space<vmem>>
      %dma_wait3A_1691 = tpu.memref_squeeze %dma_wait3A_1690 : memref<1x100x64xf32, #tpu.memory_space<vmem>> -> memref<100x64xf32, #tpu.memory_space<vmem>>
      %dma_wait3A_1692 = arith.constant 100 : i32
      %dma_wait3A_1693 = arith.constant 64 : i32
      %dma_wait3A_1694 = tpu.memref_slice %arg7[%dma_wait3A_1687, %add3A_1685, %dma_wait3A_1692, %dma_wait3A_1693] : memref<2x1024x200x128xf32, #tpu.memory_space<hbm>> -> memref<1x1x100x64xf32, #tpu.memory_space<hbm>>
      %dma_wait3A_1695 = tpu.memref_squeeze %dma_wait3A_1694 : memref<1x1x100x64xf32, #tpu.memory_space<hbm>> -> memref<100x64xf32, #tpu.memory_space<hbm>>
      %dma_wait3A_1696 = arith.constant 100 : i32
      %dma_wait3A_1697 = arith.constant 64 : i32
      %dma_wait3A_1698 = tpu.memref_slice %arg7[%dma_wait3A_1687, %add3A_1685, %dma_wait3A_1696, %dma_wait3A_1697] : memref<2x1024x200x128xf32, #tpu.memory_space<hbm>> -> memref<1x1x100x64xf32, #tpu.memory_space<hbm>>
      %dma_wait3A_1699 = tpu.memref_squeeze %dma_wait3A_1698 : memref<1x1x100x64xf32, #tpu.memory_space<hbm>> -> memref<100x64xf32, #tpu.memory_space<hbm>>
      %dma_wait3A_1700 = arith.constant 0 : i32
      %dma_wait3A_1701 = arith.constant 0 : i32
      %dma_wait3A_1702 = tpu.memref_slice %arg11[%dma_wait3A_1686, %dma_wait3A_1700, %dma_wait3A_1701] : memref<2x100x64xf32, #tpu.memory_space<vmem>> -> memref<1x100x64xf32, #tpu.memory_space<vmem>>
      %dma_wait3A_1703 = tpu.memref_squeeze %dma_wait3A_1702 : memref<1x100x64xf32, #tpu.memory_space<vmem>> -> memref<100x64xf32, #tpu.memory_space<vmem>>
      tpu.wait_dma2 semaphore(%arg17 : memref<!tpu.dma_semaphore, #tpu.memory_space<semaphore_mem>>) src(%dma_wait3A_1703 : memref<100x64xf32, #tpu.memory_space<vmem>>) dst(%dma_wait3A_1699 : memref<100x64xf32, #tpu.memory_space<hbm>>)
      %scan3A_1704 = arith.constant 0 : i32
      %scan3A_1705 = arith.constant 0 : i32
      %scan3A_1706 = arith.constant 100 : i32
      %scan3A_1707 = arith.addi %scan3A_1705, %scan3A_1706 : i32
      %scan3A_1708 = arith.constant 1 : i32
      %scan3A_1709 = scf.for %scan3A_1730 = %scan3A_1705 to %scan3A_1707 step %scan3A_1708 iter_args(%scan3A_1731 = %scan3A_1704) -> (i32)  : i32 {
        %mul3A_1732 = arith.constant 6 : i32
        %mul3A_1733 = arith.muli %scan3A_1730, %mul3A_1732 : i32
        %add3A_1734 = arith.constant 0 : i32
        %add3A_1735 = arith.addi %mul3A_1733, %add3A_1734 : i32
        %get3A = arith.constant 1 : i32
        %get3A_1736 = arith.index_cast %get3A : i32 to index
        %get3A_1737 = arith.index_cast %add3A_1735 : i32 to index
        %get3A_1738 = arith.constant 0 : index
        %get3A_1739 = tpu.vector_load %arg10[%get3A_1736, %get3A_1737, %get3A_1738] {strides = array<i32>} : memref<2x600x64xbf16, #tpu.memory_space<vmem>>, vector<32xbf16>,
        %add3A_1740 = arith.constant 0 : i32
        %add3A_1741 = arith.addi %mul3A_1733, %add3A_1740 : i32
        %add3A_1742 = arith.constant 1 : i32
        %add3A_1743 = arith.addi %add3A_1741, %add3A_1742 : i32
        %get3A_1744 = arith.constant 1 : i32
        %get3A_1745 = arith.index_cast %get3A_1744 : i32 to index
        %get3A_1746 = arith.index_cast %add3A_1743 : i32 to index
        %get3A_1747 = arith.constant 0 : index
        %get3A_1748 = tpu.vector_load %arg10[%get3A_1745, %get3A_1746, %get3A_1747] {strides = array<i32>} : memref<2x600x64xbf16, #tpu.memory_space<vmem>>, vector<32xbf16>,
        %add3A_1749 = arith.addf %get3A_1739, %get3A_1748 : vector<32xbf16>
        %unpack3A = tpu.unpack_subelements %add3A_1749, 0 {pack_format = #tpu.pack_format<interleaved>} : vector<32xbf16> -> vector<16xf32>
        %unpack3A_1750 = tpu.unpack_subelements %add3A_1749, 1 {pack_format = #tpu.pack_format<interleaved>} : vector<32xbf16> -> vector<16xf32>
        %add3A_1751 = arith.constant 2 : i32
        %add3A_1752 = arith.addi %mul3A_1733, %add3A_1751 : i32
        %get3A_1753 = arith.constant 1 : i32
        %get3A_1754 = arith.index_cast %get3A_1753 : i32 to index
        %get3A_1755 = arith.index_cast %add3A_1752 : i32 to index
        %get3A_1756 = arith.constant 0 : index
        %get3A_1757 = tpu.vector_load %arg10[%get3A_1754, %get3A_1755, %get3A_1756] {strides = array<i32>} : memref<2x600x64xbf16, #tpu.memory_space<vmem>>, vector<32xbf16>,
        %add3A_1758 = arith.constant 2 : i32
        %add3A_1759 = arith.addi %mul3A_1733, %add3A_1758 : i32
        %add3A_1760 = arith.constant 1 : i32
        %add3A_1761 = arith.addi %add3A_1759, %add3A_1760 : i32
        %get3A_1762 = arith.constant 1 : i32
        %get3A_1763 = arith.index_cast %get3A_1762 : i32 to index
        %get3A_1764 = arith.index_cast %add3A_1761 : i32 to index
        %get3A_1765 = arith.constant 0 : index
        %get3A_1766 = tpu.vector_load %arg10[%get3A_1763, %get3A_1764, %get3A_1765] {strides = array<i32>} : memref<2x600x64xbf16, #tpu.memory_space<vmem>>, vector<32xbf16>,
        %add3A_1767 = arith.addf %get3A_1757, %get3A_1766 : vector<32xbf16>
        %unpack3A_1768 = tpu.unpack_subelements %add3A_1767, 0 {pack_format = #tpu.pack_format<interleaved>} : vector<32xbf16> -> vector<16xf32>
        %unpack3A_1769 = tpu.unpack_subelements %add3A_1767, 1 {pack_format = #tpu.pack_format<interleaved>} : vector<32xbf16> -> vector<16xf32>
        %add3A_1770 = arith.addf %unpack3A, %unpack3A_1768 : vector<16xf32>
        %add3A_1771 = arith.addf %unpack3A_1750, %unpack3A_1769 : vector<16xf32>
        %add3A_1772 = arith.constant 4 : i32
        %add3A_1773 = arith.addi %mul3A_1733, %add3A_1772 : i32
        %get3A_1774 = arith.constant 1 : i32
        %get3A_1775 = arith.index_cast %get3A_1774 : i32 to index
        %get3A_1776 = arith.index_cast %add3A_1773 : i32 to index
        %get3A_1777 = arith.constant 0 : index
        %get3A_1778 = tpu.vector_load %arg10[%get3A_1775, %get3A_1776, %get3A_1777] {strides = array<i32>} : memref<2x600x64xbf16, #tpu.memory_space<vmem>>, vector<32xbf16>,
        %add3A_1779 = arith.constant 4 : i32
        %add3A_1780 = arith.addi %mul3A_1733, %add3A_1779 : i32
        %add3A_1781 = arith.constant 1 : i32
        %add3A_1782 = arith.addi %add3A_1780, %add3A_1781 : i32
        %get3A_1783 = arith.constant 1 : i32
        %get3A_1784 = arith.index_cast %get3A_1783 : i32 to index
        %get3A_1785 = arith.index_cast %add3A_1782 : i32 to index
        %get3A_1786 = arith.constant 0 : index
        %get3A_1787 = tpu.vector_load %arg10[%get3A_1784, %get3A_1785, %get3A_1786] {strides = array<i32>} : memref<2x600x64xbf16, #tpu.memory_space<vmem>>, vector<32xbf16>,
        %add3A_1788 = arith.addf %get3A_1778, %get3A_1787 : vector<32xbf16>
        %unpack3A_1789 = tpu.unpack_subelements %add3A_1788, 0 {pack_format = #tpu.pack_format<interleaved>} : vector<32xbf16> -> vector<16xf32>
        %unpack3A_1790 = tpu.unpack_subelements %add3A_1788, 1 {pack_format = #tpu.pack_format<interleaved>} : vector<32xbf16> -> vector<16xf32>
        %add3A_1791 = arith.addf %add3A_1770, %unpack3A_1789 : vector<16xf32>
        %add3A_1792 = arith.addf %add3A_1771, %unpack3A_1790 : vector<16xf32>
        %swap3A = arith.constant 1 : i32
        %swap3A_1793 = arith.index_cast %swap3A : i32 to index
        %swap3A_1794 = arith.index_cast %scan3A_1730 : i32 to index
        %swap3A_1795 = arith.constant 0 : index
        %swap3A_1796 = tpu.vector_load %arg11[%swap3A_1793, %swap3A_1794, %swap3A_1795] {strides = array<i32>} : memref<2x100x64xf32, #tpu.memory_space<vmem>>, vector<16xf32>,
        tpu.vector_store %arg11[%swap3A_1793, %swap3A_1794, %swap3A_1795], %add3A_1791 {strides = array<i32>} : memref<2x100x64xf32, #tpu.memory_space<vmem>>, vector<16xf32>,
        %swap3A_1797 = arith.constant 1 : i32
        %swap3A_1798 = arith.index_cast %swap3A_1797 : i32 to index
        %swap3A_1799 = arith.index_cast %scan3A_1730 : i32 to index
        %swap3A_1800 = arith.constant 16 : index
        %swap3A_1801 = tpu.vector_load %arg11[%swap3A_1798, %swap3A_1799, %swap3A_1800] {strides = array<i32>} : memref<2x100x64xf32, #tpu.memory_space<vmem>>, vector<16xf32>,
        tpu.vector_store %arg11[%swap3A_1798, %swap3A_1799, %swap3A_1800], %add3A_1792 {strides = array<i32>} : memref<2x100x64xf32, #tpu.memory_space<vmem>>, vector<16xf32>,
        %add3A_1802 = arith.constant 0 : i32
        %add3A_1803 = arith.addi %mul3A_1733, %add3A_1802 : i32
        %get3A_1804 = arith.constant 1 : i32
        %get3A_1805 = arith.index_cast %get3A_1804 : i32 to index
        %get3A_1806 = arith.index_cast %add3A_1803 : i32 to index
        %get3A_1807 = arith.constant 32 : index
        %get3A_1808 = tpu.vector_load %arg10[%get3A_1805, %get3A_1806, %get3A_1807] {strides = array<i32>} : memref<2x600x64xbf16, #tpu.memory_space<vmem>>, vector<32xbf16>,
        %add3A_1809 = arith.constant 0 : i32
        %add3A_1810 = arith.addi %mul3A_1733, %add3A_1809 : i32
        %add3A_1811 = arith.constant 1 : i32
        %add3A_1812 = arith.addi %add3A_1810, %add3A_1811 : i32
        %get3A_1813 = arith.constant 1 : i32
        %get3A_1814 = arith.index_cast %get3A_1813 : i32 to index
        %get3A_1815 = arith.index_cast %add3A_1812 : i32 to index
        %get3A_1816 = arith.constant 32 : index
        %get3A_1817 = tpu.vector_load %arg10[%get3A_1814, %get3A_1815, %get3A_1816] {strides = array<i32>} : memref<2x600x64xbf16, #tpu.memory_space<vmem>>, vector<32xbf16>,
        %add3A_1818 = arith.addf %get3A_1808, %get3A_1817 : vector<32xbf16>
        %unpack3A_1819 = tpu.unpack_subelements %add3A_1818, 0 {pack_format = #tpu.pack_format<interleaved>} : vector<32xbf16> -> vector<16xf32>
        %unpack3A_1820 = tpu.unpack_subelements %add3A_1818, 1 {pack_format = #tpu.pack_format<interleaved>} : vector<32xbf16> -> vector<16xf32>
        %add3A_1821 = arith.constant 2 : i32
        %add3A_1822 = arith.addi %mul3A_1733, %add3A_1821 : i32
        %get3A_1823 = arith.constant 1 : i32
        %get3A_1824 = arith.index_cast %get3A_1823 : i32 to index
        %get3A_1825 = arith.index_cast %add3A_1822 : i32 to index
        %get3A_1826 = arith.constant 32 : index
        %get3A_1827 = tpu.vector_load %arg10[%get3A_1824, %get3A_1825, %get3A_1826] {strides = array<i32>} : memref<2x600x64xbf16, #tpu.memory_space<vmem>>, vector<32xbf16>,
        %add3A_1828 = arith.constant 2 : i32
        %add3A_1829 = arith.addi %mul3A_1733, %add3A_1828 : i32
        %add3A_1830 = arith.constant 1 : i32
        %add3A_1831 = arith.addi %add3A_1829, %add3A_1830 : i32
        %get3A_1832 = arith.constant 1 : i32
        %get3A_1833 = arith.index_cast %get3A_1832 : i32 to index
        %get3A_1834 = arith.index_cast %add3A_1831 : i32 to index
        %get3A_1835 = arith.constant 32 : index
        %get3A_1836 = tpu.vector_load %arg10[%get3A_1833, %get3A_1834, %get3A_1835] {strides = array<i32>} : memref<2x600x64xbf16, #tpu.memory_space<vmem>>, vector<32xbf16>,
        %add3A_1837 = arith.addf %get3A_1827, %get3A_1836 : vector<32xbf16>
        %unpack3A_1838 = tpu.unpack_subelements %add3A_1837, 0 {pack_format = #tpu.pack_format<interleaved>} : vector<32xbf16> -> vector<16xf32>
        %unpack3A_1839 = tpu.unpack_subelements %add3A_1837, 1 {pack_format = #tpu.pack_format<interleaved>} : vector<32xbf16> -> vector<16xf32>
        %add3A_1840 = arith.addf %unpack3A_1819, %unpack3A_1838 : vector<16xf32>
        %add3A_1841 = arith.addf %unpack3A_1820, %unpack3A_1839 : vector<16xf32>
        %add3A_1842 = arith.constant 4 : i32
        %add3A_1843 = arith.addi %mul3A_1733, %add3A_1842 : i32
        %get3A_1844 = arith.constant 1 : i32
        %get3A_1845 = arith.index_cast %get3A_1844 : i32 to index
        %get3A_1846 = arith.index_cast %add3A_1843 : i32 to index
        %get3A_1847 = arith.constant 32 : index
        %get3A_1848 = tpu.vector_load %arg10[%get3A_1845, %get3A_1846, %get3A_1847] {strides = array<i32>} : memref<2x600x64xbf16, #tpu.memory_space<vmem>>, vector<32xbf16>,
        %add3A_1849 = arith.constant 4 : i32
        %add3A_1850 = arith.addi %mul3A_1733, %add3A_1849 : i32
        %add3A_1851 = arith.constant 1 : i32
        %add3A_1852 = arith.addi %add3A_1850, %add3A_1851 : i32
        %get3A_1853 = arith.constant 1 : i32
        %get3A_1854 = arith.index_cast %get3A_1853 : i32 to index
        %get3A_1855 = arith.index_cast %add3A_1852 : i32 to index
        %get3A_1856 = arith.constant 32 : index
        %get3A_1857 = tpu.vector_load %arg10[%get3A_1854, %get3A_1855, %get3A_1856] {strides = array<i32>} : memref<2x600x64xbf16, #tpu.memory_space<vmem>>, vector<32xbf16>,
        %add3A_1858 = arith.addf %get3A_1848, %get3A_1857 : vector<32xbf16>
        %unpack3A_1859 = tpu.unpack_subelements %add3A_1858, 0 {pack_format = #tpu.pack_format<interleaved>} : vector<32xbf16> -> vector<16xf32>
        %unpack3A_1860 = tpu.unpack_subelements %add3A_1858, 1 {pack_format = #tpu.pack_format<interleaved>} : vector<32xbf16> -> vector<16xf32>
        %add3A_1861 = arith.addf %add3A_1840, %unpack3A_1859 : vector<16xf32>
        %add3A_1862 = arith.addf %add3A_1841, %unpack3A_1860 : vector<16xf32>
        %swap3A_1863 = arith.constant 1 : i32
        %swap3A_1864 = arith.index_cast %swap3A_1863 : i32 to index
        %swap3A_1865 = arith.index_cast %scan3A_1730 : i32 to index
        %swap3A_1866 = arith.constant 32 : index
        %swap3A_1867 = tpu.vector_load %arg11[%swap3A_1864, %swap3A_1865, %swap3A_1866] {strides = array<i32>} : memref<2x100x64xf32, #tpu.memory_space<vmem>>, vector<16xf32>,
        tpu.vector_store %arg11[%swap3A_1864, %swap3A_1865, %swap3A_1866], %add3A_1861 {strides = array<i32>} : memref<2x100x64xf32, #tpu.memory_space<vmem>>, vector<16xf32>,
        %swap3A_1868 = arith.constant 1 : i32
        %swap3A_1869 = arith.index_cast %swap3A_1868 : i32 to index
        %swap3A_1870 = arith.index_cast %scan3A_1730 : i32 to index
        %swap3A_1871 = arith.constant 48 : index
        %swap3A_1872 = tpu.vector_load %arg11[%swap3A_1869, %swap3A_1870, %swap3A_1871] {strides = array<i32>} : memref<2x100x64xf32, #tpu.memory_space<vmem>>, vector<16xf32>,
        tpu.vector_store %arg11[%swap3A_1869, %swap3A_1870, %swap3A_1871], %add3A_1862 {strides = array<i32>} : memref<2x100x64xf32, #tpu.memory_space<vmem>>, vector<16xf32>,
        %scan3A_1873 = arith.constant 0 : i32
        scf.yield %scan3A_1873 : i32
      }
      %scan3A_1710 = arith.constant 100 : i32
      %dma_start3A_1711 = arith.constant 1 : i32
      %dma_start3A_1712 = arith.constant 1 : i32
      %dma_start3A_1713 = arith.constant 0 : i32
      %dma_start3A_1714 = arith.constant 0 : i32
      %dma_start3A_1715 = tpu.memref_slice %arg11[%dma_start3A_1711, %dma_start3A_1713, %dma_start3A_1714] : memref<2x100x64xf32, #tpu.memory_space<vmem>> -> memref<1x100x64xf32, #tpu.memory_space<vmem>>
      %dma_start3A_1716 = tpu.memref_squeeze %dma_start3A_1715 : memref<1x100x64xf32, #tpu.memory_space<vmem>> -> memref<100x64xf32, #tpu.memory_space<vmem>>
      %dma_start3A_1717 = arith.constant 100 : i32
      %dma_start3A_1718 = arith.constant 64 : i32
      %dma_start3A_1719 = tpu.memref_slice %arg7[%dma_start3A_1712, %add3A_1685, %dma_start3A_1717, %dma_start3A_1718] : memref<2x1024x200x128xf32, #tpu.memory_space<hbm>> -> memref<1x1x100x64xf32, #tpu.memory_space<hbm>>
      %dma_start3A_1720 = tpu.memref_squeeze %dma_start3A_1719 : memref<1x1x100x64xf32, #tpu.memory_space<hbm>> -> memref<100x64xf32, #tpu.memory_space<hbm>>
      %dma_start3A_1721 = arith.constant 100 : i32
      %dma_start3A_1722 = arith.constant 64 : i32
      %dma_start3A_1723 = tpu.memref_slice %arg7[%dma_start3A_1712, %add3A_1685, %dma_start3A_1721, %dma_start3A_1722] : memref<2x1024x200x128xf32, #tpu.memory_space<hbm>> -> memref<1x1x100x64xf32, #tpu.memory_space<hbm>>
      %dma_start3A_1724 = tpu.memref_squeeze %dma_start3A_1723 : memref<1x1x100x64xf32, #tpu.memory_space<hbm>> -> memref<100x64xf32, #tpu.memory_space<hbm>>
      %dma_start3A_1725 = arith.constant 0 : i32
      %dma_start3A_1726 = arith.constant 0 : i32
      %dma_start3A_1727 = tpu.memref_slice %arg11[%dma_start3A_1711, %dma_start3A_1725, %dma_start3A_1726] : memref<2x100x64xf32, #tpu.memory_space<vmem>> -> memref<1x100x64xf32, #tpu.memory_space<vmem>>
      %dma_start3A_1728 = tpu.memref_squeeze %dma_start3A_1727 : memref<1x100x64xf32, #tpu.memory_space<vmem>> -> memref<100x64xf32, #tpu.memory_space<vmem>>
      tpu.enqueue_dma source(%dma_start3A_1728 : memref<100x64xf32, #tpu.memory_space<vmem>>) target(%dma_start3A_1724 : memref<100x64xf32, #tpu.memory_space<hbm>>) target_semaphore(%arg17 : memref<!tpu.dma_semaphore, #tpu.memory_space<semaphore_mem>>)
      %scan3A_1729 = arith.constant 0 : i32
      scf.yield %scan3A_1729 : i32
    }
    %scan3A_152 = arith.constant 32 : i32
    %dma_wait3A_153 = arith.constant 0 : i32
    %dma_wait3A_154 = arith.constant 0 : i32
    %dma_wait3A_155 = arith.constant 0 : i32
    %dma_wait3A_156 = arith.constant 0 : i32
    %dma_wait3A_157 = tpu.memref_slice %arg11[%dma_wait3A_153, %dma_wait3A_155, %dma_wait3A_156] : memref<2x100x64xf32, #tpu.memory_space<vmem>> -> memref<1x100x64xf32, #tpu.memory_space<vmem>>
    %dma_wait3A_158 = tpu.memref_squeeze %dma_wait3A_157 : memref<1x100x64xf32, #tpu.memory_space<vmem>> -> memref<100x64xf32, #tpu.memory_space<vmem>>
    %dma_wait3A_159 = arith.constant 0 : i32
    %dma_wait3A_160 = arith.constant 0 : i32
    %dma_wait3A_161 = tpu.memref_slice %arg7[%dma_wait3A_154, %mul3A_2, %dma_wait3A_159, %dma_wait3A_160] : memref<2x1024x200x128xf32, #tpu.memory_space<hbm>> -> memref<1x1x100x64xf32, #tpu.memory_space<hbm>>
    %dma_wait3A_162 = tpu.memref_squeeze %dma_wait3A_161 : memref<1x1x100x64xf32, #tpu.memory_space<hbm>> -> memref<100x64xf32, #tpu.memory_space<hbm>>
    %dma_wait3A_163 = arith.constant 0 : i32
    %dma_wait3A_164 = arith.constant 0 : i32
    %dma_wait3A_165 = tpu.memref_slice %arg7[%dma_wait3A_154, %mul3A_2, %dma_wait3A_163, %dma_wait3A_164] : memref<2x1024x200x128xf32, #tpu.memory_space<hbm>> -> memref<1x1x100x64xf32, #tpu.memory_space<hbm>>
    %dma_wait3A_166 = tpu.memref_squeeze %dma_wait3A_165 : memref<1x1x100x64xf32, #tpu.memory_space<hbm>> -> memref<100x64xf32, #tpu.memory_space<hbm>>
    %dma_wait3A_167 = arith.constant 0 : i32
    %dma_wait3A_168 = arith.constant 0 : i32
    %dma_wait3A_169 = tpu.memref_slice %arg11[%dma_wait3A_153, %dma_wait3A_167, %dma_wait3A_168] : memref<2x100x64xf32, #tpu.memory_space<vmem>> -> memref<1x100x64xf32, #tpu.memory_space<vmem>>
    %dma_wait3A_170 = tpu.memref_squeeze %dma_wait3A_169 : memref<1x100x64xf32, #tpu.memory_space<vmem>> -> memref<100x64xf32, #tpu.memory_space<vmem>>
    tpu.wait_dma2 semaphore(%arg16 : memref<!tpu.dma_semaphore, #tpu.memory_space<semaphore_mem>>) src(%dma_wait3A_170 : memref<100x64xf32, #tpu.memory_space<vmem>>) dst(%dma_wait3A_166 : memref<100x64xf32, #tpu.memory_space<hbm>>)
    %dma_wait3A_171 = arith.constant 1 : i32
    %dma_wait3A_172 = arith.constant 0 : i32
    %dma_wait3A_173 = arith.constant 0 : i32
    %dma_wait3A_174 = arith.constant 0 : i32
    %dma_wait3A_175 = tpu.memref_slice %arg11[%dma_wait3A_171, %dma_wait3A_173, %dma_wait3A_174] : memref<2x100x64xf32, #tpu.memory_space<vmem>> -> memref<1x100x64xf32, #tpu.memory_space<vmem>>
    %dma_wait3A_176 = tpu.memref_squeeze %dma_wait3A_175 : memref<1x100x64xf32, #tpu.memory_space<vmem>> -> memref<100x64xf32, #tpu.memory_space<vmem>>
    %dma_wait3A_177 = arith.constant 0 : i32
    %dma_wait3A_178 = arith.constant 0 : i32
    %dma_wait3A_179 = tpu.memref_slice %arg7[%dma_wait3A_172, %mul3A_2, %dma_wait3A_177, %dma_wait3A_178] : memref<2x1024x200x128xf32, #tpu.memory_space<hbm>> -> memref<1x1x100x64xf32, #tpu.memory_space<hbm>>
    %dma_wait3A_180 = tpu.memref_squeeze %dma_wait3A_179 : memref<1x1x100x64xf32, #tpu.memory_space<hbm>> -> memref<100x64xf32, #tpu.memory_space<hbm>>
    %dma_wait3A_181 = arith.constant 0 : i32
    %dma_wait3A_182 = arith.constant 0 : i32
    %dma_wait3A_183 = tpu.memref_slice %arg7[%dma_wait3A_172, %mul3A_2, %dma_wait3A_181, %dma_wait3A_182] : memref<2x1024x200x128xf32, #tpu.memory_space<hbm>> -> memref<1x1x100x64xf32, #tpu.memory_space<hbm>>
    %dma_wait3A_184 = tpu.memref_squeeze %dma_wait3A_183 : memref<1x1x100x64xf32, #tpu.memory_space<hbm>> -> memref<100x64xf32, #tpu.memory_space<hbm>>
    %dma_wait3A_185 = arith.constant 0 : i32
    %dma_wait3A_186 = arith.constant 0 : i32
    %dma_wait3A_187 = tpu.memref_slice %arg11[%dma_wait3A_171, %dma_wait3A_185, %dma_wait3A_186] : memref<2x100x64xf32, #tpu.memory_space<vmem>> -> memref<1x100x64xf32, #tpu.memory_space<vmem>>
    %dma_wait3A_188 = tpu.memref_squeeze %dma_wait3A_187 : memref<1x100x64xf32, #tpu.memory_space<vmem>> -> memref<100x64xf32, #tpu.memory_space<vmem>>
    tpu.wait_dma2 semaphore(%arg17 : memref<!tpu.dma_semaphore, #tpu.memory_space<semaphore_mem>>) src(%dma_wait3A_188 : memref<100x64xf32, #tpu.memory_space<vmem>>) dst(%dma_wait3A_184 : memref<100x64xf32, #tpu.memory_space<hbm>>)
    return
  }
}

module attributes {stable_mosaic.version = 14 : i64} {
  func.func @body(%arg0: i32, %arg1: memref<2x32x200x128xf32, #tpu.memory_space<vmem>>, %arg2: memref<32x64xbf16, #tpu.memory_space<vmem>>, %arg3: memref<32x64xf32, #tpu.memory_space<vmem>>, %arg4: memref<192x64xf32, #tpu.memory_space<vmem>>, %arg5: memref<192x64xf32, #tpu.memory_space<vmem>>, %arg6: memref<1x192xf32, #tpu.memory_space<vmem>>, %arg7: memref<1x192xf32, #tpu.memory_space<vmem>>, %arg8: memref<64x64xf32, #tpu.memory_space<vmem>>, %arg9: memref<64x64xf32, #tpu.memory_space<vmem>>, %arg10: memref<1x64xf32, #tpu.memory_space<vmem>>, %arg11: memref<64x64xf32, #tpu.memory_space<vmem>>, %arg12: memref<32x200xf32, #tpu.memory_space<vmem>>, %arg13: memref<32x64xf32, #tpu.memory_space<vmem>>, %arg14: memref<32x64xf32, #tpu.memory_space<vmem>>) attributes {dimension_semantics = [#tpu.dimension_semantics<arbitrary>], iteration_bounds = array<i64: 32>, scalar_prefetch = 0 : i64, scratch_operands = 0 : i64, tpu.core_type = #tpu.core_type<tc>, window_params = [{transform_indices = @transform_0, window_bounds = array<i64: 2, 32, 200, 128>}, {transform_indices = @transform_1, window_bounds = array<i64: 32, 64>}, {transform_indices = @transform_2, window_bounds = array<i64: 32, 64>}, {pipeline_mode = #tpu.pipeline_mode<synchronous>, transform_indices = @transform_3, window_bounds = array<i64: 192, 64>}, {pipeline_mode = #tpu.pipeline_mode<synchronous>, transform_indices = @transform_4, window_bounds = array<i64: 192, 64>}, {pipeline_mode = #tpu.pipeline_mode<synchronous>, transform_indices = @transform_5, window_bounds = array<i64: 1, 192>}, {pipeline_mode = #tpu.pipeline_mode<synchronous>, transform_indices = @transform_6, window_bounds = array<i64: 1, 192>}, {pipeline_mode = #tpu.pipeline_mode<synchronous>, transform_indices = @transform_7, window_bounds = array<i64: 64, 64>}, {pipeline_mode = #tpu.pipeline_mode<synchronous>, transform_indices = @transform_8, window_bounds = array<i64: 64, 64>}, {pipeline_mode = #tpu.pipeline_mode<synchronous>, transform_indices = @transform_9, window_bounds = array<i64: 1, 64>}, {pipeline_mode = #tpu.pipeline_mode<synchronous>, transform_indices = @transform_10, window_bounds = array<i64: 64, 64>}, {transform_indices = @transform_11, window_bounds = array<i64: 32, 200>}, {transform_indices = @transform_12, window_bounds = array<i64: 32, 64>}, {transform_indices = @transform_13, window_bounds = array<i64: 32, 64>}]} {
    %get3A = arith.constant 0 : index
    %get3A_0 = arith.constant 0 : index
    %get3A_1 = vector.load %arg2[%get3A, %get3A_0] : memref<32x64xbf16, #tpu.memory_space<vmem>>, vector<32x64xbf16>
    %convert_element_type3A = arith.extf %get3A_1 : vector<32x64xbf16> to vector<32x64xf32>
    %get3A_2 = arith.constant 0 : index
    %get3A_3 = arith.constant 0 : index
    %get3A_4 = vector.load %arg3[%get3A_2, %get3A_3] : memref<32x64xf32, #tpu.memory_space<vmem>>, vector<32x64xf32>
    %get3A_5 = arith.constant 0 : index
    %get3A_6 = arith.constant 0 : index
    %get3A_7 = vector.load %arg4[%get3A_5, %get3A_6] : memref<192x64xf32, #tpu.memory_space<vmem>>, vector<192x64xf32>
    %dot_general3A = arith.constant dense<0.000000e+00> : vector<32x192xf32>
    %dot_general3A_8 = tpu.matmul %convert_element_type3A, %get3A_7, %dot_general3A {dimension_numbers = #tpu.dot_dimension_numbers<[1], [1], [0], [0], [0, 0, 1, 0], [], []>, transpose_lhs_hint = false} : vector<32x64xf32>, vector<192x64xf32>, vector<32x192xf32> -> vector<32x192xf32>
    %get3A_9 = arith.constant 0 : index
    %get3A_10 = arith.constant 0 : index
    %get3A_11 = vector.load %arg6[%get3A_9, %get3A_10] : memref<1x192xf32, #tpu.memory_space<vmem>>, vector<1x192xf32>
    %add3A = vector.broadcast %get3A_11 : vector<1x192xf32> to vector<32x192xf32>
    %add3A_12 = arith.addf %dot_general3A_8, %add3A : vector<32x192xf32>
    %get3A_13 = arith.constant 0 : index
    %get3A_14 = arith.constant 0 : index
    %get3A_15 = vector.load %arg5[%get3A_13, %get3A_14] : memref<192x64xf32, #tpu.memory_space<vmem>>, vector<192x64xf32>
    %dot_general3A_16 = arith.constant dense<0.000000e+00> : vector<32x192xf32>
    %dot_general3A_17 = tpu.matmul %get3A_4, %get3A_15, %dot_general3A_16 {dimension_numbers = #tpu.dot_dimension_numbers<[1], [1], [0], [0], [0, 0, 1, 0], [], []>, transpose_lhs_hint = false} : vector<32x64xf32>, vector<192x64xf32>, vector<32x192xf32> -> vector<32x192xf32>
    %get3A_18 = arith.constant 0 : index
    %get3A_19 = arith.constant 0 : index
    %get3A_20 = vector.load %arg7[%get3A_18, %get3A_19] : memref<1x192xf32, #tpu.memory_space<vmem>>, vector<1x192xf32>
    %add3A_21 = vector.broadcast %get3A_20 : vector<1x192xf32> to vector<32x192xf32>
    %add3A_22 = arith.addf %dot_general3A_17, %add3A_21 : vector<32x192xf32>
    %slice3A = vector.extract_strided_slice %add3A_12 {offsets = [0, 0], sizes = [32, 64], strides = [1, 1]} : vector<32x192xf32> to vector<32x64xf32>
    %slice3A_23 = vector.extract_strided_slice %add3A_12 {offsets = [0, 64], sizes = [32, 64], strides = [1, 1]} : vector<32x192xf32> to vector<32x64xf32>
    %slice3A_24 = vector.extract_strided_slice %add3A_12 {offsets = [0, 128], sizes = [32, 64], strides = [1, 1]} : vector<32x192xf32> to vector<32x64xf32>
    %slice3A_25 = vector.extract_strided_slice %add3A_22 {offsets = [0, 0], sizes = [32, 64], strides = [1, 1]} : vector<32x192xf32> to vector<32x64xf32>
    %slice3A_26 = vector.extract_strided_slice %add3A_22 {offsets = [0, 64], sizes = [32, 64], strides = [1, 1]} : vector<32x192xf32> to vector<32x64xf32>
    %slice3A_27 = vector.extract_strided_slice %add3A_22 {offsets = [0, 128], sizes = [32, 64], strides = [1, 1]} : vector<32x192xf32> to vector<32x64xf32>
    %add3A_28 = arith.addf %slice3A, %slice3A_25 : vector<32x64xf32>
    %logistic3A = arith.negf %add3A_28 : vector<32x64xf32>
    %logistic3A_29 = math.exp %logistic3A : vector<32x64xf32>
    %logistic3A_30 = arith.constant 1.000000e+00 : f32
    %logistic3A_31 = vector.broadcast %logistic3A_30 : f32 to vector<32x64xf32>
    %logistic3A_32 = arith.addf %logistic3A_31, %logistic3A_29 : vector<32x64xf32>
    %logistic3A_33 = arith.divf %logistic3A_31, %logistic3A_32 : vector<32x64xf32>
    %add3A_34 = arith.addf %slice3A_23, %slice3A_26 : vector<32x64xf32>
    %logistic3A_35 = arith.negf %add3A_34 : vector<32x64xf32>
    %logistic3A_36 = math.exp %logistic3A_35 : vector<32x64xf32>
    %logistic3A_37 = arith.constant 1.000000e+00 : f32
    %logistic3A_38 = vector.broadcast %logistic3A_37 : f32 to vector<32x64xf32>
    %logistic3A_39 = arith.addf %logistic3A_38, %logistic3A_36 : vector<32x64xf32>
    %logistic3A_40 = arith.divf %logistic3A_38, %logistic3A_39 : vector<32x64xf32>
    %mul3A = arith.mulf %logistic3A_33, %slice3A_27 : vector<32x64xf32>
    %add3A_41 = arith.addf %slice3A_24, %mul3A : vector<32x64xf32>
    %tanh3A = math.tanh %add3A_41 : vector<32x64xf32>
    %sub3A = arith.constant 1.000000e+00 : f32
    %sub3A_42 = vector.broadcast %sub3A : f32 to vector<32x64xf32>
    %sub3A_43 = arith.subf %sub3A_42, %logistic3A_40 : vector<32x64xf32>
    %mul3A_44 = arith.mulf %sub3A_43, %tanh3A : vector<32x64xf32>
    %mul3A_45 = arith.mulf %logistic3A_40, %get3A_4 : vector<32x64xf32>
    %add3A_46 = arith.addf %mul3A_44, %mul3A_45 : vector<32x64xf32>
    %get3A_47 = arith.constant 0 : index
    %get3A_48 = arith.constant 0 : index
    %get3A_49 = arith.constant 0 : index
    %get3A_50 = arith.constant 0 : index
    %get3A_51 = vector.load %arg1[%get3A_47, %get3A_48, %get3A_49, %get3A_50] : memref<2x32x200x128xf32, #tpu.memory_space<vmem>>, vector<1x32x200x128xf32>
    %get3A_52 = vector.shape_cast %get3A_51 : vector<1x32x200x128xf32> to vector<32x200x128xf32>
    %get3A_53 = arith.constant 1 : index
    %get3A_54 = arith.constant 0 : index
    %get3A_55 = arith.constant 0 : index
    %get3A_56 = arith.constant 0 : index
    %get3A_57 = vector.load %arg1[%get3A_53, %get3A_54, %get3A_55, %get3A_56] : memref<2x32x200x128xf32, #tpu.memory_space<vmem>>, vector<1x32x200x128xf32>
    %get3A_58 = vector.shape_cast %get3A_57 : vector<1x32x200x128xf32> to vector<32x200x128xf32>
    %broadcast_in_dim3A = arith.constant 0.000000e+00 : f32
    %broadcast_in_dim3A_59 = vector.broadcast %broadcast_in_dim3A : f32 to vector<32x64xf32>
    %get3A_60 = arith.constant 0 : index
    %get3A_61 = arith.constant 0 : index
    %get3A_62 = vector.load %arg11[%get3A_60, %get3A_61] : memref<64x64xf32, #tpu.memory_space<vmem>>, vector<64x64xf32>
    %dot_general3A_63 = arith.constant dense<0.000000e+00> : vector<32x64xf32>
    %dot_general3A_64 = tpu.matmul %add3A_46, %get3A_62, %dot_general3A_63 {dimension_numbers = #tpu.dot_dimension_numbers<[1], [1], [0], [0], [0, 0, 1, 0], [], []>, transpose_lhs_hint = false} : vector<32x64xf32>, vector<64x64xf32>, vector<32x64xf32> -> vector<32x64xf32>
    %concatenate3A = tpu.concatenate %dot_general3A_64, %broadcast_in_dim3A_59 in 1 : vector<32x64xf32>, vector<32x64xf32> -> vector<32x128xf32>
    %broadcast_in_dim3A_65 = vector.shape_cast %concatenate3A : vector<32x128xf32> to vector<32x1x128xf32>
    %mul3A_66 = vector.broadcast %broadcast_in_dim3A_65 : vector<32x1x128xf32> to vector<32x200x128xf32>
    %mul3A_67 = arith.mulf %get3A_52, %mul3A_66 : vector<32x200x128xf32>
    %reduce_sum3A = arith.constant dense<0.000000e+00> : vector<32x200xf32>
    %reduce_sum3A_68 = vector.multi_reduction <add>, %mul3A_67, %reduce_sum3A [2] : vector<32x200x128xf32> to vector<32x200xf32>
    %reduce_max3A = arith.constant dense<0xFF800000> : vector<32xf32>
    %reduce_max3A_69 = vector.multi_reduction <maximumf>, %reduce_sum3A_68, %reduce_max3A [1] : vector<32x200xf32> to vector<32xf32>
    %broadcast_in_dim3A_70 = vector.shape_cast %reduce_max3A_69 : vector<32xf32> to vector<32x1xf32>
    %sub3A_71 = vector.broadcast %broadcast_in_dim3A_70 : vector<32x1xf32> to vector<32x200xf32>
    %sub3A_72 = arith.subf %reduce_sum3A_68, %sub3A_71 : vector<32x200xf32>
    %exp3A = math.exp %sub3A_72 : vector<32x200xf32>
    %reduce_sum3A_73 = arith.constant dense<0.000000e+00> : vector<32xf32>
    %reduce_sum3A_74 = vector.multi_reduction <add>, %exp3A, %reduce_sum3A_73 [1] : vector<32x200xf32> to vector<32xf32>
    %broadcast_in_dim3A_75 = vector.shape_cast %reduce_sum3A_74 : vector<32xf32> to vector<32x1xf32>
    %div3A = vector.broadcast %broadcast_in_dim3A_75 : vector<32x1xf32> to vector<32x200xf32>
    %div3A_76 = arith.divf %exp3A, %div3A : vector<32x200xf32>
    %broadcast_in_dim3A_77 = vector.shape_cast %div3A_76 : vector<32x200xf32> to vector<32x200x1xf32>
    %mul3A_78 = vector.broadcast %broadcast_in_dim3A_77 : vector<32x200x1xf32> to vector<32x200x128xf32>
    %mul3A_79 = arith.mulf %mul3A_78, %get3A_52 : vector<32x200x128xf32>
    %reduce_sum3A_80 = arith.constant dense<0.000000e+00> : vector<32x128xf32>
    %reduce_sum3A_81 = vector.multi_reduction <add>, %mul3A_79, %reduce_sum3A_80 [1] : vector<32x200x128xf32> to vector<32x128xf32>
    %slice3A_82 = vector.extract_strided_slice %reduce_sum3A_81 {offsets = [0, 64], sizes = [32, 64], strides = [1, 1]} : vector<32x128xf32> to vector<32x64xf32>
    %get3A_83 = arith.constant 0 : index
    %get3A_84 = arith.constant 0 : index
    %get3A_85 = vector.load %arg8[%get3A_83, %get3A_84] : memref<64x64xf32, #tpu.memory_space<vmem>>, vector<64x64xf32>
    %dot_general3A_86 = arith.constant dense<0.000000e+00> : vector<32x64xf32>
    %dot_general3A_87 = tpu.matmul %add3A_46, %get3A_85, %dot_general3A_86 {dimension_numbers = #tpu.dot_dimension_numbers<[1], [1], [0], [0], [0, 0, 1, 0], [], []>, transpose_lhs_hint = false} : vector<32x64xf32>, vector<64x64xf32>, vector<32x64xf32> -> vector<32x64xf32>
    %get3A_88 = arith.constant 0 : index
    %get3A_89 = arith.constant 0 : index
    %get3A_90 = vector.load %arg9[%get3A_88, %get3A_89] : memref<64x64xf32, #tpu.memory_space<vmem>>, vector<64x64xf32>
    %dot_general3A_91 = arith.constant dense<0.000000e+00> : vector<32x64xf32>
    %dot_general3A_92 = tpu.matmul %slice3A_82, %get3A_90, %dot_general3A_91 {dimension_numbers = #tpu.dot_dimension_numbers<[1], [1], [0], [0], [0, 0, 1, 0], [], []>, transpose_lhs_hint = false} : vector<32x64xf32>, vector<64x64xf32>, vector<32x64xf32> -> vector<32x64xf32>
    %add3A_93 = arith.addf %dot_general3A_87, %dot_general3A_92 : vector<32x64xf32>
    %get3A_94 = arith.constant 0 : index
    %get3A_95 = arith.constant 0 : index
    %get3A_96 = vector.load %arg10[%get3A_94, %get3A_95] : memref<1x64xf32, #tpu.memory_space<vmem>>, vector<1x64xf32>
    %add3A_97 = vector.broadcast %get3A_96 : vector<1x64xf32> to vector<32x64xf32>
    %add3A_98 = arith.addf %add3A_93, %add3A_97 : vector<32x64xf32>
    %reduce_max3A_99 = arith.constant dense<0xFF800000> : vector<32xf32>
    %reduce_max3A_100 = vector.multi_reduction <maximumf>, %add3A_98, %reduce_max3A_99 [1] : vector<32x64xf32> to vector<32xf32>
    %broadcast_in_dim3A_101 = vector.shape_cast %reduce_max3A_100 : vector<32xf32> to vector<32x1xf32>
    %sub3A_102 = vector.broadcast %broadcast_in_dim3A_101 : vector<32x1xf32> to vector<32x64xf32>
    %sub3A_103 = arith.subf %add3A_98, %sub3A_102 : vector<32x64xf32>
    %exp3A_104 = math.exp %sub3A_103 : vector<32x64xf32>
    %reduce_sum3A_105 = arith.constant dense<0.000000e+00> : vector<32xf32>
    %reduce_sum3A_106 = vector.multi_reduction <add>, %exp3A_104, %reduce_sum3A_105 [1] : vector<32x64xf32> to vector<32xf32>
    %broadcast_in_dim3A_107 = vector.shape_cast %reduce_sum3A_106 : vector<32xf32> to vector<32x1xf32>
    %div3A_108 = vector.broadcast %broadcast_in_dim3A_107 : vector<32x1xf32> to vector<32x64xf32>
    %div3A_109 = arith.divf %exp3A_104, %div3A_108 : vector<32x64xf32>
    %swap3A = arith.constant 0 : index
    %swap3A_110 = arith.constant 0 : index
    %swap3A_111 = vector.load %arg13[%swap3A, %swap3A_110] : memref<32x64xf32, #tpu.memory_space<vmem>>, vector<32x64xf32>
    tpu.vector_store %arg13[%swap3A, %swap3A_110], %div3A_109 {strides = array<i32>} : memref<32x64xf32, #tpu.memory_space<vmem>>, vector<32x64xf32>,
    %add3A_112 = arith.addf %dot_general3A_64, %slice3A_82 : vector<32x64xf32>
    %concatenate3A_113 = tpu.concatenate %broadcast_in_dim3A_59, %add3A_112 in 1 : vector<32x64xf32>, vector<32x64xf32> -> vector<32x128xf32>
    %broadcast_in_dim3A_114 = vector.shape_cast %concatenate3A_113 : vector<32x128xf32> to vector<32x1x128xf32>
    %mul3A_115 = vector.broadcast %broadcast_in_dim3A_114 : vector<32x1x128xf32> to vector<32x200x128xf32>
    %mul3A_116 = arith.mulf %get3A_52, %mul3A_115 : vector<32x200x128xf32>
    %reduce_sum3A_117 = arith.constant dense<0.000000e+00> : vector<32x200xf32>
    %reduce_sum3A_118 = vector.multi_reduction <add>, %mul3A_116, %reduce_sum3A_117 [2] : vector<32x200x128xf32> to vector<32x200xf32>
    %reduce_max3A_119 = arith.constant dense<0xFF800000> : vector<32xf32>
    %reduce_max3A_120 = vector.multi_reduction <maximumf>, %reduce_sum3A_118, %reduce_max3A_119 [1] : vector<32x200xf32> to vector<32xf32>
    %broadcast_in_dim3A_121 = vector.shape_cast %reduce_max3A_120 : vector<32xf32> to vector<32x1xf32>
    %sub3A_122 = vector.broadcast %broadcast_in_dim3A_121 : vector<32x1xf32> to vector<32x200xf32>
    %sub3A_123 = arith.subf %reduce_sum3A_118, %sub3A_122 : vector<32x200xf32>
    %exp3A_124 = math.exp %sub3A_123 : vector<32x200xf32>
    %reduce_sum3A_125 = arith.constant dense<0.000000e+00> : vector<32xf32>
    %reduce_sum3A_126 = vector.multi_reduction <add>, %exp3A_124, %reduce_sum3A_125 [1] : vector<32x200xf32> to vector<32xf32>
    %broadcast_in_dim3A_127 = vector.shape_cast %reduce_sum3A_126 : vector<32xf32> to vector<32x1xf32>
    %div3A_128 = vector.broadcast %broadcast_in_dim3A_127 : vector<32x1xf32> to vector<32x200xf32>
    %div3A_129 = arith.divf %exp3A_124, %div3A_128 : vector<32x200xf32>
    %broadcast_in_dim3A_130 = vector.shape_cast %div3A_129 : vector<32x200xf32> to vector<32x200x1xf32>
    %mul3A_131 = vector.broadcast %broadcast_in_dim3A_130 : vector<32x200x1xf32> to vector<32x200x128xf32>
    %mul3A_132 = arith.mulf %mul3A_131, %get3A_58 : vector<32x200x128xf32>
    %reduce_sum3A_133 = arith.constant dense<0.000000e+00> : vector<32x128xf32>
    %reduce_sum3A_134 = vector.multi_reduction <add>, %mul3A_132, %reduce_sum3A_133 [1] : vector<32x200x128xf32> to vector<32x128xf32>
    %slice3A_135 = vector.extract_strided_slice %reduce_sum3A_134 {offsets = [0, 0], sizes = [32, 64], strides = [1, 1]} : vector<32x128xf32> to vector<32x64xf32>
    %add3A_136 = arith.addf %add3A_112, %slice3A_135 : vector<32x64xf32>
    %concatenate3A_137 = tpu.concatenate %add3A_136, %broadcast_in_dim3A_59 in 1 : vector<32x64xf32>, vector<32x64xf32> -> vector<32x128xf32>
    %broadcast_in_dim3A_138 = vector.shape_cast %concatenate3A_137 : vector<32x128xf32> to vector<32x1x128xf32>
    %mul3A_139 = vector.broadcast %broadcast_in_dim3A_138 : vector<32x1x128xf32> to vector<32x200x128xf32>
    %mul3A_140 = arith.mulf %get3A_58, %mul3A_139 : vector<32x200x128xf32>
    %reduce_sum3A_141 = arith.constant dense<0.000000e+00> : vector<32x200xf32>
    %reduce_sum3A_142 = vector.multi_reduction <add>, %mul3A_140, %reduce_sum3A_141 [2] : vector<32x200x128xf32> to vector<32x200xf32>
    %swap3A_143 = arith.constant 0 : index
    %swap3A_144 = arith.constant 0 : index
    %swap3A_145 = vector.load %arg12[%swap3A_143, %swap3A_144] : memref<32x200xf32, #tpu.memory_space<vmem>>, vector<32x200xf32>
    tpu.vector_store %arg12[%swap3A_143, %swap3A_144], %reduce_sum3A_142 {strides = array<i32>} : memref<32x200xf32, #tpu.memory_space<vmem>>, vector<32x200xf32>,
    %swap3A_146 = arith.constant 0 : index
    %swap3A_147 = arith.constant 0 : index
    %swap3A_148 = vector.load %arg14[%swap3A_146, %swap3A_147] : memref<32x64xf32, #tpu.memory_space<vmem>>, vector<32x64xf32>
    tpu.vector_store %arg14[%swap3A_146, %swap3A_147], %add3A_46 {strides = array<i32>} : memref<32x64xf32, #tpu.memory_space<vmem>>, vector<32x64xf32>,
    return
  }
  func.func @transform_0(%arg0: i32) -> (i32, i32, i32, i32) {
    %c0_i32 = arith.constant 0 : i32
    %c0_i32_0 = arith.constant 0 : i32
    %c0_i32_1 = arith.constant 0 : i32
    %c0_i32_2 = arith.constant 0 : i32
    return %c0_i32, %arg0, %c0_i32_0, %c0_i32_1 : i32, i32, i32, i32
  }
  func.func @transform_1(%arg0: i32) -> (i32, i32) {
    %c0_i32 = arith.constant 0 : i32
    %c0_i32_0 = arith.constant 0 : i32
    return %arg0, %c0_i32 : i32, i32
  }
  func.func @transform_2(%arg0: i32) -> (i32, i32) {
    %c0_i32 = arith.constant 0 : i32
    %c0_i32_0 = arith.constant 0 : i32
    return %arg0, %c0_i32 : i32, i32
  }
  func.func @transform_3(%arg0: i32) -> (i32, i32) {
    %c0_i32 = arith.constant 0 : i32
    %c0_i32_0 = arith.constant 0 : i32
    %c0_i32_1 = arith.constant 0 : i32
    return %c0_i32, %c0_i32_0 : i32, i32
  }
  func.func @transform_4(%arg0: i32) -> (i32, i32) {
    %c0_i32 = arith.constant 0 : i32
    %c0_i32_0 = arith.constant 0 : i32
    %c0_i32_1 = arith.constant 0 : i32
    return %c0_i32, %c0_i32_0 : i32, i32
  }
  func.func @transform_5(%arg0: i32) -> (i32, i32) {
    %c0_i32 = arith.constant 0 : i32
    %c0_i32_0 = arith.constant 0 : i32
    %c0_i32_1 = arith.constant 0 : i32
    return %c0_i32, %c0_i32_0 : i32, i32
  }
  func.func @transform_6(%arg0: i32) -> (i32, i32) {
    %c0_i32 = arith.constant 0 : i32
    %c0_i32_0 = arith.constant 0 : i32
    %c0_i32_1 = arith.constant 0 : i32
    return %c0_i32, %c0_i32_0 : i32, i32
  }
  func.func @transform_7(%arg0: i32) -> (i32, i32) {
    %c0_i32 = arith.constant 0 : i32
    %c0_i32_0 = arith.constant 0 : i32
    %c0_i32_1 = arith.constant 0 : i32
    return %c0_i32, %c0_i32_0 : i32, i32
  }
  func.func @transform_8(%arg0: i32) -> (i32, i32) {
    %c0_i32 = arith.constant 0 : i32
    %c0_i32_0 = arith.constant 0 : i32
    %c0_i32_1 = arith.constant 0 : i32
    return %c0_i32, %c0_i32_0 : i32, i32
  }
  func.func @transform_9(%arg0: i32) -> (i32, i32) {
    %c0_i32 = arith.constant 0 : i32
    %c0_i32_0 = arith.constant 0 : i32
    %c0_i32_1 = arith.constant 0 : i32
    return %c0_i32, %c0_i32_0 : i32, i32
  }
  func.func @transform_10(%arg0: i32) -> (i32, i32) {
    %c0_i32 = arith.constant 0 : i32
    %c0_i32_0 = arith.constant 0 : i32
    %c0_i32_1 = arith.constant 0 : i32
    return %c0_i32, %c0_i32_0 : i32, i32
  }
  func.func @transform_11(%arg0: i32) -> (i32, i32) {
    %c0_i32 = arith.constant 0 : i32
    %c0_i32_0 = arith.constant 0 : i32
    return %arg0, %c0_i32 : i32, i32
  }
  func.func @transform_12(%arg0: i32) -> (i32, i32) {
    %c0_i32 = arith.constant 0 : i32
    %c0_i32_0 = arith.constant 0 : i32
    return %arg0, %c0_i32 : i32, i32
  }
  func.func @transform_13(%arg0: i32) -> (i32, i32) {
    %c0_i32 = arith.constant 0 : i32
    %c0_i32_0 = arith.constant 0 : i32
    return %arg0, %c0_i32 : i32, i32
  }
}

</mosaic_0001>

<sc_bundles>
// kernel: kernel.4.cloned.1.call-start
scs
__scs_entry_jumppad:
0x0: {  	(pc) =	sbr.rel $0x88, $3  }
0x1: {  	(tag) =	ssettag $0x0;
	lr =	simm.s32 $0x1  }
0x2: {  	[smem:$0x3F95] =	sst lr;
	_ =	strace $0xD0000000  }
0x3: {  	_ = 	snop  }
0x4: {  	_ = 	snop  }
0x5: {  	_ = 	snop  }
0x6: {  	_ = 	snop  }
0x7: {  	_ = 	snop  }
__scs_overlays_trampoline_lowered:
0x8: {  	[smem:$0x3FA4] =	sst s0  }
0x9: {  	[smem:$0x3FA5] =	sst s1  }
0xa: {  	[smem:$0x3FA6] =	sst s2  }
0xb: {  	[smem:$0x3FA7] =	sst s3  }
0xc: {  	[smem:$0x3FA8] =	sst s4  }
0xd: {  	[smem:$0x3FA9] =	sst s5  }
0xe: {  	[smem:$0x3FAA] =	sst s6  }
0xf: {  	[smem:$0x3FAB] =	sst s7  }
0x10: {  	[smem:$0x3FAC] =	sst s8  }
0x11: {  	[smem:$0x3FAD] =	sst s9;
	s0 =	simm.s32 @!p0 $0x0  }
0x12: {  	s1 =	sld [smem:$0x3F93];
	s0 =	simm.s32 @p0 $0x1  }
0x13: {  	[smem:$0x3FAE] =	sst s0;
	s0 =	simm.s32 @!p1 $0x0  }
0x14: {  	s2 =	sld [smem:$0x3F92];
	s0 =	simm.s32 @p1 $0x1  }
0x15: {  	[smem:$0x3FAF] =	sst s0;
	s0 =	simm.s32 @!p2 $0x0  }
0x16: {  	s3 =	sld [smem:$0x3FDB];
	s0 =	simm.s32 @p2 $0x1  }
0x17: {  	s4 =	simm.s32 $0x1BF5;
	[smem:$0x3FB1] =	sst s0  }
0x18: {  	s0 =	sld [smem:$0x3F94];
	_ =	swait.ge [sflag:s4], $0x0  }
0x19: {  	s7 =	sld [smem:$0x3F95]  }
0x1a: {  	s8 =	sadd.s32 $0xFFFFE003, lr  }
0x1b: {  	s9 =	sadd.s32 $0xFFFFFEF7, lr;
	s5 =	simm.s32 $0xFFFFFFFF;
	p2 =	slt.u32 s8, $0xFFFFF086  }
0x1c: {  	p1 =	slt.u32 s9, $0xF7A;
	s5 =	simm.s32 @!p2 $0x0  }
0x1d: {  	s5 =	simm.s32 @p1 $0x1;
	p0 =	seq.s32 s7, s2  }
0x1e: {  	s7 =	smul.u32 @!p0 $0xF7A, s2;
	p2 =	seq.s32 @!p0 s5, $0x0  }
0x1f: {  	s9 =	smul.u32 $0xF7A, s1;
	s8 =	simm.s32 @!p0 $0x1BF5;
	p2 =	por !p2, p0  }
0x20: {  	[sflag:s8] =	ssyncset.s32 @!p0 $0xFFFFF086;
	s6 =	sadd.s32 @!p0 s3, s7;
	s7 =	simm.s32 @!p0 $0x108  }
0x21: {  	s3 =	sadd.s32 s3, s9;
	s6 =	sadd.s32 @!p0 $0x88, s6;
	s7 =	simm.s32 @p2 $0x1082  }
0x22: {  	[simem:s7], [sflag:s8] =	dma.local @!p0 [hbm:s6], $0xF7A  }
0x23: {  	s9 =	sor.u32 $0xD0000000, s2;
	s6 =	simm.s32 $0x108;
	_ =	swait.ge @!p0 [sflag:s8], $0x0  }
0x24: {  	s3 =	sadd.s32 $0x88, s3;
	s6 =	simm.s32 @!p1 $0x1082;
	[sflag:s4] =	ssyncset.s32 $0xFFFFF086  }
0x25: {  	[simem:s6], [sflag:s4] =	dma.local [hbm:s3], $0xF7A  }
0x26: {  	[smem:$0x3F95] =	sst s1;
	(tag) =	ssettag s2;
	_ =	strace s9  }
0x27: {  	s1 =	sld [smem:$0x3FA5]  }
0x28: {  	s2 =	sld [smem:$0x3FA6]  }
0x29: {  	s4 =	sld [smem:$0x3FA8]  }
0x2a: {  	p0 =	seq.s32 s5, $0x0;
	s5 =	sld [smem:$0x3FA9]  }
0x2b: {  	s6 =	sld [smem:$0x3FAA]  }
0x2c: {  	s7 =	sld [smem:$0x3FAB]  }
0x2d: {  	s3 =	simm.s32 $0x108;
	s8 =	sld [smem:$0x3FAC]  }
0x2e: {  	s3 =	simm.s32 @!p0 $0x1082;
	s9 =	sld [smem:$0x3FAD]  }
0x2f: {  	lr =	sadd.s32 s0, s3;
	s0 =	sld [smem:$0x3FA4]  }
0x30: {  	s3 =	sld [smem:$0x3FA7]  }
0x31: {  	[smem:$0x3FB0] =	sst s10  }
0x32: {  	s10 =	sld [smem:$0x3FAE];
	_ =	sdelay $0x3  }
0x33: {  	p0 =	seq.s32 s10, $0x1;
	s10 =	sld [smem:$0x3FB0];
	_ =	sdelay $0x3  }
0x34: {  	[smem:$0x3FB0] =	sst s10  }
0x35: {  	s10 =	sld [smem:$0x3FAF];
	_ =	sdelay $0x3  }
0x36: {  	p1 =	seq.s32 s10, $0x1;
	s10 =	sld [smem:$0x3FB0];
	_ =	sdelay $0x3  }
0x37: {  	[smem:$0x3FB0] =	sst s10  }
0x38: {  	s10 =	sld [smem:$0x3FB1]  }
0x39: {  	_ = 	snop;
	(pc) =	sbr.ind lr, $3  }
0x3a: {  	_ = 	snop  }
0x3b: {  	_ = 	snop  }
0x3c: {  	p2 =	seq.s32 s10, $0x1;
	s10 =	sld [smem:$0x3FB0]  }
0x3d: {  	_ =	shalt  }
0x3e: {  	_ =	shalt  }
0x3f: {  	_ =	shalt  }
0x40: {  	_ =	shalt  }
0x41: {  	_ =	shalt  }
0x42: {  	_ =	shalt  }
0x43: {  	_ =	shalt  }
0x44: {  	_ =	shalt  }
0x45: {  	_ =	shalt  }
0x46: {  	_ =	shalt  }
0x47: {  	_ =	shalt  }
0x48: {  	_ =	shalt  }
0x49: {  	_ =	shalt  }
0x4a: {  	_ =	shalt  }
0x4b: {  	_ =	shalt  }
0x4c: {  	_ =	shalt  }
0x4d: {  	_ =	shalt  }
0x4e: {  	_ =	shalt  }
0x4f: {  	_ =	shalt  }
0x50: {  	_ =	shalt  }
0x51: {  	_ =	shalt  }
0x52: {  	_ =	shalt  }
0x53: {  	_ =	shalt  }
0x54: {  	_ =	shalt  }
0x55: {  	_ =	shalt  }
0x56: {  	_ =	shalt  }
0x57: {  	_ =	shalt  }
0x58: {  	_ =	shalt  }
0x59: {  	_ =	shalt  }
0x5a: {  	_ =	shalt  }
0x5b: {  	_ =	shalt  }
0x5c: {  	_ =	shalt  }
0x5d: {  	_ =	shalt  }
0x5e: {  	_ =	shalt  }
0x5f: {  	_ =	shalt  }
0x60: {  	_ =	shalt  }
0x61: {  	_ =	shalt  }
0x62: {  	_ =	shalt  }
0x63: {  	_ =	shalt  }
0x64: {  	_ =	shalt  }
0x65: {  	_ =	shalt  }
0x66: {  	_ =	shalt  }
0x67: {  	_ =	shalt  }
0x68: {  	_ =	shalt  }
0x69: {  	_ =	shalt  }
0x6a: {  	_ =	shalt  }
0x6b: {  	_ =	shalt  }
0x6c: {  	_ =	shalt  }
0x6d: {  	_ =	shalt  }
0x6e: {  	_ =	shalt  }
0x6f: {  	_ =	shalt  }
0x70: {  	_ =	shalt  }
0x71: {  	_ =	shalt  }
0x72: {  	_ =	shalt  }
0x73: {  	_ =	shalt  }
0x74: {  	_ =	shalt  }
0x75: {  	_ =	shalt  }
0x76: {  	_ =	shalt  }
0x77: {  	_ =	shalt  }
0x78: {  	_ =	shalt  }
0x79: {  	_ =	shalt  }
0x7a: {  	_ =	shalt  }
0x7b: {  	_ =	shalt  }
0x7c: {  	_ =	shalt  }
0x7d: {  	_ =	shalt  }
0x7e: {  	_ =	shalt  }
0x7f: {  	_ =	shalt  }
0x80: {  	_ =	shalt  }
0x81: {  	_ =	shalt  }
0x82: {  	_ =	shalt  }
0x83: {  	_ =	shalt  }
0x84: {  	_ =	shalt  }
0x85: {  	_ =	shalt  }
0x86: {  	_ =	shalt  }
0x87: {  	_ =	shalt  }
.Lfunc_end0:
.L_simem_size_0:
called_computation.2_lowered:
.L_overlay_start_0:
0x88: {  	s2 =	sld [smem:$0x3FD9]  }
0x89: {  	s3 =	sld [smem:$0x3FFE];
	_ =	sdelay $0x1  }
0x8a: {  	s1 =	srdreg.scid  }
0x8b: {  	s0 =	sand.u32 $0x1, s1  }
0x8c: {  	s14 =	sshll.u32 s0, $0xA;
	s2 =	sadd.s32 s3, s2  }
0x8d: {  	s2 =	sadd.s32 s2, s14  }
0x8e: {  	[smem:$0x3FBC] =	sst s2  }
0x8f: {  	_ = 	snop  }
0x90: {  	s2 =	sld [smem:$0x3FD0];
	_ =	sdelay $0x2  }
0x91: {  	s4 =	simm.s32 $0xA;
	s5 =	simm.s32 $0x10;
	s15 =	sld [smem:$0x3FC9]  }
0x92: {  	[smem:s5], [sflag:s4] =	dma.local [hbm:s2], $0x1  }
0x93: {  	_ =	swait.eq [sflag:s4], $0x1  }
0x94: {  	[sflag:s4] =	ssyncset.done $0x0  }
0x95: {  	[sflag:s4] =	ssyncadd.s32 $0xFFFFFFFF  }
0x96: {  	s16 =	sld [smem:$0x12];
	(tm) =	ssettm $0x1  }
0x97: {  	s17 =	sld [smem:$0x3FFB];
	_ =	sdelay $0x3  }
0x98: {  	_ =	strace s17  }
0x99: {  	s4 =	sld [smem:$0x3FFC];
	_ =	sdelay $0x3  }
0x9a: {  	_ =	strace s4  }
0x9b: {  	s4 =	sld [smem:$0x3FFD];
	_ =	sdelay $0x3  }
0x9c: {  	_ =	strace s4  }
0x9d: {  	_ =	strace $0x8FFFFFFF  }
0x9e: {  	s18 =	sld [smem:$0x3FDB];
	_ =	sdelay $0x1  }
0x9f: {  	s19 =	simm.s32 $_scs_section_size  }
0xa0: {  	s6 =	simm.s32 $_size__tile_overlayer_lowered;
	s7 =	simm.s32 $_tile_overlayer_lowered  }
0xa1: {  	s22 =	simm.s32 $0x1BFF;
	s21 =	sshll.u32 s7, $0x1;
	s4 =	sadd.s32 s19, s18  }
0xa2: {  	s8 =	simm.s32 $0x0;
	s20 =	sshll.u32 s6, $0x1;
	s6 =	sadd.s32 s21, s4  }
0xa3: {  	[timem:s8], [sflag:s22] =	dma.local [hbm:s6], s20  }
0xa4: {  	_ =	swait.ge [sflag:s22], s20  }
0xa5: {  	s5 =	ssub.s32 $0x0, s20;
	[sflag:s22] =	ssyncset.done $0x0  }
0xa6: {  	[sflag:s22] =	ssyncadd.s32 s5;
	_ =	sdelay $0x1  }
0xa7: {  	s23 =	simm.s32 $0x1B8B  }
0xa8: {  	_ =	swait.ge [sflag:s23], $0x1  }
0xa9: {  	[sflag:s23] =	ssyncset.done $0x0  }
0xaa: {  	s25 =	simm.s32 $0x1B8E;
	s24 =	sld [smem:$0x3FFE];
	[sflag:s23] =	ssyncadd.s32 $0xFFFFFFFF  }
0xab: {  	s26 =	simm.s32 $execute0_lowered;
	[smem:$0x3FD2] =	sst s25  }
0xac: {  	s6 =	sshll.u32 s26, $0x1;
	_ =	strace $0x8000004C;
	[dreg:$0x1] =	wrdreg $0xFFFFFFFF  }
0xad: {  	s28 =	simm.s32 $_size_execute0_lowered;
	s4 =	sadd.s32 s4, s6;
	[dreg:$0x0] =	wrdreg $0x0  }
0xae: {  	s6 =	sshll.u32 s28, $0x1;
	[dreg:$0x2] =	wrdreg s4  }
0xaf: {  	[dreg:$0x3] =	wrdreg s6  }
0xb0: {  	[dreg:$0x4] =	wrdreg $0xC0  }
0xb1: {  	_ =	task [dreg:s8], $0x5FFFF  }
0xb2: {  	[dreg:$0x1] =	wrdreg $0xFFFFFFFF  }
0xb3: {  	[dreg:$0x0] =	wrdreg $0x60  }
0xb4: {  	[dreg:$0x2] =	wrdreg s24  }
0xb5: {  	[dreg:$0x3] =	wrdreg s15  }
0xb6: {  	[dreg:$0x4] =	wrdreg s16  }
0xb7: {  	[dreg:$0x5] =	wrdreg $0x9  }
0xb8: {  	_ =	task.clear_ibuf [dreg:s8], $0x6FFFF;
	_ =	strace $0x9000004C  }
0xb9: {  	s29 =	simm.s32 $0x9;
	_ =	strace $0x8000004E  }
0xba: {  	_ =	swait.ge [sflag:s29], $0x1  }
0xbb: {  	[sflag:s29] =	ssyncadd.s32 $0xFFFFFFFF  }
0xbc: {  	_ =	strace $0x9000004E  }
0xbd: {  	_ =	sfence  }
0xbe: {  	s30 =	sld [smem:$0x0];
	_ =	sdelay $0x2  }
0xbf: {  	s31 =	sshll.u32 s1, $0xD;
	s1 =	sshrl.u32 s1, $0x2  }
0xc0: {  	s3 =	sand.u32 $0x4000, s31;
	s1 =	sadd.s32 s1, s30  }
0xc1: {  	s0 =	sor.u32 s3, s0;
	s1 =	sshll.u32 s1, $0x11  }
0xc2: {  	s0 =	sor.u32 s1, s0  }
0xc3: {  	s0 =	sadd.s32 $0x8F2B, s0  }
0xc4: {  	[sflag:s0] =	ssyncadd.remote.s32 $0x1  }
0xc5: {  	_ =	sfence.sel $0xFFFF  }
0xc6: {  	[dreg:$0x0] =	wrdreg $0xFFFFFFFF;
	(pc) =	sbr.abs _section_cstart, $3  }
0xc7: {  	[dreg:$0x1] =	wrdreg $0xFFFFFFFF  }
0xc8: {  	_ =	task.clear_ibuf [dreg:s8], $0x2FFFF;
	_ =	strace $0x9FFFFFFF  }
0xc9: {  	(tm) =	ssettm $0x7FFFFFFF  }
tec
execute0_lowered:
.L_overlay_start_1:
0x0: {  	(tag) =	ssettag $0x1  }
0x1: {  	s0 =	rddreg [dreg:$0x0]  }
0x2: {  	s1 =	rddreg [dreg:$0x1]  }
0x3: {  	s2 =	rddreg [dreg:$0x2];
	s3 =	simm.s32 $0x0;
	s19 =	srdreg.scid  }
0x4: {  	s7 =	stileid.u32;
	s28 =	simm.s32 $0x58;
	s31 =	simm.s32 $0x258  }
0x5: {  	s9 =	simm.s32 $0x8FB0;
	s10 =	simm.s32 $0x40;
	s11 =	simm.s32 $0x9AB0  }
0x6: {  	s15 =	simm.s32 $0x4;
	s16 =	simm.s32 $0x5;
	s14 =	simm.s32 $0x2D8  }
0x7: {  	[smem:$0x7FF] =	sst s3;
	s30 =	sadd.s32 $0x696200, s0;
	s4 =	sadd.s32 $0x6E00, s0  }
0x8: {  	s3 =	sand.u32 $0x1, s19;
	s5 =	sadd.s32 $0x2B2A00, s0;
	s8 =	sadd.s32 $0x250E00, s0  }
0x9: {  	s7 =	sshll.u32 s7, $0x1;
	s21 =	sadd.s32 $0x6BBA00, s0;
	s12 =	sadd.s32 $0x68880, s0  }
0xa: {  	s13 =	sadd.s32 $0xCA300, s0;
	_ =	strace $0x8000004D;
	[dreg:$0x4] =	wrdreg s8  }
0xb: {  	s0 =	sadd.s32 $0x6BBA08, s0;
	s19 =	simm.s32 $0x3;
	[dreg:$0x5] =	wrdreg s21  }
0xc: {  	s6 =	ssub.s32 $0x2, s3;
	s3 =	sor.u32 s3, s7;
	[dreg:$0xa] =	wrdreg s0  }
0xd: {  	s21 =	simm.s32 $0x80;
	s7 =	simm.s32 $0x6;
	s20 =	sshrl.u32 s6, $0x1  }
0xe: {  	s22 =	smul.u32 $0x12C0, s3;
	s23 =	sshll.u32 s3, $0x5;
	s24 =	sshll.u32 s3, $0x2  }
0xf: {  	s3 =	sshll.u32 s3, $0x7;
	s6 =	ssub.s32 s6, s20;
	[dreg:$0x6] =	wrdreg s23  }
0x10: {  	s1 =	sadd.s32 s1, s24;
	s25 =	sadd.s32 s2, s3;
	s2 =	simm.s32 $0x0  }
0x11: {  	s20 =	simm.s32 $0xB3B0;
	s23 =	simm.s32 $0x3D8;
	[dreg:$0x7] =	wrdreg s1  }
0x12: {  	s24 =	simm.s32 $0x458;
	[dreg:$0x8] =	wrdreg s25;
	s26 =	sadd.s32 s30, s22  }
0x13: {  	s29 =	smax.u32 s6, $0x1;
	s6 =	simm.s32 $0x7FB0;
	[dreg:$0x9] =	wrdreg s26  }
0x14: {  	s22 =	simm.s32 $0x358;
	s1 =	simm.s32 $0x0;
	[dreg:$0xb] =	wrdreg s29  }
.LBB2_1:
0x15: {  	[dreg:$0xc] =	wrdreg s1  }
0x16: {  	s0 =	rddreg [dreg:$0x7];
	s26 =	simm.s32 $0x7  }
0x17: {  	[tilespmem:s2], [sflag:$0x7] =	stream.linear.gather [hbm4b:s0+s2], $0x20, $0x38;
	[tilespmem:$0xCCB0] =	vst v63  }
0x18: {  	_ =	swait.ge [sflag:s26], $0x20  }
0x19: {  	s3 =	simm.s32 $0x20;
	[sflag:s26] =	ssyncset.done $0x0  }
0x1a: {  	s8 =	simm.s32 $0x4B0;
	s17 =	rddreg [dreg:$0x4];
	[sflag:s26] =	ssyncadd.s32 $0xFFFFFFE0  }
0x1b: {  	[tilespmem:s8], [sflag:$0x3] =	stream.indirect.gather [hbm4b:s17+s3], $0x20, s2, s3, $0xb8;
	[tilespmem:$0xCCB0] =	vst v63  }
0x1c: {  	_ =	swait.ge [sflag:s19], $0x400  }
0x1d: {  	[sflag:s19] =	ssyncset.done $0x0  }
0x1e: {  	s18 =	rddreg [dreg:$0x8];
	[sflag:s19] =	ssyncadd.s32 $0xFFFFFC00  }
0x1f: {  	[hbm4b:s18+s2] =	stream.linear.scatter [tilespmem:s8], [sflag:$0x7], $0x400, $0x38;
	[tilespmem:$0xCCB0] =	vst v63  }
0x20: {  	_ =	swait.ge [sflag:s26], $0x400  }
0x21: {  	[sflag:s26] =	ssyncset.done $0x0  }
0x22: {  	s25 =	rddreg [dreg:$0x9];
	[sflag:s26] =	ssyncadd.s32 $0xFFFFFC00;
	s26 =	simm.s32 $0x1  }
0x23: {  	[tilespmem:s2], [sflag:$0x1] =	stream.linear.gather [hbm4b:s25+s2], $0x258, $0x38;
	[tilespmem:$0xCCB0] =	vst v63  }
0x24: {  	_ =	swait.ge [sflag:s26], $0x258  }
0x25: {  	[sflag:s26] =	ssyncset.done $0x0  }
0x26: {  	[sflag:s26] =	ssyncadd.s32 $0xFFFFFDA8  }
0x27: {  	[tilespmem:s8], [sflag:$0x3] =	stream.indirect.gather [hbm4b:s4+s21], $0x20, s2, s21, $0xb8;
	[tilespmem:$0xCCB0] =	vst v63  }
0x28: {  	s1 =	simm.s32 $0x14B0  }
0x29: {  	[tilespmem:s1], [sflag:$0x3] =	stream.indirect.gather [hbm4b:s4+s21], $0x20, s21, s21, $0xb8;
	[tilespmem:$0xCCB0] =	vst v63  }
0x2a: {  	s3 =	simm.s32 $0x100;
	s8 =	simm.s32 $0x24B0  }
0x2b: {  	[tilespmem:s8], [sflag:$0x3] =	stream.indirect.gather [hbm4b:s4+s21], $0x20, s3, s21, $0xb8;
	[tilespmem:$0xCCB0] =	vst v63  }
0x2c: {  	s17 =	simm.s32 $0x180;
	s18 =	simm.s32 $0x34B0  }
0x2d: {  	[tilespmem:s18], [sflag:$0x3] =	stream.indirect.gather [hbm4b:s4+s21], $0x20, s17, s21, $0xb8;
	[tilespmem:$0xCCB0] =	vst v63  }
0x2e: {  	s29 =	simm.s32 $0x0;
	s25 =	simm.s32 $0x200;
	s26 =	simm.s32 $0x44B0  }
0x2f: {  	[tilespmem:s26], [sflag:$0x3] =	stream.indirect.gather [hbm4b:s4+s28], $0x20, s25, s28, $0xb8;
	[tilespmem:$0xCCB0] =	vst v63  }
.LBB2_2:
0x30: {  	s0 =	rddreg [dreg:$0x6]  }
0x31: {  	s26 =	sor.u32 s0, s29  }
0x32: {  	s0 =	smul.u32 $0x4B0, s26;
	_ =	sdelay $0x1  }
0x33: {  	s0 =	sadd.s32 $0x258, s0  }
0x34: {  	s0 =	sshrl.u32 s0, $0x3  }
0x35: {  	s0 =	sadd.s32 s30, s0  }
0x36: {  	[tilespmem:s31], [sflag:$0x2] =	stream.linear.gather [hbm4b:s0+s2], $0x258, $0x38;
	[tilespmem:$0xCCB0] =	vst v63  }
0x37: {  	s1 =	simm.s32 $0x4FB0  }
0x38: {  	[tilespmem:s1], [sflag:$0x4] =	stream.indirect.gather [hbm4b:s12+s21], $0x20, s2, s21, $0xb8;
	[tilespmem:$0xCCB0] =	vst v63  }
0x39: {  	s3 =	simm.s32 $0x5FB0  }
0x3a: {  	[tilespmem:s3], [sflag:$0x4] =	stream.indirect.gather [hbm4b:s12+s21], $0x20, s21, s21, $0xb8;
	[tilespmem:$0xCCB0] =	vst v63  }
0x3b: {  	s8 =	simm.s32 $0x100;
	s1 =	simm.s32 $0x6FB0  }
0x3c: {  	[tilespmem:s1], [sflag:$0x4] =	stream.indirect.gather [hbm4b:s12+s21], $0x20, s8, s21, $0xb8;
	[tilespmem:$0xCCB0] =	vst v63  }
0x3d: {  	s18 =	simm.s32 $0x180  }
0x3e: {  	[tilespmem:s6], [sflag:$0x4] =	stream.indirect.gather [hbm4b:s12+s21], $0x20, s18, s21, $0xb8;
	[tilespmem:$0xCCB0] =	vst v63  }
0x3f: {  	s25 =	simm.s32 $0x200  }
0x40: {  	[tilespmem:s9], [sflag:$0x4] =	stream.indirect.gather [hbm4b:s12+s28], $0x20, s25, s28, $0xb8;
	[tilespmem:$0xCCB0] =	vst v63  }
0x41: {  	_ =	swait.ge [sflag:s19], $0x1000  }
0x42: {  	[sflag:s19] =	ssyncset.done $0x0  }
0x43: {  	[sflag:s19] =	ssyncadd.s32 $0xFFFFF000  }
0x44: {  	_ =	swait.ge [sflag:s19], $0x1000  }
0x45: {  	[sflag:s19] =	ssyncset.done $0x0  }
0x46: {  	[sflag:s19] =	ssyncadd.s32 $0xFFFFF000  }
0x47: {  	_ =	swait.ge [sflag:s19], $0x1000  }
0x48: {  	[sflag:s19] =	ssyncset.done $0x0  }
0x49: {  	[sflag:s19] =	ssyncadd.s32 $0xFFFFF000  }
0x4a: {  	_ =	swait.ge [sflag:s19], $0x1000  }
0x4b: {  	[sflag:s19] =	ssyncset.done $0x0  }
0x4c: {  	[sflag:s19] =	ssyncadd.s32 $0xFFFFF000  }
0x4d: {  	_ =	swait.ge [sflag:s19], $0xB00  }
0x4e: {  	p0 =	seq.s32 s29, $0x0;
	[sflag:s19] =	ssyncset.done $0x0  }
0x4f: {  	s0 =	simm.s32 @!p0 $0x5;
	[sflag:s19] =	ssyncadd.s32 $0xFFFFF500  }
0x50: {  	_ =	swait.ge @!p0 [sflag:s0], $0x1900  }
0x51: {  	[sflag:s0] =	ssyncset.done @!p0 $0x0  }
0x52: {  	s1 =	simm.s32 $0x510;
	[sflag:s0] =	ssyncadd.s32 @!p0 $0xFFFFE700  }
0x53: {  	v0 =	vld [tilespmem:s1+$0x0]  }
0x54: {  	v1 =	vld [tilespmem:s1+$0xFFFFFFC0]  }
0x55: {  	v2 =	vld [tilespmem:s1+$0xFFFFFFA0]  }
0x56: {  	v3 =	vld [tilespmem:s1+$0xFFFFFFE0]  }
0x57: {  	v4 =	vld [tilespmem:s1+$0x40]  }
0x58: {  	v5 =	vld [tilespmem:s1+$0x20];
	_ =	sdelay $0x2  }
0x59: {  	v1 =	vadd.bf16 v1, v2;
	v0 =	vadd.bf16 v0, v3;
	_ =	sdelay $0x1  }
0x5a: {  	v4 =	vadd.bf16 v4, v5;
	v2 =	vunpack.i.u.bf16.f32 v1;
	v3 =	vunpack.i.u.bf16.f32 v0  }
0x5b: {  	v1 =	vunpack.i.l.bf16.f32 v1;
	v0 =	vunpack.i.l.bf16.f32 v0;
	v2 =	vadd.f32 v3, v2  }
0x5c: {  	v0 =	vadd.f32 v0, v1;
	v1 =	vunpack.i.u.bf16.f32 v4  }
0x5d: {  	v3 =	vunpack.i.l.bf16.f32 v4;
	v1 =	vadd.f32 v1, v2  }
0x5e: {  	s0 =	simm.s32 $0x0;
	v0 =	vadd.f32 v3, v0  }
0x5f: {  	[tilespmem:s0+$0x9AC0] =	vst v1  }
0x60: {  	[tilespmem:s0+$0x9AB0] =	vst v0  }
0x61: {  	s17 =	smov.u32 s30;
	s30 =	simm.s32 $0x100;
	v0 =	vld [tilespmem:s1+$0x10]  }
0x62: {  	s3 =	simm.s32 $0x5D0;
	s18 =	simm.s32 $0x200;
	s25 =	simm.s32 $0x5D0;
	v1 =	vld [tilespmem:s1+$0xFFFFFFD0]  }
.LBB2_3:
0x63: {  	p1 =	sne.s32 s18, $0x6300  }
0x64: {  	s3 =	sadd.s32 $0xC0, s3;
	v2 =	vld [tilespmem:s1+$0xFFFFFFF0];
	s8 =	smov.u32 s18;
	s18 =	sadd.s32 $0x100, s18  }
0x65: {  	v3 =	vld [tilespmem:s1+$0xFFFFFFB0]  }
0x66: {  	v4 =	vld [tilespmem:s1+$0x50]  }
0x67: {  	v5 =	vld [tilespmem:s1+$0x30];
	s1 =	smov.u32 s25;
	s25 =	smov.u32 s3;
	_ =	sdelay $0x1  }
0x68: {  	v0 =	vadd.bf16 v0, v2  }
0x69: {  	v1 =	vadd.bf16 v1, v3  }
0x6a: {  	v2 =	vunpack.i.u.bf16.f32 v0;
	v0 =	vunpack.i.l.bf16.f32 v0  }
0x6b: {  	v3 =	vunpack.i.u.bf16.f32 v1;
	v1 =	vunpack.i.l.bf16.f32 v1;
	v4 =	vadd.bf16 v4, v5  }
0x6c: {  	v0 =	vadd.f32 v0, v1;
	v1 =	vadd.f32 v2, v3  }
0x6d: {  	v2 =	vunpack.i.u.bf16.f32 v4;
	v3 =	vunpack.i.l.bf16.f32 v4  }
0x6e: {  	v0 =	vadd.f32 v3, v0;
	v1 =	vadd.f32 v2, v1;
	_ =	sdelay $0x1  }
0x6f: {  	[tilespmem:s0+$0x9AD0] =	vst v0  }
0x70: {  	[tilespmem:s0+$0x9AE0] =	vst v1  }
0x71: {  	v0 =	vld [tilespmem:s1+$0x0]  }
0x72: {  	v1 =	vld [tilespmem:s1+$0xFFFFFFC0]  }
0x73: {  	v2 =	vld [tilespmem:s1+$0xFFFFFFA0]  }
0x74: {  	v3 =	vld [tilespmem:s1+$0xFFFFFFE0]  }
0x75: {  	v4 =	vld [tilespmem:s1+$0x40]  }
0x76: {  	v5 =	vld [tilespmem:s1+$0x20];
	_ =	sdelay $0x2  }
0x77: {  	v1 =	vadd.bf16 v1, v2;
	v0 =	vadd.bf16 v0, v3;
	_ =	sdelay $0x1  }
0x78: {  	v2 =	vunpack.i.u.bf16.f32 v1;
	v3 =	vunpack.i.u.bf16.f32 v0;
	v4 =	vadd.bf16 v4, v5  }
0x79: {  	v1 =	vunpack.i.l.bf16.f32 v1;
	v0 =	vunpack.i.l.bf16.f32 v0;
	v2 =	vadd.f32 v3, v2  }
0x7a: {  	v0 =	vadd.f32 v0, v1;
	v1 =	vunpack.i.u.bf16.f32 v4  }
0x7b: {  	v3 =	vunpack.i.l.bf16.f32 v4;
	v1 =	vadd.f32 v1, v2  }
.Ltmp0:
0x7c: {  	s0 =	sshra.s32 s30, $0x2;
	s30 =	smov.u32 s8;
	v0 =	vadd.f32 v3, v0;
	(pc) =	sbr.rel @p1 .LBB2_3-.Ltmp0, $4  }
0x7d: {  	[tilespmem:s0+$0x9AC0] =	vst v1  }
0x7e: {  	[tilespmem:s0+$0x9AB0] =	vst v0  }
0x7f: {  	v0 =	vld [tilespmem:s1+$0x10]  }
0x80: {  	v1 =	vld [tilespmem:s1+$0xFFFFFFD0]  }
0x81: {  	v2 =	vld [tilespmem:s1+$0xFFFFFFF0]  }
0x82: {  	v3 =	vld [tilespmem:s1+$0xFFFFFFB0]  }
0x83: {  	v4 =	vld [tilespmem:s1+$0x50]  }
0x84: {  	v5 =	vld [tilespmem:s1+$0x30];
	_ =	sdelay $0x2  }
0x85: {  	v0 =	vadd.bf16 v0, v2;
	v1 =	vadd.bf16 v1, v3;
	_ =	sdelay $0x1  }
0x86: {  	v4 =	vadd.bf16 v4, v5;
	v2 =	vunpack.i.l.bf16.f32 v0;
	v3 =	vunpack.i.l.bf16.f32 v1  }
0x87: {  	v0 =	vunpack.i.u.bf16.f32 v0;
	v1 =	vunpack.i.u.bf16.f32 v1;
	v2 =	vadd.f32 v2, v3  }
0x88: {  	v0 =	vadd.f32 v0, v1;
	v1 =	vunpack.i.l.bf16.f32 v4  }
0x89: {  	v3 =	vunpack.i.u.bf16.f32 v4;
	v1 =	vadd.f32 v1, v2  }
0x8a: {  	v0 =	vadd.f32 v3, v0  }
0x8b: {  	[tilespmem:s0+$0x9AD0] =	vst v1  }
0x8c: {  	[tilespmem:s0+$0x9AE0] =	vst v0  }
0x8d: {  	v0 =	vld [tilespmem:s25+$0x0]  }
0x8e: {  	v1 =	vld [tilespmem:s25+$0xFFFFFFC0]  }
0x8f: {  	v2 =	vld [tilespmem:s25+$0xFFFFFFA0]  }
0x90: {  	v3 =	vld [tilespmem:s25+$0xFFFFFFE0]  }
0x91: {  	v4 =	vld [tilespmem:s25+$0x40]  }
0x92: {  	v5 =	vld [tilespmem:s25+$0x20];
	_ =	sdelay $0x2  }
0x93: {  	v1 =	vadd.bf16 v1, v2;
	v0 =	vadd.bf16 v0, v3;
	_ =	sdelay $0x1  }
0x94: {  	v4 =	vadd.bf16 v4, v5;
	v2 =	vunpack.i.u.bf16.f32 v1;
	v3 =	vunpack.i.u.bf16.f32 v0  }
0x95: {  	v1 =	vunpack.i.l.bf16.f32 v1;
	v0 =	vunpack.i.l.bf16.f32 v0;
	v2 =	vadd.f32 v3, v2  }
0x96: {  	v0 =	vadd.f32 v0, v1;
	v1 =	vunpack.i.u.bf16.f32 v4  }
0x97: {  	v3 =	vunpack.i.l.bf16.f32 v4;
	v1 =	vadd.f32 v1, v2  }
0x98: {  	s18 =	sshra.s32 s30, $0x2;
	v0 =	vadd.f32 v3, v0  }
0x99: {  	[tilespmem:s18+$0x9AC0] =	vst v1  }
0x9a: {  	[tilespmem:s18+$0x9AB0] =	vst v0  }
0x9b: {  	v0 =	vld [tilespmem:s25+$0x10]  }
0x9c: {  	v1 =	vld [tilespmem:s25+$0xFFFFFFD0]  }
0x9d: {  	v2 =	vld [tilespmem:s25+$0xFFFFFFF0]  }
0x9e: {  	v3 =	vld [tilespmem:s25+$0xFFFFFFB0]  }
0x9f: {  	v4 =	vld [tilespmem:s25+$0x50]  }
0xa0: {  	v5 =	vld [tilespmem:s25+$0x30];
	_ =	sdelay $0x2  }
0xa1: {  	v0 =	vadd.bf16 v0, v2;
	v1 =	vadd.bf16 v1, v3;
	_ =	sdelay $0x1  }
0xa2: {  	v4 =	vadd.bf16 v4, v5;
	v2 =	vunpack.i.l.bf16.f32 v0;
	v3 =	vunpack.i.l.bf16.f32 v1  }
0xa3: {  	v0 =	vunpack.i.u.bf16.f32 v0;
	v1 =	vunpack.i.u.bf16.f32 v1;
	v2 =	vadd.f32 v2, v3  }
0xa4: {  	v0 =	vadd.f32 v0, v1;
	v1 =	vunpack.i.l.bf16.f32 v4  }
0xa5: {  	s30 =	smul.u32 $0x6400, s26;
	v3 =	vunpack.i.u.bf16.f32 v4;
	v1 =	vadd.f32 v1, v2  }
0xa6: {  	v0 =	vadd.f32 v3, v0  }
0xa7: {  	s1 =	rddreg [dreg:$0x5];
	s25 =	sshrl.u32 s30, $0x3;
	[tilespmem:s18+$0x9AD0] =	vst v1  }
0xa8: {  	s26 =	sadd.s32 s1, s25;
	[tilespmem:s18+$0x9AE0] =	vst v0  }
0xa9: {  	[hbm4b:s26+s10] =	stream.strided.scatter [tilespmem:s11], [sflag:$0x5], $0x1900, s21, s10, $0x38;
	[tilespmem:$0xCCB0] =	vst v63  }
0xaa: {  	s3 =	simm.s32 $0x4B0  }
0xab: {  	[tilespmem:s3], [sflag:$0x3] =	stream.indirect.gather [hbm4b:s13+s21], $0x20, s2, s21, $0xb8;
	[tilespmem:$0xCCB0] =	vst v63  }
0xac: {  	s8 =	simm.s32 $0x14B0  }
0xad: {  	[tilespmem:s8], [sflag:$0x3] =	stream.indirect.gather [hbm4b:s13+s21], $0x20, s21, s21, $0xb8;
	[tilespmem:$0xCCB0] =	vst v63  }
0xae: {  	s30 =	simm.s32 $0x24B0;
	s18 =	simm.s32 $0x100  }
0xaf: {  	[tilespmem:s30], [sflag:$0x3] =	stream.indirect.gather [hbm4b:s13+s21], $0x20, s18, s21, $0xb8;
	[tilespmem:$0xCCB0] =	vst v63  }
0xb0: {  	s2 =	simm.s32 $0x180;
	s3 =	simm.s32 $0x34B0  }
0xb1: {  	[tilespmem:s3], [sflag:$0x3] =	stream.indirect.gather [hbm4b:s13+s21], $0x20, s2, s21, $0xb8;
	[tilespmem:$0xCCB0] =	vst v63  }
0xb2: {  	s8 =	simm.s32 $0x200;
	s18 =	simm.s32 $0x44B0  }
0xb3: {  	[tilespmem:s18], [sflag:$0x3] =	stream.indirect.gather [hbm4b:s13+s28], $0x20, s8, s28, $0xb8;
	[tilespmem:$0xCCB0] =	vst v63  }
0xb4: {  	_ =	swait.ge [sflag:s15], $0x1000  }
0xb5: {  	[sflag:s15] =	ssyncset.done $0x0  }
0xb6: {  	[sflag:s15] =	ssyncadd.s32 $0xFFFFF000  }
0xb7: {  	_ =	swait.ge [sflag:s15], $0x1000  }
0xb8: {  	[sflag:s15] =	ssyncset.done $0x0  }
0xb9: {  	[sflag:s15] =	ssyncadd.s32 $0xFFFFF000  }
0xba: {  	_ =	swait.ge [sflag:s15], $0x1000  }
0xbb: {  	[sflag:s15] =	ssyncset.done $0x0  }
0xbc: {  	[sflag:s15] =	ssyncadd.s32 $0xFFFFF000  }
0xbd: {  	_ =	swait.ge [sflag:s15], $0x1000  }
0xbe: {  	[sflag:s15] =	ssyncset.done $0x0  }
0xbf: {  	[sflag:s15] =	ssyncadd.s32 $0xFFFFF000  }
0xc0: {  	_ =	swait.ge [sflag:s15], $0xB00  }
0xc1: {  	[sflag:s15] =	ssyncset.done $0x0  }
0xc2: {  	s0 =	simm.s32 @!p0 $0x6;
	[sflag:s15] =	ssyncadd.s32 $0xFFFFF500  }
0xc3: {  	_ =	swait.ge @!p0 [sflag:s0], $0x1900  }
0xc4: {  	[sflag:s0] =	ssyncset.done @!p0 $0x0  }
0xc5: {  	s30 =	simm.s32 $0x0;
	[sflag:s0] =	ssyncadd.s32 @!p0 $0xFFFFE700  }
0xc6: {  	v0 =	vld [tilespmem:s30+$0x4FD0]  }
0xc7: {  	v1 =	vld [tilespmem:s30+$0x5010]  }
0xc8: {  	v2 =	vld [tilespmem:s30+$0x4FB0]  }
0xc9: {  	v3 =	vld [tilespmem:s30+$0x4FF0]  }
0xca: {  	v4 =	vld [tilespmem:s30+$0x5050]  }
0xcb: {  	v5 =	vld [tilespmem:s30+$0x5030];
	_ =	sdelay $0x2  }
0xcc: {  	v0 =	vadd.bf16 v0, v2;
	v1 =	vadd.bf16 v1, v3;
	_ =	sdelay $0x1  }
0xcd: {  	v3 =	vadd.bf16 v4, v5;
	v2 =	vunpack.i.u.bf16.f32 v0;
	v4 =	vunpack.i.u.bf16.f32 v1  }
0xce: {  	v0 =	vunpack.i.l.bf16.f32 v0;
	v1 =	vunpack.i.l.bf16.f32 v1;
	v2 =	vadd.f32 v4, v2  }
0xcf: {  	v4 =	vunpack.i.u.bf16.f32 v3;
	v0 =	vadd.f32 v1, v0  }
0xd0: {  	v1 =	vunpack.i.l.bf16.f32 v3;
	v2 =	vadd.f32 v4, v2  }
0xd1: {  	s18 =	simm.s32 $0xB3E0;
	v0 =	vadd.f32 v1, v0  }
0xd2: {  	[tilespmem:s18+$0xFFFFFFE0] =	vst v2  }
0xd3: {  	[tilespmem:s18+$0xFFFFFFD0] =	vst v0  }
0xd4: {  	v4 =	vld [tilespmem:s30+$0x4FC0]  }
0xd5: {  	v5 =	vld [tilespmem:s30+$0x4FE0];
	_ =	sdelay $0x1  }
0xd6: {  	v1 =	vld [tilespmem:s30+$0x5020]  }
0xd7: {  	v3 =	vld [tilespmem:s30+$0x5000]  }
0xd8: {  	v0 =	vld [tilespmem:s30+$0x5040]  }
0xd9: {  	s1 =	simm.s32 $0xB3E0;
	s3 =	simm.s32 $0x300;
	v2 =	vld [tilespmem:s30+$0x5060];
	v4 =	vadd.bf16 v5, v4  }
.LBB2_5:
0xda: {  	p0 =	sne.s32 s3, $0x12900  }
0xdb: {  	s18 =	sadd.s32 $0x40, s18;
	s0 =	smov.u32 s3;
	s3 =	sadd.s32 $0x300, s3  }
0xdc: {  	v5 =	vunpack.i.u.bf16.f32 v4;
	v1 =	vadd.bf16 v1, v3  }
0xdd: {  	v3 =	vunpack.i.l.bf16.f32 v4  }
0xde: {  	v4 =	vunpack.i.u.bf16.f32 v1;
	v1 =	vunpack.i.l.bf16.f32 v1;
	v0 =	vadd.bf16 v2, v0  }
0xdf: {  	v1 =	vadd.f32 v1, v3;
	v2 =	vadd.f32 v4, v5  }
0xe0: {  	v3 =	vunpack.i.u.bf16.f32 v0;
	v0 =	vunpack.i.l.bf16.f32 v0  }
0xe1: {  	v0 =	vadd.f32 v0, v1;
	v1 =	vadd.f32 v3, v2;
	_ =	sdelay $0x1  }
0xe2: {  	[tilespmem:s1+$0xFFFFFFF0] =	vst v0  }
0xe3: {  	s0 =	sshra.s32 s0, $0x2;
	[tilespmem:s1+$0x0] =	vst v1;
	s1 =	smov.u32 s18  }
0xe4: {  	v0 =	vld [tilespmem:s0+$0x4FD0]  }
0xe5: {  	v1 =	vld [tilespmem:s0+$0x5010]  }
0xe6: {  	v2 =	vld [tilespmem:s0+$0x4FB0]  }
0xe7: {  	v3 =	vld [tilespmem:s0+$0x4FF0]  }
0xe8: {  	v4 =	vld [tilespmem:s0+$0x5050]  }
0xe9: {  	v5 =	vld [tilespmem:s0+$0x5030];
	_ =	sdelay $0x2  }
0xea: {  	v0 =	vadd.bf16 v0, v2;
	v1 =	vadd.bf16 v1, v3;
	_ =	sdelay $0x1  }
0xeb: {  	v2 =	vunpack.i.u.bf16.f32 v0;
	v0 =	vunpack.i.l.bf16.f32 v0;
	v3 =	vadd.bf16 v4, v5  }
0xec: {  	v4 =	vunpack.i.u.bf16.f32 v1;
	v1 =	vunpack.i.l.bf16.f32 v1  }
0xed: {  	v2 =	vadd.f32 v4, v2;
	v4 =	vunpack.i.u.bf16.f32 v3;
	v3 =	vunpack.i.l.bf16.f32 v3  }
0xee: {  	v0 =	vadd.f32 v1, v0  }
0xef: {  	v1 =	vadd.f32 v4, v2  }
0xf0: {  	v0 =	vadd.f32 v3, v0  }
0xf1: {  	[tilespmem:s18+$0xFFFFFFE0] =	vst v1  }
0xf2: {  	[tilespmem:s18+$0xFFFFFFD0] =	vst v0  }
0xf3: {  	v4 =	vld [tilespmem:s0+$0x4FC0]  }
0xf4: {  	v5 =	vld [tilespmem:s0+$0x4FE0]  }
.Ltmp1:
0xf5: {  	v1 =	vld [tilespmem:s0+$0x5020];
	(pc) =	sbr.rel @p0 .LBB2_5-.Ltmp1, $4  }
0xf6: {  	v3 =	vld [tilespmem:s0+$0x5000]  }
0xf7: {  	v0 =	vld [tilespmem:s0+$0x5040]  }
0xf8: {  	v2 =	vld [tilespmem:s0+$0x5060]  }
0xf9: {  	v4 =	vadd.bf16 v5, v4  }
0xfa: {  	_ = 	snop  }
0xfb: {  	v1 =	vadd.bf16 v1, v3;
	_ =	sdelay $0x1  }
0xfc: {  	v3 =	vunpack.i.l.bf16.f32 v4;
	v5 =	vunpack.i.l.bf16.f32 v1;
	v0 =	vadd.bf16 v2, v0  }
0xfd: {  	v2 =	vunpack.i.u.bf16.f32 v4;
	v1 =	vunpack.i.u.bf16.f32 v1;
	v3 =	vadd.f32 v5, v3  }
0xfe: {  	v1 =	vadd.f32 v1, v2;
	v2 =	vunpack.i.l.bf16.f32 v0  }
0xff: {  	v0 =	vunpack.i.u.bf16.f32 v0;
	v2 =	vadd.f32 v2, v3  }
0x100: {  	v0 =	vadd.f32 v0, v1  }
0x101: {  	s0 =	rddreg [dreg:$0xa];
	[tilespmem:s1+$0xFFFFFFF0] =	vst v2  }
0x102: {  	s0 =	sadd.s32 s25, s0;
	[tilespmem:s1+$0x0] =	vst v0  }
0x103: {  	[hbm4b:s0+s10] =	stream.strided.scatter [tilespmem:s20], [sflag:$0x6], $0x1900, s21, s10, $0x38;
	[tilespmem:$0xCCB0] =	vst v63  }
0x104: {  	s18 =	simm.s32 $0x0;
	s25 =	simm.s32 $0x4FB0  }
0x105: {  	[tilespmem:s25], [sflag:$0x4] =	stream.indirect.gather [hbm4b:s5+s21], $0x20, s18, s21, $0xb8;
	[tilespmem:$0xCCB0] =	vst v63  }
0x106: {  	s2 =	simm.s32 $0x5FB0  }
0x107: {  	[tilespmem:s2], [sflag:$0x4] =	stream.indirect.gather [hbm4b:s5+s21], $0x20, s21, s21, $0xb8;
	[tilespmem:$0xCCB0] =	vst v63  }
0x108: {  	s3 =	simm.s32 $0x100;
	s8 =	simm.s32 $0x6FB0  }
0x109: {  	[tilespmem:s8], [sflag:$0x4] =	stream.indirect.gather [hbm4b:s5+s21], $0x20, s3, s21, $0xb8;
	[tilespmem:$0xCCB0] =	vst v63  }
0x10a: {  	s18 =	simm.s32 $0x180  }
0x10b: {  	[tilespmem:s6], [sflag:$0x4] =	stream.indirect.gather [hbm4b:s5+s21], $0x20, s18, s21, $0xb8;
	[tilespmem:$0xCCB0] =	vst v63  }
0x10c: {  	s25 =	simm.s32 $0x200  }
0x10d: {  	[tilespmem:s9], [sflag:$0x4] =	stream.indirect.gather [hbm4b:s5+s28], $0x20, s25, s28, $0xb8;
	[tilespmem:$0xCCB0] =	vst v63  }
0x10e: {  	_ =	swait.ge [sflag:s19], $0x1000  }
0x10f: {  	[sflag:s19] =	ssyncset.done $0x0  }
0x110: {  	[sflag:s19] =	ssyncadd.s32 $0xFFFFF000  }
0x111: {  	_ =	swait.ge [sflag:s19], $0x1000  }
0x112: {  	[sflag:s19] =	ssyncset.done $0x0  }
0x113: {  	[sflag:s19] =	ssyncadd.s32 $0xFFFFF000  }
0x114: {  	_ =	swait.ge [sflag:s19], $0x1000  }
0x115: {  	[sflag:s19] =	ssyncset.done $0x0  }
0x116: {  	[sflag:s19] =	ssyncadd.s32 $0xFFFFF000  }
0x117: {  	_ =	swait.ge [sflag:s19], $0x1000  }
0x118: {  	[sflag:s19] =	ssyncset.done $0x0  }
0x119: {  	[sflag:s19] =	ssyncadd.s32 $0xFFFFF000  }
0x11a: {  	_ =	swait.ge [sflag:s19], $0xB00  }
0x11b: {  	[sflag:s19] =	ssyncset.done $0x0  }
0x11c: {  	[sflag:s19] =	ssyncadd.s32 $0xFFFFF500  }
0x11d: {  	_ =	swait.ge [sflag:s16], $0x1900  }
0x11e: {  	[sflag:s16] =	ssyncset.done $0x0  }
0x11f: {  	s1 =	simm.s32 $0x510;
	[sflag:s16] =	ssyncadd.s32 $0xFFFFE700  }
0x120: {  	v0 =	vld [tilespmem:s1+$0x0]  }
0x121: {  	v1 =	vld [tilespmem:s1+$0xFFFFFFC0]  }
0x122: {  	v2 =	vld [tilespmem:s1+$0xFFFFFFA0]  }
0x123: {  	v3 =	vld [tilespmem:s1+$0xFFFFFFE0]  }
0x124: {  	v62 =	vld [tilespmem:s1+$0x40]  }
0x125: {  	v63 =	vld [tilespmem:s1+$0x20];
	_ =	sdelay $0x2  }
0x126: {  	v1 =	vadd.bf16 v1, v2;
	v0 =	vadd.bf16 v0, v3;
	_ =	sdelay $0x1  }
0x127: {  	v4 =	vadd.bf16 v62, v63;
	v2 =	vunpack.i.u.bf16.f32 v1;
	v3 =	vunpack.i.u.bf16.f32 v0  }
0x128: {  	v1 =	vunpack.i.l.bf16.f32 v1;
	v0 =	vunpack.i.l.bf16.f32 v0;
	v2 =	vadd.f32 v3, v2  }
0x129: {  	v0 =	vadd.f32 v0, v1;
	v1 =	vunpack.i.u.bf16.f32 v4  }
0x12a: {  	v3 =	vunpack.i.l.bf16.f32 v4;
	v1 =	vadd.f32 v1, v2  }
0x12b: {  	s0 =	simm.s32 $0x0;
	v0 =	vadd.f32 v3, v0  }
0x12c: {  	[tilespmem:s0+$0x9AC0] =	vst v1  }
0x12d: {  	[tilespmem:s0+$0x9AB0] =	vst v0  }
0x12e: {  	s30 =	simm.s32 $0x5D0;
	s3 =	simm.s32 $0x200;
	v0 =	vld [tilespmem:s1+$0x10]  }
0x12f: {  	s8 =	simm.s32 $0x5D0;
	s18 =	simm.s32 $0x100;
	s25 =	sadd.s32 $0x320000, s26;
	v1 =	vld [tilespmem:s1+$0xFFFFFFD0]  }
.LBB2_7:
0x130: {  	p0 =	sne.s32 s3, $0x6300  }
0x131: {  	s8 =	sadd.s32 $0xC0, s8;
	v2 =	vld [tilespmem:s1+$0xFFFFFFF0];
	s2 =	smov.u32 s3;
	s3 =	sadd.s32 $0x100, s3  }
0x132: {  	v3 =	vld [tilespmem:s1+$0xFFFFFFB0]  }
0x133: {  	v4 =	vld [tilespmem:s1+$0x50]  }
0x134: {  	v5 =	vld [tilespmem:s1+$0x30];
	s1 =	smov.u32 s30;
	s30 =	smov.u32 s8;
	_ =	sdelay $0x1  }
0x135: {  	v0 =	vadd.bf16 v0, v2  }
0x136: {  	v1 =	vadd.bf16 v1, v3  }
0x137: {  	v2 =	vunpack.i.u.bf16.f32 v0;
	v0 =	vunpack.i.l.bf16.f32 v0  }
0x138: {  	v3 =	vunpack.i.u.bf16.f32 v1;
	v1 =	vunpack.i.l.bf16.f32 v1;
	v4 =	vadd.bf16 v4, v5  }
0x139: {  	v0 =	vadd.f32 v0, v1;
	v1 =	vadd.f32 v2, v3  }
0x13a: {  	v2 =	vunpack.i.u.bf16.f32 v4;
	v3 =	vunpack.i.l.bf16.f32 v4  }
0x13b: {  	v0 =	vadd.f32 v3, v0;
	v1 =	vadd.f32 v2, v1;
	_ =	sdelay $0x1  }
0x13c: {  	[tilespmem:s0+$0x9AD0] =	vst v0  }
0x13d: {  	[tilespmem:s0+$0x9AE0] =	vst v1  }
0x13e: {  	v0 =	vld [tilespmem:s1+$0x0]  }
0x13f: {  	v1 =	vld [tilespmem:s1+$0xFFFFFFC0]  }
0x140: {  	v2 =	vld [tilespmem:s1+$0xFFFFFFA0]  }
0x141: {  	v3 =	vld [tilespmem:s1+$0xFFFFFFE0]  }
0x142: {  	v4 =	vld [tilespmem:s1+$0x40]  }
0x143: {  	v5 =	vld [tilespmem:s1+$0x20];
	_ =	sdelay $0x2  }
0x144: {  	v1 =	vadd.bf16 v1, v2;
	v0 =	vadd.bf16 v0, v3;
	_ =	sdelay $0x1  }
0x145: {  	v2 =	vunpack.i.u.bf16.f32 v1;
	v3 =	vunpack.i.u.bf16.f32 v0;
	v4 =	vadd.bf16 v4, v5  }
0x146: {  	v1 =	vunpack.i.l.bf16.f32 v1;
	v0 =	vunpack.i.l.bf16.f32 v0;
	v2 =	vadd.f32 v3, v2  }
0x147: {  	v0 =	vadd.f32 v0, v1;
	v1 =	vunpack.i.u.bf16.f32 v4  }
0x148: {  	v3 =	vunpack.i.l.bf16.f32 v4;
	v1 =	vadd.f32 v1, v2  }
.Ltmp2:
0x149: {  	s0 =	sshra.s32 s18, $0x2;
	s18 =	smov.u32 s2;
	v0 =	vadd.f32 v3, v0;
	(pc) =	sbr.rel @p0 .LBB2_7-.Ltmp2, $4  }
0x14a: {  	[tilespmem:s0+$0x9AC0] =	vst v1  }
0x14b: {  	[tilespmem:s0+$0x9AB0] =	vst v0  }
0x14c: {  	v0 =	vld [tilespmem:s1+$0x10]  }
0x14d: {  	v1 =	vld [tilespmem:s1+$0xFFFFFFD0]  }
0x14e: {  	v2 =	vld [tilespmem:s1+$0xFFFFFFF0]  }
0x14f: {  	v3 =	vld [tilespmem:s1+$0xFFFFFFB0]  }
0x150: {  	v4 =	vld [tilespmem:s1+$0x50]  }
0x151: {  	v5 =	vld [tilespmem:s1+$0x30];
	_ =	sdelay $0x2  }
0x152: {  	v0 =	vadd.bf16 v0, v2;
	v1 =	vadd.bf16 v1, v3;
	_ =	sdelay $0x1  }
0x153: {  	v4 =	vadd.bf16 v4, v5;
	v2 =	vunpack.i.l.bf16.f32 v0;
	v3 =	vunpack.i.l.bf16.f32 v1  }
0x154: {  	v0 =	vunpack.i.u.bf16.f32 v0;
	v1 =	vunpack.i.u.bf16.f32 v1;
	v2 =	vadd.f32 v2, v3  }
0x155: {  	v0 =	vadd.f32 v0, v1;
	v1 =	vunpack.i.l.bf16.f32 v4  }
0x156: {  	v3 =	vunpack.i.u.bf16.f32 v4;
	v1 =	vadd.f32 v1, v2  }
0x157: {  	v0 =	vadd.f32 v3, v0  }
0x158: {  	[tilespmem:s0+$0x9AD0] =	vst v1  }
0x159: {  	[tilespmem:s0+$0x9AE0] =	vst v0  }
0x15a: {  	v0 =	vld [tilespmem:s30+$0x0]  }
0x15b: {  	v1 =	vld [tilespmem:s30+$0xFFFFFFC0]  }
0x15c: {  	v2 =	vld [tilespmem:s30+$0xFFFFFFA0]  }
0x15d: {  	v3 =	vld [tilespmem:s30+$0xFFFFFFE0]  }
0x15e: {  	v4 =	vld [tilespmem:s30+$0x40]  }
0x15f: {  	v5 =	vld [tilespmem:s30+$0x20];
	_ =	sdelay $0x2  }
0x160: {  	v1 =	vadd.bf16 v1, v2;
	v0 =	vadd.bf16 v0, v3;
	_ =	sdelay $0x1  }
0x161: {  	v4 =	vadd.bf16 v4, v5;
	v2 =	vunpack.i.u.bf16.f32 v1;
	v3 =	vunpack.i.u.bf16.f32 v0  }
0x162: {  	v1 =	vunpack.i.l.bf16.f32 v1;
	v0 =	vunpack.i.l.bf16.f32 v0;
	v2 =	vadd.f32 v3, v2  }
0x163: {  	v0 =	vadd.f32 v0, v1;
	v1 =	vunpack.i.u.bf16.f32 v4  }
0x164: {  	v3 =	vunpack.i.l.bf16.f32 v4;
	v1 =	vadd.f32 v1, v2  }
0x165: {  	s18 =	sshra.s32 s18, $0x2;
	v0 =	vadd.f32 v3, v0  }
0x166: {  	[tilespmem:s18+$0x9AC0] =	vst v1  }
0x167: {  	[tilespmem:s18+$0x9AB0] =	vst v0  }
0x168: {  	v0 =	vld [tilespmem:s30+$0x10]  }
0x169: {  	v1 =	vld [tilespmem:s30+$0xFFFFFFD0]  }
0x16a: {  	v2 =	vld [tilespmem:s30+$0xFFFFFFF0]  }
0x16b: {  	v3 =	vld [tilespmem:s30+$0xFFFFFFB0]  }
0x16c: {  	v4 =	vld [tilespmem:s30+$0x50]  }
0x16d: {  	v5 =	vld [tilespmem:s30+$0x30];
	_ =	sdelay $0x2  }
0x16e: {  	v0 =	vadd.bf16 v0, v2;
	v1 =	vadd.bf16 v1, v3;
	_ =	sdelay $0x1  }
0x16f: {  	v4 =	vadd.bf16 v4, v5;
	v2 =	vunpack.i.l.bf16.f32 v0;
	v3 =	vunpack.i.l.bf16.f32 v1  }
0x170: {  	v0 =	vunpack.i.u.bf16.f32 v0;
	v1 =	vunpack.i.u.bf16.f32 v1;
	v2 =	vadd.f32 v2, v3  }
0x171: {  	v0 =	vadd.f32 v0, v1;
	v1 =	vunpack.i.l.bf16.f32 v4  }
0x172: {  	v3 =	vunpack.i.u.bf16.f32 v4;
	v1 =	vadd.f32 v1, v2  }
0x173: {  	v0 =	vadd.f32 v3, v0  }
0x174: {  	[tilespmem:s18+$0x9AD0] =	vst v1  }
0x175: {  	s1 =	simm.s32 $0x2;
	[tilespmem:s18+$0x9AE0] =	vst v0  }
0x176: {  	[hbm4b:s25+s10] =	stream.strided.scatter [tilespmem:s11], [sflag:$0x5], $0x1900, s21, s10, $0x38;
	[tilespmem:$0xCCB0] =	vst v63  }
0x177: {  	_ =	swait.ge [sflag:s1], $0x258  }
0x178: {  	[sflag:s1] =	ssyncset.done $0x0  }
0x179: {  	s2 =	simm.s32 $0x4B0;
	[sflag:s1] =	ssyncadd.s32 $0xFFFFFDA8  }
0x17a: {  	[tilespmem:s2], [sflag:$0x3] =	stream.indirect.gather [hbm4b:s4+s21], $0x20, s31, s21, $0xb8;
	[tilespmem:$0xCCB0] =	vst v63  }
0x17b: {  	s3 =	simm.s32 $0x14B0  }
0x17c: {  	[tilespmem:s3], [sflag:$0x3] =	stream.indirect.gather [hbm4b:s4+s21], $0x20, s14, s21, $0xb8;
	[tilespmem:$0xCCB0] =	vst v63  }
0x17d: {  	s8 =	simm.s32 $0x24B0  }
0x17e: {  	[tilespmem:s8], [sflag:$0x3] =	stream.indirect.gather [hbm4b:s4+s21], $0x20, s22, s21, $0xb8;
	[tilespmem:$0xCCB0] =	vst v63  }
0x17f: {  	s18 =	simm.s32 $0x34B0  }
0x180: {  	[tilespmem:s18], [sflag:$0x3] =	stream.indirect.gather [hbm4b:s4+s21], $0x20, s23, s21, $0xb8;
	[tilespmem:$0xCCB0] =	vst v63  }
0x181: {  	s25 =	simm.s32 $0x44B0  }
0x182: {  	[tilespmem:s25], [sflag:$0x3] =	stream.indirect.gather [hbm4b:s4+s28], $0x20, s24, s28, $0xb8;
	[tilespmem:$0xCCB0] =	vst v63  }
0x183: {  	_ =	swait.ge [sflag:s15], $0x1000  }
0x184: {  	[sflag:s15] =	ssyncset.done $0x0  }
0x185: {  	[sflag:s15] =	ssyncadd.s32 $0xFFFFF000  }
0x186: {  	_ =	swait.ge [sflag:s15], $0x1000  }
0x187: {  	[sflag:s15] =	ssyncset.done $0x0  }
0x188: {  	[sflag:s15] =	ssyncadd.s32 $0xFFFFF000  }
0x189: {  	_ =	swait.ge [sflag:s15], $0x1000  }
0x18a: {  	[sflag:s15] =	ssyncset.done $0x0  }
0x18b: {  	[sflag:s15] =	ssyncadd.s32 $0xFFFFF000  }
0x18c: {  	_ =	swait.ge [sflag:s15], $0x1000  }
0x18d: {  	[sflag:s15] =	ssyncset.done $0x0  }
0x18e: {  	[sflag:s15] =	ssyncadd.s32 $0xFFFFF000  }
0x18f: {  	_ =	swait.ge [sflag:s15], $0xB00  }
0x190: {  	[sflag:s15] =	ssyncset.done $0x0  }
0x191: {  	[sflag:s15] =	ssyncadd.s32 $0xFFFFF500  }
0x192: {  	_ =	swait.ge [sflag:s7], $0x1900  }
0x193: {  	[sflag:s7] =	ssyncset.done $0x0  }
0x194: {  	s30 =	simm.s32 $0x0;
	[sflag:s7] =	ssyncadd.s32 $0xFFFFE700  }
0x195: {  	v0 =	vld [tilespmem:s30+$0x4FD0]  }
0x196: {  	v1 =	vld [tilespmem:s30+$0x5010]  }
0x197: {  	v2 =	vld [tilespmem:s30+$0x4FB0]  }
0x198: {  	v3 =	vld [tilespmem:s30+$0x4FF0]  }
0x199: {  	v4 =	vld [tilespmem:s30+$0x5050]  }
0x19a: {  	v5 =	vld [tilespmem:s30+$0x5030];
	_ =	sdelay $0x2  }
0x19b: {  	v0 =	vadd.bf16 v0, v2;
	v1 =	vadd.bf16 v1, v3;
	_ =	sdelay $0x1  }
0x19c: {  	v3 =	vadd.bf16 v4, v5;
	v2 =	vunpack.i.u.bf16.f32 v0;
	v4 =	vunpack.i.u.bf16.f32 v1  }
0x19d: {  	v0 =	vunpack.i.l.bf16.f32 v0;
	v1 =	vunpack.i.l.bf16.f32 v1;
	v2 =	vadd.f32 v4, v2  }
0x19e: {  	v4 =	vunpack.i.u.bf16.f32 v3;
	v0 =	vadd.f32 v1, v0  }
0x19f: {  	v1 =	vunpack.i.l.bf16.f32 v3;
	v2 =	vadd.f32 v4, v2  }
0x1a0: {  	s25 =	simm.s32 $0xB3E0;
	v0 =	vadd.f32 v1, v0  }
0x1a1: {  	[tilespmem:s25+$0xFFFFFFE0] =	vst v2  }
0x1a2: {  	[tilespmem:s25+$0xFFFFFFD0] =	vst v0  }
0x1a3: {  	v4 =	vld [tilespmem:s30+$0x4FC0]  }
0x1a4: {  	v5 =	vld [tilespmem:s30+$0x4FE0];
	_ =	sdelay $0x1  }
0x1a5: {  	v1 =	vld [tilespmem:s30+$0x5020]  }
0x1a6: {  	v3 =	vld [tilespmem:s30+$0x5000]  }
0x1a7: {  	v0 =	vld [tilespmem:s30+$0x5040]  }
0x1a8: {  	s1 =	sadd.s32 $0x320008, s26;
	s3 =	simm.s32 $0x300;
	s18 =	simm.s32 $0xB3E0;
	v2 =	vld [tilespmem:s30+$0x5060];
	v4 =	vadd.bf16 v5, v4  }
.LBB2_9:
0x1a9: {  	p0 =	sne.s32 s3, $0x12900  }
0x1aa: {  	s25 =	sadd.s32 $0x40, s25;
	s0 =	smov.u32 s3;
	s3 =	sadd.s32 $0x300, s3  }
0x1ab: {  	v5 =	vunpack.i.u.bf16.f32 v4;
	v1 =	vadd.bf16 v1, v3  }
0x1ac: {  	v3 =	vunpack.i.l.bf16.f32 v4  }
0x1ad: {  	v4 =	vunpack.i.u.bf16.f32 v1;
	v1 =	vunpack.i.l.bf16.f32 v1;
	v0 =	vadd.bf16 v2, v0  }
0x1ae: {  	v1 =	vadd.f32 v1, v3;
	v2 =	vadd.f32 v4, v5  }
0x1af: {  	v3 =	vunpack.i.u.bf16.f32 v0;
	v0 =	vunpack.i.l.bf16.f32 v0  }
0x1b0: {  	v0 =	vadd.f32 v0, v1;
	v1 =	vadd.f32 v3, v2;
	_ =	sdelay $0x1  }
0x1b1: {  	[tilespmem:s18+$0xFFFFFFF0] =	vst v0  }
0x1b2: {  	s0 =	sshra.s32 s0, $0x2;
	[tilespmem:s18+$0x0] =	vst v1;
	s18 =	smov.u32 s25  }
0x1b3: {  	v0 =	vld [tilespmem:s0+$0x4FD0]  }
0x1b4: {  	v1 =	vld [tilespmem:s0+$0x5010]  }
0x1b5: {  	v2 =	vld [tilespmem:s0+$0x4FB0]  }
0x1b6: {  	v3 =	vld [tilespmem:s0+$0x4FF0]  }
0x1b7: {  	v4 =	vld [tilespmem:s0+$0x5050]  }
0x1b8: {  	v5 =	vld [tilespmem:s0+$0x5030];
	_ =	sdelay $0x2  }
0x1b9: {  	v0 =	vadd.bf16 v0, v2;
	v1 =	vadd.bf16 v1, v3;
	_ =	sdelay $0x1  }
0x1ba: {  	v2 =	vunpack.i.u.bf16.f32 v0;
	v0 =	vunpack.i.l.bf16.f32 v0;
	v3 =	vadd.bf16 v4, v5  }
0x1bb: {  	v4 =	vunpack.i.u.bf16.f32 v1;
	v1 =	vunpack.i.l.bf16.f32 v1  }
0x1bc: {  	v2 =	vadd.f32 v4, v2;
	v4 =	vunpack.i.u.bf16.f32 v3;
	v3 =	vunpack.i.l.bf16.f32 v3  }
0x1bd: {  	v0 =	vadd.f32 v1, v0  }
0x1be: {  	v1 =	vadd.f32 v4, v2  }
0x1bf: {  	v0 =	vadd.f32 v3, v0  }
0x1c0: {  	[tilespmem:s25+$0xFFFFFFE0] =	vst v1  }
0x1c1: {  	[tilespmem:s25+$0xFFFFFFD0] =	vst v0  }
0x1c2: {  	v4 =	vld [tilespmem:s0+$0x4FC0]  }
0x1c3: {  	v5 =	vld [tilespmem:s0+$0x4FE0]  }
.Ltmp3:
0x1c4: {  	v1 =	vld [tilespmem:s0+$0x5020];
	(pc) =	sbr.rel @p0 .LBB2_9-.Ltmp3, $4  }
0x1c5: {  	v3 =	vld [tilespmem:s0+$0x5000]  }
0x1c6: {  	v0 =	vld [tilespmem:s0+$0x5040]  }
0x1c7: {  	v2 =	vld [tilespmem:s0+$0x5060]  }
0x1c8: {  	v4 =	vadd.bf16 v5, v4  }
0x1c9: {  	_ = 	snop  }
0x1ca: {  	v1 =	vadd.bf16 v1, v3;
	_ =	sdelay $0x1  }
0x1cb: {  	v3 =	vunpack.i.l.bf16.f32 v4;
	v5 =	vunpack.i.l.bf16.f32 v1;
	v0 =	vadd.bf16 v2, v0  }
0x1cc: {  	v2 =	vunpack.i.u.bf16.f32 v4;
	v1 =	vunpack.i.u.bf16.f32 v1;
	v3 =	vadd.f32 v5, v3  }
0x1cd: {  	v1 =	vadd.f32 v1, v2;
	v2 =	vunpack.i.l.bf16.f32 v0  }
0x1ce: {  	v0 =	vunpack.i.u.bf16.f32 v0;
	v2 =	vadd.f32 v2, v3  }
0x1cf: {  	v0 =	vadd.f32 v0, v1  }
0x1d0: {  	[tilespmem:s18+$0xFFFFFFF0] =	vst v2  }
0x1d1: {  	[tilespmem:s18+$0x0] =	vst v0  }
0x1d2: {  	[hbm4b:s1+s10] =	stream.strided.scatter [tilespmem:s20], [sflag:$0x6], $0x1900, s21, s10, $0x38;
	[tilespmem:$0xCCB0] =	vst v63  }
0x1d3: {  	s0 =	simm.s32 $0x4FB0  }
0x1d4: {  	[tilespmem:s0], [sflag:$0x4] =	stream.indirect.gather [hbm4b:s12+s21], $0x20, s31, s21, $0xb8;
	[tilespmem:$0xCCB0] =	vst v63  }
0x1d5: {  	s18 =	simm.s32 $0x5FB0  }
0x1d6: {  	[tilespmem:s18], [sflag:$0x4] =	stream.indirect.gather [hbm4b:s12+s21], $0x20, s14, s21, $0xb8;
	[tilespmem:$0xCCB0] =	vst v63  }
0x1d7: {  	s25 =	simm.s32 $0x6FB0  }
0x1d8: {  	[tilespmem:s25], [sflag:$0x4] =	stream.indirect.gather [hbm4b:s12+s21], $0x20, s22, s21, $0xb8;
	[tilespmem:$0xCCB0] =	vst v63  }
0x1d9: {  	_ = 	snop  }
0x1da: {  	[tilespmem:s6], [sflag:$0x4] =	stream.indirect.gather [hbm4b:s12+s21], $0x20, s23, s21, $0xb8;
	[tilespmem:$0xCCB0] =	vst v63  }
0x1db: {  	_ = 	snop  }
0x1dc: {  	[tilespmem:s9], [sflag:$0x4] =	stream.indirect.gather [hbm4b:s12+s28], $0x20, s24, s28, $0xb8;
	[tilespmem:$0xCCB0] =	vst v63  }
0x1dd: {  	_ =	swait.ge [sflag:s19], $0x1000  }
0x1de: {  	[sflag:s19] =	ssyncset.done $0x0  }
0x1df: {  	[sflag:s19] =	ssyncadd.s32 $0xFFFFF000  }
0x1e0: {  	_ =	swait.ge [sflag:s19], $0x1000  }
0x1e1: {  	[sflag:s19] =	ssyncset.done $0x0  }
0x1e2: {  	[sflag:s19] =	ssyncadd.s32 $0xFFFFF000  }
0x1e3: {  	_ =	swait.ge [sflag:s19], $0x1000  }
0x1e4: {  	[sflag:s19] =	ssyncset.done $0x0  }
0x1e5: {  	[sflag:s19] =	ssyncadd.s32 $0xFFFFF000  }
0x1e6: {  	_ =	swait.ge [sflag:s19], $0x1000  }
0x1e7: {  	[sflag:s19] =	ssyncset.done $0x0  }
0x1e8: {  	[sflag:s19] =	ssyncadd.s32 $0xFFFFF000  }
0x1e9: {  	_ =	swait.ge [sflag:s19], $0xB00  }
0x1ea: {  	[sflag:s19] =	ssyncset.done $0x0  }
0x1eb: {  	[sflag:s19] =	ssyncadd.s32 $0xFFFFF500  }
0x1ec: {  	_ =	swait.ge [sflag:s16], $0x1900  }
0x1ed: {  	[sflag:s16] =	ssyncset.done $0x0  }
0x1ee: {  	s1 =	simm.s32 $0x510;
	[sflag:s16] =	ssyncadd.s32 $0xFFFFE700  }
0x1ef: {  	v0 =	vld [tilespmem:s1+$0x0]  }
0x1f0: {  	v1 =	vld [tilespmem:s1+$0xFFFFFFC0]  }
0x1f1: {  	v2 =	vld [tilespmem:s1+$0xFFFFFFA0]  }
0x1f2: {  	v3 =	vld [tilespmem:s1+$0xFFFFFFE0]  }
0x1f3: {  	v62 =	vld [tilespmem:s1+$0x40]  }
0x1f4: {  	v63 =	vld [tilespmem:s1+$0x20];
	_ =	sdelay $0x2  }
0x1f5: {  	v1 =	vadd.bf16 v1, v2;
	v0 =	vadd.bf16 v0, v3;
	_ =	sdelay $0x1  }
0x1f6: {  	v4 =	vadd.bf16 v62, v63;
	v2 =	vunpack.i.u.bf16.f32 v1;
	v3 =	vunpack.i.u.bf16.f32 v0  }
0x1f7: {  	v1 =	vunpack.i.l.bf16.f32 v1;
	v0 =	vunpack.i.l.bf16.f32 v0;
	v2 =	vadd.f32 v3, v2  }
0x1f8: {  	v0 =	vadd.f32 v0, v1;
	v1 =	vunpack.i.u.bf16.f32 v4  }
0x1f9: {  	v3 =	vunpack.i.l.bf16.f32 v4;
	v1 =	vadd.f32 v1, v2  }
0x1fa: {  	s0 =	simm.s32 $0x0;
	v0 =	vadd.f32 v3, v0  }
0x1fb: {  	[tilespmem:s0+$0x9AC0] =	vst v1  }
0x1fc: {  	[tilespmem:s0+$0x9AB0] =	vst v0  }
0x1fd: {  	s3 =	simm.s32 $0x200;
	s8 =	simm.s32 $0x5D0;
	v0 =	vld [tilespmem:s1+$0x10]  }
0x1fe: {  	s30 =	simm.s32 $0x5D0;
	s18 =	simm.s32 $0x100;
	s25 =	sadd.s32 $0x640, s26;
	v1 =	vld [tilespmem:s1+$0xFFFFFFD0]  }
.LBB2_11:
0x1ff: {  	p0 =	sne.s32 s3, $0x6300  }
0x200: {  	s8 =	sadd.s32 $0xC0, s8;
	v2 =	vld [tilespmem:s1+$0xFFFFFFF0];
	s2 =	smov.u32 s3;
	s3 =	sadd.s32 $0x100, s3  }
0x201: {  	v3 =	vld [tilespmem:s1+$0xFFFFFFB0]  }
0x202: {  	v4 =	vld [tilespmem:s1+$0x50]  }
0x203: {  	v5 =	vld [tilespmem:s1+$0x30];
	s1 =	smov.u32 s30;
	s30 =	smov.u32 s8;
	_ =	sdelay $0x1  }
0x204: {  	v0 =	vadd.bf16 v0, v2  }
0x205: {  	v1 =	vadd.bf16 v1, v3  }
0x206: {  	v2 =	vunpack.i.u.bf16.f32 v0;
	v0 =	vunpack.i.l.bf16.f32 v0  }
0x207: {  	v3 =	vunpack.i.u.bf16.f32 v1;
	v1 =	vunpack.i.l.bf16.f32 v1;
	v4 =	vadd.bf16 v4, v5  }
0x208: {  	v0 =	vadd.f32 v0, v1;
	v1 =	vadd.f32 v2, v3  }
0x209: {  	v2 =	vunpack.i.u.bf16.f32 v4;
	v3 =	vunpack.i.l.bf16.f32 v4  }
0x20a: {  	v0 =	vadd.f32 v3, v0;
	v1 =	vadd.f32 v2, v1;
	_ =	sdelay $0x1  }
0x20b: {  	[tilespmem:s0+$0x9AD0] =	vst v0  }
0x20c: {  	[tilespmem:s0+$0x9AE0] =	vst v1  }
0x20d: {  	v0 =	vld [tilespmem:s1+$0x0]  }
0x20e: {  	v1 =	vld [tilespmem:s1+$0xFFFFFFC0]  }
0x20f: {  	v2 =	vld [tilespmem:s1+$0xFFFFFFA0]  }
0x210: {  	v3 =	vld [tilespmem:s1+$0xFFFFFFE0]  }
0x211: {  	v4 =	vld [tilespmem:s1+$0x40]  }
0x212: {  	v5 =	vld [tilespmem:s1+$0x20];
	_ =	sdelay $0x2  }
0x213: {  	v1 =	vadd.bf16 v1, v2;
	v0 =	vadd.bf16 v0, v3;
	_ =	sdelay $0x1  }
0x214: {  	v2 =	vunpack.i.u.bf16.f32 v1;
	v3 =	vunpack.i.u.bf16.f32 v0;
	v4 =	vadd.bf16 v4, v5  }
0x215: {  	v1 =	vunpack.i.l.bf16.f32 v1;
	v0 =	vunpack.i.l.bf16.f32 v0;
	v2 =	vadd.f32 v3, v2  }
0x216: {  	v0 =	vadd.f32 v0, v1;
	v1 =	vunpack.i.u.bf16.f32 v4  }
0x217: {  	v3 =	vunpack.i.l.bf16.f32 v4;
	v1 =	vadd.f32 v1, v2  }
.Ltmp4:
0x218: {  	s0 =	sshra.s32 s18, $0x2;
	s18 =	smov.u32 s2;
	v0 =	vadd.f32 v3, v0;
	(pc) =	sbr.rel @p0 .LBB2_11-.Ltmp4, $4  }
0x219: {  	[tilespmem:s0+$0x9AC0] =	vst v1  }
0x21a: {  	[tilespmem:s0+$0x9AB0] =	vst v0  }
0x21b: {  	v0 =	vld [tilespmem:s1+$0x10]  }
0x21c: {  	v1 =	vld [tilespmem:s1+$0xFFFFFFD0]  }
0x21d: {  	v2 =	vld [tilespmem:s1+$0xFFFFFFF0]  }
0x21e: {  	v3 =	vld [tilespmem:s1+$0xFFFFFFB0]  }
0x21f: {  	v4 =	vld [tilespmem:s1+$0x50]  }
0x220: {  	v5 =	vld [tilespmem:s1+$0x30];
	_ =	sdelay $0x2  }
0x221: {  	v0 =	vadd.bf16 v0, v2;
	v1 =	vadd.bf16 v1, v3;
	_ =	sdelay $0x1  }
0x222: {  	v4 =	vadd.bf16 v4, v5;
	v2 =	vunpack.i.l.bf16.f32 v0;
	v3 =	vunpack.i.l.bf16.f32 v1  }
0x223: {  	v0 =	vunpack.i.u.bf16.f32 v0;
	v1 =	vunpack.i.u.bf16.f32 v1;
	v2 =	vadd.f32 v2, v3  }
0x224: {  	v0 =	vadd.f32 v0, v1;
	v1 =	vunpack.i.l.bf16.f32 v4  }
0x225: {  	v3 =	vunpack.i.u.bf16.f32 v4;
	v1 =	vadd.f32 v1, v2  }
0x226: {  	v0 =	vadd.f32 v3, v0  }
0x227: {  	[tilespmem:s0+$0x9AD0] =	vst v1  }
0x228: {  	[tilespmem:s0+$0x9AE0] =	vst v0  }
0x229: {  	v0 =	vld [tilespmem:s30+$0x0]  }
0x22a: {  	v1 =	vld [tilespmem:s30+$0xFFFFFFC0]  }
0x22b: {  	v2 =	vld [tilespmem:s30+$0xFFFFFFA0]  }
0x22c: {  	v3 =	vld [tilespmem:s30+$0xFFFFFFE0]  }
0x22d: {  	v4 =	vld [tilespmem:s30+$0x40]  }
0x22e: {  	v5 =	vld [tilespmem:s30+$0x20];
	_ =	sdelay $0x2  }
0x22f: {  	v1 =	vadd.bf16 v1, v2;
	v0 =	vadd.bf16 v0, v3;
	_ =	sdelay $0x1  }
0x230: {  	v4 =	vadd.bf16 v4, v5;
	v2 =	vunpack.i.u.bf16.f32 v1;
	v3 =	vunpack.i.u.bf16.f32 v0  }
0x231: {  	v1 =	vunpack.i.l.bf16.f32 v1;
	v0 =	vunpack.i.l.bf16.f32 v0;
	v2 =	vadd.f32 v3, v2  }
0x232: {  	v0 =	vadd.f32 v0, v1;
	v1 =	vunpack.i.u.bf16.f32 v4  }
0x233: {  	v3 =	vunpack.i.l.bf16.f32 v4;
	v1 =	vadd.f32 v1, v2  }
0x234: {  	s1 =	sshra.s32 s18, $0x2;
	v0 =	vadd.f32 v3, v0  }
0x235: {  	[tilespmem:s1+$0x9AC0] =	vst v1  }
0x236: {  	[tilespmem:s1+$0x9AB0] =	vst v0  }
0x237: {  	v0 =	vld [tilespmem:s30+$0x10]  }
0x238: {  	v1 =	vld [tilespmem:s30+$0xFFFFFFD0]  }
0x239: {  	v2 =	vld [tilespmem:s30+$0xFFFFFFF0]  }
0x23a: {  	v3 =	vld [tilespmem:s30+$0xFFFFFFB0]  }
0x23b: {  	v4 =	vld [tilespmem:s30+$0x50]  }
0x23c: {  	v5 =	vld [tilespmem:s30+$0x30];
	_ =	sdelay $0x2  }
0x23d: {  	v0 =	vadd.bf16 v0, v2;
	v1 =	vadd.bf16 v1, v3;
	_ =	sdelay $0x1  }
0x23e: {  	v4 =	vadd.bf16 v4, v5;
	v2 =	vunpack.i.l.bf16.f32 v0;
	v3 =	vunpack.i.l.bf16.f32 v1  }
0x23f: {  	v0 =	vunpack.i.u.bf16.f32 v0;
	v1 =	vunpack.i.u.bf16.f32 v1;
	v2 =	vadd.f32 v2, v3  }
0x240: {  	v0 =	vadd.f32 v0, v1;
	v1 =	vunpack.i.l.bf16.f32 v4  }
0x241: {  	v3 =	vunpack.i.u.bf16.f32 v4;
	v1 =	vadd.f32 v1, v2  }
0x242: {  	v0 =	vadd.f32 v3, v0  }
0x243: {  	[tilespmem:s1+$0x9AD0] =	vst v1  }
0x244: {  	[tilespmem:s1+$0x9AE0] =	vst v0  }
0x245: {  	[hbm4b:s25+s10] =	stream.strided.scatter [tilespmem:s11], [sflag:$0x5], $0x1900, s21, s10, $0x38;
	[tilespmem:$0xCCB0] =	vst v63  }
0x246: {  	s2 =	simm.s32 $0x4B0  }
0x247: {  	[tilespmem:s2], [sflag:$0x3] =	stream.indirect.gather [hbm4b:s13+s21], $0x20, s31, s21, $0xb8;
	[tilespmem:$0xCCB0] =	vst v63  }
0x248: {  	s3 =	simm.s32 $0x14B0  }
0x249: {  	[tilespmem:s3], [sflag:$0x3] =	stream.indirect.gather [hbm4b:s13+s21], $0x20, s14, s21, $0xb8;
	[tilespmem:$0xCCB0] =	vst v63  }
0x24a: {  	s8 =	simm.s32 $0x24B0  }
0x24b: {  	[tilespmem:s8], [sflag:$0x3] =	stream.indirect.gather [hbm4b:s13+s21], $0x20, s22, s21, $0xb8;
	[tilespmem:$0xCCB0] =	vst v63  }
0x24c: {  	s18 =	simm.s32 $0x34B0  }
0x24d: {  	[tilespmem:s18], [sflag:$0x3] =	stream.indirect.gather [hbm4b:s13+s21], $0x20, s23, s21, $0xb8;
	[tilespmem:$0xCCB0] =	vst v63  }
0x24e: {  	s25 =	simm.s32 $0x44B0  }
0x24f: {  	[tilespmem:s25], [sflag:$0x3] =	stream.indirect.gather [hbm4b:s13+s28], $0x20, s24, s28, $0xb8;
	[tilespmem:$0xCCB0] =	vst v63  }
0x250: {  	_ =	swait.ge [sflag:s15], $0x1000  }
0x251: {  	[sflag:s15] =	ssyncset.done $0x0  }
0x252: {  	[sflag:s15] =	ssyncadd.s32 $0xFFFFF000  }
0x253: {  	_ =	swait.ge [sflag:s15], $0x1000  }
0x254: {  	[sflag:s15] =	ssyncset.done $0x0  }
0x255: {  	[sflag:s15] =	ssyncadd.s32 $0xFFFFF000  }
0x256: {  	_ =	swait.ge [sflag:s15], $0x1000  }
0x257: {  	[sflag:s15] =	ssyncset.done $0x0  }
0x258: {  	[sflag:s15] =	ssyncadd.s32 $0xFFFFF000  }
0x259: {  	_ =	swait.ge [sflag:s15], $0x1000  }
0x25a: {  	[sflag:s15] =	ssyncset.done $0x0  }
0x25b: {  	[sflag:s15] =	ssyncadd.s32 $0xFFFFF000  }
0x25c: {  	_ =	swait.ge [sflag:s15], $0xB00  }
0x25d: {  	[sflag:s15] =	ssyncset.done $0x0  }
0x25e: {  	[sflag:s15] =	ssyncadd.s32 $0xFFFFF500  }
0x25f: {  	_ =	swait.ge [sflag:s7], $0x1900  }
0x260: {  	[sflag:s7] =	ssyncset.done $0x0  }
0x261: {  	s30 =	simm.s32 $0x0;
	[sflag:s7] =	ssyncadd.s32 $0xFFFFE700  }
0x262: {  	v0 =	vld [tilespmem:s30+$0x4FD0]  }
0x263: {  	v1 =	vld [tilespmem:s30+$0x5010]  }
0x264: {  	v2 =	vld [tilespmem:s30+$0x4FB0]  }
0x265: {  	v3 =	vld [tilespmem:s30+$0x4FF0]  }
0x266: {  	v4 =	vld [tilespmem:s30+$0x5050]  }
0x267: {  	v5 =	vld [tilespmem:s30+$0x5030];
	_ =	sdelay $0x2  }
0x268: {  	v0 =	vadd.bf16 v0, v2;
	v1 =	vadd.bf16 v1, v3;
	_ =	sdelay $0x1  }
0x269: {  	v3 =	vadd.bf16 v4, v5;
	v2 =	vunpack.i.u.bf16.f32 v0;
	v4 =	vunpack.i.u.bf16.f32 v1  }
0x26a: {  	v0 =	vunpack.i.l.bf16.f32 v0;
	v1 =	vunpack.i.l.bf16.f32 v1;
	v2 =	vadd.f32 v4, v2  }
0x26b: {  	v4 =	vunpack.i.u.bf16.f32 v3;
	v0 =	vadd.f32 v1, v0  }
0x26c: {  	v1 =	vunpack.i.l.bf16.f32 v3;
	v2 =	vadd.f32 v4, v2  }
0x26d: {  	s25 =	simm.s32 $0xB3E0;
	v0 =	vadd.f32 v1, v0  }
0x26e: {  	[tilespmem:s25+$0xFFFFFFE0] =	vst v2  }
0x26f: {  	[tilespmem:s25+$0xFFFFFFD0] =	vst v0  }
0x270: {  	v4 =	vld [tilespmem:s30+$0x4FC0]  }
0x271: {  	v5 =	vld [tilespmem:s30+$0x4FE0];
	_ =	sdelay $0x1  }
0x272: {  	v1 =	vld [tilespmem:s30+$0x5020]  }
0x273: {  	v3 =	vld [tilespmem:s30+$0x5000]  }
0x274: {  	v0 =	vld [tilespmem:s30+$0x5040]  }
0x275: {  	s1 =	sadd.s32 $0x648, s26;
	s3 =	simm.s32 $0x300;
	s18 =	simm.s32 $0xB3E0;
	v2 =	vld [tilespmem:s30+$0x5060];
	v4 =	vadd.bf16 v5, v4  }
.LBB2_13:
0x276: {  	p0 =	sne.s32 s3, $0x12900  }
0x277: {  	s25 =	sadd.s32 $0x40, s25;
	s0 =	smov.u32 s3;
	s3 =	sadd.s32 $0x300, s3  }
0x278: {  	v5 =	vunpack.i.u.bf16.f32 v4;
	v1 =	vadd.bf16 v1, v3  }
0x279: {  	v3 =	vunpack.i.l.bf16.f32 v4  }
0x27a: {  	v4 =	vunpack.i.u.bf16.f32 v1;
	v1 =	vunpack.i.l.bf16.f32 v1;
	v0 =	vadd.bf16 v2, v0  }
0x27b: {  	v1 =	vadd.f32 v1, v3;
	v2 =	vadd.f32 v4, v5  }
0x27c: {  	v3 =	vunpack.i.u.bf16.f32 v0;
	v0 =	vunpack.i.l.bf16.f32 v0  }
0x27d: {  	v0 =	vadd.f32 v0, v1;
	v1 =	vadd.f32 v3, v2;
	_ =	sdelay $0x1  }
0x27e: {  	[tilespmem:s18+$0xFFFFFFF0] =	vst v0  }
0x27f: {  	s0 =	sshra.s32 s0, $0x2;
	[tilespmem:s18+$0x0] =	vst v1;
	s18 =	smov.u32 s25  }
0x280: {  	v0 =	vld [tilespmem:s0+$0x4FD0]  }
0x281: {  	v1 =	vld [tilespmem:s0+$0x5010]  }
0x282: {  	v2 =	vld [tilespmem:s0+$0x4FB0]  }
0x283: {  	v3 =	vld [tilespmem:s0+$0x4FF0]  }
0x284: {  	v4 =	vld [tilespmem:s0+$0x5050]  }
0x285: {  	v5 =	vld [tilespmem:s0+$0x5030];
	_ =	sdelay $0x2  }
0x286: {  	v0 =	vadd.bf16 v0, v2;
	v1 =	vadd.bf16 v1, v3;
	_ =	sdelay $0x1  }
0x287: {  	v2 =	vunpack.i.u.bf16.f32 v0;
	v0 =	vunpack.i.l.bf16.f32 v0;
	v3 =	vadd.bf16 v4, v5  }
0x288: {  	v4 =	vunpack.i.u.bf16.f32 v1;
	v1 =	vunpack.i.l.bf16.f32 v1  }
0x289: {  	v2 =	vadd.f32 v4, v2;
	v4 =	vunpack.i.u.bf16.f32 v3;
	v3 =	vunpack.i.l.bf16.f32 v3  }
0x28a: {  	v0 =	vadd.f32 v1, v0  }
0x28b: {  	v1 =	vadd.f32 v4, v2  }
0x28c: {  	v0 =	vadd.f32 v3, v0  }
0x28d: {  	[tilespmem:s25+$0xFFFFFFE0] =	vst v1  }
0x28e: {  	[tilespmem:s25+$0xFFFFFFD0] =	vst v0  }
0x28f: {  	v4 =	vld [tilespmem:s0+$0x4FC0]  }
0x290: {  	v5 =	vld [tilespmem:s0+$0x4FE0]  }
.Ltmp5:
0x291: {  	v1 =	vld [tilespmem:s0+$0x5020];
	(pc) =	sbr.rel @p0 .LBB2_13-.Ltmp5, $4  }
0x292: {  	v3 =	vld [tilespmem:s0+$0x5000]  }
0x293: {  	v0 =	vld [tilespmem:s0+$0x5040]  }
0x294: {  	v2 =	vld [tilespmem:s0+$0x5060]  }
0x295: {  	v4 =	vadd.bf16 v5, v4  }
0x296: {  	_ = 	snop  }
0x297: {  	v1 =	vadd.bf16 v1, v3;
	_ =	sdelay $0x1  }
0x298: {  	v3 =	vunpack.i.l.bf16.f32 v4;
	v5 =	vunpack.i.l.bf16.f32 v1;
	v0 =	vadd.bf16 v2, v0  }
0x299: {  	v2 =	vunpack.i.u.bf16.f32 v4;
	v1 =	vunpack.i.u.bf16.f32 v1;
	v3 =	vadd.f32 v5, v3  }
0x29a: {  	v1 =	vadd.f32 v1, v2;
	v2 =	vunpack.i.l.bf16.f32 v0  }
0x29b: {  	v0 =	vunpack.i.u.bf16.f32 v0;
	v2 =	vadd.f32 v2, v3  }
0x29c: {  	v0 =	vadd.f32 v0, v1  }
0x29d: {  	[tilespmem:s18+$0xFFFFFFF0] =	vst v2  }
0x29e: {  	[tilespmem:s18+$0x0] =	vst v0  }
0x29f: {  	[hbm4b:s1+s10] =	stream.strided.scatter [tilespmem:s20], [sflag:$0x6], $0x1900, s21, s10, $0x38;
	[tilespmem:$0xCCB0] =	vst v63  }
0x2a0: {  	s0 =	simm.s32 $0x4FB0  }
0x2a1: {  	[tilespmem:s0], [sflag:$0x4] =	stream.indirect.gather [hbm4b:s5+s21], $0x20, s31, s21, $0xb8;
	[tilespmem:$0xCCB0] =	vst v63  }
0x2a2: {  	s18 =	simm.s32 $0x5FB0  }
0x2a3: {  	[tilespmem:s18], [sflag:$0x4] =	stream.indirect.gather [hbm4b:s5+s21], $0x20, s14, s21, $0xb8;
	[tilespmem:$0xCCB0] =	vst v63  }
0x2a4: {  	s25 =	simm.s32 $0x6FB0  }
0x2a5: {  	[tilespmem:s25], [sflag:$0x4] =	stream.indirect.gather [hbm4b:s5+s21], $0x20, s22, s21, $0xb8;
	[tilespmem:$0xCCB0] =	vst v63  }
0x2a6: {  	_ = 	snop  }
0x2a7: {  	[tilespmem:s6], [sflag:$0x4] =	stream.indirect.gather [hbm4b:s5+s21], $0x20, s23, s21, $0xb8;
	[tilespmem:$0xCCB0] =	vst v63  }
0x2a8: {  	_ = 	snop  }
0x2a9: {  	[tilespmem:s9], [sflag:$0x4] =	stream.indirect.gather [hbm4b:s5+s28], $0x20, s24, s28, $0xb8;
	[tilespmem:$0xCCB0] =	vst v63  }
0x2aa: {  	_ =	swait.ge [sflag:s19], $0x1000  }
0x2ab: {  	[sflag:s19] =	ssyncset.done $0x0  }
0x2ac: {  	[sflag:s19] =	ssyncadd.s32 $0xFFFFF000  }
0x2ad: {  	_ =	swait.ge [sflag:s19], $0x1000  }
0x2ae: {  	[sflag:s19] =	ssyncset.done $0x0  }
0x2af: {  	[sflag:s19] =	ssyncadd.s32 $0xFFFFF000  }
0x2b0: {  	_ =	swait.ge [sflag:s19], $0x1000  }
0x2b1: {  	[sflag:s19] =	ssyncset.done $0x0  }
0x2b2: {  	[sflag:s19] =	ssyncadd.s32 $0xFFFFF000  }
0x2b3: {  	_ =	swait.ge [sflag:s19], $0x1000  }
0x2b4: {  	[sflag:s19] =	ssyncset.done $0x0  }
0x2b5: {  	[sflag:s19] =	ssyncadd.s32 $0xFFFFF000  }
0x2b6: {  	_ =	swait.ge [sflag:s19], $0xB00  }
0x2b7: {  	[sflag:s19] =	ssyncset.done $0x0  }
0x2b8: {  	[sflag:s19] =	ssyncadd.s32 $0xFFFFF500  }
0x2b9: {  	_ =	swait.ge [sflag:s16], $0x1900  }
0x2ba: {  	[sflag:s16] =	ssyncset.done $0x0  }
0x2bb: {  	s1 =	simm.s32 $0x510;
	[sflag:s16] =	ssyncadd.s32 $0xFFFFE700  }
0x2bc: {  	v0 =	vld [tilespmem:s1+$0x0]  }
0x2bd: {  	v1 =	vld [tilespmem:s1+$0xFFFFFFC0]  }
0x2be: {  	v2 =	vld [tilespmem:s1+$0xFFFFFFA0]  }
0x2bf: {  	v3 =	vld [tilespmem:s1+$0xFFFFFFE0]  }
0x2c0: {  	v62 =	vld [tilespmem:s1+$0x40]  }
0x2c1: {  	v63 =	vld [tilespmem:s1+$0x20];
	_ =	sdelay $0x2  }
0x2c2: {  	v1 =	vadd.bf16 v1, v2;
	v0 =	vadd.bf16 v0, v3;
	_ =	sdelay $0x1  }
0x2c3: {  	v4 =	vadd.bf16 v62, v63;
	v2 =	vunpack.i.u.bf16.f32 v1;
	v3 =	vunpack.i.u.bf16.f32 v0  }
0x2c4: {  	v1 =	vunpack.i.l.bf16.f32 v1;
	v0 =	vunpack.i.l.bf16.f32 v0;
	v2 =	vadd.f32 v3, v2  }
0x2c5: {  	v0 =	vadd.f32 v0, v1;
	v1 =	vunpack.i.u.bf16.f32 v4  }
0x2c6: {  	v3 =	vunpack.i.l.bf16.f32 v4;
	v1 =	vadd.f32 v1, v2  }
0x2c7: {  	s0 =	simm.s32 $0x0;
	v0 =	vadd.f32 v3, v0  }
0x2c8: {  	[tilespmem:s0+$0x9AC0] =	vst v1  }
0x2c9: {  	[tilespmem:s0+$0x9AB0] =	vst v0  }
0x2ca: {  	s30 =	sadd.s32 $0x320640, s26;
	s3 =	simm.s32 $0x200;
	v0 =	vld [tilespmem:s1+$0x10]  }
0x2cb: {  	s8 =	simm.s32 $0x5D0;
	s18 =	simm.s32 $0x100;
	s25 =	simm.s32 $0x5D0;
	v1 =	vld [tilespmem:s1+$0xFFFFFFD0]  }
.LBB2_15:
0x2cc: {  	p0 =	sne.s32 s3, $0x6300  }
0x2cd: {  	s8 =	sadd.s32 $0xC0, s8;
	v2 =	vld [tilespmem:s1+$0xFFFFFFF0];
	s2 =	smov.u32 s3;
	s3 =	sadd.s32 $0x100, s3  }
0x2ce: {  	v3 =	vld [tilespmem:s1+$0xFFFFFFB0]  }
0x2cf: {  	v4 =	vld [tilespmem:s1+$0x50]  }
0x2d0: {  	v5 =	vld [tilespmem:s1+$0x30];
	s1 =	smov.u32 s25;
	s25 =	smov.u32 s8;
	_ =	sdelay $0x1  }
0x2d1: {  	v0 =	vadd.bf16 v0, v2  }
0x2d2: {  	v1 =	vadd.bf16 v1, v3  }
0x2d3: {  	v2 =	vunpack.i.u.bf16.f32 v0;
	v0 =	vunpack.i.l.bf16.f32 v0  }
0x2d4: {  	v3 =	vunpack.i.u.bf16.f32 v1;
	v1 =	vunpack.i.l.bf16.f32 v1;
	v4 =	vadd.bf16 v4, v5  }
0x2d5: {  	v0 =	vadd.f32 v0, v1;
	v1 =	vadd.f32 v2, v3  }
0x2d6: {  	v2 =	vunpack.i.u.bf16.f32 v4;
	v3 =	vunpack.i.l.bf16.f32 v4  }
0x2d7: {  	v0 =	vadd.f32 v3, v0;
	v1 =	vadd.f32 v2, v1;
	_ =	sdelay $0x1  }
0x2d8: {  	[tilespmem:s0+$0x9AD0] =	vst v0  }
0x2d9: {  	[tilespmem:s0+$0x9AE0] =	vst v1  }
0x2da: {  	v0 =	vld [tilespmem:s1+$0x0]  }
0x2db: {  	v1 =	vld [tilespmem:s1+$0xFFFFFFC0]  }
0x2dc: {  	v2 =	vld [tilespmem:s1+$0xFFFFFFA0]  }
0x2dd: {  	v3 =	vld [tilespmem:s1+$0xFFFFFFE0]  }
0x2de: {  	v4 =	vld [tilespmem:s1+$0x40]  }
0x2df: {  	v5 =	vld [tilespmem:s1+$0x20];
	_ =	sdelay $0x2  }
0x2e0: {  	v1 =	vadd.bf16 v1, v2;
	v0 =	vadd.bf16 v0, v3;
	_ =	sdelay $0x1  }
0x2e1: {  	v2 =	vunpack.i.u.bf16.f32 v1;
	v3 =	vunpack.i.u.bf16.f32 v0;
	v4 =	vadd.bf16 v4, v5  }
0x2e2: {  	v1 =	vunpack.i.l.bf16.f32 v1;
	v0 =	vunpack.i.l.bf16.f32 v0;
	v2 =	vadd.f32 v3, v2  }
0x2e3: {  	v0 =	vadd.f32 v0, v1;
	v1 =	vunpack.i.u.bf16.f32 v4  }
0x2e4: {  	v3 =	vunpack.i.l.bf16.f32 v4;
	v1 =	vadd.f32 v1, v2  }
.Ltmp6:
0x2e5: {  	s0 =	sshra.s32 s18, $0x2;
	s18 =	smov.u32 s2;
	v0 =	vadd.f32 v3, v0;
	(pc) =	sbr.rel @p0 .LBB2_15-.Ltmp6, $4  }
0x2e6: {  	[tilespmem:s0+$0x9AC0] =	vst v1  }
0x2e7: {  	[tilespmem:s0+$0x9AB0] =	vst v0  }
0x2e8: {  	v0 =	vld [tilespmem:s1+$0x10]  }
0x2e9: {  	v1 =	vld [tilespmem:s1+$0xFFFFFFD0]  }
0x2ea: {  	v2 =	vld [tilespmem:s1+$0xFFFFFFF0]  }
0x2eb: {  	v3 =	vld [tilespmem:s1+$0xFFFFFFB0]  }
0x2ec: {  	v4 =	vld [tilespmem:s1+$0x50]  }
0x2ed: {  	v5 =	vld [tilespmem:s1+$0x30];
	_ =	sdelay $0x2  }
0x2ee: {  	v0 =	vadd.bf16 v0, v2;
	v1 =	vadd.bf16 v1, v3;
	_ =	sdelay $0x1  }
0x2ef: {  	v4 =	vadd.bf16 v4, v5;
	v2 =	vunpack.i.l.bf16.f32 v0;
	v3 =	vunpack.i.l.bf16.f32 v1  }
0x2f0: {  	v0 =	vunpack.i.u.bf16.f32 v0;
	v1 =	vunpack.i.u.bf16.f32 v1;
	v2 =	vadd.f32 v2, v3  }
0x2f1: {  	v0 =	vadd.f32 v0, v1;
	v1 =	vunpack.i.l.bf16.f32 v4  }
0x2f2: {  	v3 =	vunpack.i.u.bf16.f32 v4;
	v1 =	vadd.f32 v1, v2  }
0x2f3: {  	v0 =	vadd.f32 v3, v0  }
0x2f4: {  	[tilespmem:s0+$0x9AD0] =	vst v1  }
0x2f5: {  	[tilespmem:s0+$0x9AE0] =	vst v0  }
0x2f6: {  	v0 =	vld [tilespmem:s25+$0x0]  }
0x2f7: {  	v1 =	vld [tilespmem:s25+$0xFFFFFFC0]  }
0x2f8: {  	v2 =	vld [tilespmem:s25+$0xFFFFFFA0]  }
0x2f9: {  	v3 =	vld [tilespmem:s25+$0xFFFFFFE0]  }
0x2fa: {  	v4 =	vld [tilespmem:s25+$0x40]  }
0x2fb: {  	v5 =	vld [tilespmem:s25+$0x20];
	_ =	sdelay $0x2  }
0x2fc: {  	v1 =	vadd.bf16 v1, v2;
	v0 =	vadd.bf16 v0, v3;
	_ =	sdelay $0x1  }
0x2fd: {  	v4 =	vadd.bf16 v4, v5;
	v2 =	vunpack.i.u.bf16.f32 v1;
	v3 =	vunpack.i.u.bf16.f32 v0  }
0x2fe: {  	v1 =	vunpack.i.l.bf16.f32 v1;
	v0 =	vunpack.i.l.bf16.f32 v0;
	v2 =	vadd.f32 v3, v2  }
0x2ff: {  	v0 =	vadd.f32 v0, v1;
	v1 =	vunpack.i.u.bf16.f32 v4  }
0x300: {  	v3 =	vunpack.i.l.bf16.f32 v4;
	v1 =	vadd.f32 v1, v2  }
0x301: {  	s8 =	sshra.s32 s18, $0x2;
	v0 =	vadd.f32 v3, v0  }
0x302: {  	[tilespmem:s8+$0x9AC0] =	vst v1  }
0x303: {  	[tilespmem:s8+$0x9AB0] =	vst v0  }
0x304: {  	v0 =	vld [tilespmem:s25+$0x10]  }
0x305: {  	v1 =	vld [tilespmem:s25+$0xFFFFFFD0]  }
0x306: {  	v2 =	vld [tilespmem:s25+$0xFFFFFFF0]  }
0x307: {  	v3 =	vld [tilespmem:s25+$0xFFFFFFB0]  }
0x308: {  	v4 =	vld [tilespmem:s25+$0x50]  }
0x309: {  	v5 =	vld [tilespmem:s25+$0x30];
	_ =	sdelay $0x2  }
0x30a: {  	v0 =	vadd.bf16 v0, v2;
	v1 =	vadd.bf16 v1, v3;
	_ =	sdelay $0x1  }
0x30b: {  	v4 =	vadd.bf16 v4, v5;
	v2 =	vunpack.i.l.bf16.f32 v0;
	v3 =	vunpack.i.l.bf16.f32 v1  }
0x30c: {  	v0 =	vunpack.i.u.bf16.f32 v0;
	v1 =	vunpack.i.u.bf16.f32 v1;
	v2 =	vadd.f32 v2, v3  }
0x30d: {  	v0 =	vadd.f32 v0, v1;
	v1 =	vunpack.i.l.bf16.f32 v4  }
0x30e: {  	v3 =	vunpack.i.u.bf16.f32 v4;
	v1 =	vadd.f32 v1, v2  }
0x30f: {  	p0 =	seq.s32 s29, $0x1F;
	s1 =	rddreg [dreg:$0x6];
	s25 =	sadd.s32 $0x1, s29;
	v0 =	vadd.f32 v3, v0  }
0x310: {  	s1 =	sadd.s32 @!p0 s1, s25;
	[tilespmem:s8+$0x9AD0] =	vst v1  }
0x311: {  	s0 =	smul.u32 @!p0 $0x96, s1;
	[tilespmem:s8+$0x9AE0] =	vst v0  }
0x312: {  	[hbm4b:s30+s10] =	stream.strided.scatter [tilespmem:s11], [sflag:$0x5], $0x1900, s21, s10, $0x38;
	[tilespmem:$0xCCB0] =	vst v63  }
0x313: {  	s1 =	simm.s32 @!p0 $0x0;
	s0 =	sadd.s32 @!p0 s17, s0  }
0x314: {  	[tilespmem:s1], [sflag:$0x1] =	stream.linear.gather @!p0 [hbm4b:s0+s1], $0x258, $0x38;
	[tilespmem:$0xCCB0] =	vst v63  }
0x315: {  	s0 =	simm.s32 @!p0 $0x1  }
0x316: {  	_ =	swait.ge @!p0 [sflag:s0], $0x258  }
0x317: {  	[sflag:s0] =	ssyncset.done @!p0 $0x0  }
0x318: {  	s2 =	simm.s32 @!p0 $0x4B0;
	[sflag:s0] =	ssyncadd.s32 @!p0 $0xFFFFFDA8;
	s0 =	simm.s32 @!p0 $0x80  }
0x319: {  	[tilespmem:s2], [sflag:$0x3] =	stream.indirect.gather @!p0 [hbm4b:s4+s0], $0x20, s1, s0, $0xb8;
	[tilespmem:$0xCCB0] =	vst v63  }
0x31a: {  	s1 =	simm.s32 @!p0 $0x14B0  }
0x31b: {  	[tilespmem:s1], [sflag:$0x3] =	stream.indirect.gather @!p0 [hbm4b:s4+s0], $0x20, s0, s0, $0xb8;
	[tilespmem:$0xCCB0] =	vst v63  }
0x31c: {  	s2 =	simm.s32 @!p0 $0x24B0;
	s1 =	simm.s32 @!p0 $0x100  }
0x31d: {  	[tilespmem:s2], [sflag:$0x3] =	stream.indirect.gather @!p0 [hbm4b:s4+s0], $0x20, s1, s0, $0xb8;
	[tilespmem:$0xCCB0] =	vst v63  }
0x31e: {  	s1 =	simm.s32 @!p0 $0x180;
	s2 =	simm.s32 @!p0 $0x34B0  }
0x31f: {  	[tilespmem:s2], [sflag:$0x3] =	stream.indirect.gather @!p0 [hbm4b:s4+s0], $0x20, s1, s0, $0xb8;
	[tilespmem:$0xCCB0] =	vst v63  }
0x320: {  	s0 =	simm.s32 @!p0 $0x58;
	s1 =	simm.s32 @!p0 $0x200;
	s2 =	simm.s32 @!p0 $0x44B0  }
0x321: {  	[tilespmem:s2], [sflag:$0x3] =	stream.indirect.gather @!p0 [hbm4b:s4+s0], $0x20, s1, s0, $0xb8;
	[tilespmem:$0xCCB0] =	vst v63  }
0x322: {  	_ =	swait.ge [sflag:s15], $0x1000  }
0x323: {  	[sflag:s15] =	ssyncset.done $0x0  }
0x324: {  	[sflag:s15] =	ssyncadd.s32 $0xFFFFF000  }
0x325: {  	_ =	swait.ge [sflag:s15], $0x1000  }
0x326: {  	[sflag:s15] =	ssyncset.done $0x0  }
0x327: {  	[sflag:s15] =	ssyncadd.s32 $0xFFFFF000  }
0x328: {  	_ =	swait.ge [sflag:s15], $0x1000  }
0x329: {  	[sflag:s15] =	ssyncset.done $0x0  }
0x32a: {  	[sflag:s15] =	ssyncadd.s32 $0xFFFFF000  }
0x32b: {  	_ =	swait.ge [sflag:s15], $0x1000  }
0x32c: {  	[sflag:s15] =	ssyncset.done $0x0  }
0x32d: {  	[sflag:s15] =	ssyncadd.s32 $0xFFFFF000  }
0x32e: {  	_ =	swait.ge [sflag:s15], $0xB00  }
0x32f: {  	[sflag:s15] =	ssyncset.done $0x0  }
0x330: {  	[sflag:s15] =	ssyncadd.s32 $0xFFFFF500  }
0x331: {  	_ =	swait.ge [sflag:s7], $0x1900  }
0x332: {  	[sflag:s7] =	ssyncset.done $0x0  }
0x333: {  	s18 =	simm.s32 $0x0;
	[sflag:s7] =	ssyncadd.s32 $0xFFFFE700  }
0x334: {  	v0 =	vld [tilespmem:s18+$0x4FD0]  }
0x335: {  	v1 =	vld [tilespmem:s18+$0x5010]  }
0x336: {  	v2 =	vld [tilespmem:s18+$0x4FB0]  }
0x337: {  	v3 =	vld [tilespmem:s18+$0x4FF0]  }
0x338: {  	v4 =	vld [tilespmem:s18+$0x5050]  }
0x339: {  	v5 =	vld [tilespmem:s18+$0x5030];
	_ =	sdelay $0x2  }
0x33a: {  	v0 =	vadd.bf16 v0, v2;
	v1 =	vadd.bf16 v1, v3;
	_ =	sdelay $0x1  }
0x33b: {  	v3 =	vadd.bf16 v4, v5;
	v2 =	vunpack.i.u.bf16.f32 v0;
	v4 =	vunpack.i.u.bf16.f32 v1  }
0x33c: {  	v0 =	vunpack.i.l.bf16.f32 v0;
	v1 =	vunpack.i.l.bf16.f32 v1;
	v2 =	vadd.f32 v4, v2  }
0x33d: {  	v4 =	vunpack.i.u.bf16.f32 v3;
	v0 =	vadd.f32 v1, v0  }
0x33e: {  	v1 =	vunpack.i.l.bf16.f32 v3;
	v2 =	vadd.f32 v4, v2  }
0x33f: {  	s29 =	simm.s32 $0xB3E0;
	v0 =	vadd.f32 v1, v0  }
0x340: {  	[tilespmem:s29+$0xFFFFFFE0] =	vst v2  }
0x341: {  	[tilespmem:s29+$0xFFFFFFD0] =	vst v0  }
0x342: {  	v4 =	vld [tilespmem:s18+$0x4FC0]  }
0x343: {  	v5 =	vld [tilespmem:s18+$0x4FE0];
	_ =	sdelay $0x1  }
0x344: {  	v1 =	vld [tilespmem:s18+$0x5020]  }
0x345: {  	v3 =	vld [tilespmem:s18+$0x5000]  }
0x346: {  	s3 =	simm.s32 $0x300;
	v0 =	vld [tilespmem:s18+$0x5040]  }
0x347: {  	s30 =	smov.u32 s17;
	s1 =	sadd.s32 $0x320648, s26;
	v2 =	vld [tilespmem:s18+$0x5060];
	s18 =	simm.s32 $0xB3E0;
	v4 =	vadd.bf16 v5, v4  }
.LBB2_17:
0x348: {  	p0 =	sne.s32 s3, $0x12900  }
0x349: {  	s29 =	sadd.s32 $0x40, s29;
	s0 =	smov.u32 s3;
	s3 =	sadd.s32 $0x300, s3  }
0x34a: {  	v5 =	vunpack.i.u.bf16.f32 v4;
	v1 =	vadd.bf16 v1, v3  }
0x34b: {  	v3 =	vunpack.i.l.bf16.f32 v4  }
0x34c: {  	v4 =	vunpack.i.u.bf16.f32 v1;
	v1 =	vunpack.i.l.bf16.f32 v1;
	v0 =	vadd.bf16 v2, v0  }
0x34d: {  	v1 =	vadd.f32 v1, v3;
	v2 =	vadd.f32 v4, v5  }
0x34e: {  	v3 =	vunpack.i.u.bf16.f32 v0;
	v0 =	vunpack.i.l.bf16.f32 v0  }
0x34f: {  	v0 =	vadd.f32 v0, v1;
	v1 =	vadd.f32 v3, v2;
	_ =	sdelay $0x1  }
0x350: {  	[tilespmem:s18+$0xFFFFFFF0] =	vst v0  }
0x351: {  	s0 =	sshra.s32 s0, $0x2;
	[tilespmem:s18+$0x0] =	vst v1;
	s18 =	smov.u32 s29  }
0x352: {  	v0 =	vld [tilespmem:s0+$0x4FD0]  }
0x353: {  	v1 =	vld [tilespmem:s0+$0x5010]  }
0x354: {  	v2 =	vld [tilespmem:s0+$0x4FB0]  }
0x355: {  	v3 =	vld [tilespmem:s0+$0x4FF0]  }
0x356: {  	v4 =	vld [tilespmem:s0+$0x5050]  }
0x357: {  	v5 =	vld [tilespmem:s0+$0x5030];
	_ =	sdelay $0x2  }
0x358: {  	v0 =	vadd.bf16 v0, v2;
	v1 =	vadd.bf16 v1, v3;
	_ =	sdelay $0x1  }
0x359: {  	v2 =	vunpack.i.u.bf16.f32 v0;
	v0 =	vunpack.i.l.bf16.f32 v0;
	v3 =	vadd.bf16 v4, v5  }
0x35a: {  	v4 =	vunpack.i.u.bf16.f32 v1;
	v1 =	vunpack.i.l.bf16.f32 v1  }
0x35b: {  	v2 =	vadd.f32 v4, v2;
	v4 =	vunpack.i.u.bf16.f32 v3;
	v3 =	vunpack.i.l.bf16.f32 v3  }
0x35c: {  	v0 =	vadd.f32 v1, v0  }
0x35d: {  	v1 =	vadd.f32 v4, v2  }
0x35e: {  	v0 =	vadd.f32 v3, v0  }
0x35f: {  	[tilespmem:s29+$0xFFFFFFE0] =	vst v1  }
0x360: {  	[tilespmem:s29+$0xFFFFFFD0] =	vst v0  }
0x361: {  	v4 =	vld [tilespmem:s0+$0x4FC0]  }
0x362: {  	v5 =	vld [tilespmem:s0+$0x4FE0]  }
.Ltmp7:
0x363: {  	v1 =	vld [tilespmem:s0+$0x5020];
	(pc) =	sbr.rel @p0 .LBB2_17-.Ltmp7, $4  }
0x364: {  	v3 =	vld [tilespmem:s0+$0x5000]  }
0x365: {  	v0 =	vld [tilespmem:s0+$0x5040]  }
0x366: {  	v2 =	vld [tilespmem:s0+$0x5060]  }
0x367: {  	v4 =	vadd.bf16 v5, v4  }
0x368: {  	_ = 	snop  }
0x369: {  	v1 =	vadd.bf16 v1, v3;
	_ =	sdelay $0x1  }
0x36a: {  	v61 =	vunpack.i.l.bf16.f32 v4;
	v5 =	vunpack.i.l.bf16.f32 v1;
	v0 =	vadd.bf16 v2, v0  }
0x36b: {  	v62 =	vunpack.i.u.bf16.f32 v4;
	v1 =	vunpack.i.u.bf16.f32 v1;
	v3 =	vadd.f32 v5, v61  }
0x36c: {  	p0 =	sne.s32 s25, $0x20;
	v1 =	vadd.f32 v1, v62;
	v63 =	vunpack.i.l.bf16.f32 v0  }
.Ltmp8:
0x36d: {  	v0 =	vunpack.i.u.bf16.f32 v0;
	v2 =	vadd.f32 v63, v3;
	(pc) =	sbr.rel @p0 .LBB2_2-.Ltmp8, $4  }
0x36e: {  	v0 =	vadd.f32 v0, v1  }
0x36f: {  	[tilespmem:s18+$0xFFFFFFF0] =	vst v2  }
0x370: {  	s29 =	smov.u32 s25;
	s2 =	simm.s32 $0x0;
	[tilespmem:s18+$0x0] =	vst v0  }
0x371: {  	[hbm4b:s1+s10] =	stream.strided.scatter [tilespmem:s20], [sflag:$0x6], $0x1900, s21, s10, $0x38;
	[tilespmem:$0xCCB0] =	vst v63  }
0x372: {  	_ =	swait.ge [sflag:s16], $0x1900  }
0x373: {  	[sflag:s16] =	ssyncset.done $0x0  }
0x374: {  	[sflag:s16] =	ssyncadd.s32 $0xFFFFE700  }
0x375: {  	_ =	swait.ge [sflag:s7], $0x1900  }
0x376: {  	s1 =	rddreg [dreg:$0xc]  }
0x377: {  	s0 =	rddreg [dreg:$0xb];
	s1 =	sadd.s32 $0x1, s1  }
0x378: {  	p0 =	sne.s32 s1, s0  }
.Ltmp9:
0x379: {  	_ = 	snop;
	(pc) =	sbr.rel @p0 .LBB2_1-.Ltmp9, $3  }
0x37a: {  	_ =	sdelay $0x1  }
0x37b: {  	[sflag:s7] =	ssyncset.done $0x0  }
0x37c: {  	[sflag:s7] =	ssyncadd.s32 $0xFFFFE700  }
0x37d: {  	_ =	sfence.sel $0x180000  }
0x37e: {  	[bflag:$0x0] =	sbarrier.arrive $0xFFFF  }
0x37f: {  	_ =	strace $0x9000004D  }
0x380: {  	s0 =	stileid.u32;
	[bflag:$0x2] =	sbarrier.arrive $0xFFFF  }
0x381: {  	p0 =	sne.s32 s0, $0x0;
	s0 =	rddreg [dreg:$0x3]  }
0x382: {  	s0 =	sadd.s32 @!p0 $0x100000, s0  }
0x383: {  	[sflag:s0] =	ssyncadd.tile.s32 @!p0 $0x1;
	_ =	shalt  }
.Lfunc_end2:
_tile_overlayer_lowered:
.L_overlay_start_2:
0x384: {  	(tag) =	ssettag $0x2  }
0x385: {  	s0 =	rddreg [dreg:$0x0];
	s2 =	stileid.u32  }
0x386: {  	s1 =	rddreg [dreg:$0x1];
	p0 =	sne.s32 s2, $0x0  }
0x387: {  	s3 =	rddreg [dreg:$0x2];
	[bflag:$0x3] =	sbarrier.arrive $0xFFFF;
	s2 =	simm.s32 @!p0 $0x1C07  }
0x388: {  	[timem:s3], [sflag:s2] =	dma.local @!p0 [hbm:s0], s1  }
0x389: {  	s0 =	simm.s32 @!p0 $0x7  }
0x38a: {  	_ =	swait.ge @!p0 [sflag:s0], s1  }
0x38b: {  	s1 =	ssub.s32 @!p0 $0x0, s1;
	[sflag:s0] =	ssyncset.done @!p0 $0x0  }
0x38c: {  	[sflag:s0] =	ssyncadd.s32 @!p0 s1  }
0x38d: {  	[bflag:$0x3] =	sbarrier.arrive $0xFFFF  }
0x38e: {  	_ =	shalt  }

// kernel: sparse-core-data-format-call.1.cloned.1.call-start
scs
called_computation.1_lowered:
.L_overlay_start_0:
0x0: {  	s1 =	sld [smem:$0x3FD9]  }
0x1: {  	s2 =	sld [smem:$0x3FFE];
	_ =	sdelay $0x1  }
0x2: {  	s3 =	srdreg.scid  }
0x3: {  	s0 =	sand.u32 $0x1, s3  }
0x4: {  	s17 =	sshll.u32 s0, $0xA;
	s1 =	sadd.s32 s2, s1  }
0x5: {  	s1 =	sadd.s32 s1, s17  }
0x6: {  	[smem:$0x3FBC] =	sst s1  }
0x7: {  	_ = 	snop  }
0x8: {  	(tm) =	ssettm $0x1  }
0x9: {  	s18 =	sld [smem:$0x3FFB];
	_ =	sdelay $0x3  }
0xa: {  	_ =	strace s18  }
0xb: {  	s1 =	sld [smem:$0x3FFC];
	_ =	sdelay $0x3  }
0xc: {  	_ =	strace s1  }
0xd: {  	s1 =	sld [smem:$0x3FFD];
	_ =	sdelay $0x3  }
0xe: {  	_ =	strace s1  }
0xf: {  	_ =	strace $0x8FFFFFFF  }
0x10: {  	s19 =	sld [smem:$0x3FDB];
	_ =	sdelay $0x1  }
0x11: {  	s20 =	simm.s32 $_scs_section_size  }
0x12: {  	s4 =	simm.s32 $_size__tile_overlayer_lowered;
	s5 =	simm.s32 $_tile_overlayer_lowered  }
0x13: {  	s23 =	simm.s32 $0x1BFF;
	s22 =	sshll.u32 s5, $0x1;
	s1 =	sadd.s32 s20, s19  }
0x14: {  	s6 =	simm.s32 $0x0;
	s21 =	sshll.u32 s4, $0x1;
	s4 =	sadd.s32 s22, s1  }
0x15: {  	[timem:s6], [sflag:s23] =	dma.local [hbm:s4], s21  }
0x16: {  	_ =	swait.ge [sflag:s23], s21  }
0x17: {  	s2 =	ssub.s32 $0x0, s21;
	[sflag:s23] =	ssyncset.done $0x0  }
0x18: {  	[sflag:s23] =	ssyncadd.s32 s2;
	_ =	sdelay $0x1  }
0x19: {  	s24 =	simm.s32 $0x1B8B  }
0x1a: {  	_ =	swait.ge [sflag:s24], $0x1  }
0x1b: {  	[sflag:s24] =	ssyncset.done $0x0  }
0x1c: {  	s26 =	simm.s32 $0x1B8E;
	s25 =	sld [smem:$0x3FFE];
	[sflag:s24] =	ssyncadd.s32 $0xFFFFFFFF  }
0x1d: {  	s27 =	simm.s32 $execute0_lowered;
	[smem:$0x3FD2] =	sst s26  }
0x1e: {  	s4 =	sshll.u32 s27, $0x1;
	_ =	strace $0x80000046;
	[dreg:$0x1] =	wrdreg $0xFFFFFFFF  }
0x1f: {  	s28 =	simm.s32 $_size_execute0_lowered;
	s1 =	sadd.s32 s1, s4;
	[dreg:$0x0] =	wrdreg $0x0  }
0x20: {  	s4 =	sshll.u32 s28, $0x1;
	[dreg:$0x2] =	wrdreg s1  }
0x21: {  	[dreg:$0x3] =	wrdreg s4  }
0x22: {  	[dreg:$0x4] =	wrdreg $0xC0  }
0x23: {  	_ =	task [dreg:s6], $0x5FFFF  }
0x24: {  	[dreg:$0x1] =	wrdreg $0xFFFFFFFF  }
0x25: {  	[dreg:$0x0] =	wrdreg $0x60  }
0x26: {  	[dreg:$0x2] =	wrdreg s25  }
0x27: {  	[dreg:$0x3] =	wrdreg $0x9  }
0x28: {  	_ =	task.clear_ibuf [dreg:s6], $0x4FFFF;
	_ =	strace $0x90000046  }
0x29: {  	s29 =	simm.s32 $0x9;
	_ =	strace $0x80000048  }
0x2a: {  	_ =	swait.ge [sflag:s29], $0x1  }
0x2b: {  	[sflag:s29] =	ssyncadd.s32 $0xFFFFFFFF  }
0x2c: {  	_ =	strace $0x90000048  }
0x2d: {  	_ =	sfence  }
0x2e: {  	s30 =	sld [smem:$0x0];
	_ =	sdelay $0x2  }
0x2f: {  	s31 =	sshll.u32 s3, $0xD;
	s3 =	sshrl.u32 s3, $0x2  }
0x30: {  	s2 =	sand.u32 $0x4000, s31;
	s1 =	sadd.s32 s3, s30  }
0x31: {  	s0 =	sor.u32 s2, s0;
	s1 =	sshll.u32 s1, $0x11  }
0x32: {  	s0 =	sor.u32 s1, s0  }
0x33: {  	s0 =	sadd.s32 $0x8F2B, s0  }
0x34: {  	[sflag:s0] =	ssyncadd.remote.s32 $0x1  }
0x35: {  	_ =	sfence.sel $0xFFFF  }
0x36: {  	[dreg:$0x0] =	wrdreg $0xFFFFFFFF;
	(pc) =	sbr.abs _section_cstart, $3  }
0x37: {  	[dreg:$0x1] =	wrdreg $0xFFFFFFFF  }
0x38: {  	_ =	task.clear_ibuf [dreg:s6], $0x2FFFF;
	_ =	strace $0x9FFFFFFF  }
0x39: {  	(tm) =	ssettm $0x7FFFFFFF  }
tec
execute0_lowered:
.L_overlay_start_1:
0x0: {  	(tag) =	ssettag $0x1  }
0x1: {  	s0 =	srdreg.scid;
	s5 =	rddreg [dreg:$0x0];
	s6 =	simm.s32 $0x2  }
0x2: {  	s16 =	simm.s32 $0x0;
	p0 =	por $0x0, $0x0;
	s8 =	simm.s32 $0x80  }
0x3: {  	s17 =	simm.s32 $0x0;
	s18 =	simm.s32 $0x0;
	s1 =	sshll.u32 s0, $0x4  }
0x4: {  	s9 =	simm.s32 $0x0;
	s0 =	stileid.u32;
	s1 =	sand.u32 $0x10, s1  }
0x5: {  	s10 =	simm.s32 $0x0;
	s11 =	simm.s32 $0x0;
	s1 =	sor.u32 s0, s1  }
0x6: {  	s13 =	simm.s32 $0x0;
	s14 =	simm.s32 $0x0;
	s2 =	sshll.u32 s1, $0x8  }
.Ltmp0:
0x7: {  	s15 =	simm.s32 $0x0;
	s3 =	ssub.s32 $0x18600, s2;
	(pc) =	sbr.rel .LBB1_1-.Ltmp0, $4  }
0x8: {  	s1 =	rddreg [dreg:$0x1];
	_ =	strace $0x80000047;
	s4 =	sshrl.u32 s3, $0xD  }
0x9: {  	s12 =	smov.u32 s2;
	s3 =	simm.s32 $0x1;
	s7 =	smul.u32 $0x3, s4  }
0xa: {  	s4 =	sadd.s32 $0x6E00, s5;
	[sflag:s3] =	ssyncpa.u1 $0x0;
	s5 =	sadd.s32 $0x12C200, s5  }
0xb: {  	[sflag:s6] =	ssyncpa.u1 $0x0;
	s6 =	sadd.s32 $0x3, s7;
	s7 =	sadd.s32 $0x4, s7  }
.LBB1_5:
0xc: {  	p1 =	slt.u32 s15, $0x2  }
0xd: {  	p2 =	sgt.s32 @!p1 s18, $0x2  }
0xe: {  	s19 =	smov.u32 s18;
	s20 =	sshra.s32 @!p1 s18, $0x1F;
	p2 =	por !p2, p1  }
0xf: {  	p3 =	sgt.s32 @!p1 s17, $0x40;
	s18 =	sand.u32 @!p1 s20, s18;
	s19 =	simm.s32 @p2 $0x2  }
0x10: {  	p3 =	por !p3, p1;
	s18 =	ssub.s32 @!p1 s19, s18  }
0x11: {  	s20 =	sshra.s32 @!p1 s17, $0x1F;
	s19 =	sadd.s32 @!p1 $0xFFFFFFFE, s18;
	s18 =	ssub.s32 @!p1 $0x3, s18  }
0x12: {  	p2 =	sgt.s32 @!p1 s19, $0x0;
	s19 =	smov.u32 s17;
	s17 =	sand.u32 @!p1 s20, s17  }
0x13: {  	s20 =	smov.u32 s16;
	s19 =	simm.s32 @p3 $0x40;
	p3 =	sgt.s32 @!p1 s16, $0x185A0  }
0x14: {  	p3 =	por !p3, p1;
	s17 =	ssub.s32 @!p1 s19, s17;
	s19 =	sshra.s32 @!p1 s16, $0x1F  }
0x15: {  	s20 =	simm.s32 @p3 $0x185A0;
	s16 =	sand.u32 @!p1 s19, s16;
	s19 =	sadd.s32 @!p1 $0xFFFFFFC0, s17  }
0x16: {  	p2 =	por !p2, p1;
	s16 =	ssub.s32 @!p1 s20, s16;
	p3 =	sgt.s32 @!p1 s19, $0x3F  }
0x17: {  	s17 =	ssub.s32 @!p1 $0x80, s17;
	s19 =	sadd.s32 @!p1 $0xFFFE7A60, s16;
	p3 =	por !p3, p1  }
0x18: {  	s18 =	simm.s32 @!p2 $0x0;
	s17 =	simm.s32 @!p3 $0x0;
	p2 =	sgt.s32 @!p1 s19, $0xFF  }
0x19: {  	s16 =	ssub.s32 @!p1 $0x186A0, s16;
	p2 =	por !p2, p1;
	s17 =	smul.u32 @!p1 s18, s17  }
0x1a: {  	s20 =	smov.u32 s13;
	s19 =	sadd.s32 $0x2000, s12;
	s16 =	simm.s32 @!p2 $0x0  }
0x1b: {  	p2 =	sgt.s32 s19, $0x1869F;
	s16 =	smul.u32 @!p1 s16, s17;
	s17 =	sadd.s32 $0x40, s13  }
0x1c: {  	s20 =	smov.u32 @p2 s17  }
0x1d: {  	s19 =	smov.u32 @p2 s2;
	s17 =	simm.s32 $0x1;
	p2 =	sgt.s32 s20, $0x3F  }
0x1e: {  	s17 =	simm.s32 @!p2 $0x0  }
0x1f: {  	p0 =	por !p0, !p0;
	s21 =	simm.s32 @!p1 $0x2;
	s23 =	sadd.s32 s17, s14  }
0x20: {  	s18 =	smov.u32 s11;
	s20 =	simm.s32 @p2 $0x0;
	p2 =	sgt.s32 s23, $0x2  }
0x21: {  	s16 =	sshrl.u32 @!p1 s16, $0x1;
	s23 =	simm.s32 @p2 $0x0;
	p2 =	sne.s32 s15, s7  }
.Ltmp1:
0x22: {  	s11 =	smov.u32 s14;
	s16 =	sand.u32 @!p1 $0x3FFFFFFF, s16;
	(pc) =	sbr.rel @!p2 .LBB1_6-.Ltmp1, $4  }
0x23: {  	_ =	swait.ge @!p1 [sflag:s21], s16;
	s22 =	ssub.s32 @!p1 $0x0, s16;
	s16 =	smov.u32 s9  }
0x24: {  	s17 =	smov.u32 s10;
	s9 =	smov.u32 s12;
	s10 =	smov.u32 s13  }
0x25: {  	s12 =	smov.u32 s19;
	s13 =	smov.u32 s20;
	[sflag:s21] =	ssyncset.done @!p1 $0x0  }
0x26: {  	s15 =	sadd.s32 $0x1, s15;
	[sflag:s21] =	ssyncadd.s32 @!p1 s22;
	s14 =	smov.u32 s23  }
.LBB1_1:
0x27: {  	p1 =	sge.u32 s15, s6  }
0x28: {  	s19 =	sshrl.u32 @!p1 s13, $0x3  }
0x29: {  	s20 =	sand.u32 @!p1 $0x1, s13;
	s21 =	sshll.u32 @!p1 s12, $0x3;
	s19 =	smul.u32 @!p1 $0xC3800, s19  }
0x2a: {  	s22 =	sshll.u32 @!p1 s13, $0x7;
	s23 =	sshll.u32 @!p1 s12, $0x1;
	s21 =	sand.u32 @!p1 $0xFFFFFC00, s21  }
0x2b: {  	s19 =	sadd.s32 @!p1 s19, s21;
	s21 =	sand.u32 @!p1 $0x300, s22;
	s22 =	sand.u32 @!p1 $0xFE, s23  }
0x2c: {  	s19 =	sor.u32 @!p1 s21, s19;
	s20 =	sor.u32 @!p1 s20, s22  }
0x2d: {  	s20 =	sor.u32 @!p1 s19, s20;
	s19 =	smulhi.u32 @!p1 $0xA79C7B17, s19  }
0x2e: {  	s21 =	smulhi.u32 @!p1 $0xA79C7B17, s20;
	_ =	sdelay $0x1  }
0x2f: {  	s22 =	smul.u32 @!p1 $0x61C00, s14;
	s19 =	sshrl.u32 @!p1 s19, $0x10;
	s21 =	sshrl.u32 @!p1 s21, $0x10  }
0x30: {  	s19 =	sand.u32 @!p1 $0x3F, s19;
	s21 =	smul.u32 @!p1 $0x18700, s21  }
0x31: {  	s19 =	smul.u32 @!p1 $0x1870, s19  }
0x32: {  	s23 =	sxor.u32 @!p1 $0xFFFFFFFF, s15;
	s20 =	ssub.s32 @!p1 s20, s21;
	s21 =	sadd.s32 @!p1 s4, s22  }
0x33: {  	s22 =	sshrl.u32 @!p1 s20, $0x4;
	s19 =	sadd.s32 @!p1 s19, s21;
	s20 =	sshll.u32 @!p1 s20, $0x11  }
0x34: {  	s21 =	sshll.u32 @!p1 s23, $0xD;
	s19 =	sadd.s32 @!p1 s22, s19;
	s20 =	sand.u32 @!p1 $0x1C0000, s20  }
0x35: {  	s21 =	sand.u32 @!p1 $0x2000, s21;
	s22 =	simm.s32 @!p1 $0x61C00;
	s20 =	sor.u32 @!p1 $0x400, s20  }
0x36: {  	[tilespmem:s21], [sflag:$0x1] =	stream.strided.gather @!p1 [hbm4b:s19+s20], $0x2000, s22, s20, $0x38;
	[tilespmem:$0x8100] =	vst v63  }
0x37: {  	p1 =	seq.s32 s15, $0x0  }
0x38: {  	p2 =	sge.u32 @!p1 s15, s7  }
0x39: {  	p1 =	por p1, p2  }
.Ltmp2:
0x3a: {  	_ = 	snop;
	(pc) =	sbr.rel @p1 .LBB1_5-.Ltmp2, $1  }
0x3b: {  	_ =	sdelay $0x3  }
0x3c: {  	s21 =	sand.u32 $0x1, s15;
	s19 =	simm.s32 $0x0  }
0x3d: {  	_ =	swait.ge [sflag:s3], $0x2000;
	s20 =	sshll.u32 s21, $0xD;
	s22 =	sand.u32 $0x1C00, s19  }
0x3e: {  	[sflag:s3] =	ssyncset.done $0x0;
	s19 =	sand.u32 $0x180, s19;
	s22 =	sadd.s32 s22, s20  }
0x3f: {  	[sflag:s3] =	ssyncadd.s32 $0xFFFFE000;
	s22 =	sadd.s32 s19, s22  }
0x40: {  	v0 =	vld [tilespmem:s22+$0x260]  }
0x41: {  	v1 =	vld [tilespmem:s22+$0x270]  }
0x42: {  	v2 =	vld [tilespmem:s22+$0x0]  }
0x43: {  	v3 =	vld [tilespmem:s22+$0x10]  }
0x44: {  	v4 =	vld [tilespmem:s22+$0x20]  }
0x45: {  	s19 =	simm.s32 $0x1;
	v5 =	vld [tilespmem:s22+$0x30]  }
0x46: {  	s19 =	simm.s32 @!p0 $0x0;
	v6 =	vld [tilespmem:s22+$0x40]  }
0x47: {  	v7 =	vld [tilespmem:s22+$0x50];
	s19 =	smul.u32 $0x8200, s19;
	v1 =	vperm.xlane.i2c.b16 v1;
	v0 =	vperm.xlane.i2c.b16 v0  }
0x48: {  	v8 =	vld [tilespmem:s22+$0x60];
	v2 =	vperm.xlane.i2c.b16 v2;
	v3 =	vperm.xlane.i2c.b16 v3  }
0x49: {  	v10 =	vld [tilespmem:s22+$0x70];
	s19 =	sshrl.u32 s19, $0x2;
	v9 =	vcombine.low v0, v1;
	v0 =	vcombine.high v0, v1  }
0x4a: {  	s19 =	sor.u32 $0x4000, s19;
	v1 =	vperm.xlane.i2c.b16 v5;
	v5 =	vld [tilespmem:s22+$0x200];
	v11 =	vcombine.low v2, v3  }
0x4b: {  	v4 =	vperm.xlane.i2c.b16 v4;
	v2 =	vcombine.high v2, v3;
	v3 =	vld [tilespmem:s22+$0x210];
	[tilespmem:s19+$0x1C70 ss:$0x41] =	vst.msk $0xffff, v9  }
0x4c: {  	s23 =	simm.s32 $0x100;
	v6 =	vperm.xlane.i2c.b16 v6;
	v7 =	vperm.xlane.i2c.b16 v7;
	v9 =	vld [tilespmem:s22+$0x220];
	[tilespmem:s19+$0x0 ss:$0x41] =	vst.msk $0xffff, v11  }
0x4d: {  	s24 =	simm.s32 $0x80;
	s23 =	sand.u32 $0x1C00, s23;
	[tilespmem:s19+$0x1C71 ss:$0x41] =	vst.msk $0xffff, v0;
	v0 =	vcombine.low v4, v1;
	v1 =	vcombine.high v4, v1;
	v4 =	vld [tilespmem:s22+$0x230]  }
0x4e: {  	s25 =	sand.u32 $0x180, s24;
	s23 =	sadd.s32 s23, s20;
	[tilespmem:s19+$0x1 ss:$0x41] =	vst.msk $0xffff, v2;
	v2 =	vperm.xlane.i2c.b16 v8;
	v8 =	vperm.xlane.i2c.b16 v10;
	v10 =	vld [tilespmem:s22+$0x240]  }
0x4f: {  	s23 =	sadd.s32 s25, s23;
	[tilespmem:s19+$0x410 ss:$0x41] =	vst.msk $0xffff, v0;
	v0 =	vcombine.low v6, v7;
	v6 =	vcombine.high v6, v7;
	v7 =	vld [tilespmem:s22+$0x250]  }
0x50: {  	v11 =	vcombine.low v2, v8;
	v2 =	vcombine.high v2, v8;
	v8 =	vld [tilespmem:s23+$0x0];
	[tilespmem:s19+$0x411 ss:$0x41] =	vst.msk $0xffff, v1  }
0x51: {  	v1 =	vperm.xlane.i2c.b16 v5;
	v5 =	vld [tilespmem:s23+$0x260];
	[tilespmem:s19+$0x820 ss:$0x41] =	vst.msk $0xffff, v0;
	v0 =	vperm.xlane.i2c.b16 v3  }
0x52: {  	v3 =	vld [tilespmem:s23+$0x270];
	[tilespmem:s19+$0x821 ss:$0x41] =	vst.msk $0xffff, v6;
	v6 =	vperm.xlane.i2c.b16 v9  }
0x53: {  	[tilespmem:s19+$0xC30 ss:$0x41] =	vst.msk $0xffff, v11;
	v11 =	vld [tilespmem:s23+$0x10];
	v4 =	vperm.xlane.i2c.b16 v4;
	v9 =	vcombine.low v1, v0  }
0x54: {  	v12 =	vcombine.high v1, v0;
	v0 =	vperm.xlane.i2c.b16 v10  }
0x55: {  	[tilespmem:s19+$0xC31 ss:$0x41] =	vst.msk $0xffff, v2;
	v2 =	vld [tilespmem:s23+$0x20];
	v10 =	vcombine.low v6, v4;
	v1 =	vperm.xlane.i2c.b16 v7  }
0x56: {  	v7 =	vld [tilespmem:s23+$0x30];
	v4 =	vcombine.high v6, v4;
	[tilespmem:s19+$0x1040 ss:$0x41] =	vst.msk $0xffff, v9;
	v5 =	vperm.xlane.i2c.b16 v5  }
0x57: {  	v9 =	vld [tilespmem:s23+$0x40];
	[tilespmem:s19+$0x1041 ss:$0x41] =	vst.msk $0xffff, v12;
	v3 =	vperm.xlane.i2c.b16 v3;
	v12 =	vperm.xlane.i2c.b16 v8  }
0x58: {  	v13 =	vld [tilespmem:s23+$0x50];
	[tilespmem:s19+$0x1450 ss:$0x41] =	vst.msk $0xffff, v10;
	v10 =	vcombine.low v0, v1;
	v11 =	vperm.xlane.i2c.b16 v11  }
0x59: {  	v6 =	vld [tilespmem:s23+$0x60];
	[tilespmem:s19+$0x1451 ss:$0x41] =	vst.msk $0xffff, v4;
	v14 =	vcombine.low v5, v3  }
0x5a: {  	s31 =	smul.u32 $0x8200, s21;
	s21 =	sadd.s32 $0x2, s19;
	v8 =	vperm.xlane.i2c.b16 v2;
	v4 =	vld [tilespmem:s23+$0x70];
	[tilespmem:s19+$0x1860 ss:$0x41] =	vst.msk $0xffff, v10;
	v15 =	vcombine.low v12, v11  }
0x5b: {  	v2 =	vcombine.high v5, v3;
	v5 =	vld [tilespmem:s23+$0x200];
	v10 =	vperm.xlane.i2c.b16 v7;
	[tilespmem:s21+$0x1C70 ss:$0x41] =	vst.msk $0xffff, v14  }
0x5c: {  	s22 =	sshrl.u32 s31, $0x2;
	v12 =	vcombine.high v12, v11;
	v3 =	vld [tilespmem:s23+$0x210];
	v7 =	vperm.xlane.i2c.b16 v9;
	[tilespmem:s21+$0x0 ss:$0x41] =	vst.msk $0xffff, v15  }
0x5d: {  	s26 =	simm.s32 $0x200;
	s25 =	simm.s32 $0x2;
	s22 =	sor.u32 $0x4000, s22;
	v9 =	vperm.xlane.i2c.b16 v13;
	[tilespmem:s21+$0x1C71 ss:$0x41] =	vst.msk $0xffff, v2;
	v11 =	vcombine.low v8, v10;
	v2 =	vld [tilespmem:s23+$0x220]  }
.LBB1_3:
0x5e: {  	s27 =	sand.u32 $0x1C00, s26;
	[tilespmem:s21+$0x1 ss:$0x41] =	vst.msk $0xffff, v12;
	v8 =	vcombine.high v8, v10;
	v6 =	vperm.xlane.i2c.b16 v6;
	v10 =	vld [tilespmem:s23+$0x230];
	s24 =	sadd.s32 $0x80, s24  }
0x5f: {  	s28 =	sand.u32 $0x180, s24;
	s27 =	sadd.s32 s27, s20;
	[tilespmem:s21+$0x410 ss:$0x41] =	vst.msk $0xffff, v11;
	v11 =	vcombine.low v7, v9;
	v4 =	vperm.xlane.i2c.b16 v4;
	v12 =	vld [tilespmem:s23+$0x240]  }
0x60: {  	s25 =	sadd.s32 $0x2, s25;
	v7 =	vcombine.high v7, v9;
	[tilespmem:s21+$0x411 ss:$0x41] =	vst.msk $0xffff, v8;
	v5 =	vperm.xlane.i2c.b16 v5;
	v8 =	vld [tilespmem:s23+$0x250];
	s23 =	sadd.s32 s28, s27  }
0x61: {  	p1 =	slt.u32 s25, $0x3E;
	v9 =	vld [tilespmem:s23+$0x260];
	[tilespmem:s21+$0x820 ss:$0x41] =	vst.msk $0xffff, v11;
	v11 =	vcombine.low v6, v4;
	v3 =	vperm.xlane.i2c.b16 v3  }
0x62: {  	v4 =	vcombine.high v6, v4;
	v13 =	vld [tilespmem:s23+$0x270];
	[tilespmem:s21+$0x821 ss:$0x41] =	vst.msk $0xffff, v7;
	v2 =	vperm.xlane.i2c.b16 v2  }
0x63: {  	v6 =	vld [tilespmem:s23+$0x0];
	[tilespmem:s21+$0xC30 ss:$0x41] =	vst.msk $0xffff, v11;
	v7 =	vcombine.low v5, v3;
	v10 =	vperm.xlane.i2c.b16 v10  }
0x64: {  	v3 =	vcombine.high v5, v3;
	v11 =	vld [tilespmem:s23+$0x10];
	[tilespmem:s21+$0xC31 ss:$0x41] =	vst.msk $0xffff, v4;
	v4 =	vperm.xlane.i2c.b16 v12  }
0x65: {  	v5 =	vld [tilespmem:s23+$0x20];
	[tilespmem:s21+$0x1040 ss:$0x41] =	vst.msk $0xffff, v7;
	v7 =	vcombine.low v2, v10;
	v8 =	vperm.xlane.i2c.b16 v8  }
0x66: {  	v2 =	vcombine.high v2, v10;
	v12 =	vld [tilespmem:s23+$0x30];
	[tilespmem:s21+$0x1041 ss:$0x41] =	vst.msk $0xffff, v3;
	v3 =	vcombine.high v0, v1;
	v0 =	vmov v4  }
0x67: {  	v9 =	vperm.xlane.i2c.b16 v9;
	v14 =	vld [tilespmem:s23+$0x40];
	v10 =	vperm.xlane.i2c.b16 v13;
	[tilespmem:s21+$0x1450 ss:$0x41] =	vst.msk $0xffff, v7;
	v1 =	vmov v8  }
0x68: {  	v7 =	vperm.xlane.i2c.b16 v6;
	v13 =	vld [tilespmem:s23+$0x50];
	[tilespmem:s21+$0x1451 ss:$0x41] =	vst.msk $0xffff, v2;
	v2 =	vcombine.low v0, v1  }
.Ltmp3:
0x69: {  	v11 =	vperm.xlane.i2c.b16 v11;
	v6 =	vld [tilespmem:s23+$0x60];
	v15 =	vcombine.low v9, v10;
	[tilespmem:s19+$0x1861 ss:$0x41] =	vst.msk $0xffff, v3;
	s19 =	smov.u32 s21;
	(pc) =	sbr.rel @p1 .LBB1_3-.Ltmp3, $4  }
0x6a: {  	v9 =	vcombine.high v9, v10;
	s21 =	sadd.s32 $0x2, s21;
	v8 =	vperm.xlane.i2c.b16 v5;
	v4 =	vld [tilespmem:s23+$0x70];
	[tilespmem:s19+$0x1860 ss:$0x41] =	vst.msk $0xffff, v2  }
0x6b: {  	v2 =	vcombine.low v7, v11;
	v10 =	vperm.xlane.i2c.b16 v12;
	v5 =	vld [tilespmem:s23+$0x200];
	[tilespmem:s21+$0x1C70 ss:$0x41] =	vst.msk $0xffff, v15  }
0x6c: {  	v12 =	vcombine.high v7, v11;
	v7 =	vperm.xlane.i2c.b16 v14;
	v3 =	vld [tilespmem:s23+$0x210];
	[tilespmem:s21+$0x1C71 ss:$0x41] =	vst.msk $0xffff, v9  }
0x6d: {  	s26 =	sadd.s32 $0x100, s26;
	[tilespmem:s21+$0x0 ss:$0x41] =	vst.msk $0xffff, v2;
	v11 =	vcombine.low v8, v10;
	v9 =	vperm.xlane.i2c.b16 v13;
	v2 =	vld [tilespmem:s23+$0x220]  }
0x6e: {  	s20 =	sshll.u32 s9, $0x7;
	s24 =	sshll.u32 s10, $0x3  }
0x6f: {  	s28 =	sshll.u32 s10, $0x1;
	p1 =	sgt.s32 s11, $0x2;
	s30 =	sshra.s32 s11, $0x1F;
	v51 =	vld [tilespmem:s23+$0x230]  }
0x70: {  	s26 =	smov.u32 s10;
	s27 =	sshra.s32 s10, $0x1F;
	v53 =	vld [tilespmem:s23+$0x240];
	p2 =	sgt.s32 s9, $0x185A0  }
0x71: {  	v55 =	vld [tilespmem:s23+$0x250];
	s23 =	smov.u32 s9;
	s25 =	sand.u32 $0xFFFFFC00, s20;
	s24 =	sand.u32 $0xFFFFFC00, s24  }
0x72: {  	s20 =	sand.u32 $0x300, s20;
	s29 =	sand.u32 $0x80, s28;
	s24 =	sadd.s32 s24, s25  }
0x73: {  	s31 =	sand.u32 s27, s10;
	s23 =	simm.s32 @!p2 $0x185A0;
	s20 =	sor.u32 s20, s24  }
0x74: {  	s25 =	sand.u32 s30, s11;
	s24 =	smov.u32 s11;
	s20 =	sor.u32 s29, s20  }
0x75: {  	[tilespmem:s21+$0x1 ss:$0x41] =	vst.msk $0xffff, v12;
	v8 =	vcombine.high v8, v10;
	v6 =	vperm.xlane.i2c.b16 v6;
	s24 =	simm.s32 @!p1 $0x2;
	p1 =	sgt.s32 s10, $0x40;
	s20 =	sshrl.u32 s20, $0x7  }
0x76: {  	v0 =	vcombine.high v0, v1;
	[tilespmem:s21+$0x410 ss:$0x41] =	vst.msk $0xffff, v11;
	v52 =	vcombine.low v7, v9;
	s24 =	ssub.s32 s24, s25;
	s26 =	simm.s32 @!p1 $0x40;
	s28 =	smulhi.u32 $0x14F8B59, s20  }
0x77: {  	v4 =	vperm.xlane.i2c.b16 v4;
	v54 =	vcombine.high v7, v9;
	[tilespmem:s21+$0x411 ss:$0x41] =	vst.msk $0xffff, v8;
	s25 =	ssub.s32 s26, s31;
	s29 =	sadd.s32 $0xFFFFFFFE, s24;
	s31 =	sshra.s32 s9, $0x1F  }
0x78: {  	v5 =	vperm.xlane.i2c.b16 v5;
	[tilespmem:s19+$0x1861 ss:$0x41] =	vst.msk $0xffff, v0;
	v3 =	vperm.xlane.i2c.b16 v3;
	s24 =	ssub.s32 $0x3, s24;
	p1 =	sgt.s32 s29, $0x0;
	s30 =	sadd.s32 $0xFFFFFFC0, s25  }
0x79: {  	[tilespmem:s21+$0x820 ss:$0x41] =	vst.msk $0xffff, v52;
	v56 =	vcombine.low v6, v4;
	v4 =	vcombine.high v6, v4;
	s26 =	sand.u32 s31, s9;
	s25 =	ssub.s32 $0x80, s25;
	s29 =	smul.u32 $0xC3500, s11  }
0x7a: {  	[tilespmem:s21+$0x821 ss:$0x41] =	vst.msk $0xffff, v54;
	v2 =	vperm.xlane.i2c.b16 v2;
	v57 =	vcombine.low v5, v3;
	p2 =	sgt.s32 s30, $0x3F;
	s23 =	ssub.s32 s23, s26;
	s24 =	simm.s32 @p1 $0x0  }
0x7b: {  	[tilespmem:s21+$0xC30 ss:$0x41] =	vst.msk $0xffff, v56;
	v58 =	vperm.xlane.i2c.b16 v51;
	v3 =	vcombine.high v5, v3;
	s27 =	sshrl.u32 s28, $0x9;
	s25 =	simm.s32 @p2 $0x0;
	s28 =	sadd.s32 $0xFFFE7A60, s23  }
0x7c: {  	v59 =	vperm.xlane.i2c.b16 v53;
	v61 =	vperm.xlane.i2c.b16 v55;
	[tilespmem:s21+$0xC31 ss:$0x41] =	vst.msk $0xffff, v4;
	s23 =	ssub.s32 $0x186A0, s23;
	s24 =	smul.u32 s24, s25;
	p1 =	sgt.s32 s28, $0xFF  }
0x7d: {  	[tilespmem:s21+$0x1040 ss:$0x41] =	vst.msk $0xffff, v57;
	v60 =	vcombine.low v2, v58;
	s30 =	smul.u32 $0x186A0, s27;
	s23 =	simm.s32 @p1 $0x0  }
0x7e: {  	s31 =	sshrl.u32 s10, $0x3;
	v62 =	vcombine.low v59, v61;
	[tilespmem:s21+$0x1041 ss:$0x41] =	vst.msk $0xffff, v3;
	s23 =	smul.u32 s23, s24  }
.Ltmp4:
0x7f: {  	v2 =	vcombine.high v2, v58;
	[tilespmem:s21+$0x1450 ss:$0x41] =	vst.msk $0xffff, v60;
	s27 =	sand.u32 $0x7, s31;
	s25 =	sadd.s32 s5, s29;
	(pc) =	sbr.rel .LBB1_5-.Ltmp4, $4  }
0x80: {  	v63 =	vcombine.high v59, v61;
	[tilespmem:s21+$0x1860 ss:$0x41] =	vst.msk $0xffff, v62;
	s29 =	sand.u32 $0x7, s10;
	s19 =	ssub.s32 s20, s30;
	s28 =	sadd.s32 s27, s25  }
0x81: {  	[tilespmem:s21+$0x1451 ss:$0x41] =	vst.msk $0xffff, v2;
	s19 =	sshll.u32 s19, $0x3;
	s24 =	sshll.u32 s29, $0x12;
	s23 =	sshrl.u32 s23, $0x1  }
0x82: {  	[tilespmem:s21+$0x1861 ss:$0x41] =	vst.msk $0xffff, v63;
	s19 =	sadd.s32 s19, s28;
	s31 =	sor.u32 $0x40, s24;
	s30 =	sand.u32 $0x3FFFFFFF, s23  }
0x83: {  	[hbm4b:s19+s31] =	stream.strided.scatter [tilespmem:s22], [sflag:$0x2], s30, s8, s31, $0x18;
	[tilespmem:$0x8100] =	vst v63  }
.LBB1_6:
0x84: {  	_ =	sfence.sel $0x180000  }
0x85: {  	s2 =	simm.s32 $0x1;
	[bflag:$0x0] =	sbarrier.arrive $0xFFFF  }
0x86: {  	s31 =	simm.s32 $0x2;
	[sflag:s2] =	ssyncpa.u1 $0x1  }
0x87: {  	[sflag:s31] =	ssyncpa.u1 $0x1  }
0x88: {  	p0 =	sne.s32 s0, $0x0;
	_ =	strace $0x90000047  }
0x89: {  	s0 =	sadd.s32 @!p0 $0x100000, s1;
	[bflag:$0x2] =	sbarrier.arrive $0xFFFF  }
0x8a: {  	[sflag:s0] =	ssyncadd.tile.s32 @!p0 $0x1;
	_ =	shalt  }
.Lfunc_end1:
_tile_overlayer_lowered:
.L_overlay_start_2:
0x8b: {  	(tag) =	ssettag $0x2  }
0x8c: {  	s0 =	rddreg [dreg:$0x0];
	s2 =	stileid.u32  }
0x8d: {  	s1 =	rddreg [dreg:$0x1];
	p0 =	sne.s32 s2, $0x0  }
0x8e: {  	s3 =	rddreg [dreg:$0x2];
	[bflag:$0x3] =	sbarrier.arrive $0xFFFF;
	s2 =	simm.s32 @!p0 $0x1C01  }
0x8f: {  	[timem:s3], [sflag:s2] =	dma.local @!p0 [hbm:s0], s1  }
0x90: {  	s0 =	simm.s32 @!p0 $0x1  }
0x91: {  	_ =	swait.ge @!p0 [sflag:s0], s1  }
0x92: {  	s1 =	ssub.s32 @!p0 $0x0, s1;
	[sflag:s0] =	ssyncset.done @!p0 $0x0  }
0x93: {  	[sflag:s0] =	ssyncadd.s32 @!p0 s1  }
0x94: {  	[bflag:$0x3] =	sbarrier.arrive $0xFFFF  }
0x95: {  	_ =	shalt  }

// kernel: sparse-core-data-format-call.cloned.1.call-start
scs
called_computation_lowered:
.L_overlay_start_0:
0x0: {  	s1 =	sld [smem:$0x3FD9]  }
0x1: {  	s2 =	sld [smem:$0x3FFE];
	_ =	sdelay $0x1  }
0x2: {  	s3 =	srdreg.scid  }
0x3: {  	s0 =	sand.u32 $0x1, s3  }
0x4: {  	s17 =	sshll.u32 s0, $0xA;
	s1 =	sadd.s32 s2, s1  }
0x5: {  	s1 =	sadd.s32 s1, s17  }
0x6: {  	[smem:$0x3FBC] =	sst s1  }
0x7: {  	_ = 	snop  }
0x8: {  	(tm) =	ssettm $0x1  }
0x9: {  	s18 =	sld [smem:$0x3FFB];
	_ =	sdelay $0x3  }
0xa: {  	_ =	strace s18  }
0xb: {  	s1 =	sld [smem:$0x3FFC];
	_ =	sdelay $0x3  }
0xc: {  	_ =	strace s1  }
0xd: {  	s1 =	sld [smem:$0x3FFD];
	_ =	sdelay $0x3  }
0xe: {  	_ =	strace s1  }
0xf: {  	_ =	strace $0x8FFFFFFF  }
0x10: {  	s19 =	sld [smem:$0x3FDB];
	_ =	sdelay $0x1  }
0x11: {  	s20 =	simm.s32 $_scs_section_size  }
0x12: {  	s4 =	simm.s32 $_size__tile_overlayer_lowered;
	s5 =	simm.s32 $_tile_overlayer_lowered  }
0x13: {  	s23 =	simm.s32 $0x1BFF;
	s22 =	sshll.u32 s5, $0x1;
	s1 =	sadd.s32 s20, s19  }
0x14: {  	s6 =	simm.s32 $0x0;
	s21 =	sshll.u32 s4, $0x1;
	s4 =	sadd.s32 s22, s1  }
0x15: {  	[timem:s6], [sflag:s23] =	dma.local [hbm:s4], s21  }
0x16: {  	_ =	swait.ge [sflag:s23], s21  }
0x17: {  	s2 =	ssub.s32 $0x0, s21;
	[sflag:s23] =	ssyncset.done $0x0  }
0x18: {  	[sflag:s23] =	ssyncadd.s32 s2;
	_ =	sdelay $0x1  }
0x19: {  	s24 =	simm.s32 $0x1B8B  }
0x1a: {  	_ =	swait.ge [sflag:s24], $0x1  }
0x1b: {  	[sflag:s24] =	ssyncset.done $0x0  }
0x1c: {  	s26 =	simm.s32 $0x1B8E;
	s25 =	sld [smem:$0x3FFE];
	[sflag:s24] =	ssyncadd.s32 $0xFFFFFFFF  }
0x1d: {  	s27 =	simm.s32 $execute0_lowered;
	[smem:$0x3FD2] =	sst s26  }
0x1e: {  	s4 =	sshll.u32 s27, $0x1;
	_ =	strace $0x80000049;
	[dreg:$0x1] =	wrdreg $0xFFFFFFFF  }
0x1f: {  	s28 =	simm.s32 $_size_execute0_lowered;
	s1 =	sadd.s32 s1, s4;
	[dreg:$0x0] =	wrdreg $0x0  }
0x20: {  	s4 =	sshll.u32 s28, $0x1;
	[dreg:$0x2] =	wrdreg s1  }
0x21: {  	[dreg:$0x3] =	wrdreg s4  }
0x22: {  	[dreg:$0x4] =	wrdreg $0xC0  }
0x23: {  	_ =	task [dreg:s6], $0x5FFFF  }
0x24: {  	[dreg:$0x1] =	wrdreg $0xFFFFFFFF  }
0x25: {  	[dreg:$0x0] =	wrdreg $0x60  }
0x26: {  	[dreg:$0x2] =	wrdreg s25  }
0x27: {  	[dreg:$0x3] =	wrdreg $0x9  }
0x28: {  	_ =	task.clear_ibuf [dreg:s6], $0x4FFFF;
	_ =	strace $0x90000049  }
0x29: {  	s29 =	simm.s32 $0x9;
	_ =	strace $0x8000004B  }
0x2a: {  	_ =	swait.ge [sflag:s29], $0x1  }
0x2b: {  	[sflag:s29] =	ssyncadd.s32 $0xFFFFFFFF  }
0x2c: {  	_ =	strace $0x9000004B  }
0x2d: {  	_ =	sfence  }
0x2e: {  	s30 =	sld [smem:$0x0];
	_ =	sdelay $0x2  }
0x2f: {  	s31 =	sshll.u32 s3, $0xD;
	s3 =	sshrl.u32 s3, $0x2  }
0x30: {  	s2 =	sand.u32 $0x4000, s31;
	s1 =	sadd.s32 s3, s30  }
0x31: {  	s0 =	sor.u32 s2, s0;
	s1 =	sshll.u32 s1, $0x11  }
0x32: {  	s0 =	sor.u32 s1, s0  }
0x33: {  	s0 =	sadd.s32 $0x8F2B, s0  }
0x34: {  	[sflag:s0] =	ssyncadd.remote.s32 $0x1  }
0x35: {  	_ =	sfence.sel $0xFFFF  }
0x36: {  	[dreg:$0x0] =	wrdreg $0xFFFFFFFF;
	(pc) =	sbr.abs _section_cstart, $3  }
0x37: {  	[dreg:$0x1] =	wrdreg $0xFFFFFFFF  }
0x38: {  	_ =	task.clear_ibuf [dreg:s6], $0x2FFFF;
	_ =	strace $0x9FFFFFFF  }
0x39: {  	(tm) =	ssettm $0x7FFFFFFF  }
tec
execute0_lowered:
.L_overlay_start_1:
0x0: {  	(tag) =	ssettag $0x1  }
0x1: {  	s0 =	srdreg.scid  }
0x2: {  	s5 =	rddreg [dreg:$0x0];
	s1 =	stileid.u32;
	s4 =	simm.s32 $0x1  }
0x3: {  	s6 =	simm.s32 $0x2;
	s8 =	simm.s32 $0x0;
	s2 =	sshll.u32 s0, $0x4  }
0x4: {  	s9 =	simm.s32 $0x0;
	s13 =	simm.s32 $0x0;
	s2 =	sand.u32 $0x10, s2  }
.Ltmp0:
0x5: {  	s10 =	simm.s32 $0x0;
	s3 =	sor.u32 s1, s2;
	(pc) =	sbr.rel .LBB1_1-.Ltmp0, $4  }
0x6: {  	s0 =	rddreg [dreg:$0x1];
	_ =	strace $0x8000004A;
	s3 =	sshll.u32 s3, $0x4  }
0x7: {  	s12 =	simm.s32 $0x0;
	[sflag:s4] =	ssyncpa.u1 $0x0;
	s7 =	ssub.s32 $0x2490, s3  }
0x8: {  	s2 =	sadd.s32 $0x12BE00, s5;
	[sflag:s6] =	ssyncpa.u1 $0x0;
	s6 =	sshrl.u32 s7, $0x9  }
0x9: {  	s5 =	sadd.s32 $0x6E00, s5;
	s11 =	smov.u32 s3;
	s7 =	sadd.s32 $0x2, s6  }
.LBB1_7:
0xa: {  	s15 =	sshll.u32 s12, $0xF  }
0xb: {  	s15 =	sand.u32 $0x8000, s15  }
0xc: {  	s16 =	sshll.u32 s10, $0x7;
	s15 =	sshrl.u32 s15, $0x1  }
0xd: {  	s16 =	sadd.s32 s5, s16;
	s15 =	sor.u32 $0x8000, s15  }
0xe: {  	[hbm4b:s16+s8] =	stream.linear.scatter [tilespmem:s15], [sflag:$0x2], s14, $0x38;
	[tilespmem:$0x10000] =	vst v63  }
.LBB1_8:
0xf: {  	p0 =	slt.u32 s12, $0x2  }
0x10: {  	p1 =	sgt.s32 @!p0 s13, $0x248F  }
0x11: {  	s14 =	smov.u32 s13;
	s15 =	sshra.s32 @!p0 s13, $0x1F;
	p1 =	por !p1, p0  }
0x12: {  	s13 =	sand.u32 @!p0 s15, s13;
	s14 =	simm.s32 @p1 $0x248F  }
0x13: {  	s13 =	ssub.s32 @!p0 s14, s13  }
0x14: {  	s13 =	sadd.s32 @!p0 $0xFFFFDB71, s13  }
0x15: {  	s14 =	sshll.u32 @!p0 s13, $0xC  }
0x16: {  	p1 =	sgt.s32 @!p0 s13, $0xF;
	s13 =	ssub.s32 @!p0 $0x10000, s14  }
0x17: {  	s15 =	sadd.s32 $0x200, s11;
	p1 =	por !p1, p0;
	s13 =	sshrl.u32 @!p0 s13, $0x2  }
0x18: {  	s13 =	simm.s32 @!p1 $0x0;
	p1 =	sgt.s32 s15, $0x249E  }
0x19: {  	s15 =	smov.u32 @p1 s3;
	p1 =	sne.s32 s12, s7  }
.Ltmp1:
0x1a: {  	_ = 	snop;
	(pc) =	sbr.rel @!p1 .LBB1_9-.Ltmp1, $4  }
0x1b: {  	s14 =	simm.s32 @!p0 $0x2  }
0x1c: {  	s9 =	sadd.s32 $0x8000, s9;
	_ =	swait.ge @!p0 [sflag:s14], s13;
	s16 =	ssub.s32 @!p0 $0x0, s13  }
0x1d: {  	s13 =	smov.u32 s10;
	s12 =	sadd.s32 $0x1, s12;
	[sflag:s14] =	ssyncset.done @!p0 $0x0  }
0x1e: {  	s10 =	smov.u32 s11;
	s11 =	smov.u32 s15;
	[sflag:s14] =	ssyncadd.s32 @!p0 s16  }
.LBB1_1:
0x1f: {  	p0 =	sgt.u32 s12, s6  }
0x20: {  	p1 =	sgt.s32 @!p0 s11, $0x248F  }
0x21: {  	s14 =	smov.u32 s11;
	s15 =	sshra.s32 @!p0 s11, $0x1F;
	p1 =	por !p1, p0  }
0x22: {  	s15 =	sand.u32 @!p0 s15, s11;
	s14 =	simm.s32 @p1 $0x248F  }
0x23: {  	s14 =	ssub.s32 @!p0 s14, s15  }
0x24: {  	s14 =	sadd.s32 @!p0 $0xFFFFDB71, s14  }
0x25: {  	s16 =	sshll.u32 @!p0 s11, $0x7;
	s17 =	simm.s32 @!p0 $0x0;
	s15 =	sshll.u32 @!p0 s14, $0xC  }
0x26: {  	p1 =	sgt.s32 @!p0 s14, $0xF;
	s14 =	ssub.s32 @!p0 $0x10000, s15;
	s15 =	sxor.u32 @!p0 $0xFFFFFFFF, s12  }
0x27: {  	p1 =	por !p1, p0;
	s14 =	sshrl.u32 @!p0 s14, $0x2;
	s15 =	sshll.u32 @!p0 s15, $0xE  }
0x28: {  	s16 =	sadd.s32 @!p0 s2, s16;
	s14 =	simm.s32 @!p1 $0x0;
	s15 =	sand.u32 @!p0 $0x4000, s15  }
0x29: {  	[tilespmem:s15], [sflag:$0x1] =	stream.linear.gather @!p0 [hbm4b:s16+s17], s14, $0x38;
	[tilespmem:$0x10000] =	vst v63  }
0x2a: {  	p0 =	seq.s32 s12, $0x0  }
0x2b: {  	p1 =	sge.u32 @!p0 s12, s7  }
0x2c: {  	p0 =	por p0, p1  }
.Ltmp2:
0x2d: {  	_ = 	snop;
	(pc) =	sbr.rel @p0 .LBB1_8-.Ltmp2, $1  }
0x2e: {  	_ =	sdelay $0x3  }
0x2f: {  	p0 =	sgt.s32 s10, $0x248F;
	s14 =	smov.u32 s10;
	s15 =	sshra.s32 s10, $0x1F  }
0x30: {  	s14 =	simm.s32 @!p0 $0x248F;
	s15 =	sand.u32 s15, s10  }
0x31: {  	s14 =	ssub.s32 s14, s15  }
0x32: {  	s16 =	sadd.s32 $0x10, s10;
	s14 =	sadd.s32 $0xFFFFDB71, s14  }
0x33: {  	p1 =	slt.s32 s16, $0x249F;
	s30 =	sshll.u32 s14, $0xC  }
0x34: {  	s16 =	simm.s32 @!p1 $0x249F;
	s15 =	ssub.s32 $0x10000, s30  }
0x35: {  	p0 =	sgt.s32 s14, $0xF;
	s14 =	sshrl.u32 s15, $0x2;
	s15 =	ssub.s32 s16, s10  }
0x36: {  	s14 =	simm.s32 @p0 $0x0;
	p0 =	slt.s32 s15, $0x1  }
.Ltmp3:
0x37: {  	_ = 	snop;
	(pc) =	sbr.rel @p0 .LBB1_7-.Ltmp3, $4  }
0x38: {  	_ = 	snop  }
0x39: {  	_ =	swait.ge [sflag:s4], s14  }
0x3a: {  	s31 =	ssub.s32 $0x0, s14;
	[sflag:s4] =	ssyncset.done $0x0  }
0x3b: {  	[sflag:s4] =	ssyncadd.s32 s31  }
0x3c: {  	s16 =	sshrl.u32 s9, $0x1  }
0x3d: {  	s17 =	sand.u32 $0x4000, s16  }
0x3e: {  	s18 =	simm.s32 $0x0;
	s16 =	sor.u32 $0x200, s17;
	s17 =	sor.u32 $0x8080, s17  }
.LBB1_4:
0x3f: {  	v0 =	vld [tilespmem:s16+$0xFFFFFE70]  }
0x40: {  	v1 =	vld [tilespmem:s16+$0x70]  }
0x41: {  	v2 =	vld [tilespmem:s16+$0x0]  }
0x42: {  	v3 =	vld [tilespmem:s16+$0xFFFFFE10]  }
0x43: {  	v4 =	vld [tilespmem:s16+$0x10]  }
0x44: {  	v5 =	vld [tilespmem:s16+$0xFFFFFE20]  }
0x45: {  	v7 =	vld [tilespmem:s16+$0x20]  }
0x46: {  	v11 =	vld [tilespmem:s16+$0x30];
	v6 =	vunpack.i.l.s16.s32 v0;
	v8 =	vunpack.i.u.s16.s32 v0;
	v9 =	vunpack.i.u.s16.s32 v1  }
0x47: {  	v10 =	vunpack.i.l.s16.s32 v1;
	v0 =	vunpack.i.u.s16.s32 v2;
	v1 =	vunpack.i.l.s16.s32 v2;
	v2 =	vld [tilespmem:s16+$0xFFFFFE30]  }
0x48: {  	v8 =	vpack.i.b32.b16 v9, v8;
	v9 =	vunpack.i.u.s16.s32 v3;
	v3 =	vunpack.i.l.s16.s32 v3  }
0x49: {  	v12 =	vld [tilespmem:s16+$0xFFFFFE40];
	v6 =	vpack.i.b32.b16 v10, v6;
	[tilespmem:s17+$0x70] =	vst v8;
	v8 =	vunpack.i.u.s16.s32 v4;
	v4 =	vunpack.i.l.s16.s32 v4  }
0x4a: {  	v13 =	vld [tilespmem:s16+$0x40];
	v10 =	vunpack.i.u.s16.s32 v5;
	v5 =	vunpack.i.l.s16.s32 v5;
	[tilespmem:s17+$0xFFFFFFF0] =	vst v6;
	v3 =	vpack.i.b32.b16 v4, v3  }
0x4b: {  	v6 =	vunpack.i.l.s16.s32 v7;
	v4 =	vld [tilespmem:s16+$0xFFFFFE50];
	[tilespmem:s17+$0xFFFFFF90] =	vst v3;
	v3 =	vpack.i.b32.b16 v8, v9;
	v8 =	vunpack.i.u.s16.s32 v7  }
0x4c: {  	v7 =	vunpack.i.l.s16.s32 v11;
	[tilespmem:s17+$0x10] =	vst v3;
	v3 =	vpack.i.b32.b16 v6, v5;
	v9 =	vunpack.i.u.s16.s32 v2;
	v6 =	vld [tilespmem:s16+$0x50]  }
0x4d: {  	v5 =	vunpack.i.l.s16.s32 v2;
	v2 =	vld [tilespmem:s16+$0xFFFFFE60];
	[tilespmem:s17+$0xFFFFFFA0] =	vst v3;
	v3 =	vpack.i.b32.b16 v8, v10;
	v10 =	vunpack.i.u.s16.s32 v11  }
0x4e: {  	s21 =	simm.s32 $0x0;
	v11 =	vpack.i.b32.b16 v7, v5;
	v7 =	vunpack.i.u.s16.s32 v12;
	v8 =	vunpack.i.l.s16.s32 v12;
	[tilespmem:s17+$0x20] =	vst v3;
	v3 =	vld [tilespmem:s16+$0x60]  }
0x4f: {  	s22 =	sadd.s32 $0x80, s16;
	s20 =	smov.u32 s17;
	s19 =	smov.u32 s17;
	v5 =	vld [tilespmem:s16+$0xFFFFFE00];
	[tilespmem:s17+$0xFFFFFFB0] =	vst v11;
	v10 =	vpack.i.b32.b16 v10, v9;
	v9 =	vunpack.i.u.s16.s32 v13;
	v11 =	vunpack.i.l.s16.s32 v13  }
.LBB1_5:
0x50: {  	v12 =	vld [tilespmem:s22+$0xFFFFFE70];
	[tilespmem:s20+$0x30] =	vst v10;
	v8 =	vpack.i.b32.b16 v11, v8;
	v10 =	vunpack.i.u.s16.s32 v4;
	v4 =	vunpack.i.l.s16.s32 v4  }
0x51: {  	s21 =	sadd.s32 $0x2, s21;
	v7 =	vpack.i.b32.b16 v9, v7;
	v11 =	vld [tilespmem:s22+$0x70];
	[tilespmem:s20+$0xFFFFFFC0] =	vst v8;
	v8 =	vunpack.i.u.s16.s32 v6;
	v6 =	vunpack.i.l.s16.s32 v6  }
0x52: {  	p0 =	slt.u32 s21, $0x6;
	v9 =	vld [tilespmem:s22+$0x0];
	[tilespmem:s20+$0x40] =	vst v7;
	v4 =	vpack.i.b32.b16 v6, v4;
	v6 =	vunpack.i.u.s16.s32 v2;
	v2 =	vunpack.i.l.s16.s32 v2  }
0x53: {  	v7 =	vld [tilespmem:s22+$0xFFFFFE10];
	[tilespmem:s20+$0xFFFFFFD0] =	vst v4;
	v4 =	vpack.i.b32.b16 v8, v10;
	v8 =	vunpack.i.u.s16.s32 v3;
	v3 =	vunpack.i.l.s16.s32 v3  }
0x54: {  	v10 =	vld [tilespmem:s22+$0x10];
	v13 =	vunpack.i.u.s16.s32 v5;
	v5 =	vunpack.i.l.s16.s32 v5;
	[tilespmem:s20+$0x50] =	vst v4;
	v2 =	vpack.i.b32.b16 v3, v2  }
0x55: {  	v3 =	vld [tilespmem:s22+$0xFFFFFE20];
	v4 =	vunpack.i.l.s16.s32 v12;
	v1 =	vpack.i.b32.b16 v1, v5;
	v5 =	vpack.i.b32.b16 v0, v13;
	[tilespmem:s20+$0xFFFFFFE0] =	vst v2  }
0x56: {  	v12 =	vunpack.i.u.s16.s32 v12;
	v2 =	vld [tilespmem:s22+$0x20];
	v13 =	vunpack.i.u.s16.s32 v11;
	v11 =	vunpack.i.l.s16.s32 v11;
	[tilespmem:s20+$0xFFFFFF80] =	vst v1  }
0x57: {  	s20 =	sadd.s32 $0x100, s20;
	v0 =	vunpack.i.u.s16.s32 v9;
	v1 =	vunpack.i.l.s16.s32 v9;
	v9 =	vld [tilespmem:s22+$0xFFFFFE30];
	v12 =	vpack.i.b32.b16 v13, v12;
	[tilespmem:s19+$0x0] =	vst v5  }
0x58: {  	v6 =	vpack.i.b32.b16 v8, v6;
	v5 =	vunpack.i.u.s16.s32 v7;
	v7 =	vunpack.i.l.s16.s32 v7;
	v13 =	vld [tilespmem:s22+$0x30];
	[tilespmem:s20+$0x70] =	vst v12  }
0x59: {  	v4 =	vpack.i.b32.b16 v11, v4;
	v8 =	vunpack.i.u.s16.s32 v10;
	v10 =	vunpack.i.l.s16.s32 v10;
	v12 =	vld [tilespmem:s22+$0xFFFFFE40];
	[tilespmem:s19+$0x60] =	vst v6;
	s19 =	smov.u32 s20  }
0x5a: {  	v6 =	vpack.i.b32.b16 v10, v7;
	v7 =	vunpack.i.u.s16.s32 v3;
	v3 =	vunpack.i.l.s16.s32 v3;
	v11 =	vld [tilespmem:s22+$0x40];
	[tilespmem:s20+$0xFFFFFFF0] =	vst v4  }
.Ltmp4:
0x5b: {  	v5 =	vpack.i.b32.b16 v8, v5;
	[tilespmem:s20+$0xFFFFFF90] =	vst v6;
	v8 =	vunpack.i.u.s16.s32 v2;
	v2 =	vunpack.i.l.s16.s32 v2;
	v4 =	vld [tilespmem:s22+$0xFFFFFE50];
	(pc) =	sbr.rel @p0 .LBB1_5-.Ltmp4, $4  }
0x5c: {  	[tilespmem:s20+$0x10] =	vst v5;
	v2 =	vpack.i.b32.b16 v2, v3;
	v10 =	vunpack.i.u.s16.s32 v9;
	v3 =	vunpack.i.l.s16.s32 v9;
	v6 =	vld [tilespmem:s22+$0x50]  }
0x5d: {  	v5 =	vpack.i.b32.b16 v8, v7;
	[tilespmem:s20+$0xFFFFFFA0] =	vst v2;
	v9 =	vunpack.i.u.s16.s32 v13;
	v7 =	vunpack.i.l.s16.s32 v13;
	v2 =	vld [tilespmem:s22+$0xFFFFFE60]  }
0x5e: {  	[tilespmem:s20+$0x20] =	vst v5;
	v13 =	vpack.i.b32.b16 v7, v3;
	v7 =	vunpack.i.u.s16.s32 v12;
	v8 =	vunpack.i.l.s16.s32 v12;
	v3 =	vld [tilespmem:s22+$0x60]  }
0x5f: {  	v10 =	vpack.i.b32.b16 v9, v10;
	v5 =	vld [tilespmem:s22+$0xFFFFFE00];
	[tilespmem:s20+$0xFFFFFFB0] =	vst v13;
	v9 =	vunpack.i.u.s16.s32 v11;
	v11 =	vunpack.i.l.s16.s32 v11;
	s22 =	sadd.s32 $0x80, s22  }
0x60: {  	[tilespmem:s20+$0x30] =	vst v10;
	v8 =	vpack.i.b32.b16 v11, v8  }
0x61: {  	v51 =	vunpack.i.l.s16.s32 v4;
	v7 =	vpack.i.b32.b16 v9, v7;
	[tilespmem:s20+$0xFFFFFFC0] =	vst v8;
	v52 =	vunpack.i.l.s16.s32 v6  }
0x62: {  	v53 =	vunpack.i.u.s16.s32 v4;
	s18 =	sadd.s32 $0x1, s18;
	v54 =	vunpack.i.u.s16.s32 v6;
	[tilespmem:s20+$0x40] =	vst v7;
	v55 =	vpack.i.b32.b16 v52, v51  }
0x63: {  	p0 =	sne.s32 s18, s15;
	v56 =	vunpack.i.l.s16.s32 v2;
	v4 =	vpack.i.b32.b16 v54, v53;
	[tilespmem:s20+$0xFFFFFFD0] =	vst v55;
	v57 =	vunpack.i.l.s16.s32 v3  }
.Ltmp5:
0x64: {  	[tilespmem:s20+$0x50] =	vst v4;
	v58 =	vunpack.i.l.s16.s32 v5;
	v59 =	vpack.i.b32.b16 v57, v56;
	(pc) =	sbr.rel @p0 .LBB1_4-.Ltmp5, $4  }
.Ltmp6:
0x65: {  	v61 =	vunpack.i.u.s16.s32 v2;
	v62 =	vunpack.i.u.s16.s32 v3;
	v1 =	vpack.i.b32.b16 v1, v58;
	[tilespmem:s20+$0xFFFFFFE0] =	vst v59;
	(pc) =	sbr.rel @!p0 .LBB1_7-.Ltmp6, $4  }
0x66: {  	v60 =	vunpack.i.u.s16.s32 v5;
	v63 =	vpack.i.b32.b16 v62, v61;
	[tilespmem:s20+$0xFFFFFF80] =	vst v1  }
0x67: {  	v0 =	vpack.i.b32.b16 v0, v60;
	[tilespmem:s19+$0x60] =	vst v63  }
0x68: {  	s16 =	sadd.s32 $0x400, s16;
	s17 =	sadd.s32 $0x400, s17;
	[tilespmem:s19+$0x0] =	vst v0  }
0x69: {  	_ = 	snop  }
.LBB1_9:
0x6a: {  	_ =	sfence.sel $0x180000  }
0x6b: {  	s2 =	simm.s32 $0x1;
	[bflag:$0x0] =	sbarrier.arrive $0xFFFF  }
0x6c: {  	s31 =	simm.s32 $0x2;
	[sflag:s2] =	ssyncpa.u1 $0x1  }
0x6d: {  	[sflag:s31] =	ssyncpa.u1 $0x1  }
0x6e: {  	p0 =	sne.s32 s1, $0x0;
	_ =	strace $0x9000004A  }
0x6f: {  	s0 =	sadd.s32 @!p0 $0x100000, s0;
	[bflag:$0x2] =	sbarrier.arrive $0xFFFF  }
0x70: {  	[sflag:s0] =	ssyncadd.tile.s32 @!p0 $0x1;
	_ =	shalt  }
.Lfunc_end1:
_tile_overlayer_lowered:
.L_overlay_start_2:
0x71: {  	(tag) =	ssettag $0x2  }
0x72: {  	s0 =	rddreg [dreg:$0x0];
	s2 =	stileid.u32  }
0x73: {  	s1 =	rddreg [dreg:$0x1];
	p0 =	sne.s32 s2, $0x0  }
0x74: {  	s3 =	rddreg [dreg:$0x2];
	[bflag:$0x3] =	sbarrier.arrive $0xFFFF;
	s2 =	simm.s32 @!p0 $0x1C01  }
0x75: {  	[timem:s3], [sflag:s2] =	dma.local @!p0 [hbm:s0], s1  }
0x76: {  	s0 =	simm.s32 @!p0 $0x1  }
0x77: {  	_ =	swait.ge @!p0 [sflag:s0], s1  }
0x78: {  	s1 =	ssub.s32 @!p0 $0x0, s1;
	[sflag:s0] =	ssyncset.done @!p0 $0x0  }
0x79: {  	[sflag:s0] =	ssyncadd.s32 @!p0 s1  }
0x7a: {  	[bflag:$0x3] =	sbarrier.arrive $0xFFFF  }
0x7b: {  	_ =	shalt  }

</sc_bundles>
